<compile_context>
chip_gen: v7x
topology: tpu7x:2x2x1
jax: 0.10.2.dev20260603
libtpu: 0.0.44.dev20260713+nightly
codegen_flags: <defaults>
</compile_context>

<pallas_src>
import functools

import jax
import jax.numpy as jnp
from jax import lax
from jax.experimental import pallas as pl
from jax.experimental.pallas import tpu as pltpu
from jax.experimental.pallas import tpu_sc as plsc

N = 10000
E = 320000
D = 128
R = 4

NC = 2
NS = 16
NW = NC * NS
CH = 128
NCHUNK = 80
SB = 8
EPT = NCHUNK * CH
E_PAD = EPT * NW
ACC_ROWS = N + 8
TRASH = N

BN = 1000
G = N // BN




@functools.partial(
    pl.kernel,
    out_type=jax.ShapeDtypeStruct((NC, N, D), jnp.float32),
    mesh=plsc.VectorSubcoreMesh(core_axis_name="c", subcore_axis_name="s"),
    scratch_types=[
        pltpu.VMEM((SB, CH), jnp.int32),
        pltpu.VMEM((SB, CH), jnp.int32),
        pltpu.VMEM((CH, D), jnp.float32),
        pltpu.VMEM((CH, D), jnp.float32),
        pltpu.VMEM_SHARED((ACC_ROWS, D), jnp.float32),
        pltpu.SemaphoreType.DMA,
        pltpu.SemaphoreType.DMA,
    ],
)
def _sc_scatter(table, gidx, dstx, zeros, out,
                gidx_v, dst_v, rows0, rows1, acc, sg0, sg1):
    c = lax.axis_index("c")
    s = lax.axis_index("s")
    w = c * NS + s

    @pl.when(s == 0)
    def _():
        pltpu.sync_copy(zeros, acc)

    plsc.subcore_barrier()

    def block(b, carry):
        pltpu.sync_copy(gidx.at[w].at[pl.ds(b * SB, SB)], gidx_v)
        pltpu.sync_copy(dstx.at[w].at[pl.ds(b * SB, SB)], dst_v)
        for jp in range(SB // 2):
            j0 = 2 * jp
            j1 = 2 * jp + 1
            h0 = pltpu.async_copy(table.at[gidx_v.at[j0]], rows0, sg0)
            h1 = pltpu.async_copy(table.at[gidx_v.at[j1]], rows1, sg1)
            h0.wait()
            pltpu.sync_copy(rows0, acc.at[dst_v.at[j0]], add=True)
            h1.wait()
            pltpu.sync_copy(rows1, acc.at[dst_v.at[j1]], add=True)
        return carry

    lax.fori_loop(0, NCHUNK // SB, block, 0)

    plsc.subcore_barrier()

    @pl.when(s == 0)
    def _():
        pltpu.sync_copy(acc.at[pl.ds(0, N)], out.at[c])



def _tca_body(x_ref, w_ref, ws_ref, b_ref, xw_ref, sl_ref):
    x = x_ref[...]
    for r in range(R):
        xw_ref[r] = jnp.dot(x, w_ref[r], preferred_element_type=jnp.float32)
    sl_ref[...] = (
        jnp.dot(x, ws_ref[...], preferred_element_type=jnp.float32) + b_ref[...]
    )


_tca = pl.pallas_call(
    _tca_body,
    grid=(G,),
    in_specs=[
        pl.BlockSpec((BN, D), lambda i: (i, 0)),
        pl.BlockSpec((R, D, D), lambda i: (0, 0, 0)),
        pl.BlockSpec((D, D), lambda i: (0, 0)),
        pl.BlockSpec((1, D), lambda i: (0, 0)),
    ],
    out_specs=[
        pl.BlockSpec((R, BN, D), lambda i: (0, i, 0)),
        pl.BlockSpec((BN, D), lambda i: (i, 0)),
    ],
    out_shape=[
        jax.ShapeDtypeStruct((R, N, D), jnp.float32),
        jax.ShapeDtypeStruct((N, D), jnp.float32),
    ],
)


def _tcb_body(p_ref, sl_ref, w_ref, ws_ref, b_ref, xw_ref, sl2_ref):
    h = jnp.maximum(p_ref[0] + p_ref[1] + sl_ref[...], 0.0)
    for r in range(R):
        xw_ref[r] = jnp.dot(h, w_ref[r], preferred_element_type=jnp.float32)
    sl2_ref[...] = (
        jnp.dot(h, ws_ref[...], preferred_element_type=jnp.float32) + b_ref[...]
    )


_tcb = pl.pallas_call(
    _tcb_body,
    grid=(G,),
    in_specs=[
        pl.BlockSpec((NC, BN, D), lambda i: (0, i, 0)),
        pl.BlockSpec((BN, D), lambda i: (i, 0)),
        pl.BlockSpec((R, D, D), lambda i: (0, 0, 0)),
        pl.BlockSpec((D, D), lambda i: (0, 0)),
        pl.BlockSpec((1, D), lambda i: (0, 0)),
    ],
    out_specs=[
        pl.BlockSpec((R, BN, D), lambda i: (0, i, 0)),
        pl.BlockSpec((BN, D), lambda i: (i, 0)),
    ],
    out_shape=[
        jax.ShapeDtypeStruct((R, N, D), jnp.float32),
        jax.ShapeDtypeStruct((N, D), jnp.float32),
    ],
)


def _tcc_body(p_ref, sl_ref, wmu_ref, wmus_ref, bmu_ref,
              wls_ref, wlss_ref, bls_ref,
              xwmu_ref, slmu_ref, xwls_ref, slls_ref):
    h = jnp.maximum(p_ref[0] + p_ref[1] + sl_ref[...], 0.0)
    for r in range(R):
        xwmu_ref[r] = jnp.dot(h, wmu_ref[r], preferred_element_type=jnp.float32)
        xwls_ref[r] = jnp.dot(h, wls_ref[r], preferred_element_type=jnp.float32)
    slmu_ref[...] = (
        jnp.dot(h, wmus_ref[...], preferred_element_type=jnp.float32)
        + bmu_ref[...]
    )
    slls_ref[...] = (
        jnp.dot(h, wlss_ref[...], preferred_element_type=jnp.float32)
        + bls_ref[...]
    )


_tcc = pl.pallas_call(
    _tcc_body,
    grid=(G,),
    in_specs=[
        pl.BlockSpec((NC, BN, D), lambda i: (0, i, 0)),
        pl.BlockSpec((BN, D), lambda i: (i, 0)),
        pl.BlockSpec((R, D, D), lambda i: (0, 0, 0)),
        pl.BlockSpec((D, D), lambda i: (0, 0)),
        pl.BlockSpec((1, D), lambda i: (0, 0)),
        pl.BlockSpec((R, D, D), lambda i: (0, 0, 0)),
        pl.BlockSpec((D, D), lambda i: (0, 0)),
        pl.BlockSpec((1, D), lambda i: (0, 0)),
    ],
    out_specs=[
        pl.BlockSpec((R, BN, D), lambda i: (0, i, 0)),
        pl.BlockSpec((BN, D), lambda i: (i, 0)),
        pl.BlockSpec((R, BN, D), lambda i: (0, i, 0)),
        pl.BlockSpec((BN, D), lambda i: (i, 0)),
    ],
    out_shape=[
        jax.ShapeDtypeStruct((R, N, D), jnp.float32),
        jax.ShapeDtypeStruct((N, D), jnp.float32),
        jax.ShapeDtypeStruct((R, N, D), jnp.float32),
        jax.ShapeDtypeStruct((N, D), jnp.float32),
    ],
)


def _tcd_body(pmu_ref, slmu_ref, pls_ref, slls_ref, wnt_ref, bnt_ref, eps_ref,
              nt_ref, gz_ref, mu_ref, ls_ref):
    i = pl.program_id(0)
    mu = pmu_ref[0] + pmu_ref[1] + slmu_ref[...]
    ls = pls_ref[0] + pls_ref[1] + slls_ref[...]
    z = mu + eps_ref[...] * jnp.exp(ls)
    nt_ref[...] = (
        jnp.dot(z, wnt_ref[...], preferred_element_type=jnp.float32)
        + bnt_ref[...]
    )
    mu_ref[...] = mu
    ls_ref[...] = ls

    @pl.when(i == 0)
    def _():
        gz_ref[...] = jnp.zeros_like(gz_ref)

    gz_ref[...] += jnp.sum(z, axis=0, keepdims=True)

    @pl.when(i == G - 1)
    def _():
        gz_ref[...] = gz_ref[...] * (1.0 / N)


_tcd = pl.pallas_call(
    _tcd_body,
    grid=(G,),
    in_specs=[
        pl.BlockSpec((NC, BN, D), lambda i: (0, i, 0)),
        pl.BlockSpec((BN, D), lambda i: (i, 0)),
        pl.BlockSpec((NC, BN, D), lambda i: (0, i, 0)),
        pl.BlockSpec((BN, D), lambda i: (i, 0)),
        pl.BlockSpec((D, D), lambda i: (0, 0)),
        pl.BlockSpec((1, D), lambda i: (0, 0)),
        pl.BlockSpec((BN, D), lambda i: (i, 0)),
    ],
    out_specs=[
        pl.BlockSpec((BN, D), lambda i: (i, 0)),
        pl.BlockSpec((1, D), lambda i: (0, 0)),
        pl.BlockSpec((BN, D), lambda i: (i, 0)),
        pl.BlockSpec((BN, D), lambda i: (i, 0)),
    ],
    out_shape=[
        jax.ShapeDtypeStruct((N, D), jnp.float32),
        jax.ShapeDtypeStruct((1, D), jnp.float32),
        jax.ShapeDtypeStruct((N, D), jnp.float32),
        jax.ShapeDtypeStruct((N, D), jnp.float32),
    ],
)


def kernel(n_feats, edge_index, e_types, W1, W1s, b1, W2, W2s, b2,
           Wmu, Wmus, bmu, Wls, Wlss, bls, Wnt, bnt):
    src = edge_index[0]
    dst = edge_index[1]
    gidx = (e_types * N + src).astype(jnp.int32)
    pad = E_PAD - E
    gidx_p = jnp.concatenate(
        [gidx, jnp.zeros((pad,), jnp.int32)]).reshape(NW, NCHUNK, CH)
    dst_p = jnp.concatenate(
        [dst.astype(jnp.int32), jnp.full((pad,), TRASH, jnp.int32)]
    ).reshape(NW, NCHUNK, CH)
    zeros = jnp.zeros((ACC_ROWS, D), jnp.float32)

    b1r = b1.reshape(1, D)
    b2r = b2.reshape(1, D)
    bmur = bmu.reshape(1, D)
    blsr = bls.reshape(1, D)
    bntr = bnt.reshape(1, D)

    xw1, sl1 = _tca(n_feats, W1, W1s, b1r)
    p1 = _sc_scatter(xw1.reshape(R * N, D), gidx_p, dst_p, zeros)
    xw2, sl2 = _tcb(p1, sl1, W2, W2s, b2r)
    p2 = _sc_scatter(xw2.reshape(R * N, D), gidx_p, dst_p, zeros)
    xwmu, slmu, xwls, slls = _tcc(p2, sl2, Wmu, Wmus, bmur, Wls, Wlss, blsr)
    pmu = _sc_scatter(xwmu.reshape(R * N, D), gidx_p, dst_p, zeros)
    pls = _sc_scatter(xwls.reshape(R * N, D), gidx_p, dst_p, zeros)
    eps = jax.random.normal(jax.random.key(42), (N, D), dtype=jnp.float32)
    node_types, gz, mu, logstd = _tcd(pmu, slmu, pls, slls, Wnt, bntr, eps)
    return (node_types, gz, mu, logstd)

# --- scband reference (transcript-rebuilt; emitter-appended) ---
"""Pipeline reference for scband-vgae-6055903887706 (READ-ONLY COPY).

The authoritative reference and input builder live on the scoring server;
editing this copy changes nothing except your own understanding.
"""

import jax, jax.numpy as jnp
import numpy as np

N = 10000
E = 320000
D = 128  # nb_node_types == n_hidden == 128
R = 4    # nb_edge_types


def _relconv(x, src, dst, et, W, Ws, b):
    # RelGraphConv (regularizer=None, self_loop=True, bias=True):
    # h_i = sum_{(j,r)->i} W_r x_j + W_0 x_i + b
    xr = jnp.einsum('nd,rdo->rno', x, W)          # [R, N, out]
    msg = xr[et, src]                              # gather per-edge messages [E, out]
    agg = jax.ops.segment_sum(msg, dst, num_segments=x.shape[0])  # scatter-add
    return agg + x @ Ws + b


def setup_inputs(seed: int = 0) -> dict:
    key = jax.random.key(seed)
    ks = jax.random.split(key, 20)
    s = 0.05
    inp = {}
    inp['n_feats'] = jax.random.normal(ks[0], (N, D), dtype=jnp.float32)
    inp['edge_index'] = jax.random.randint(ks[1], (2, E), 0, N, dtype=jnp.int32)
    inp['e_types'] = jax.random.randint(ks[2], (E,), 0, R, dtype=jnp.int32)
    # conv1: D -> 128
    inp['W1'] = jax.random.normal(ks[3], (R, D, 128), dtype=jnp.float32) * s
    inp['W1s'] = jax.random.normal(ks[4], (D, 128), dtype=jnp.float32) * s
    inp['b1'] = jnp.zeros((128,), dtype=jnp.float32)
    # conv2: 128 -> 128
    inp['W2'] = jax.random.normal(ks[5], (R, 128, 128), dtype=jnp.float32) * s
    inp['W2s'] = jax.random.normal(ks[6], (128, 128), dtype=jnp.float32) * s
    inp['b2'] = jnp.zeros((128,), dtype=jnp.float32)
    # conv_mu: 128 -> 128
    inp['Wmu'] = jax.random.normal(ks[7], (R, 128, 128), dtype=jnp.float32) * s
    inp['Wmus'] = jax.random.normal(ks[8], (128, 128), dtype=jnp.float32) * s
    inp['bmu'] = jnp.zeros((128,), dtype=jnp.float32)
    # conv_logstd: 128 -> 128
    inp['Wls'] = jax.random.normal(ks[9], (R, 128, 128), dtype=jnp.float32) * s
    inp['Wlss'] = jax.random.normal(ks[10], (128, 128), dtype=jnp.float32) * s
    inp['bls'] = jnp.zeros((128,), dtype=jnp.float32)
    # node_types_fc: 128 -> nb_node_types (=D)
    inp['Wnt'] = jax.random.normal(ks[11], (128, D), dtype=jnp.float32) * s
    inp['bnt'] = jnp.zeros((D,), dtype=jnp.float32)
    return inp


def reference(n_feats, edge_index, e_types, W1, W1s, b1, W2, W2s, b2,
              Wmu, Wmus, bmu, Wls, Wlss, bls, Wnt, bnt):
    src = edge_index[0]
    dst = edge_index[1]
    # encode
    h = jax.nn.relu(_relconv(n_feats, src, dst, e_types, W1, W1s, b1))
    h = jax.nn.relu(_relconv(h, src, dst, e_types, W2, W2s, b2))
    mu = _relconv(h, src, dst, e_types, Wmu, Wmus, bmu)
    logstd = _relconv(h, src, dst, e_types, Wls, Wlss, bls)
    eps = jax.random.normal(jax.random.key(42), mu.shape, dtype=mu.dtype)
    z = mu + eps * jnp.exp(logstd)  # reparameterize
    gz = jnp.mean(z, axis=0, keepdims=True)  # readout_nodes mean (single graph in batch)
    # decode tensor portion: per-node type logits
    node_types = z @ Wnt + bnt
    return (node_types, gz, mu, logstd)

if __name__ == "__main__":
    import jax
    _d = setup_inputs()
    print(jax.jit(kernel)(*tuple(_d.values())))

</pallas_src>

<mosaic_0001>
#map = affine_map<(d0, d1) -> (0, 0)>
#map1 = affine_map<(d0, d1) -> (0, 0, 0)>
module attributes {stable_mosaic.version = 14 : i64} {
  func.func @_sc_scatter(%arg0: i32, %arg1: i32, %arg2: memref<40000x128xf32, #tpu.memory_space<hbm>>, %arg3: memref<32x80x128xi32, #tpu.memory_space<hbm>>, %arg4: memref<32x80x128xi32, #tpu.memory_space<hbm>>, %arg5: memref<10008x128xf32, #tpu.memory_space<hbm>>, %arg6: memref<2x10000x128xf32, #tpu.memory_space<hbm>>, %arg7: memref<8x128xi32, #tpu.memory_space<vmem>>, %arg8: memref<8x128xi32, #tpu.memory_space<vmem>>, %arg9: memref<128x128xf32, #tpu.memory_space<vmem>>, %arg10: memref<128x128xf32, #tpu.memory_space<vmem>>, %arg11: memref<10008x128xf32, #tpu.memory_space<vmem_shared>>, %arg12: memref<!tpu.dma_semaphore, #tpu.memory_space<semaphore_mem>>, %arg13: memref<!tpu.dma_semaphore, #tpu.memory_space<semaphore_mem>>) attributes {dimension_semantics = [#tpu.dimension_semantics<core_parallel>, #tpu.dimension_semantics<subcore_parallel>], iteration_bounds = array<i64: 2, 16>, scalar_prefetch = 0 : i64, scratch_operands = 7 : i64, tpu.core_type = #tpu.core_type<sc_vector_subcore>, window_params = [{transform_indices = #map}, {transform_indices = #map1}, {transform_indices = #map1}, {transform_indices = #map}, {transform_indices = #map1}]} {
    %mul3A = arith.constant 16 : i32
    %mul3A_0 = arith.muli %arg0, %mul3A : i32
    %add3A = arith.addi %mul3A_0, %arg1 : i32
    %eq3A = arith.constant 0 : i32
    %eq3A_1 = arith.cmpi eq, %arg1, %eq3A : i32
    %convert_element_type3A = arith.extui %eq3A_1 : i1 to i32
    %cond3A = arith.constant 0 : i32
    %cond3A_2 = arith.cmpi ne, %convert_element_type3A, %cond3A : i32
    scf.if %cond3A_2 {
      "tpu.region"() ({
        %run_scoped3A = tpu.sem_alloc : memref<!tpu.dma_semaphore, #tpu.memory_space<semaphore_mem>>
        tpu.enqueue_dma source(%arg5 : memref<10008x128xf32, #tpu.memory_space<hbm>>) target(%arg11 : memref<10008x128xf32, #tpu.memory_space<vmem_shared>>) target_semaphore(%run_scoped3A : memref<!tpu.dma_semaphore, #tpu.memory_space<semaphore_mem>>)
        tpu.wait_dma2 semaphore(%run_scoped3A : memref<!tpu.dma_semaphore, #tpu.memory_space<semaphore_mem>>) src(%arg5 : memref<10008x128xf32, #tpu.memory_space<hbm>>) dst(%arg11 : memref<10008x128xf32, #tpu.memory_space<vmem_shared>>)
        tpu.yield
      }) : () -> ()
    } else {
    }
    %barrier3A = arith.constant 0 : index
    tpu.barrier barrier_id(%barrier3A)
    %scan3A = arith.constant 0 : i32
    %scan3A_3 = arith.constant 0 : i32
    %scan3A_4 = arith.constant 10 : i32
    %scan3A_5 = arith.addi %scan3A_3, %scan3A_4 : i32
    %scan3A_6 = arith.constant 1 : i32
    scf.for %scan3A_14 = %scan3A_3 to %scan3A_5 step %scan3A_6  : i32 {
      %mul3A_15 = arith.constant 8 : i32
      %mul3A_16 = arith.muli %scan3A_14, %mul3A_15 : i32
      "tpu.region"() ({
        %run_scoped3A_136 = tpu.sem_alloc : memref<!tpu.dma_semaphore, #tpu.memory_space<semaphore_mem>>
        %dma_start3A_137 = arith.constant 0 : i32
        %dma_start3A_138 = arith.constant 0 : i32
        %dma_start3A_139 = tpu.memref_slice %arg3[%add3A, %dma_start3A_137, %dma_start3A_138] : memref<32x80x128xi32, #tpu.memory_space<hbm>> -> memref<1x80x128xi32, #tpu.memory_space<hbm>>
        %dma_start3A_140 = tpu.memref_squeeze %dma_start3A_139 : memref<1x80x128xi32, #tpu.memory_space<hbm>> -> memref<80x128xi32, #tpu.memory_space<hbm>>
        %dma_start3A_141 = arith.constant 0 : i32
        %dma_start3A_142 = tpu.memref_slice %dma_start3A_140[%mul3A_16, %dma_start3A_141] : memref<80x128xi32, #tpu.memory_space<hbm>> -> memref<8x128xi32, #tpu.memory_space<hbm>>
        %dma_start3A_143 = arith.constant 0 : i32
        %dma_start3A_144 = arith.constant 0 : i32
        %dma_start3A_145 = tpu.memref_slice %arg3[%add3A, %dma_start3A_143, %dma_start3A_144] : memref<32x80x128xi32, #tpu.memory_space<hbm>> -> memref<1x80x128xi32, #tpu.memory_space<hbm>>
        %dma_start3A_146 = tpu.memref_squeeze %dma_start3A_145 : memref<1x80x128xi32, #tpu.memory_space<hbm>> -> memref<80x128xi32, #tpu.memory_space<hbm>>
        %dma_start3A_147 = arith.constant 0 : i32
        %dma_start3A_148 = tpu.memref_slice %dma_start3A_146[%mul3A_16, %dma_start3A_147] : memref<80x128xi32, #tpu.memory_space<hbm>> -> memref<8x128xi32, #tpu.memory_space<hbm>>
        tpu.enqueue_dma source(%dma_start3A_148 : memref<8x128xi32, #tpu.memory_space<hbm>>) target(%arg7 : memref<8x128xi32, #tpu.memory_space<vmem>>) target_semaphore(%run_scoped3A_136 : memref<!tpu.dma_semaphore, #tpu.memory_space<semaphore_mem>>)
        %dma_wait3A_149 = arith.constant 0 : i32
        %dma_wait3A_150 = arith.constant 0 : i32
        %dma_wait3A_151 = tpu.memref_slice %arg3[%add3A, %dma_wait3A_149, %dma_wait3A_150] : memref<32x80x128xi32, #tpu.memory_space<hbm>> -> memref<1x80x128xi32, #tpu.memory_space<hbm>>
        %dma_wait3A_152 = tpu.memref_squeeze %dma_wait3A_151 : memref<1x80x128xi32, #tpu.memory_space<hbm>> -> memref<80x128xi32, #tpu.memory_space<hbm>>
        %dma_wait3A_153 = arith.constant 0 : i32
        %dma_wait3A_154 = tpu.memref_slice %dma_wait3A_152[%mul3A_16, %dma_wait3A_153] : memref<80x128xi32, #tpu.memory_space<hbm>> -> memref<8x128xi32, #tpu.memory_space<hbm>>
        %dma_wait3A_155 = arith.constant 0 : i32
        %dma_wait3A_156 = arith.constant 0 : i32
        %dma_wait3A_157 = tpu.memref_slice %arg3[%add3A, %dma_wait3A_155, %dma_wait3A_156] : memref<32x80x128xi32, #tpu.memory_space<hbm>> -> memref<1x80x128xi32, #tpu.memory_space<hbm>>
        %dma_wait3A_158 = tpu.memref_squeeze %dma_wait3A_157 : memref<1x80x128xi32, #tpu.memory_space<hbm>> -> memref<80x128xi32, #tpu.memory_space<hbm>>
        %dma_wait3A_159 = arith.constant 0 : i32
        %dma_wait3A_160 = tpu.memref_slice %dma_wait3A_158[%mul3A_16, %dma_wait3A_159] : memref<80x128xi32, #tpu.memory_space<hbm>> -> memref<8x128xi32, #tpu.memory_space<hbm>>
        tpu.wait_dma2 semaphore(%run_scoped3A_136 : memref<!tpu.dma_semaphore, #tpu.memory_space<semaphore_mem>>) src(%dma_wait3A_160 : memref<8x128xi32, #tpu.memory_space<hbm>>) dst(%arg7 : memref<8x128xi32, #tpu.memory_space<vmem>>)
        tpu.yield
      }) : () -> ()
      %mul3A_17 = arith.constant 8 : i32
      %mul3A_18 = arith.muli %scan3A_14, %mul3A_17 : i32
      "tpu.region"() ({
        %run_scoped3A_136 = tpu.sem_alloc : memref<!tpu.dma_semaphore, #tpu.memory_space<semaphore_mem>>
        %dma_start3A_137 = arith.constant 0 : i32
        %dma_start3A_138 = arith.constant 0 : i32
        %dma_start3A_139 = tpu.memref_slice %arg4[%add3A, %dma_start3A_137, %dma_start3A_138] : memref<32x80x128xi32, #tpu.memory_space<hbm>> -> memref<1x80x128xi32, #tpu.memory_space<hbm>>
        %dma_start3A_140 = tpu.memref_squeeze %dma_start3A_139 : memref<1x80x128xi32, #tpu.memory_space<hbm>> -> memref<80x128xi32, #tpu.memory_space<hbm>>
        %dma_start3A_141 = arith.constant 0 : i32
        %dma_start3A_142 = tpu.memref_slice %dma_start3A_140[%mul3A_18, %dma_start3A_141] : memref<80x128xi32, #tpu.memory_space<hbm>> -> memref<8x128xi32, #tpu.memory_space<hbm>>
        %dma_start3A_143 = arith.constant 0 : i32
        %dma_start3A_144 = arith.constant 0 : i32
        %dma_start3A_145 = tpu.memref_slice %arg4[%add3A, %dma_start3A_143, %dma_start3A_144] : memref<32x80x128xi32, #tpu.memory_space<hbm>> -> memref<1x80x128xi32, #tpu.memory_space<hbm>>
        %dma_start3A_146 = tpu.memref_squeeze %dma_start3A_145 : memref<1x80x128xi32, #tpu.memory_space<hbm>> -> memref<80x128xi32, #tpu.memory_space<hbm>>
        %dma_start3A_147 = arith.constant 0 : i32
        %dma_start3A_148 = tpu.memref_slice %dma_start3A_146[%mul3A_18, %dma_start3A_147] : memref<80x128xi32, #tpu.memory_space<hbm>> -> memref<8x128xi32, #tpu.memory_space<hbm>>
        tpu.enqueue_dma source(%dma_start3A_148 : memref<8x128xi32, #tpu.memory_space<hbm>>) target(%arg8 : memref<8x128xi32, #tpu.memory_space<vmem>>) target_semaphore(%run_scoped3A_136 : memref<!tpu.dma_semaphore, #tpu.memory_space<semaphore_mem>>)
        %dma_wait3A_149 = arith.constant 0 : i32
        %dma_wait3A_150 = arith.constant 0 : i32
        %dma_wait3A_151 = tpu.memref_slice %arg4[%add3A, %dma_wait3A_149, %dma_wait3A_150] : memref<32x80x128xi32, #tpu.memory_space<hbm>> -> memref<1x80x128xi32, #tpu.memory_space<hbm>>
        %dma_wait3A_152 = tpu.memref_squeeze %dma_wait3A_151 : memref<1x80x128xi32, #tpu.memory_space<hbm>> -> memref<80x128xi32, #tpu.memory_space<hbm>>
        %dma_wait3A_153 = arith.constant 0 : i32
        %dma_wait3A_154 = tpu.memref_slice %dma_wait3A_152[%mul3A_18, %dma_wait3A_153] : memref<80x128xi32, #tpu.memory_space<hbm>> -> memref<8x128xi32, #tpu.memory_space<hbm>>
        %dma_wait3A_155 = arith.constant 0 : i32
        %dma_wait3A_156 = arith.constant 0 : i32
        %dma_wait3A_157 = tpu.memref_slice %arg4[%add3A, %dma_wait3A_155, %dma_wait3A_156] : memref<32x80x128xi32, #tpu.memory_space<hbm>> -> memref<1x80x128xi32, #tpu.memory_space<hbm>>
        %dma_wait3A_158 = tpu.memref_squeeze %dma_wait3A_157 : memref<1x80x128xi32, #tpu.memory_space<hbm>> -> memref<80x128xi32, #tpu.memory_space<hbm>>
        %dma_wait3A_159 = arith.constant 0 : i32
        %dma_wait3A_160 = tpu.memref_slice %dma_wait3A_158[%mul3A_18, %dma_wait3A_159] : memref<80x128xi32, #tpu.memory_space<hbm>> -> memref<8x128xi32, #tpu.memory_space<hbm>>
        tpu.wait_dma2 semaphore(%run_scoped3A_136 : memref<!tpu.dma_semaphore, #tpu.memory_space<semaphore_mem>>) src(%dma_wait3A_160 : memref<8x128xi32, #tpu.memory_space<hbm>>) dst(%arg8 : memref<8x128xi32, #tpu.memory_space<vmem>>)
        tpu.yield
      }) : () -> ()
      %dma_start3A = arith.constant 0 : i32
      %dma_start3A_19 = arith.constant 0 : i32
      %dma_start3A_20 = tpu.memref_slice %arg7[%dma_start3A, %dma_start3A_19] : memref<8x128xi32, #tpu.memory_space<vmem>> -> memref<1x128xi32, #tpu.memory_space<vmem>>
      %dma_start3A_21 = tpu.memref_squeeze %dma_start3A_20 : memref<1x128xi32, #tpu.memory_space<vmem>> -> memref<128xi32, #tpu.memory_space<vmem>>
      %dma_start3A_22 = arith.constant 0 : i32
      %dma_start3A_23 = arith.constant 0 : i32
      %dma_start3A_24 = tpu.memref_slice %arg2[%dma_start3A_22, %dma_start3A_23] : memref<40000x128xf32, #tpu.memory_space<hbm>> -> memref<40000x128xf32, #tpu.memory_space<hbm>>
      tpu.enqueue_indirect_dma source(%dma_start3A_24 : memref<40000x128xf32, #tpu.memory_space<hbm>>) target(%arg9 : memref<128x128xf32, #tpu.memory_space<vmem>>) offsets(%dma_start3A_21 : memref<128xi32, #tpu.memory_space<vmem>>) semaphore(%arg12 : memref<!tpu.dma_semaphore, #tpu.memory_space<semaphore_mem>>)
      %dma_start3A_25 = arith.constant 1 : i32
      %dma_start3A_26 = arith.constant 0 : i32
      %dma_start3A_27 = tpu.memref_slice %arg7[%dma_start3A_25, %dma_start3A_26] : memref<8x128xi32, #tpu.memory_space<vmem>> -> memref<1x128xi32, #tpu.memory_space<vmem>>
      %dma_start3A_28 = tpu.memref_squeeze %dma_start3A_27 : memref<1x128xi32, #tpu.memory_space<vmem>> -> memref<128xi32, #tpu.memory_space<vmem>>
      %dma_start3A_29 = arith.constant 0 : i32
      %dma_start3A_30 = arith.constant 0 : i32
      %dma_start3A_31 = tpu.memref_slice %arg2[%dma_start3A_29, %dma_start3A_30] : memref<40000x128xf32, #tpu.memory_space<hbm>> -> memref<40000x128xf32, #tpu.memory_space<hbm>>
      tpu.enqueue_indirect_dma source(%dma_start3A_31 : memref<40000x128xf32, #tpu.memory_space<hbm>>) target(%arg10 : memref<128x128xf32, #tpu.memory_space<vmem>>) offsets(%dma_start3A_28 : memref<128xi32, #tpu.memory_space<vmem>>) semaphore(%arg13 : memref<!tpu.dma_semaphore, #tpu.memory_space<semaphore_mem>>)
      %dma_wait3A = arith.constant 0 : i32
      %dma_wait3A_32 = arith.constant 0 : i32
      %dma_wait3A_33 = tpu.memref_slice %arg7[%dma_wait3A, %dma_wait3A_32] : memref<8x128xi32, #tpu.memory_space<vmem>> -> memref<1x128xi32, #tpu.memory_space<vmem>>
      %dma_wait3A_34 = tpu.memref_squeeze %dma_wait3A_33 : memref<1x128xi32, #tpu.memory_space<vmem>> -> memref<128xi32, #tpu.memory_space<vmem>>
      %dma_wait3A_35 = arith.constant 0 : i32
      %dma_wait3A_36 = arith.constant 0 : i32
      %dma_wait3A_37 = tpu.memref_slice %arg2[%dma_wait3A_35, %dma_wait3A_36] : memref<40000x128xf32, #tpu.memory_space<hbm>> -> memref<40000x128xf32, #tpu.memory_space<hbm>>
      tpu.wait_indirect_dma semaphore(%arg12 : memref<!tpu.dma_semaphore, #tpu.memory_space<semaphore_mem>>) src(%dma_wait3A_37 : memref<40000x128xf32, #tpu.memory_space<hbm>>) dst(%arg9 : memref<128x128xf32, #tpu.memory_space<vmem>>)
      %run_scoped3A = arith.constant 0 : i32
      "tpu.region"() ({
        %run_scoped3A_136 = tpu.sem_alloc : memref<!tpu.dma_semaphore, #tpu.memory_space<semaphore_mem>>
        %dma_start3A_137 = arith.constant 0 : i32
        %dma_start3A_138 = tpu.memref_slice %arg8[%run_scoped3A, %dma_start3A_137] : memref<8x128xi32, #tpu.memory_space<vmem>> -> memref<1x128xi32, #tpu.memory_space<vmem>>
        %dma_start3A_139 = tpu.memref_squeeze %dma_start3A_138 : memref<1x128xi32, #tpu.memory_space<vmem>> -> memref<128xi32, #tpu.memory_space<vmem>>
        %dma_start3A_140 = arith.constant 0 : i32
        %dma_start3A_141 = arith.constant 0 : i32
        %dma_start3A_142 = tpu.memref_slice %arg11[%dma_start3A_140, %dma_start3A_141] : memref<10008x128xf32, #tpu.memory_space<vmem_shared>> -> memref<10008x128xf32, #tpu.memory_space<vmem_shared>>
        tpu.enqueue_indirect_dma source(%arg9 : memref<128x128xf32, #tpu.memory_space<vmem>>) target(%dma_start3A_142 : memref<10008x128xf32, #tpu.memory_space<vmem_shared>>) offsets(%dma_start3A_139 : memref<128xi32, #tpu.memory_space<vmem>>) semaphore(%run_scoped3A_136 : memref<!tpu.dma_semaphore, #tpu.memory_space<semaphore_mem>>) {add = true}
        %dma_wait3A_143 = arith.constant 0 : i32
        %dma_wait3A_144 = tpu.memref_slice %arg8[%run_scoped3A, %dma_wait3A_143] : memref<8x128xi32, #tpu.memory_space<vmem>> -> memref<1x128xi32, #tpu.memory_space<vmem>>
        %dma_wait3A_145 = tpu.memref_squeeze %dma_wait3A_144 : memref<1x128xi32, #tpu.memory_space<vmem>> -> memref<128xi32, #tpu.memory_space<vmem>>
        %dma_wait3A_146 = arith.constant 0 : i32
        %dma_wait3A_147 = arith.constant 0 : i32
        %dma_wait3A_148 = tpu.memref_slice %arg11[%dma_wait3A_146, %dma_wait3A_147] : memref<10008x128xf32, #tpu.memory_space<vmem_shared>> -> memref<10008x128xf32, #tpu.memory_space<vmem_shared>>
        tpu.wait_indirect_dma semaphore(%run_scoped3A_136 : memref<!tpu.dma_semaphore, #tpu.memory_space<semaphore_mem>>) src(%arg9 : memref<128x128xf32, #tpu.memory_space<vmem>>) dst(%dma_wait3A_148 : memref<10008x128xf32, #tpu.memory_space<vmem_shared>>)
        tpu.yield
      }) : () -> ()
      %dma_wait3A_38 = arith.constant 1 : i32
      %dma_wait3A_39 = arith.constant 0 : i32
      %dma_wait3A_40 = tpu.memref_slice %arg7[%dma_wait3A_38, %dma_wait3A_39] : memref<8x128xi32, #tpu.memory_space<vmem>> -> memref<1x128xi32, #tpu.memory_space<vmem>>
      %dma_wait3A_41 = tpu.memref_squeeze %dma_wait3A_40 : memref<1x128xi32, #tpu.memory_space<vmem>> -> memref<128xi32, #tpu.memory_space<vmem>>
      %dma_wait3A_42 = arith.constant 0 : i32
      %dma_wait3A_43 = arith.constant 0 : i32
      %dma_wait3A_44 = tpu.memref_slice %arg2[%dma_wait3A_42, %dma_wait3A_43] : memref<40000x128xf32, #tpu.memory_space<hbm>> -> memref<40000x128xf32, #tpu.memory_space<hbm>>
      tpu.wait_indirect_dma semaphore(%arg13 : memref<!tpu.dma_semaphore, #tpu.memory_space<semaphore_mem>>) src(%dma_wait3A_44 : memref<40000x128xf32, #tpu.memory_space<hbm>>) dst(%arg10 : memref<128x128xf32, #tpu.memory_space<vmem>>)
      %run_scoped3A_45 = arith.constant 1 : i32
      "tpu.region"() ({
        %run_scoped3A_136 = tpu.sem_alloc : memref<!tpu.dma_semaphore, #tpu.memory_space<semaphore_mem>>
        %dma_start3A_137 = arith.constant 0 : i32
        %dma_start3A_138 = tpu.memref_slice %arg8[%run_scoped3A_45, %dma_start3A_137] : memref<8x128xi32, #tpu.memory_space<vmem>> -> memref<1x128xi32, #tpu.memory_space<vmem>>
        %dma_start3A_139 = tpu.memref_squeeze %dma_start3A_138 : memref<1x128xi32, #tpu.memory_space<vmem>> -> memref<128xi32, #tpu.memory_space<vmem>>
        %dma_start3A_140 = arith.constant 0 : i32
        %dma_start3A_141 = arith.constant 0 : i32
        %dma_start3A_142 = tpu.memref_slice %arg11[%dma_start3A_140, %dma_start3A_141] : memref<10008x128xf32, #tpu.memory_space<vmem_shared>> -> memref<10008x128xf32, #tpu.memory_space<vmem_shared>>
        tpu.enqueue_indirect_dma source(%arg10 : memref<128x128xf32, #tpu.memory_space<vmem>>) target(%dma_start3A_142 : memref<10008x128xf32, #tpu.memory_space<vmem_shared>>) offsets(%dma_start3A_139 : memref<128xi32, #tpu.memory_space<vmem>>) semaphore(%run_scoped3A_136 : memref<!tpu.dma_semaphore, #tpu.memory_space<semaphore_mem>>) {add = true}
        %dma_wait3A_143 = arith.constant 0 : i32
        %dma_wait3A_144 = tpu.memref_slice %arg8[%run_scoped3A_45, %dma_wait3A_143] : memref<8x128xi32, #tpu.memory_space<vmem>> -> memref<1x128xi32, #tpu.memory_space<vmem>>
        %dma_wait3A_145 = tpu.memref_squeeze %dma_wait3A_144 : memref<1x128xi32, #tpu.memory_space<vmem>> -> memref<128xi32, #tpu.memory_space<vmem>>
        %dma_wait3A_146 = arith.constant 0 : i32
        %dma_wait3A_147 = arith.constant 0 : i32
        %dma_wait3A_148 = tpu.memref_slice %arg11[%dma_wait3A_146, %dma_wait3A_147] : memref<10008x128xf32, #tpu.memory_space<vmem_shared>> -> memref<10008x128xf32, #tpu.memory_space<vmem_shared>>
        tpu.wait_indirect_dma semaphore(%run_scoped3A_136 : memref<!tpu.dma_semaphore, #tpu.memory_space<semaphore_mem>>) src(%arg10 : memref<128x128xf32, #tpu.memory_space<vmem>>) dst(%dma_wait3A_148 : memref<10008x128xf32, #tpu.memory_space<vmem_shared>>)
        tpu.yield
      }) : () -> ()
      %dma_start3A_46 = arith.constant 2 : i32
      %dma_start3A_47 = arith.constant 0 : i32
      %dma_start3A_48 = tpu.memref_slice %arg7[%dma_start3A_46, %dma_start3A_47] : memref<8x128xi32, #tpu.memory_space<vmem>> -> memref<1x128xi32, #tpu.memory_space<vmem>>
      %dma_start3A_49 = tpu.memref_squeeze %dma_start3A_48 : memref<1x128xi32, #tpu.memory_space<vmem>> -> memref<128xi32, #tpu.memory_space<vmem>>
      %dma_start3A_50 = arith.constant 0 : i32
      %dma_start3A_51 = arith.constant 0 : i32
      %dma_start3A_52 = tpu.memref_slice %arg2[%dma_start3A_50, %dma_start3A_51] : memref<40000x128xf32, #tpu.memory_space<hbm>> -> memref<40000x128xf32, #tpu.memory_space<hbm>>
      tpu.enqueue_indirect_dma source(%dma_start3A_52 : memref<40000x128xf32, #tpu.memory_space<hbm>>) target(%arg9 : memref<128x128xf32, #tpu.memory_space<vmem>>) offsets(%dma_start3A_49 : memref<128xi32, #tpu.memory_space<vmem>>) semaphore(%arg12 : memref<!tpu.dma_semaphore, #tpu.memory_space<semaphore_mem>>)
      %dma_start3A_53 = arith.constant 3 : i32
      %dma_start3A_54 = arith.constant 0 : i32
      %dma_start3A_55 = tpu.memref_slice %arg7[%dma_start3A_53, %dma_start3A_54] : memref<8x128xi32, #tpu.memory_space<vmem>> -> memref<1x128xi32, #tpu.memory_space<vmem>>
      %dma_start3A_56 = tpu.memref_squeeze %dma_start3A_55 : memref<1x128xi32, #tpu.memory_space<vmem>> -> memref<128xi32, #tpu.memory_space<vmem>>
      %dma_start3A_57 = arith.constant 0 : i32
      %dma_start3A_58 = arith.constant 0 : i32
      %dma_start3A_59 = tpu.memref_slice %arg2[%dma_start3A_57, %dma_start3A_58] : memref<40000x128xf32, #tpu.memory_space<hbm>> -> memref<40000x128xf32, #tpu.memory_space<hbm>>
      tpu.enqueue_indirect_dma source(%dma_start3A_59 : memref<40000x128xf32, #tpu.memory_space<hbm>>) target(%arg10 : memref<128x128xf32, #tpu.memory_space<vmem>>) offsets(%dma_start3A_56 : memref<128xi32, #tpu.memory_space<vmem>>) semaphore(%arg13 : memref<!tpu.dma_semaphore, #tpu.memory_space<semaphore_mem>>)
      %dma_wait3A_60 = arith.constant 2 : i32
      %dma_wait3A_61 = arith.constant 0 : i32
      %dma_wait3A_62 = tpu.memref_slice %arg7[%dma_wait3A_60, %dma_wait3A_61] : memref<8x128xi32, #tpu.memory_space<vmem>> -> memref<1x128xi32, #tpu.memory_space<vmem>>
      %dma_wait3A_63 = tpu.memref_squeeze %dma_wait3A_62 : memref<1x128xi32, #tpu.memory_space<vmem>> -> memref<128xi32, #tpu.memory_space<vmem>>
      %dma_wait3A_64 = arith.constant 0 : i32
      %dma_wait3A_65 = arith.constant 0 : i32
      %dma_wait3A_66 = tpu.memref_slice %arg2[%dma_wait3A_64, %dma_wait3A_65] : memref<40000x128xf32, #tpu.memory_space<hbm>> -> memref<40000x128xf32, #tpu.memory_space<hbm>>
      tpu.wait_indirect_dma semaphore(%arg12 : memref<!tpu.dma_semaphore, #tpu.memory_space<semaphore_mem>>) src(%dma_wait3A_66 : memref<40000x128xf32, #tpu.memory_space<hbm>>) dst(%arg9 : memref<128x128xf32, #tpu.memory_space<vmem>>)
      %run_scoped3A_67 = arith.constant 2 : i32
      "tpu.region"() ({
        %run_scoped3A_136 = tpu.sem_alloc : memref<!tpu.dma_semaphore, #tpu.memory_space<semaphore_mem>>
        %dma_start3A_137 = arith.constant 0 : i32
        %dma_start3A_138 = tpu.memref_slice %arg8[%run_scoped3A_67, %dma_start3A_137] : memref<8x128xi32, #tpu.memory_space<vmem>> -> memref<1x128xi32, #tpu.memory_space<vmem>>
        %dma_start3A_139 = tpu.memref_squeeze %dma_start3A_138 : memref<1x128xi32, #tpu.memory_space<vmem>> -> memref<128xi32, #tpu.memory_space<vmem>>
        %dma_start3A_140 = arith.constant 0 : i32
        %dma_start3A_141 = arith.constant 0 : i32
        %dma_start3A_142 = tpu.memref_slice %arg11[%dma_start3A_140, %dma_start3A_141] : memref<10008x128xf32, #tpu.memory_space<vmem_shared>> -> memref<10008x128xf32, #tpu.memory_space<vmem_shared>>
        tpu.enqueue_indirect_dma source(%arg9 : memref<128x128xf32, #tpu.memory_space<vmem>>) target(%dma_start3A_142 : memref<10008x128xf32, #tpu.memory_space<vmem_shared>>) offsets(%dma_start3A_139 : memref<128xi32, #tpu.memory_space<vmem>>) semaphore(%run_scoped3A_136 : memref<!tpu.dma_semaphore, #tpu.memory_space<semaphore_mem>>) {add = true}
        %dma_wait3A_143 = arith.constant 0 : i32
        %dma_wait3A_144 = tpu.memref_slice %arg8[%run_scoped3A_67, %dma_wait3A_143] : memref<8x128xi32, #tpu.memory_space<vmem>> -> memref<1x128xi32, #tpu.memory_space<vmem>>
        %dma_wait3A_145 = tpu.memref_squeeze %dma_wait3A_144 : memref<1x128xi32, #tpu.memory_space<vmem>> -> memref<128xi32, #tpu.memory_space<vmem>>
        %dma_wait3A_146 = arith.constant 0 : i32
        %dma_wait3A_147 = arith.constant 0 : i32
        %dma_wait3A_148 = tpu.memref_slice %arg11[%dma_wait3A_146, %dma_wait3A_147] : memref<10008x128xf32, #tpu.memory_space<vmem_shared>> -> memref<10008x128xf32, #tpu.memory_space<vmem_shared>>
        tpu.wait_indirect_dma semaphore(%run_scoped3A_136 : memref<!tpu.dma_semaphore, #tpu.memory_space<semaphore_mem>>) src(%arg9 : memref<128x128xf32, #tpu.memory_space<vmem>>) dst(%dma_wait3A_148 : memref<10008x128xf32, #tpu.memory_space<vmem_shared>>)
        tpu.yield
      }) : () -> ()
      %dma_wait3A_68 = arith.constant 3 : i32
      %dma_wait3A_69 = arith.constant 0 : i32
      %dma_wait3A_70 = tpu.memref_slice %arg7[%dma_wait3A_68, %dma_wait3A_69] : memref<8x128xi32, #tpu.memory_space<vmem>> -> memref<1x128xi32, #tpu.memory_space<vmem>>
      %dma_wait3A_71 = tpu.memref_squeeze %dma_wait3A_70 : memref<1x128xi32, #tpu.memory_space<vmem>> -> memref<128xi32, #tpu.memory_space<vmem>>
      %dma_wait3A_72 = arith.constant 0 : i32
      %dma_wait3A_73 = arith.constant 0 : i32
      %dma_wait3A_74 = tpu.memref_slice %arg2[%dma_wait3A_72, %dma_wait3A_73] : memref<40000x128xf32, #tpu.memory_space<hbm>> -> memref<40000x128xf32, #tpu.memory_space<hbm>>
      tpu.wait_indirect_dma semaphore(%arg13 : memref<!tpu.dma_semaphore, #tpu.memory_space<semaphore_mem>>) src(%dma_wait3A_74 : memref<40000x128xf32, #tpu.memory_space<hbm>>) dst(%arg10 : memref<128x128xf32, #tpu.memory_space<vmem>>)
      %run_scoped3A_75 = arith.constant 3 : i32
      "tpu.region"() ({
        %run_scoped3A_136 = tpu.sem_alloc : memref<!tpu.dma_semaphore, #tpu.memory_space<semaphore_mem>>
        %dma_start3A_137 = arith.constant 0 : i32
        %dma_start3A_138 = tpu.memref_slice %arg8[%run_scoped3A_75, %dma_start3A_137] : memref<8x128xi32, #tpu.memory_space<vmem>> -> memref<1x128xi32, #tpu.memory_space<vmem>>
        %dma_start3A_139 = tpu.memref_squeeze %dma_start3A_138 : memref<1x128xi32, #tpu.memory_space<vmem>> -> memref<128xi32, #tpu.memory_space<vmem>>
        %dma_start3A_140 = arith.constant 0 : i32
        %dma_start3A_141 = arith.constant 0 : i32
        %dma_start3A_142 = tpu.memref_slice %arg11[%dma_start3A_140, %dma_start3A_141] : memref<10008x128xf32, #tpu.memory_space<vmem_shared>> -> memref<10008x128xf32, #tpu.memory_space<vmem_shared>>
        tpu.enqueue_indirect_dma source(%arg10 : memref<128x128xf32, #tpu.memory_space<vmem>>) target(%dma_start3A_142 : memref<10008x128xf32, #tpu.memory_space<vmem_shared>>) offsets(%dma_start3A_139 : memref<128xi32, #tpu.memory_space<vmem>>) semaphore(%run_scoped3A_136 : memref<!tpu.dma_semaphore, #tpu.memory_space<semaphore_mem>>) {add = true}
        %dma_wait3A_143 = arith.constant 0 : i32
        %dma_wait3A_144 = tpu.memref_slice %arg8[%run_scoped3A_75, %dma_wait3A_143] : memref<8x128xi32, #tpu.memory_space<vmem>> -> memref<1x128xi32, #tpu.memory_space<vmem>>
        %dma_wait3A_145 = tpu.memref_squeeze %dma_wait3A_144 : memref<1x128xi32, #tpu.memory_space<vmem>> -> memref<128xi32, #tpu.memory_space<vmem>>
        %dma_wait3A_146 = arith.constant 0 : i32
        %dma_wait3A_147 = arith.constant 0 : i32
        %dma_wait3A_148 = tpu.memref_slice %arg11[%dma_wait3A_146, %dma_wait3A_147] : memref<10008x128xf32, #tpu.memory_space<vmem_shared>> -> memref<10008x128xf32, #tpu.memory_space<vmem_shared>>
        tpu.wait_indirect_dma semaphore(%run_scoped3A_136 : memref<!tpu.dma_semaphore, #tpu.memory_space<semaphore_mem>>) src(%arg10 : memref<128x128xf32, #tpu.memory_space<vmem>>) dst(%dma_wait3A_148 : memref<10008x128xf32, #tpu.memory_space<vmem_shared>>)
        tpu.yield
      }) : () -> ()
      %dma_start3A_76 = arith.constant 4 : i32
      %dma_start3A_77 = arith.constant 0 : i32
      %dma_start3A_78 = tpu.memref_slice %arg7[%dma_start3A_76, %dma_start3A_77] : memref<8x128xi32, #tpu.memory_space<vmem>> -> memref<1x128xi32, #tpu.memory_space<vmem>>
      %dma_start3A_79 = tpu.memref_squeeze %dma_start3A_78 : memref<1x128xi32, #tpu.memory_space<vmem>> -> memref<128xi32, #tpu.memory_space<vmem>>
      %dma_start3A_80 = arith.constant 0 : i32
      %dma_start3A_81 = arith.constant 0 : i32
      %dma_start3A_82 = tpu.memref_slice %arg2[%dma_start3A_80, %dma_start3A_81] : memref<40000x128xf32, #tpu.memory_space<hbm>> -> memref<40000x128xf32, #tpu.memory_space<hbm>>
      tpu.enqueue_indirect_dma source(%dma_start3A_82 : memref<40000x128xf32, #tpu.memory_space<hbm>>) target(%arg9 : memref<128x128xf32, #tpu.memory_space<vmem>>) offsets(%dma_start3A_79 : memref<128xi32, #tpu.memory_space<vmem>>) semaphore(%arg12 : memref<!tpu.dma_semaphore, #tpu.memory_space<semaphore_mem>>)
      %dma_start3A_83 = arith.constant 5 : i32
      %dma_start3A_84 = arith.constant 0 : i32
      %dma_start3A_85 = tpu.memref_slice %arg7[%dma_start3A_83, %dma_start3A_84] : memref<8x128xi32, #tpu.memory_space<vmem>> -> memref<1x128xi32, #tpu.memory_space<vmem>>
      %dma_start3A_86 = tpu.memref_squeeze %dma_start3A_85 : memref<1x128xi32, #tpu.memory_space<vmem>> -> memref<128xi32, #tpu.memory_space<vmem>>
      %dma_start3A_87 = arith.constant 0 : i32
      %dma_start3A_88 = arith.constant 0 : i32
      %dma_start3A_89 = tpu.memref_slice %arg2[%dma_start3A_87, %dma_start3A_88] : memref<40000x128xf32, #tpu.memory_space<hbm>> -> memref<40000x128xf32, #tpu.memory_space<hbm>>
      tpu.enqueue_indirect_dma source(%dma_start3A_89 : memref<40000x128xf32, #tpu.memory_space<hbm>>) target(%arg10 : memref<128x128xf32, #tpu.memory_space<vmem>>) offsets(%dma_start3A_86 : memref<128xi32, #tpu.memory_space<vmem>>) semaphore(%arg13 : memref<!tpu.dma_semaphore, #tpu.memory_space<semaphore_mem>>)
      %dma_wait3A_90 = arith.constant 4 : i32
      %dma_wait3A_91 = arith.constant 0 : i32
      %dma_wait3A_92 = tpu.memref_slice %arg7[%dma_wait3A_90, %dma_wait3A_91] : memref<8x128xi32, #tpu.memory_space<vmem>> -> memref<1x128xi32, #tpu.memory_space<vmem>>
      %dma_wait3A_93 = tpu.memref_squeeze %dma_wait3A_92 : memref<1x128xi32, #tpu.memory_space<vmem>> -> memref<128xi32, #tpu.memory_space<vmem>>
      %dma_wait3A_94 = arith.constant 0 : i32
      %dma_wait3A_95 = arith.constant 0 : i32
      %dma_wait3A_96 = tpu.memref_slice %arg2[%dma_wait3A_94, %dma_wait3A_95] : memref<40000x128xf32, #tpu.memory_space<hbm>> -> memref<40000x128xf32, #tpu.memory_space<hbm>>
      tpu.wait_indirect_dma semaphore(%arg12 : memref<!tpu.dma_semaphore, #tpu.memory_space<semaphore_mem>>) src(%dma_wait3A_96 : memref<40000x128xf32, #tpu.memory_space<hbm>>) dst(%arg9 : memref<128x128xf32, #tpu.memory_space<vmem>>)
      %run_scoped3A_97 = arith.constant 4 : i32
      "tpu.region"() ({
        %run_scoped3A_136 = tpu.sem_alloc : memref<!tpu.dma_semaphore, #tpu.memory_space<semaphore_mem>>
        %dma_start3A_137 = arith.constant 0 : i32
        %dma_start3A_138 = tpu.memref_slice %arg8[%run_scoped3A_97, %dma_start3A_137] : memref<8x128xi32, #tpu.memory_space<vmem>> -> memref<1x128xi32, #tpu.memory_space<vmem>>
        %dma_start3A_139 = tpu.memref_squeeze %dma_start3A_138 : memref<1x128xi32, #tpu.memory_space<vmem>> -> memref<128xi32, #tpu.memory_space<vmem>>
        %dma_start3A_140 = arith.constant 0 : i32
        %dma_start3A_141 = arith.constant 0 : i32
        %dma_start3A_142 = tpu.memref_slice %arg11[%dma_start3A_140, %dma_start3A_141] : memref<10008x128xf32, #tpu.memory_space<vmem_shared>> -> memref<10008x128xf32, #tpu.memory_space<vmem_shared>>
        tpu.enqueue_indirect_dma source(%arg9 : memref<128x128xf32, #tpu.memory_space<vmem>>) target(%dma_start3A_142 : memref<10008x128xf32, #tpu.memory_space<vmem_shared>>) offsets(%dma_start3A_139 : memref<128xi32, #tpu.memory_space<vmem>>) semaphore(%run_scoped3A_136 : memref<!tpu.dma_semaphore, #tpu.memory_space<semaphore_mem>>) {add = true}
        %dma_wait3A_143 = arith.constant 0 : i32
        %dma_wait3A_144 = tpu.memref_slice %arg8[%run_scoped3A_97, %dma_wait3A_143] : memref<8x128xi32, #tpu.memory_space<vmem>> -> memref<1x128xi32, #tpu.memory_space<vmem>>
        %dma_wait3A_145 = tpu.memref_squeeze %dma_wait3A_144 : memref<1x128xi32, #tpu.memory_space<vmem>> -> memref<128xi32, #tpu.memory_space<vmem>>
        %dma_wait3A_146 = arith.constant 0 : i32
        %dma_wait3A_147 = arith.constant 0 : i32
        %dma_wait3A_148 = tpu.memref_slice %arg11[%dma_wait3A_146, %dma_wait3A_147] : memref<10008x128xf32, #tpu.memory_space<vmem_shared>> -> memref<10008x128xf32, #tpu.memory_space<vmem_shared>>
        tpu.wait_indirect_dma semaphore(%run_scoped3A_136 : memref<!tpu.dma_semaphore, #tpu.memory_space<semaphore_mem>>) src(%arg9 : memref<128x128xf32, #tpu.memory_space<vmem>>) dst(%dma_wait3A_148 : memref<10008x128xf32, #tpu.memory_space<vmem_shared>>)
        tpu.yield
      }) : () -> ()
      %dma_wait3A_98 = arith.constant 5 : i32
      %dma_wait3A_99 = arith.constant 0 : i32
      %dma_wait3A_100 = tpu.memref_slice %arg7[%dma_wait3A_98, %dma_wait3A_99] : memref<8x128xi32, #tpu.memory_space<vmem>> -> memref<1x128xi32, #tpu.memory_space<vmem>>
      %dma_wait3A_101 = tpu.memref_squeeze %dma_wait3A_100 : memref<1x128xi32, #tpu.memory_space<vmem>> -> memref<128xi32, #tpu.memory_space<vmem>>
      %dma_wait3A_102 = arith.constant 0 : i32
      %dma_wait3A_103 = arith.constant 0 : i32
      %dma_wait3A_104 = tpu.memref_slice %arg2[%dma_wait3A_102, %dma_wait3A_103] : memref<40000x128xf32, #tpu.memory_space<hbm>> -> memref<40000x128xf32, #tpu.memory_space<hbm>>
      tpu.wait_indirect_dma semaphore(%arg13 : memref<!tpu.dma_semaphore, #tpu.memory_space<semaphore_mem>>) src(%dma_wait3A_104 : memref<40000x128xf32, #tpu.memory_space<hbm>>) dst(%arg10 : memref<128x128xf32, #tpu.memory_space<vmem>>)
      %run_scoped3A_105 = arith.constant 5 : i32
      "tpu.region"() ({
        %run_scoped3A_136 = tpu.sem_alloc : memref<!tpu.dma_semaphore, #tpu.memory_space<semaphore_mem>>
        %dma_start3A_137 = arith.constant 0 : i32
        %dma_start3A_138 = tpu.memref_slice %arg8[%run_scoped3A_105, %dma_start3A_137] : memref<8x128xi32, #tpu.memory_space<vmem>> -> memref<1x128xi32, #tpu.memory_space<vmem>>
        %dma_start3A_139 = tpu.memref_squeeze %dma_start3A_138 : memref<1x128xi32, #tpu.memory_space<vmem>> -> memref<128xi32, #tpu.memory_space<vmem>>
        %dma_start3A_140 = arith.constant 0 : i32
        %dma_start3A_141 = arith.constant 0 : i32
        %dma_start3A_142 = tpu.memref_slice %arg11[%dma_start3A_140, %dma_start3A_141] : memref<10008x128xf32, #tpu.memory_space<vmem_shared>> -> memref<10008x128xf32, #tpu.memory_space<vmem_shared>>
        tpu.enqueue_indirect_dma source(%arg10 : memref<128x128xf32, #tpu.memory_space<vmem>>) target(%dma_start3A_142 : memref<10008x128xf32, #tpu.memory_space<vmem_shared>>) offsets(%dma_start3A_139 : memref<128xi32, #tpu.memory_space<vmem>>) semaphore(%run_scoped3A_136 : memref<!tpu.dma_semaphore, #tpu.memory_space<semaphore_mem>>) {add = true}
        %dma_wait3A_143 = arith.constant 0 : i32
        %dma_wait3A_144 = tpu.memref_slice %arg8[%run_scoped3A_105, %dma_wait3A_143] : memref<8x128xi32, #tpu.memory_space<vmem>> -> memref<1x128xi32, #tpu.memory_space<vmem>>
        %dma_wait3A_145 = tpu.memref_squeeze %dma_wait3A_144 : memref<1x128xi32, #tpu.memory_space<vmem>> -> memref<128xi32, #tpu.memory_space<vmem>>
        %dma_wait3A_146 = arith.constant 0 : i32
        %dma_wait3A_147 = arith.constant 0 : i32
        %dma_wait3A_148 = tpu.memref_slice %arg11[%dma_wait3A_146, %dma_wait3A_147] : memref<10008x128xf32, #tpu.memory_space<vmem_shared>> -> memref<10008x128xf32, #tpu.memory_space<vmem_shared>>
        tpu.wait_indirect_dma semaphore(%run_scoped3A_136 : memref<!tpu.dma_semaphore, #tpu.memory_space<semaphore_mem>>) src(%arg10 : memref<128x128xf32, #tpu.memory_space<vmem>>) dst(%dma_wait3A_148 : memref<10008x128xf32, #tpu.memory_space<vmem_shared>>)
        tpu.yield
      }) : () -> ()
      %dma_start3A_106 = arith.constant 6 : i32
      %dma_start3A_107 = arith.constant 0 : i32
      %dma_start3A_108 = tpu.memref_slice %arg7[%dma_start3A_106, %dma_start3A_107] : memref<8x128xi32, #tpu.memory_space<vmem>> -> memref<1x128xi32, #tpu.memory_space<vmem>>
      %dma_start3A_109 = tpu.memref_squeeze %dma_start3A_108 : memref<1x128xi32, #tpu.memory_space<vmem>> -> memref<128xi32, #tpu.memory_space<vmem>>
      %dma_start3A_110 = arith.constant 0 : i32
      %dma_start3A_111 = arith.constant 0 : i32
      %dma_start3A_112 = tpu.memref_slice %arg2[%dma_start3A_110, %dma_start3A_111] : memref<40000x128xf32, #tpu.memory_space<hbm>> -> memref<40000x128xf32, #tpu.memory_space<hbm>>
      tpu.enqueue_indirect_dma source(%dma_start3A_112 : memref<40000x128xf32, #tpu.memory_space<hbm>>) target(%arg9 : memref<128x128xf32, #tpu.memory_space<vmem>>) offsets(%dma_start3A_109 : memref<128xi32, #tpu.memory_space<vmem>>) semaphore(%arg12 : memref<!tpu.dma_semaphore, #tpu.memory_space<semaphore_mem>>)
      %dma_start3A_113 = arith.constant 7 : i32
      %dma_start3A_114 = arith.constant 0 : i32
      %dma_start3A_115 = tpu.memref_slice %arg7[%dma_start3A_113, %dma_start3A_114] : memref<8x128xi32, #tpu.memory_space<vmem>> -> memref<1x128xi32, #tpu.memory_space<vmem>>
      %dma_start3A_116 = tpu.memref_squeeze %dma_start3A_115 : memref<1x128xi32, #tpu.memory_space<vmem>> -> memref<128xi32, #tpu.memory_space<vmem>>
      %dma_start3A_117 = arith.constant 0 : i32
      %dma_start3A_118 = arith.constant 0 : i32
      %dma_start3A_119 = tpu.memref_slice %arg2[%dma_start3A_117, %dma_start3A_118] : memref<40000x128xf32, #tpu.memory_space<hbm>> -> memref<40000x128xf32, #tpu.memory_space<hbm>>
      tpu.enqueue_indirect_dma source(%dma_start3A_119 : memref<40000x128xf32, #tpu.memory_space<hbm>>) target(%arg10 : memref<128x128xf32, #tpu.memory_space<vmem>>) offsets(%dma_start3A_116 : memref<128xi32, #tpu.memory_space<vmem>>) semaphore(%arg13 : memref<!tpu.dma_semaphore, #tpu.memory_space<semaphore_mem>>)
      %dma_wait3A_120 = arith.constant 6 : i32
      %dma_wait3A_121 = arith.constant 0 : i32
      %dma_wait3A_122 = tpu.memref_slice %arg7[%dma_wait3A_120, %dma_wait3A_121] : memref<8x128xi32, #tpu.memory_space<vmem>> -> memref<1x128xi32, #tpu.memory_space<vmem>>
      %dma_wait3A_123 = tpu.memref_squeeze %dma_wait3A_122 : memref<1x128xi32, #tpu.memory_space<vmem>> -> memref<128xi32, #tpu.memory_space<vmem>>
      %dma_wait3A_124 = arith.constant 0 : i32
      %dma_wait3A_125 = arith.constant 0 : i32
      %dma_wait3A_126 = tpu.memref_slice %arg2[%dma_wait3A_124, %dma_wait3A_125] : memref<40000x128xf32, #tpu.memory_space<hbm>> -> memref<40000x128xf32, #tpu.memory_space<hbm>>
      tpu.wait_indirect_dma semaphore(%arg12 : memref<!tpu.dma_semaphore, #tpu.memory_space<semaphore_mem>>) src(%dma_wait3A_126 : memref<40000x128xf32, #tpu.memory_space<hbm>>) dst(%arg9 : memref<128x128xf32, #tpu.memory_space<vmem>>)
      %run_scoped3A_127 = arith.constant 6 : i32
      "tpu.region"() ({
        %run_scoped3A_136 = tpu.sem_alloc : memref<!tpu.dma_semaphore, #tpu.memory_space<semaphore_mem>>
        %dma_start3A_137 = arith.constant 0 : i32
        %dma_start3A_138 = tpu.memref_slice %arg8[%run_scoped3A_127, %dma_start3A_137] : memref<8x128xi32, #tpu.memory_space<vmem>> -> memref<1x128xi32, #tpu.memory_space<vmem>>
        %dma_start3A_139 = tpu.memref_squeeze %dma_start3A_138 : memref<1x128xi32, #tpu.memory_space<vmem>> -> memref<128xi32, #tpu.memory_space<vmem>>
        %dma_start3A_140 = arith.constant 0 : i32
        %dma_start3A_141 = arith.constant 0 : i32
        %dma_start3A_142 = tpu.memref_slice %arg11[%dma_start3A_140, %dma_start3A_141] : memref<10008x128xf32, #tpu.memory_space<vmem_shared>> -> memref<10008x128xf32, #tpu.memory_space<vmem_shared>>
        tpu.enqueue_indirect_dma source(%arg9 : memref<128x128xf32, #tpu.memory_space<vmem>>) target(%dma_start3A_142 : memref<10008x128xf32, #tpu.memory_space<vmem_shared>>) offsets(%dma_start3A_139 : memref<128xi32, #tpu.memory_space<vmem>>) semaphore(%run_scoped3A_136 : memref<!tpu.dma_semaphore, #tpu.memory_space<semaphore_mem>>) {add = true}
        %dma_wait3A_143 = arith.constant 0 : i32
        %dma_wait3A_144 = tpu.memref_slice %arg8[%run_scoped3A_127, %dma_wait3A_143] : memref<8x128xi32, #tpu.memory_space<vmem>> -> memref<1x128xi32, #tpu.memory_space<vmem>>
        %dma_wait3A_145 = tpu.memref_squeeze %dma_wait3A_144 : memref<1x128xi32, #tpu.memory_space<vmem>> -> memref<128xi32, #tpu.memory_space<vmem>>
        %dma_wait3A_146 = arith.constant 0 : i32
        %dma_wait3A_147 = arith.constant 0 : i32
        %dma_wait3A_148 = tpu.memref_slice %arg11[%dma_wait3A_146, %dma_wait3A_147] : memref<10008x128xf32, #tpu.memory_space<vmem_shared>> -> memref<10008x128xf32, #tpu.memory_space<vmem_shared>>
        tpu.wait_indirect_dma semaphore(%run_scoped3A_136 : memref<!tpu.dma_semaphore, #tpu.memory_space<semaphore_mem>>) src(%arg9 : memref<128x128xf32, #tpu.memory_space<vmem>>) dst(%dma_wait3A_148 : memref<10008x128xf32, #tpu.memory_space<vmem_shared>>)
        tpu.yield
      }) : () -> ()
      %dma_wait3A_128 = arith.constant 7 : i32
      %dma_wait3A_129 = arith.constant 0 : i32
      %dma_wait3A_130 = tpu.memref_slice %arg7[%dma_wait3A_128, %dma_wait3A_129] : memref<8x128xi32, #tpu.memory_space<vmem>> -> memref<1x128xi32, #tpu.memory_space<vmem>>
      %dma_wait3A_131 = tpu.memref_squeeze %dma_wait3A_130 : memref<1x128xi32, #tpu.memory_space<vmem>> -> memref<128xi32, #tpu.memory_space<vmem>>
      %dma_wait3A_132 = arith.constant 0 : i32
      %dma_wait3A_133 = arith.constant 0 : i32
      %dma_wait3A_134 = tpu.memref_slice %arg2[%dma_wait3A_132, %dma_wait3A_133] : memref<40000x128xf32, #tpu.memory_space<hbm>> -> memref<40000x128xf32, #tpu.memory_space<hbm>>
      tpu.wait_indirect_dma semaphore(%arg13 : memref<!tpu.dma_semaphore, #tpu.memory_space<semaphore_mem>>) src(%dma_wait3A_134 : memref<40000x128xf32, #tpu.memory_space<hbm>>) dst(%arg10 : memref<128x128xf32, #tpu.memory_space<vmem>>)
      %run_scoped3A_135 = arith.constant 7 : i32
      "tpu.region"() ({
        %run_scoped3A_136 = tpu.sem_alloc : memref<!tpu.dma_semaphore, #tpu.memory_space<semaphore_mem>>
        %dma_start3A_137 = arith.constant 0 : i32
        %dma_start3A_138 = tpu.memref_slice %arg8[%run_scoped3A_135, %dma_start3A_137] : memref<8x128xi32, #tpu.memory_space<vmem>> -> memref<1x128xi32, #tpu.memory_space<vmem>>
        %dma_start3A_139 = tpu.memref_squeeze %dma_start3A_138 : memref<1x128xi32, #tpu.memory_space<vmem>> -> memref<128xi32, #tpu.memory_space<vmem>>
        %dma_start3A_140 = arith.constant 0 : i32
        %dma_start3A_141 = arith.constant 0 : i32
        %dma_start3A_142 = tpu.memref_slice %arg11[%dma_start3A_140, %dma_start3A_141] : memref<10008x128xf32, #tpu.memory_space<vmem_shared>> -> memref<10008x128xf32, #tpu.memory_space<vmem_shared>>
        tpu.enqueue_indirect_dma source(%arg10 : memref<128x128xf32, #tpu.memory_space<vmem>>) target(%dma_start3A_142 : memref<10008x128xf32, #tpu.memory_space<vmem_shared>>) offsets(%dma_start3A_139 : memref<128xi32, #tpu.memory_space<vmem>>) semaphore(%run_scoped3A_136 : memref<!tpu.dma_semaphore, #tpu.memory_space<semaphore_mem>>) {add = true}
        %dma_wait3A_143 = arith.constant 0 : i32
        %dma_wait3A_144 = tpu.memref_slice %arg8[%run_scoped3A_135, %dma_wait3A_143] : memref<8x128xi32, #tpu.memory_space<vmem>> -> memref<1x128xi32, #tpu.memory_space<vmem>>
        %dma_wait3A_145 = tpu.memref_squeeze %dma_wait3A_144 : memref<1x128xi32, #tpu.memory_space<vmem>> -> memref<128xi32, #tpu.memory_space<vmem>>
        %dma_wait3A_146 = arith.constant 0 : i32
        %dma_wait3A_147 = arith.constant 0 : i32
        %dma_wait3A_148 = tpu.memref_slice %arg11[%dma_wait3A_146, %dma_wait3A_147] : memref<10008x128xf32, #tpu.memory_space<vmem_shared>> -> memref<10008x128xf32, #tpu.memory_space<vmem_shared>>
        tpu.wait_indirect_dma semaphore(%run_scoped3A_136 : memref<!tpu.dma_semaphore, #tpu.memory_space<semaphore_mem>>) src(%arg10 : memref<128x128xf32, #tpu.memory_space<vmem>>) dst(%dma_wait3A_148 : memref<10008x128xf32, #tpu.memory_space<vmem_shared>>)
        tpu.yield
      }) : () -> ()
    }
    %scan3A_7 = arith.constant 10 : i32
    %barrier3A_8 = arith.constant 0 : index
    tpu.barrier barrier_id(%barrier3A_8)
    %eq3A_9 = arith.constant 0 : i32
    %eq3A_10 = arith.cmpi eq, %arg1, %eq3A_9 : i32
    %convert_element_type3A_11 = arith.extui %eq3A_10 : i1 to i32
    %cond3A_12 = arith.constant 0 : i32
    %cond3A_13 = arith.cmpi ne, %convert_element_type3A_11, %cond3A_12 : i32
    scf.if %cond3A_13 {
      "tpu.region"() ({
        %run_scoped3A = tpu.sem_alloc : memref<!tpu.dma_semaphore, #tpu.memory_space<semaphore_mem>>
        %dma_start3A = arith.constant 0 : i32
        %dma_start3A_14 = arith.constant 0 : i32
        %dma_start3A_15 = tpu.memref_slice %arg6[%arg0, %dma_start3A, %dma_start3A_14] : memref<2x10000x128xf32, #tpu.memory_space<hbm>> -> memref<1x10000x128xf32, #tpu.memory_space<hbm>>
        %dma_start3A_16 = tpu.memref_squeeze %dma_start3A_15 : memref<1x10000x128xf32, #tpu.memory_space<hbm>> -> memref<10000x128xf32, #tpu.memory_space<hbm>>
        %dma_start3A_17 = arith.constant 0 : i32
        %dma_start3A_18 = arith.constant 0 : i32
        %dma_start3A_19 = tpu.memref_slice %arg11[%dma_start3A_17, %dma_start3A_18] : memref<10008x128xf32, #tpu.memory_space<vmem_shared>> -> memref<10000x128xf32, #tpu.memory_space<vmem_shared>>
        tpu.enqueue_dma source(%dma_start3A_19 : memref<10000x128xf32, #tpu.memory_space<vmem_shared>>) target(%dma_start3A_16 : memref<10000x128xf32, #tpu.memory_space<hbm>>) target_semaphore(%run_scoped3A : memref<!tpu.dma_semaphore, #tpu.memory_space<semaphore_mem>>)
        %dma_wait3A = arith.constant 0 : i32
        %dma_wait3A_20 = arith.constant 0 : i32
        %dma_wait3A_21 = tpu.memref_slice %arg6[%arg0, %dma_wait3A, %dma_wait3A_20] : memref<2x10000x128xf32, #tpu.memory_space<hbm>> -> memref<1x10000x128xf32, #tpu.memory_space<hbm>>
        %dma_wait3A_22 = tpu.memref_squeeze %dma_wait3A_21 : memref<1x10000x128xf32, #tpu.memory_space<hbm>> -> memref<10000x128xf32, #tpu.memory_space<hbm>>
        %dma_wait3A_23 = arith.constant 0 : i32
        %dma_wait3A_24 = arith.constant 0 : i32
        %dma_wait3A_25 = tpu.memref_slice %arg11[%dma_wait3A_23, %dma_wait3A_24] : memref<10008x128xf32, #tpu.memory_space<vmem_shared>> -> memref<10000x128xf32, #tpu.memory_space<vmem_shared>>
        tpu.wait_dma2 semaphore(%run_scoped3A : memref<!tpu.dma_semaphore, #tpu.memory_space<semaphore_mem>>) src(%dma_wait3A_25 : memref<10000x128xf32, #tpu.memory_space<vmem_shared>>) dst(%dma_wait3A_22 : memref<10000x128xf32, #tpu.memory_space<hbm>>)
        tpu.yield
      }) : () -> ()
    } else {
    }
    return
  }
}

#map = affine_map<(d0, d1) -> (0, 0)>
#map1 = affine_map<(d0, d1) -> (0, 0, 0)>
module attributes {stable_mosaic.version = 14 : i64} {
  func.func @_sc_scatter(%arg0: i32, %arg1: i32, %arg2: memref<40000x128xf32, #tpu.memory_space<hbm>>, %arg3: memref<32x80x128xi32, #tpu.memory_space<hbm>>, %arg4: memref<32x80x128xi32, #tpu.memory_space<hbm>>, %arg5: memref<10008x128xf32, #tpu.memory_space<hbm>>, %arg6: memref<2x10000x128xf32, #tpu.memory_space<hbm>>, %arg7: memref<8x128xi32, #tpu.memory_space<vmem>>, %arg8: memref<8x128xi32, #tpu.memory_space<vmem>>, %arg9: memref<128x128xf32, #tpu.memory_space<vmem>>, %arg10: memref<128x128xf32, #tpu.memory_space<vmem>>, %arg11: memref<10008x128xf32, #tpu.memory_space<vmem_shared>>, %arg12: memref<!tpu.dma_semaphore, #tpu.memory_space<semaphore_mem>>, %arg13: memref<!tpu.dma_semaphore, #tpu.memory_space<semaphore_mem>>) attributes {dimension_semantics = [#tpu.dimension_semantics<core_parallel>, #tpu.dimension_semantics<subcore_parallel>], iteration_bounds = array<i64: 2, 16>, scalar_prefetch = 0 : i64, scratch_operands = 7 : i64, tpu.core_type = #tpu.core_type<sc_vector_subcore>, window_params = [{transform_indices = #map}, {transform_indices = #map1}, {transform_indices = #map1}, {transform_indices = #map}, {transform_indices = #map1}]} {
    %mul3A = arith.constant 16 : i32
    %mul3A_0 = arith.muli %arg0, %mul3A : i32
    %add3A = arith.addi %mul3A_0, %arg1 : i32
    %eq3A = arith.constant 0 : i32
    %eq3A_1 = arith.cmpi eq, %arg1, %eq3A : i32
    %convert_element_type3A = arith.extui %eq3A_1 : i1 to i32
    %cond3A = arith.constant 0 : i32
    %cond3A_2 = arith.cmpi ne, %convert_element_type3A, %cond3A : i32
    scf.if %cond3A_2 {
      "tpu.region"() ({
        %run_scoped3A = tpu.sem_alloc : memref<!tpu.dma_semaphore, #tpu.memory_space<semaphore_mem>>
        tpu.enqueue_dma source(%arg5 : memref<10008x128xf32, #tpu.memory_space<hbm>>) target(%arg11 : memref<10008x128xf32, #tpu.memory_space<vmem_shared>>) target_semaphore(%run_scoped3A : memref<!tpu.dma_semaphore, #tpu.memory_space<semaphore_mem>>)
        tpu.wait_dma2 semaphore(%run_scoped3A : memref<!tpu.dma_semaphore, #tpu.memory_space<semaphore_mem>>) src(%arg5 : memref<10008x128xf32, #tpu.memory_space<hbm>>) dst(%arg11 : memref<10008x128xf32, #tpu.memory_space<vmem_shared>>)
        tpu.yield
      }) : () -> ()
    } else {
    }
    %barrier3A = arith.constant 0 : index
    tpu.barrier barrier_id(%barrier3A)
    %scan3A = arith.constant 0 : i32
    %scan3A_3 = arith.constant 0 : i32
    %scan3A_4 = arith.constant 10 : i32
    %scan3A_5 = arith.addi %scan3A_3, %scan3A_4 : i32
    %scan3A_6 = arith.constant 1 : i32
    scf.for %scan3A_14 = %scan3A_3 to %scan3A_5 step %scan3A_6  : i32 {
      %mul3A_15 = arith.constant 8 : i32
      %mul3A_16 = arith.muli %scan3A_14, %mul3A_15 : i32
      "tpu.region"() ({
        %run_scoped3A_136 = tpu.sem_alloc : memref<!tpu.dma_semaphore, #tpu.memory_space<semaphore_mem>>
        %dma_start3A_137 = arith.constant 0 : i32
        %dma_start3A_138 = arith.constant 0 : i32
        %dma_start3A_139 = tpu.memref_slice %arg3[%add3A, %dma_start3A_137, %dma_start3A_138] : memref<32x80x128xi32, #tpu.memory_space<hbm>> -> memref<1x80x128xi32, #tpu.memory_space<hbm>>
        %dma_start3A_140 = tpu.memref_squeeze %dma_start3A_139 : memref<1x80x128xi32, #tpu.memory_space<hbm>> -> memref<80x128xi32, #tpu.memory_space<hbm>>
        %dma_start3A_141 = arith.constant 0 : i32
        %dma_start3A_142 = tpu.memref_slice %dma_start3A_140[%mul3A_16, %dma_start3A_141] : memref<80x128xi32, #tpu.memory_space<hbm>> -> memref<8x128xi32, #tpu.memory_space<hbm>>
        %dma_start3A_143 = arith.constant 0 : i32
        %dma_start3A_144 = arith.constant 0 : i32
        %dma_start3A_145 = tpu.memref_slice %arg3[%add3A, %dma_start3A_143, %dma_start3A_144] : memref<32x80x128xi32, #tpu.memory_space<hbm>> -> memref<1x80x128xi32, #tpu.memory_space<hbm>>
        %dma_start3A_146 = tpu.memref_squeeze %dma_start3A_145 : memref<1x80x128xi32, #tpu.memory_space<hbm>> -> memref<80x128xi32, #tpu.memory_space<hbm>>
        %dma_start3A_147 = arith.constant 0 : i32
        %dma_start3A_148 = tpu.memref_slice %dma_start3A_146[%mul3A_16, %dma_start3A_147] : memref<80x128xi32, #tpu.memory_space<hbm>> -> memref<8x128xi32, #tpu.memory_space<hbm>>
        tpu.enqueue_dma source(%dma_start3A_148 : memref<8x128xi32, #tpu.memory_space<hbm>>) target(%arg7 : memref<8x128xi32, #tpu.memory_space<vmem>>) target_semaphore(%run_scoped3A_136 : memref<!tpu.dma_semaphore, #tpu.memory_space<semaphore_mem>>)
        %dma_wait3A_149 = arith.constant 0 : i32
        %dma_wait3A_150 = arith.constant 0 : i32
        %dma_wait3A_151 = tpu.memref_slice %arg3[%add3A, %dma_wait3A_149, %dma_wait3A_150] : memref<32x80x128xi32, #tpu.memory_space<hbm>> -> memref<1x80x128xi32, #tpu.memory_space<hbm>>
        %dma_wait3A_152 = tpu.memref_squeeze %dma_wait3A_151 : memref<1x80x128xi32, #tpu.memory_space<hbm>> -> memref<80x128xi32, #tpu.memory_space<hbm>>
        %dma_wait3A_153 = arith.constant 0 : i32
        %dma_wait3A_154 = tpu.memref_slice %dma_wait3A_152[%mul3A_16, %dma_wait3A_153] : memref<80x128xi32, #tpu.memory_space<hbm>> -> memref<8x128xi32, #tpu.memory_space<hbm>>
        %dma_wait3A_155 = arith.constant 0 : i32
        %dma_wait3A_156 = arith.constant 0 : i32
        %dma_wait3A_157 = tpu.memref_slice %arg3[%add3A, %dma_wait3A_155, %dma_wait3A_156] : memref<32x80x128xi32, #tpu.memory_space<hbm>> -> memref<1x80x128xi32, #tpu.memory_space<hbm>>
        %dma_wait3A_158 = tpu.memref_squeeze %dma_wait3A_157 : memref<1x80x128xi32, #tpu.memory_space<hbm>> -> memref<80x128xi32, #tpu.memory_space<hbm>>
        %dma_wait3A_159 = arith.constant 0 : i32
        %dma_wait3A_160 = tpu.memref_slice %dma_wait3A_158[%mul3A_16, %dma_wait3A_159] : memref<80x128xi32, #tpu.memory_space<hbm>> -> memref<8x128xi32, #tpu.memory_space<hbm>>
        tpu.wait_dma2 semaphore(%run_scoped3A_136 : memref<!tpu.dma_semaphore, #tpu.memory_space<semaphore_mem>>) src(%dma_wait3A_160 : memref<8x128xi32, #tpu.memory_space<hbm>>) dst(%arg7 : memref<8x128xi32, #tpu.memory_space<vmem>>)
        tpu.yield
      }) : () -> ()
      %mul3A_17 = arith.constant 8 : i32
      %mul3A_18 = arith.muli %scan3A_14, %mul3A_17 : i32
      "tpu.region"() ({
        %run_scoped3A_136 = tpu.sem_alloc : memref<!tpu.dma_semaphore, #tpu.memory_space<semaphore_mem>>
        %dma_start3A_137 = arith.constant 0 : i32
        %dma_start3A_138 = arith.constant 0 : i32
        %dma_start3A_139 = tpu.memref_slice %arg4[%add3A, %dma_start3A_137, %dma_start3A_138] : memref<32x80x128xi32, #tpu.memory_space<hbm>> -> memref<1x80x128xi32, #tpu.memory_space<hbm>>
        %dma_start3A_140 = tpu.memref_squeeze %dma_start3A_139 : memref<1x80x128xi32, #tpu.memory_space<hbm>> -> memref<80x128xi32, #tpu.memory_space<hbm>>
        %dma_start3A_141 = arith.constant 0 : i32
        %dma_start3A_142 = tpu.memref_slice %dma_start3A_140[%mul3A_18, %dma_start3A_141] : memref<80x128xi32, #tpu.memory_space<hbm>> -> memref<8x128xi32, #tpu.memory_space<hbm>>
        %dma_start3A_143 = arith.constant 0 : i32
        %dma_start3A_144 = arith.constant 0 : i32
        %dma_start3A_145 = tpu.memref_slice %arg4[%add3A, %dma_start3A_143, %dma_start3A_144] : memref<32x80x128xi32, #tpu.memory_space<hbm>> -> memref<1x80x128xi32, #tpu.memory_space<hbm>>
        %dma_start3A_146 = tpu.memref_squeeze %dma_start3A_145 : memref<1x80x128xi32, #tpu.memory_space<hbm>> -> memref<80x128xi32, #tpu.memory_space<hbm>>
        %dma_start3A_147 = arith.constant 0 : i32
        %dma_start3A_148 = tpu.memref_slice %dma_start3A_146[%mul3A_18, %dma_start3A_147] : memref<80x128xi32, #tpu.memory_space<hbm>> -> memref<8x128xi32, #tpu.memory_space<hbm>>
        tpu.enqueue_dma source(%dma_start3A_148 : memref<8x128xi32, #tpu.memory_space<hbm>>) target(%arg8 : memref<8x128xi32, #tpu.memory_space<vmem>>) target_semaphore(%run_scoped3A_136 : memref<!tpu.dma_semaphore, #tpu.memory_space<semaphore_mem>>)
        %dma_wait3A_149 = arith.constant 0 : i32
        %dma_wait3A_150 = arith.constant 0 : i32
        %dma_wait3A_151 = tpu.memref_slice %arg4[%add3A, %dma_wait3A_149, %dma_wait3A_150] : memref<32x80x128xi32, #tpu.memory_space<hbm>> -> memref<1x80x128xi32, #tpu.memory_space<hbm>>
        %dma_wait3A_152 = tpu.memref_squeeze %dma_wait3A_151 : memref<1x80x128xi32, #tpu.memory_space<hbm>> -> memref<80x128xi32, #tpu.memory_space<hbm>>
        %dma_wait3A_153 = arith.constant 0 : i32
        %dma_wait3A_154 = tpu.memref_slice %dma_wait3A_152[%mul3A_18, %dma_wait3A_153] : memref<80x128xi32, #tpu.memory_space<hbm>> -> memref<8x128xi32, #tpu.memory_space<hbm>>
        %dma_wait3A_155 = arith.constant 0 : i32
        %dma_wait3A_156 = arith.constant 0 : i32
        %dma_wait3A_157 = tpu.memref_slice %arg4[%add3A, %dma_wait3A_155, %dma_wait3A_156] : memref<32x80x128xi32, #tpu.memory_space<hbm>> -> memref<1x80x128xi32, #tpu.memory_space<hbm>>
        %dma_wait3A_158 = tpu.memref_squeeze %dma_wait3A_157 : memref<1x80x128xi32, #tpu.memory_space<hbm>> -> memref<80x128xi32, #tpu.memory_space<hbm>>
        %dma_wait3A_159 = arith.constant 0 : i32
        %dma_wait3A_160 = tpu.memref_slice %dma_wait3A_158[%mul3A_18, %dma_wait3A_159] : memref<80x128xi32, #tpu.memory_space<hbm>> -> memref<8x128xi32, #tpu.memory_space<hbm>>
        tpu.wait_dma2 semaphore(%run_scoped3A_136 : memref<!tpu.dma_semaphore, #tpu.memory_space<semaphore_mem>>) src(%dma_wait3A_160 : memref<8x128xi32, #tpu.memory_space<hbm>>) dst(%arg8 : memref<8x128xi32, #tpu.memory_space<vmem>>)
        tpu.yield
      }) : () -> ()
      %dma_start3A = arith.constant 0 : i32
      %dma_start3A_19 = arith.constant 0 : i32
      %dma_start3A_20 = tpu.memref_slice %arg7[%dma_start3A, %dma_start3A_19] : memref<8x128xi32, #tpu.memory_space<vmem>> -> memref<1x128xi32, #tpu.memory_space<vmem>>
      %dma_start3A_21 = tpu.memref_squeeze %dma_start3A_20 : memref<1x128xi32, #tpu.memory_space<vmem>> -> memref<128xi32, #tpu.memory_space<vmem>>
      %dma_start3A_22 = arith.constant 0 : i32
      %dma_start3A_23 = arith.constant 0 : i32
      %dma_start3A_24 = tpu.memref_slice %arg2[%dma_start3A_22, %dma_start3A_23] : memref<40000x128xf32, #tpu.memory_space<hbm>> -> memref<40000x128xf32, #tpu.memory_space<hbm>>
      tpu.enqueue_indirect_dma source(%dma_start3A_24 : memref<40000x128xf32, #tpu.memory_space<hbm>>) target(%arg9 : memref<128x128xf32, #tpu.memory_space<vmem>>) offsets(%dma_start3A_21 : memref<128xi32, #tpu.memory_space<vmem>>) semaphore(%arg12 : memref<!tpu.dma_semaphore, #tpu.memory_space<semaphore_mem>>)
      %dma_start3A_25 = arith.constant 1 : i32
      %dma_start3A_26 = arith.constant 0 : i32
      %dma_start3A_27 = tpu.memref_slice %arg7[%dma_start3A_25, %dma_start3A_26] : memref<8x128xi32, #tpu.memory_space<vmem>> -> memref<1x128xi32, #tpu.memory_space<vmem>>
      %dma_start3A_28 = tpu.memref_squeeze %dma_start3A_27 : memref<1x128xi32, #tpu.memory_space<vmem>> -> memref<128xi32, #tpu.memory_space<vmem>>
      %dma_start3A_29 = arith.constant 0 : i32
      %dma_start3A_30 = arith.constant 0 : i32
      %dma_start3A_31 = tpu.memref_slice %arg2[%dma_start3A_29, %dma_start3A_30] : memref<40000x128xf32, #tpu.memory_space<hbm>> -> memref<40000x128xf32, #tpu.memory_space<hbm>>
      tpu.enqueue_indirect_dma source(%dma_start3A_31 : memref<40000x128xf32, #tpu.memory_space<hbm>>) target(%arg10 : memref<128x128xf32, #tpu.memory_space<vmem>>) offsets(%dma_start3A_28 : memref<128xi32, #tpu.memory_space<vmem>>) semaphore(%arg13 : memref<!tpu.dma_semaphore, #tpu.memory_space<semaphore_mem>>)
      %dma_wait3A = arith.constant 0 : i32
      %dma_wait3A_32 = arith.constant 0 : i32
      %dma_wait3A_33 = tpu.memref_slice %arg7[%dma_wait3A, %dma_wait3A_32] : memref<8x128xi32, #tpu.memory_space<vmem>> -> memref<1x128xi32, #tpu.memory_space<vmem>>
      %dma_wait3A_34 = tpu.memref_squeeze %dma_wait3A_33 : memref<1x128xi32, #tpu.memory_space<vmem>> -> memref<128xi32, #tpu.memory_space<vmem>>
      %dma_wait3A_35 = arith.constant 0 : i32
      %dma_wait3A_36 = arith.constant 0 : i32
      %dma_wait3A_37 = tpu.memref_slice %arg2[%dma_wait3A_35, %dma_wait3A_36] : memref<40000x128xf32, #tpu.memory_space<hbm>> -> memref<40000x128xf32, #tpu.memory_space<hbm>>
      tpu.wait_indirect_dma semaphore(%arg12 : memref<!tpu.dma_semaphore, #tpu.memory_space<semaphore_mem>>) src(%dma_wait3A_37 : memref<40000x128xf32, #tpu.memory_space<hbm>>) dst(%arg9 : memref<128x128xf32, #tpu.memory_space<vmem>>)
      %run_scoped3A = arith.constant 0 : i32
      "tpu.region"() ({
        %run_scoped3A_136 = tpu.sem_alloc : memref<!tpu.dma_semaphore, #tpu.memory_space<semaphore_mem>>
        %dma_start3A_137 = arith.constant 0 : i32
        %dma_start3A_138 = tpu.memref_slice %arg8[%run_scoped3A, %dma_start3A_137] : memref<8x128xi32, #tpu.memory_space<vmem>> -> memref<1x128xi32, #tpu.memory_space<vmem>>
        %dma_start3A_139 = tpu.memref_squeeze %dma_start3A_138 : memref<1x128xi32, #tpu.memory_space<vmem>> -> memref<128xi32, #tpu.memory_space<vmem>>
        %dma_start3A_140 = arith.constant 0 : i32
        %dma_start3A_141 = arith.constant 0 : i32
        %dma_start3A_142 = tpu.memref_slice %arg11[%dma_start3A_140, %dma_start3A_141] : memref<10008x128xf32, #tpu.memory_space<vmem_shared>> -> memref<10008x128xf32, #tpu.memory_space<vmem_shared>>
        tpu.enqueue_indirect_dma source(%arg9 : memref<128x128xf32, #tpu.memory_space<vmem>>) target(%dma_start3A_142 : memref<10008x128xf32, #tpu.memory_space<vmem_shared>>) offsets(%dma_start3A_139 : memref<128xi32, #tpu.memory_space<vmem>>) semaphore(%run_scoped3A_136 : memref<!tpu.dma_semaphore, #tpu.memory_space<semaphore_mem>>) {add = true}
        %dma_wait3A_143 = arith.constant 0 : i32
        %dma_wait3A_144 = tpu.memref_slice %arg8[%run_scoped3A, %dma_wait3A_143] : memref<8x128xi32, #tpu.memory_space<vmem>> -> memref<1x128xi32, #tpu.memory_space<vmem>>
        %dma_wait3A_145 = tpu.memref_squeeze %dma_wait3A_144 : memref<1x128xi32, #tpu.memory_space<vmem>> -> memref<128xi32, #tpu.memory_space<vmem>>
        %dma_wait3A_146 = arith.constant 0 : i32
        %dma_wait3A_147 = arith.constant 0 : i32
        %dma_wait3A_148 = tpu.memref_slice %arg11[%dma_wait3A_146, %dma_wait3A_147] : memref<10008x128xf32, #tpu.memory_space<vmem_shared>> -> memref<10008x128xf32, #tpu.memory_space<vmem_shared>>
        tpu.wait_indirect_dma semaphore(%run_scoped3A_136 : memref<!tpu.dma_semaphore, #tpu.memory_space<semaphore_mem>>) src(%arg9 : memref<128x128xf32, #tpu.memory_space<vmem>>) dst(%dma_wait3A_148 : memref<10008x128xf32, #tpu.memory_space<vmem_shared>>)
        tpu.yield
      }) : () -> ()
      %dma_wait3A_38 = arith.constant 1 : i32
      %dma_wait3A_39 = arith.constant 0 : i32
      %dma_wait3A_40 = tpu.memref_slice %arg7[%dma_wait3A_38, %dma_wait3A_39] : memref<8x128xi32, #tpu.memory_space<vmem>> -> memref<1x128xi32, #tpu.memory_space<vmem>>
      %dma_wait3A_41 = tpu.memref_squeeze %dma_wait3A_40 : memref<1x128xi32, #tpu.memory_space<vmem>> -> memref<128xi32, #tpu.memory_space<vmem>>
      %dma_wait3A_42 = arith.constant 0 : i32
      %dma_wait3A_43 = arith.constant 0 : i32
      %dma_wait3A_44 = tpu.memref_slice %arg2[%dma_wait3A_42, %dma_wait3A_43] : memref<40000x128xf32, #tpu.memory_space<hbm>> -> memref<40000x128xf32, #tpu.memory_space<hbm>>
      tpu.wait_indirect_dma semaphore(%arg13 : memref<!tpu.dma_semaphore, #tpu.memory_space<semaphore_mem>>) src(%dma_wait3A_44 : memref<40000x128xf32, #tpu.memory_space<hbm>>) dst(%arg10 : memref<128x128xf32, #tpu.memory_space<vmem>>)
      %run_scoped3A_45 = arith.constant 1 : i32
      "tpu.region"() ({
        %run_scoped3A_136 = tpu.sem_alloc : memref<!tpu.dma_semaphore, #tpu.memory_space<semaphore_mem>>
        %dma_start3A_137 = arith.constant 0 : i32
        %dma_start3A_138 = tpu.memref_slice %arg8[%run_scoped3A_45, %dma_start3A_137] : memref<8x128xi32, #tpu.memory_space<vmem>> -> memref<1x128xi32, #tpu.memory_space<vmem>>
        %dma_start3A_139 = tpu.memref_squeeze %dma_start3A_138 : memref<1x128xi32, #tpu.memory_space<vmem>> -> memref<128xi32, #tpu.memory_space<vmem>>
        %dma_start3A_140 = arith.constant 0 : i32
        %dma_start3A_141 = arith.constant 0 : i32
        %dma_start3A_142 = tpu.memref_slice %arg11[%dma_start3A_140, %dma_start3A_141] : memref<10008x128xf32, #tpu.memory_space<vmem_shared>> -> memref<10008x128xf32, #tpu.memory_space<vmem_shared>>
        tpu.enqueue_indirect_dma source(%arg10 : memref<128x128xf32, #tpu.memory_space<vmem>>) target(%dma_start3A_142 : memref<10008x128xf32, #tpu.memory_space<vmem_shared>>) offsets(%dma_start3A_139 : memref<128xi32, #tpu.memory_space<vmem>>) semaphore(%run_scoped3A_136 : memref<!tpu.dma_semaphore, #tpu.memory_space<semaphore_mem>>) {add = true}
        %dma_wait3A_143 = arith.constant 0 : i32
        %dma_wait3A_144 = tpu.memref_slice %arg8[%run_scoped3A_45, %dma_wait3A_143] : memref<8x128xi32, #tpu.memory_space<vmem>> -> memref<1x128xi32, #tpu.memory_space<vmem>>
        %dma_wait3A_145 = tpu.memref_squeeze %dma_wait3A_144 : memref<1x128xi32, #tpu.memory_space<vmem>> -> memref<128xi32, #tpu.memory_space<vmem>>
        %dma_wait3A_146 = arith.constant 0 : i32
        %dma_wait3A_147 = arith.constant 0 : i32
        %dma_wait3A_148 = tpu.memref_slice %arg11[%dma_wait3A_146, %dma_wait3A_147] : memref<10008x128xf32, #tpu.memory_space<vmem_shared>> -> memref<10008x128xf32, #tpu.memory_space<vmem_shared>>
        tpu.wait_indirect_dma semaphore(%run_scoped3A_136 : memref<!tpu.dma_semaphore, #tpu.memory_space<semaphore_mem>>) src(%arg10 : memref<128x128xf32, #tpu.memory_space<vmem>>) dst(%dma_wait3A_148 : memref<10008x128xf32, #tpu.memory_space<vmem_shared>>)
        tpu.yield
      }) : () -> ()
      %dma_start3A_46 = arith.constant 2 : i32
      %dma_start3A_47 = arith.constant 0 : i32
      %dma_start3A_48 = tpu.memref_slice %arg7[%dma_start3A_46, %dma_start3A_47] : memref<8x128xi32, #tpu.memory_space<vmem>> -> memref<1x128xi32, #tpu.memory_space<vmem>>
      %dma_start3A_49 = tpu.memref_squeeze %dma_start3A_48 : memref<1x128xi32, #tpu.memory_space<vmem>> -> memref<128xi32, #tpu.memory_space<vmem>>
      %dma_start3A_50 = arith.constant 0 : i32
      %dma_start3A_51 = arith.constant 0 : i32
      %dma_start3A_52 = tpu.memref_slice %arg2[%dma_start3A_50, %dma_start3A_51] : memref<40000x128xf32, #tpu.memory_space<hbm>> -> memref<40000x128xf32, #tpu.memory_space<hbm>>
      tpu.enqueue_indirect_dma source(%dma_start3A_52 : memref<40000x128xf32, #tpu.memory_space<hbm>>) target(%arg9 : memref<128x128xf32, #tpu.memory_space<vmem>>) offsets(%dma_start3A_49 : memref<128xi32, #tpu.memory_space<vmem>>) semaphore(%arg12 : memref<!tpu.dma_semaphore, #tpu.memory_space<semaphore_mem>>)
      %dma_start3A_53 = arith.constant 3 : i32
      %dma_start3A_54 = arith.constant 0 : i32
      %dma_start3A_55 = tpu.memref_slice %arg7[%dma_start3A_53, %dma_start3A_54] : memref<8x128xi32, #tpu.memory_space<vmem>> -> memref<1x128xi32, #tpu.memory_space<vmem>>
      %dma_start3A_56 = tpu.memref_squeeze %dma_start3A_55 : memref<1x128xi32, #tpu.memory_space<vmem>> -> memref<128xi32, #tpu.memory_space<vmem>>
      %dma_start3A_57 = arith.constant 0 : i32
      %dma_start3A_58 = arith.constant 0 : i32
      %dma_start3A_59 = tpu.memref_slice %arg2[%dma_start3A_57, %dma_start3A_58] : memref<40000x128xf32, #tpu.memory_space<hbm>> -> memref<40000x128xf32, #tpu.memory_space<hbm>>
      tpu.enqueue_indirect_dma source(%dma_start3A_59 : memref<40000x128xf32, #tpu.memory_space<hbm>>) target(%arg10 : memref<128x128xf32, #tpu.memory_space<vmem>>) offsets(%dma_start3A_56 : memref<128xi32, #tpu.memory_space<vmem>>) semaphore(%arg13 : memref<!tpu.dma_semaphore, #tpu.memory_space<semaphore_mem>>)
      %dma_wait3A_60 = arith.constant 2 : i32
      %dma_wait3A_61 = arith.constant 0 : i32
      %dma_wait3A_62 = tpu.memref_slice %arg7[%dma_wait3A_60, %dma_wait3A_61] : memref<8x128xi32, #tpu.memory_space<vmem>> -> memref<1x128xi32, #tpu.memory_space<vmem>>
      %dma_wait3A_63 = tpu.memref_squeeze %dma_wait3A_62 : memref<1x128xi32, #tpu.memory_space<vmem>> -> memref<128xi32, #tpu.memory_space<vmem>>
      %dma_wait3A_64 = arith.constant 0 : i32
      %dma_wait3A_65 = arith.constant 0 : i32
      %dma_wait3A_66 = tpu.memref_slice %arg2[%dma_wait3A_64, %dma_wait3A_65] : memref<40000x128xf32, #tpu.memory_space<hbm>> -> memref<40000x128xf32, #tpu.memory_space<hbm>>
      tpu.wait_indirect_dma semaphore(%arg12 : memref<!tpu.dma_semaphore, #tpu.memory_space<semaphore_mem>>) src(%dma_wait3A_66 : memref<40000x128xf32, #tpu.memory_space<hbm>>) dst(%arg9 : memref<128x128xf32, #tpu.memory_space<vmem>>)
      %run_scoped3A_67 = arith.constant 2 : i32
      "tpu.region"() ({
        %run_scoped3A_136 = tpu.sem_alloc : memref<!tpu.dma_semaphore, #tpu.memory_space<semaphore_mem>>
        %dma_start3A_137 = arith.constant 0 : i32
        %dma_start3A_138 = tpu.memref_slice %arg8[%run_scoped3A_67, %dma_start3A_137] : memref<8x128xi32, #tpu.memory_space<vmem>> -> memref<1x128xi32, #tpu.memory_space<vmem>>
        %dma_start3A_139 = tpu.memref_squeeze %dma_start3A_138 : memref<1x128xi32, #tpu.memory_space<vmem>> -> memref<128xi32, #tpu.memory_space<vmem>>
        %dma_start3A_140 = arith.constant 0 : i32
        %dma_start3A_141 = arith.constant 0 : i32
        %dma_start3A_142 = tpu.memref_slice %arg11[%dma_start3A_140, %dma_start3A_141] : memref<10008x128xf32, #tpu.memory_space<vmem_shared>> -> memref<10008x128xf32, #tpu.memory_space<vmem_shared>>
        tpu.enqueue_indirect_dma source(%arg9 : memref<128x128xf32, #tpu.memory_space<vmem>>) target(%dma_start3A_142 : memref<10008x128xf32, #tpu.memory_space<vmem_shared>>) offsets(%dma_start3A_139 : memref<128xi32, #tpu.memory_space<vmem>>) semaphore(%run_scoped3A_136 : memref<!tpu.dma_semaphore, #tpu.memory_space<semaphore_mem>>) {add = true}
        %dma_wait3A_143 = arith.constant 0 : i32
        %dma_wait3A_144 = tpu.memref_slice %arg8[%run_scoped3A_67, %dma_wait3A_143] : memref<8x128xi32, #tpu.memory_space<vmem>> -> memref<1x128xi32, #tpu.memory_space<vmem>>
        %dma_wait3A_145 = tpu.memref_squeeze %dma_wait3A_144 : memref<1x128xi32, #tpu.memory_space<vmem>> -> memref<128xi32, #tpu.memory_space<vmem>>
        %dma_wait3A_146 = arith.constant 0 : i32
        %dma_wait3A_147 = arith.constant 0 : i32
        %dma_wait3A_148 = tpu.memref_slice %arg11[%dma_wait3A_146, %dma_wait3A_147] : memref<10008x128xf32, #tpu.memory_space<vmem_shared>> -> memref<10008x128xf32, #tpu.memory_space<vmem_shared>>
        tpu.wait_indirect_dma semaphore(%run_scoped3A_136 : memref<!tpu.dma_semaphore, #tpu.memory_space<semaphore_mem>>) src(%arg9 : memref<128x128xf32, #tpu.memory_space<vmem>>) dst(%dma_wait3A_148 : memref<10008x128xf32, #tpu.memory_space<vmem_shared>>)
        tpu.yield
      }) : () -> ()
      %dma_wait3A_68 = arith.constant 3 : i32
      %dma_wait3A_69 = arith.constant 0 : i32
      %dma_wait3A_70 = tpu.memref_slice %arg7[%dma_wait3A_68, %dma_wait3A_69] : memref<8x128xi32, #tpu.memory_space<vmem>> -> memref<1x128xi32, #tpu.memory_space<vmem>>
      %dma_wait3A_71 = tpu.memref_squeeze %dma_wait3A_70 : memref<1x128xi32, #tpu.memory_space<vmem>> -> memref<128xi32, #tpu.memory_space<vmem>>
      %dma_wait3A_72 = arith.constant 0 : i32
      %dma_wait3A_73 = arith.constant 0 : i32
      %dma_wait3A_74 = tpu.memref_slice %arg2[%dma_wait3A_72, %dma_wait3A_73] : memref<40000x128xf32, #tpu.memory_space<hbm>> -> memref<40000x128xf32, #tpu.memory_space<hbm>>
      tpu.wait_indirect_dma semaphore(%arg13 : memref<!tpu.dma_semaphore, #tpu.memory_space<semaphore_mem>>) src(%dma_wait3A_74 : memref<40000x128xf32, #tpu.memory_space<hbm>>) dst(%arg10 : memref<128x128xf32, #tpu.memory_space<vmem>>)
      %run_scoped3A_75 = arith.constant 3 : i32
      "tpu.region"() ({
        %run_scoped3A_136 = tpu.sem_alloc : memref<!tpu.dma_semaphore, #tpu.memory_space<semaphore_mem>>
        %dma_start3A_137 = arith.constant 0 : i32
        %dma_start3A_138 = tpu.memref_slice %arg8[%run_scoped3A_75, %dma_start3A_137] : memref<8x128xi32, #tpu.memory_space<vmem>> -> memref<1x128xi32, #tpu.memory_space<vmem>>
        %dma_start3A_139 = tpu.memref_squeeze %dma_start3A_138 : memref<1x128xi32, #tpu.memory_space<vmem>> -> memref<128xi32, #tpu.memory_space<vmem>>
        %dma_start3A_140 = arith.constant 0 : i32
        %dma_start3A_141 = arith.constant 0 : i32
        %dma_start3A_142 = tpu.memref_slice %arg11[%dma_start3A_140, %dma_start3A_141] : memref<10008x128xf32, #tpu.memory_space<vmem_shared>> -> memref<10008x128xf32, #tpu.memory_space<vmem_shared>>
        tpu.enqueue_indirect_dma source(%arg10 : memref<128x128xf32, #tpu.memory_space<vmem>>) target(%dma_start3A_142 : memref<10008x128xf32, #tpu.memory_space<vmem_shared>>) offsets(%dma_start3A_139 : memref<128xi32, #tpu.memory_space<vmem>>) semaphore(%run_scoped3A_136 : memref<!tpu.dma_semaphore, #tpu.memory_space<semaphore_mem>>) {add = true}
        %dma_wait3A_143 = arith.constant 0 : i32
        %dma_wait3A_144 = tpu.memref_slice %arg8[%run_scoped3A_75, %dma_wait3A_143] : memref<8x128xi32, #tpu.memory_space<vmem>> -> memref<1x128xi32, #tpu.memory_space<vmem>>
        %dma_wait3A_145 = tpu.memref_squeeze %dma_wait3A_144 : memref<1x128xi32, #tpu.memory_space<vmem>> -> memref<128xi32, #tpu.memory_space<vmem>>
        %dma_wait3A_146 = arith.constant 0 : i32
        %dma_wait3A_147 = arith.constant 0 : i32
        %dma_wait3A_148 = tpu.memref_slice %arg11[%dma_wait3A_146, %dma_wait3A_147] : memref<10008x128xf32, #tpu.memory_space<vmem_shared>> -> memref<10008x128xf32, #tpu.memory_space<vmem_shared>>
        tpu.wait_indirect_dma semaphore(%run_scoped3A_136 : memref<!tpu.dma_semaphore, #tpu.memory_space<semaphore_mem>>) src(%arg10 : memref<128x128xf32, #tpu.memory_space<vmem>>) dst(%dma_wait3A_148 : memref<10008x128xf32, #tpu.memory_space<vmem_shared>>)
        tpu.yield
      }) : () -> ()
      %dma_start3A_76 = arith.constant 4 : i32
      %dma_start3A_77 = arith.constant 0 : i32
      %dma_start3A_78 = tpu.memref_slice %arg7[%dma_start3A_76, %dma_start3A_77] : memref<8x128xi32, #tpu.memory_space<vmem>> -> memref<1x128xi32, #tpu.memory_space<vmem>>
      %dma_start3A_79 = tpu.memref_squeeze %dma_start3A_78 : memref<1x128xi32, #tpu.memory_space<vmem>> -> memref<128xi32, #tpu.memory_space<vmem>>
      %dma_start3A_80 = arith.constant 0 : i32
      %dma_start3A_81 = arith.constant 0 : i32
      %dma_start3A_82 = tpu.memref_slice %arg2[%dma_start3A_80, %dma_start3A_81] : memref<40000x128xf32, #tpu.memory_space<hbm>> -> memref<40000x128xf32, #tpu.memory_space<hbm>>
      tpu.enqueue_indirect_dma source(%dma_start3A_82 : memref<40000x128xf32, #tpu.memory_space<hbm>>) target(%arg9 : memref<128x128xf32, #tpu.memory_space<vmem>>) offsets(%dma_start3A_79 : memref<128xi32, #tpu.memory_space<vmem>>) semaphore(%arg12 : memref<!tpu.dma_semaphore, #tpu.memory_space<semaphore_mem>>)
      %dma_start3A_83 = arith.constant 5 : i32
      %dma_start3A_84 = arith.constant 0 : i32
      %dma_start3A_85 = tpu.memref_slice %arg7[%dma_start3A_83, %dma_start3A_84] : memref<8x128xi32, #tpu.memory_space<vmem>> -> memref<1x128xi32, #tpu.memory_space<vmem>>
      %dma_start3A_86 = tpu.memref_squeeze %dma_start3A_85 : memref<1x128xi32, #tpu.memory_space<vmem>> -> memref<128xi32, #tpu.memory_space<vmem>>
      %dma_start3A_87 = arith.constant 0 : i32
      %dma_start3A_88 = arith.constant 0 : i32
      %dma_start3A_89 = tpu.memref_slice %arg2[%dma_start3A_87, %dma_start3A_88] : memref<40000x128xf32, #tpu.memory_space<hbm>> -> memref<40000x128xf32, #tpu.memory_space<hbm>>
      tpu.enqueue_indirect_dma source(%dma_start3A_89 : memref<40000x128xf32, #tpu.memory_space<hbm>>) target(%arg10 : memref<128x128xf32, #tpu.memory_space<vmem>>) offsets(%dma_start3A_86 : memref<128xi32, #tpu.memory_space<vmem>>) semaphore(%arg13 : memref<!tpu.dma_semaphore, #tpu.memory_space<semaphore_mem>>)
      %dma_wait3A_90 = arith.constant 4 : i32
      %dma_wait3A_91 = arith.constant 0 : i32
      %dma_wait3A_92 = tpu.memref_slice %arg7[%dma_wait3A_90, %dma_wait3A_91] : memref<8x128xi32, #tpu.memory_space<vmem>> -> memref<1x128xi32, #tpu.memory_space<vmem>>
      %dma_wait3A_93 = tpu.memref_squeeze %dma_wait3A_92 : memref<1x128xi32, #tpu.memory_space<vmem>> -> memref<128xi32, #tpu.memory_space<vmem>>
      %dma_wait3A_94 = arith.constant 0 : i32
      %dma_wait3A_95 = arith.constant 0 : i32
      %dma_wait3A_96 = tpu.memref_slice %arg2[%dma_wait3A_94, %dma_wait3A_95] : memref<40000x128xf32, #tpu.memory_space<hbm>> -> memref<40000x128xf32, #tpu.memory_space<hbm>>
      tpu.wait_indirect_dma semaphore(%arg12 : memref<!tpu.dma_semaphore, #tpu.memory_space<semaphore_mem>>) src(%dma_wait3A_96 : memref<40000x128xf32, #tpu.memory_space<hbm>>) dst(%arg9 : memref<128x128xf32, #tpu.memory_space<vmem>>)
      %run_scoped3A_97 = arith.constant 4 : i32
      "tpu.region"() ({
        %run_scoped3A_136 = tpu.sem_alloc : memref<!tpu.dma_semaphore, #tpu.memory_space<semaphore_mem>>
        %dma_start3A_137 = arith.constant 0 : i32
        %dma_start3A_138 = tpu.memref_slice %arg8[%run_scoped3A_97, %dma_start3A_137] : memref<8x128xi32, #tpu.memory_space<vmem>> -> memref<1x128xi32, #tpu.memory_space<vmem>>
        %dma_start3A_139 = tpu.memref_squeeze %dma_start3A_138 : memref<1x128xi32, #tpu.memory_space<vmem>> -> memref<128xi32, #tpu.memory_space<vmem>>
        %dma_start3A_140 = arith.constant 0 : i32
        %dma_start3A_141 = arith.constant 0 : i32
        %dma_start3A_142 = tpu.memref_slice %arg11[%dma_start3A_140, %dma_start3A_141] : memref<10008x128xf32, #tpu.memory_space<vmem_shared>> -> memref<10008x128xf32, #tpu.memory_space<vmem_shared>>
        tpu.enqueue_indirect_dma source(%arg9 : memref<128x128xf32, #tpu.memory_space<vmem>>) target(%dma_start3A_142 : memref<10008x128xf32, #tpu.memory_space<vmem_shared>>) offsets(%dma_start3A_139 : memref<128xi32, #tpu.memory_space<vmem>>) semaphore(%run_scoped3A_136 : memref<!tpu.dma_semaphore, #tpu.memory_space<semaphore_mem>>) {add = true}
        %dma_wait3A_143 = arith.constant 0 : i32
        %dma_wait3A_144 = tpu.memref_slice %arg8[%run_scoped3A_97, %dma_wait3A_143] : memref<8x128xi32, #tpu.memory_space<vmem>> -> memref<1x128xi32, #tpu.memory_space<vmem>>
        %dma_wait3A_145 = tpu.memref_squeeze %dma_wait3A_144 : memref<1x128xi32, #tpu.memory_space<vmem>> -> memref<128xi32, #tpu.memory_space<vmem>>
        %dma_wait3A_146 = arith.constant 0 : i32
        %dma_wait3A_147 = arith.constant 0 : i32
        %dma_wait3A_148 = tpu.memref_slice %arg11[%dma_wait3A_146, %dma_wait3A_147] : memref<10008x128xf32, #tpu.memory_space<vmem_shared>> -> memref<10008x128xf32, #tpu.memory_space<vmem_shared>>
        tpu.wait_indirect_dma semaphore(%run_scoped3A_136 : memref<!tpu.dma_semaphore, #tpu.memory_space<semaphore_mem>>) src(%arg9 : memref<128x128xf32, #tpu.memory_space<vmem>>) dst(%dma_wait3A_148 : memref<10008x128xf32, #tpu.memory_space<vmem_shared>>)
        tpu.yield
      }) : () -> ()
      %dma_wait3A_98 = arith.constant 5 : i32
      %dma_wait3A_99 = arith.constant 0 : i32
      %dma_wait3A_100 = tpu.memref_slice %arg7[%dma_wait3A_98, %dma_wait3A_99] : memref<8x128xi32, #tpu.memory_space<vmem>> -> memref<1x128xi32, #tpu.memory_space<vmem>>
      %dma_wait3A_101 = tpu.memref_squeeze %dma_wait3A_100 : memref<1x128xi32, #tpu.memory_space<vmem>> -> memref<128xi32, #tpu.memory_space<vmem>>
      %dma_wait3A_102 = arith.constant 0 : i32
      %dma_wait3A_103 = arith.constant 0 : i32
      %dma_wait3A_104 = tpu.memref_slice %arg2[%dma_wait3A_102, %dma_wait3A_103] : memref<40000x128xf32, #tpu.memory_space<hbm>> -> memref<40000x128xf32, #tpu.memory_space<hbm>>
      tpu.wait_indirect_dma semaphore(%arg13 : memref<!tpu.dma_semaphore, #tpu.memory_space<semaphore_mem>>) src(%dma_wait3A_104 : memref<40000x128xf32, #tpu.memory_space<hbm>>) dst(%arg10 : memref<128x128xf32, #tpu.memory_space<vmem>>)
      %run_scoped3A_105 = arith.constant 5 : i32
      "tpu.region"() ({
        %run_scoped3A_136 = tpu.sem_alloc : memref<!tpu.dma_semaphore, #tpu.memory_space<semaphore_mem>>
        %dma_start3A_137 = arith.constant 0 : i32
        %dma_start3A_138 = tpu.memref_slice %arg8[%run_scoped3A_105, %dma_start3A_137] : memref<8x128xi32, #tpu.memory_space<vmem>> -> memref<1x128xi32, #tpu.memory_space<vmem>>
        %dma_start3A_139 = tpu.memref_squeeze %dma_start3A_138 : memref<1x128xi32, #tpu.memory_space<vmem>> -> memref<128xi32, #tpu.memory_space<vmem>>
        %dma_start3A_140 = arith.constant 0 : i32
        %dma_start3A_141 = arith.constant 0 : i32
        %dma_start3A_142 = tpu.memref_slice %arg11[%dma_start3A_140, %dma_start3A_141] : memref<10008x128xf32, #tpu.memory_space<vmem_shared>> -> memref<10008x128xf32, #tpu.memory_space<vmem_shared>>
        tpu.enqueue_indirect_dma source(%arg10 : memref<128x128xf32, #tpu.memory_space<vmem>>) target(%dma_start3A_142 : memref<10008x128xf32, #tpu.memory_space<vmem_shared>>) offsets(%dma_start3A_139 : memref<128xi32, #tpu.memory_space<vmem>>) semaphore(%run_scoped3A_136 : memref<!tpu.dma_semaphore, #tpu.memory_space<semaphore_mem>>) {add = true}
        %dma_wait3A_143 = arith.constant 0 : i32
        %dma_wait3A_144 = tpu.memref_slice %arg8[%run_scoped3A_105, %dma_wait3A_143] : memref<8x128xi32, #tpu.memory_space<vmem>> -> memref<1x128xi32, #tpu.memory_space<vmem>>
        %dma_wait3A_145 = tpu.memref_squeeze %dma_wait3A_144 : memref<1x128xi32, #tpu.memory_space<vmem>> -> memref<128xi32, #tpu.memory_space<vmem>>
        %dma_wait3A_146 = arith.constant 0 : i32
        %dma_wait3A_147 = arith.constant 0 : i32
        %dma_wait3A_148 = tpu.memref_slice %arg11[%dma_wait3A_146, %dma_wait3A_147] : memref<10008x128xf32, #tpu.memory_space<vmem_shared>> -> memref<10008x128xf32, #tpu.memory_space<vmem_shared>>
        tpu.wait_indirect_dma semaphore(%run_scoped3A_136 : memref<!tpu.dma_semaphore, #tpu.memory_space<semaphore_mem>>) src(%arg10 : memref<128x128xf32, #tpu.memory_space<vmem>>) dst(%dma_wait3A_148 : memref<10008x128xf32, #tpu.memory_space<vmem_shared>>)
        tpu.yield
      }) : () -> ()
      %dma_start3A_106 = arith.constant 6 : i32
      %dma_start3A_107 = arith.constant 0 : i32
      %dma_start3A_108 = tpu.memref_slice %arg7[%dma_start3A_106, %dma_start3A_107] : memref<8x128xi32, #tpu.memory_space<vmem>> -> memref<1x128xi32, #tpu.memory_space<vmem>>
      %dma_start3A_109 = tpu.memref_squeeze %dma_start3A_108 : memref<1x128xi32, #tpu.memory_space<vmem>> -> memref<128xi32, #tpu.memory_space<vmem>>
      %dma_start3A_110 = arith.constant 0 : i32
      %dma_start3A_111 = arith.constant 0 : i32
      %dma_start3A_112 = tpu.memref_slice %arg2[%dma_start3A_110, %dma_start3A_111] : memref<40000x128xf32, #tpu.memory_space<hbm>> -> memref<40000x128xf32, #tpu.memory_space<hbm>>
      tpu.enqueue_indirect_dma source(%dma_start3A_112 : memref<40000x128xf32, #tpu.memory_space<hbm>>) target(%arg9 : memref<128x128xf32, #tpu.memory_space<vmem>>) offsets(%dma_start3A_109 : memref<128xi32, #tpu.memory_space<vmem>>) semaphore(%arg12 : memref<!tpu.dma_semaphore, #tpu.memory_space<semaphore_mem>>)
      %dma_start3A_113 = arith.constant 7 : i32
      %dma_start3A_114 = arith.constant 0 : i32
      %dma_start3A_115 = tpu.memref_slice %arg7[%dma_start3A_113, %dma_start3A_114] : memref<8x128xi32, #tpu.memory_space<vmem>> -> memref<1x128xi32, #tpu.memory_space<vmem>>
      %dma_start3A_116 = tpu.memref_squeeze %dma_start3A_115 : memref<1x128xi32, #tpu.memory_space<vmem>> -> memref<128xi32, #tpu.memory_space<vmem>>
      %dma_start3A_117 = arith.constant 0 : i32
      %dma_start3A_118 = arith.constant 0 : i32
      %dma_start3A_119 = tpu.memref_slice %arg2[%dma_start3A_117, %dma_start3A_118] : memref<40000x128xf32, #tpu.memory_space<hbm>> -> memref<40000x128xf32, #tpu.memory_space<hbm>>
      tpu.enqueue_indirect_dma source(%dma_start3A_119 : memref<40000x128xf32, #tpu.memory_space<hbm>>) target(%arg10 : memref<128x128xf32, #tpu.memory_space<vmem>>) offsets(%dma_start3A_116 : memref<128xi32, #tpu.memory_space<vmem>>) semaphore(%arg13 : memref<!tpu.dma_semaphore, #tpu.memory_space<semaphore_mem>>)
      %dma_wait3A_120 = arith.constant 6 : i32
      %dma_wait3A_121 = arith.constant 0 : i32
      %dma_wait3A_122 = tpu.memref_slice %arg7[%dma_wait3A_120, %dma_wait3A_121] : memref<8x128xi32, #tpu.memory_space<vmem>> -> memref<1x128xi32, #tpu.memory_space<vmem>>
      %dma_wait3A_123 = tpu.memref_squeeze %dma_wait3A_122 : memref<1x128xi32, #tpu.memory_space<vmem>> -> memref<128xi32, #tpu.memory_space<vmem>>
      %dma_wait3A_124 = arith.constant 0 : i32
      %dma_wait3A_125 = arith.constant 0 : i32
      %dma_wait3A_126 = tpu.memref_slice %arg2[%dma_wait3A_124, %dma_wait3A_125] : memref<40000x128xf32, #tpu.memory_space<hbm>> -> memref<40000x128xf32, #tpu.memory_space<hbm>>
      tpu.wait_indirect_dma semaphore(%arg12 : memref<!tpu.dma_semaphore, #tpu.memory_space<semaphore_mem>>) src(%dma_wait3A_126 : memref<40000x128xf32, #tpu.memory_space<hbm>>) dst(%arg9 : memref<128x128xf32, #tpu.memory_space<vmem>>)
      %run_scoped3A_127 = arith.constant 6 : i32
      "tpu.region"() ({
        %run_scoped3A_136 = tpu.sem_alloc : memref<!tpu.dma_semaphore, #tpu.memory_space<semaphore_mem>>
        %dma_start3A_137 = arith.constant 0 : i32
        %dma_start3A_138 = tpu.memref_slice %arg8[%run_scoped3A_127, %dma_start3A_137] : memref<8x128xi32, #tpu.memory_space<vmem>> -> memref<1x128xi32, #tpu.memory_space<vmem>>
        %dma_start3A_139 = tpu.memref_squeeze %dma_start3A_138 : memref<1x128xi32, #tpu.memory_space<vmem>> -> memref<128xi32, #tpu.memory_space<vmem>>
        %dma_start3A_140 = arith.constant 0 : i32
        %dma_start3A_141 = arith.constant 0 : i32
        %dma_start3A_142 = tpu.memref_slice %arg11[%dma_start3A_140, %dma_start3A_141] : memref<10008x128xf32, #tpu.memory_space<vmem_shared>> -> memref<10008x128xf32, #tpu.memory_space<vmem_shared>>
        tpu.enqueue_indirect_dma source(%arg9 : memref<128x128xf32, #tpu.memory_space<vmem>>) target(%dma_start3A_142 : memref<10008x128xf32, #tpu.memory_space<vmem_shared>>) offsets(%dma_start3A_139 : memref<128xi32, #tpu.memory_space<vmem>>) semaphore(%run_scoped3A_136 : memref<!tpu.dma_semaphore, #tpu.memory_space<semaphore_mem>>) {add = true}
        %dma_wait3A_143 = arith.constant 0 : i32
        %dma_wait3A_144 = tpu.memref_slice %arg8[%run_scoped3A_127, %dma_wait3A_143] : memref<8x128xi32, #tpu.memory_space<vmem>> -> memref<1x128xi32, #tpu.memory_space<vmem>>
        %dma_wait3A_145 = tpu.memref_squeeze %dma_wait3A_144 : memref<1x128xi32, #tpu.memory_space<vmem>> -> memref<128xi32, #tpu.memory_space<vmem>>
        %dma_wait3A_146 = arith.constant 0 : i32
        %dma_wait3A_147 = arith.constant 0 : i32
        %dma_wait3A_148 = tpu.memref_slice %arg11[%dma_wait3A_146, %dma_wait3A_147] : memref<10008x128xf32, #tpu.memory_space<vmem_shared>> -> memref<10008x128xf32, #tpu.memory_space<vmem_shared>>
        tpu.wait_indirect_dma semaphore(%run_scoped3A_136 : memref<!tpu.dma_semaphore, #tpu.memory_space<semaphore_mem>>) src(%arg9 : memref<128x128xf32, #tpu.memory_space<vmem>>) dst(%dma_wait3A_148 : memref<10008x128xf32, #tpu.memory_space<vmem_shared>>)
        tpu.yield
      }) : () -> ()
      %dma_wait3A_128 = arith.constant 7 : i32
      %dma_wait3A_129 = arith.constant 0 : i32
      %dma_wait3A_130 = tpu.memref_slice %arg7[%dma_wait3A_128, %dma_wait3A_129] : memref<8x128xi32, #tpu.memory_space<vmem>> -> memref<1x128xi32, #tpu.memory_space<vmem>>
      %dma_wait3A_131 = tpu.memref_squeeze %dma_wait3A_130 : memref<1x128xi32, #tpu.memory_space<vmem>> -> memref<128xi32, #tpu.memory_space<vmem>>
      %dma_wait3A_132 = arith.constant 0 : i32
      %dma_wait3A_133 = arith.constant 0 : i32
      %dma_wait3A_134 = tpu.memref_slice %arg2[%dma_wait3A_132, %dma_wait3A_133] : memref<40000x128xf32, #tpu.memory_space<hbm>> -> memref<40000x128xf32, #tpu.memory_space<hbm>>
      tpu.wait_indirect_dma semaphore(%arg13 : memref<!tpu.dma_semaphore, #tpu.memory_space<semaphore_mem>>) src(%dma_wait3A_134 : memref<40000x128xf32, #tpu.memory_space<hbm>>) dst(%arg10 : memref<128x128xf32, #tpu.memory_space<vmem>>)
      %run_scoped3A_135 = arith.constant 7 : i32
      "tpu.region"() ({
        %run_scoped3A_136 = tpu.sem_alloc : memref<!tpu.dma_semaphore, #tpu.memory_space<semaphore_mem>>
        %dma_start3A_137 = arith.constant 0 : i32
        %dma_start3A_138 = tpu.memref_slice %arg8[%run_scoped3A_135, %dma_start3A_137] : memref<8x128xi32, #tpu.memory_space<vmem>> -> memref<1x128xi32, #tpu.memory_space<vmem>>
        %dma_start3A_139 = tpu.memref_squeeze %dma_start3A_138 : memref<1x128xi32, #tpu.memory_space<vmem>> -> memref<128xi32, #tpu.memory_space<vmem>>
        %dma_start3A_140 = arith.constant 0 : i32
        %dma_start3A_141 = arith.constant 0 : i32
        %dma_start3A_142 = tpu.memref_slice %arg11[%dma_start3A_140, %dma_start3A_141] : memref<10008x128xf32, #tpu.memory_space<vmem_shared>> -> memref<10008x128xf32, #tpu.memory_space<vmem_shared>>
        tpu.enqueue_indirect_dma source(%arg10 : memref<128x128xf32, #tpu.memory_space<vmem>>) target(%dma_start3A_142 : memref<10008x128xf32, #tpu.memory_space<vmem_shared>>) offsets(%dma_start3A_139 : memref<128xi32, #tpu.memory_space<vmem>>) semaphore(%run_scoped3A_136 : memref<!tpu.dma_semaphore, #tpu.memory_space<semaphore_mem>>) {add = true}
        %dma_wait3A_143 = arith.constant 0 : i32
        %dma_wait3A_144 = tpu.memref_slice %arg8[%run_scoped3A_135, %dma_wait3A_143] : memref<8x128xi32, #tpu.memory_space<vmem>> -> memref<1x128xi32, #tpu.memory_space<vmem>>
        %dma_wait3A_145 = tpu.memref_squeeze %dma_wait3A_144 : memref<1x128xi32, #tpu.memory_space<vmem>> -> memref<128xi32, #tpu.memory_space<vmem>>
        %dma_wait3A_146 = arith.constant 0 : i32
        %dma_wait3A_147 = arith.constant 0 : i32
        %dma_wait3A_148 = tpu.memref_slice %arg11[%dma_wait3A_146, %dma_wait3A_147] : memref<10008x128xf32, #tpu.memory_space<vmem_shared>> -> memref<10008x128xf32, #tpu.memory_space<vmem_shared>>
        tpu.wait_indirect_dma semaphore(%run_scoped3A_136 : memref<!tpu.dma_semaphore, #tpu.memory_space<semaphore_mem>>) src(%arg10 : memref<128x128xf32, #tpu.memory_space<vmem>>) dst(%dma_wait3A_148 : memref<10008x128xf32, #tpu.memory_space<vmem_shared>>)
        tpu.yield
      }) : () -> ()
    }
    %scan3A_7 = arith.constant 10 : i32
    %barrier3A_8 = arith.constant 0 : index
    tpu.barrier barrier_id(%barrier3A_8)
    %eq3A_9 = arith.constant 0 : i32
    %eq3A_10 = arith.cmpi eq, %arg1, %eq3A_9 : i32
    %convert_element_type3A_11 = arith.extui %eq3A_10 : i1 to i32
    %cond3A_12 = arith.constant 0 : i32
    %cond3A_13 = arith.cmpi ne, %convert_element_type3A_11, %cond3A_12 : i32
    scf.if %cond3A_13 {
      "tpu.region"() ({
        %run_scoped3A = tpu.sem_alloc : memref<!tpu.dma_semaphore, #tpu.memory_space<semaphore_mem>>
        %dma_start3A = arith.constant 0 : i32
        %dma_start3A_14 = arith.constant 0 : i32
        %dma_start3A_15 = tpu.memref_slice %arg6[%arg0, %dma_start3A, %dma_start3A_14] : memref<2x10000x128xf32, #tpu.memory_space<hbm>> -> memref<1x10000x128xf32, #tpu.memory_space<hbm>>
        %dma_start3A_16 = tpu.memref_squeeze %dma_start3A_15 : memref<1x10000x128xf32, #tpu.memory_space<hbm>> -> memref<10000x128xf32, #tpu.memory_space<hbm>>
        %dma_start3A_17 = arith.constant 0 : i32
        %dma_start3A_18 = arith.constant 0 : i32
        %dma_start3A_19 = tpu.memref_slice %arg11[%dma_start3A_17, %dma_start3A_18] : memref<10008x128xf32, #tpu.memory_space<vmem_shared>> -> memref<10000x128xf32, #tpu.memory_space<vmem_shared>>
        tpu.enqueue_dma source(%dma_start3A_19 : memref<10000x128xf32, #tpu.memory_space<vmem_shared>>) target(%dma_start3A_16 : memref<10000x128xf32, #tpu.memory_space<hbm>>) target_semaphore(%run_scoped3A : memref<!tpu.dma_semaphore, #tpu.memory_space<semaphore_mem>>)
        %dma_wait3A = arith.constant 0 : i32
        %dma_wait3A_20 = arith.constant 0 : i32
        %dma_wait3A_21 = tpu.memref_slice %arg6[%arg0, %dma_wait3A, %dma_wait3A_20] : memref<2x10000x128xf32, #tpu.memory_space<hbm>> -> memref<1x10000x128xf32, #tpu.memory_space<hbm>>
        %dma_wait3A_22 = tpu.memref_squeeze %dma_wait3A_21 : memref<1x10000x128xf32, #tpu.memory_space<hbm>> -> memref<10000x128xf32, #tpu.memory_space<hbm>>
        %dma_wait3A_23 = arith.constant 0 : i32
        %dma_wait3A_24 = arith.constant 0 : i32
        %dma_wait3A_25 = tpu.memref_slice %arg11[%dma_wait3A_23, %dma_wait3A_24] : memref<10008x128xf32, #tpu.memory_space<vmem_shared>> -> memref<10000x128xf32, #tpu.memory_space<vmem_shared>>
        tpu.wait_dma2 semaphore(%run_scoped3A : memref<!tpu.dma_semaphore, #tpu.memory_space<semaphore_mem>>) src(%dma_wait3A_25 : memref<10000x128xf32, #tpu.memory_space<vmem_shared>>) dst(%dma_wait3A_22 : memref<10000x128xf32, #tpu.memory_space<hbm>>)
        tpu.yield
      }) : () -> ()
    } else {
    }
    return
  }
}

#map = affine_map<(d0, d1) -> (0, 0)>
#map1 = affine_map<(d0, d1) -> (0, 0, 0)>
module attributes {stable_mosaic.version = 14 : i64} {
  func.func @_sc_scatter(%arg0: i32, %arg1: i32, %arg2: memref<40000x128xf32, #tpu.memory_space<hbm>>, %arg3: memref<32x80x128xi32, #tpu.memory_space<hbm>>, %arg4: memref<32x80x128xi32, #tpu.memory_space<hbm>>, %arg5: memref<10008x128xf32, #tpu.memory_space<hbm>>, %arg6: memref<2x10000x128xf32, #tpu.memory_space<hbm>>, %arg7: memref<8x128xi32, #tpu.memory_space<vmem>>, %arg8: memref<8x128xi32, #tpu.memory_space<vmem>>, %arg9: memref<128x128xf32, #tpu.memory_space<vmem>>, %arg10: memref<128x128xf32, #tpu.memory_space<vmem>>, %arg11: memref<10008x128xf32, #tpu.memory_space<vmem_shared>>, %arg12: memref<!tpu.dma_semaphore, #tpu.memory_space<semaphore_mem>>, %arg13: memref<!tpu.dma_semaphore, #tpu.memory_space<semaphore_mem>>) attributes {dimension_semantics = [#tpu.dimension_semantics<core_parallel>, #tpu.dimension_semantics<subcore_parallel>], iteration_bounds = array<i64: 2, 16>, scalar_prefetch = 0 : i64, scratch_operands = 7 : i64, tpu.core_type = #tpu.core_type<sc_vector_subcore>, window_params = [{transform_indices = #map}, {transform_indices = #map1}, {transform_indices = #map1}, {transform_indices = #map}, {transform_indices = #map1}]} {
    %mul3A = arith.constant 16 : i32
    %mul3A_0 = arith.muli %arg0, %mul3A : i32
    %add3A = arith.addi %mul3A_0, %arg1 : i32
    %eq3A = arith.constant 0 : i32
    %eq3A_1 = arith.cmpi eq, %arg1, %eq3A : i32
    %convert_element_type3A = arith.extui %eq3A_1 : i1 to i32
    %cond3A = arith.constant 0 : i32
    %cond3A_2 = arith.cmpi ne, %convert_element_type3A, %cond3A : i32
    scf.if %cond3A_2 {
      "tpu.region"() ({
        %run_scoped3A = tpu.sem_alloc : memref<!tpu.dma_semaphore, #tpu.memory_space<semaphore_mem>>
        tpu.enqueue_dma source(%arg5 : memref<10008x128xf32, #tpu.memory_space<hbm>>) target(%arg11 : memref<10008x128xf32, #tpu.memory_space<vmem_shared>>) target_semaphore(%run_scoped3A : memref<!tpu.dma_semaphore, #tpu.memory_space<semaphore_mem>>)
        tpu.wait_dma2 semaphore(%run_scoped3A : memref<!tpu.dma_semaphore, #tpu.memory_space<semaphore_mem>>) src(%arg5 : memref<10008x128xf32, #tpu.memory_space<hbm>>) dst(%arg11 : memref<10008x128xf32, #tpu.memory_space<vmem_shared>>)
        tpu.yield
      }) : () -> ()
    } else {
    }
    %barrier3A = arith.constant 0 : index
    tpu.barrier barrier_id(%barrier3A)
    %scan3A = arith.constant 0 : i32
    %scan3A_3 = arith.constant 0 : i32
    %scan3A_4 = arith.constant 10 : i32
    %scan3A_5 = arith.addi %scan3A_3, %scan3A_4 : i32
    %scan3A_6 = arith.constant 1 : i32
    scf.for %scan3A_14 = %scan3A_3 to %scan3A_5 step %scan3A_6  : i32 {
      %mul3A_15 = arith.constant 8 : i32
      %mul3A_16 = arith.muli %scan3A_14, %mul3A_15 : i32
      "tpu.region"() ({
        %run_scoped3A_136 = tpu.sem_alloc : memref<!tpu.dma_semaphore, #tpu.memory_space<semaphore_mem>>
        %dma_start3A_137 = arith.constant 0 : i32
        %dma_start3A_138 = arith.constant 0 : i32
        %dma_start3A_139 = tpu.memref_slice %arg3[%add3A, %dma_start3A_137, %dma_start3A_138] : memref<32x80x128xi32, #tpu.memory_space<hbm>> -> memref<1x80x128xi32, #tpu.memory_space<hbm>>
        %dma_start3A_140 = tpu.memref_squeeze %dma_start3A_139 : memref<1x80x128xi32, #tpu.memory_space<hbm>> -> memref<80x128xi32, #tpu.memory_space<hbm>>
        %dma_start3A_141 = arith.constant 0 : i32
        %dma_start3A_142 = tpu.memref_slice %dma_start3A_140[%mul3A_16, %dma_start3A_141] : memref<80x128xi32, #tpu.memory_space<hbm>> -> memref<8x128xi32, #tpu.memory_space<hbm>>
        %dma_start3A_143 = arith.constant 0 : i32
        %dma_start3A_144 = arith.constant 0 : i32
        %dma_start3A_145 = tpu.memref_slice %arg3[%add3A, %dma_start3A_143, %dma_start3A_144] : memref<32x80x128xi32, #tpu.memory_space<hbm>> -> memref<1x80x128xi32, #tpu.memory_space<hbm>>
        %dma_start3A_146 = tpu.memref_squeeze %dma_start3A_145 : memref<1x80x128xi32, #tpu.memory_space<hbm>> -> memref<80x128xi32, #tpu.memory_space<hbm>>
        %dma_start3A_147 = arith.constant 0 : i32
        %dma_start3A_148 = tpu.memref_slice %dma_start3A_146[%mul3A_16, %dma_start3A_147] : memref<80x128xi32, #tpu.memory_space<hbm>> -> memref<8x128xi32, #tpu.memory_space<hbm>>
        tpu.enqueue_dma source(%dma_start3A_148 : memref<8x128xi32, #tpu.memory_space<hbm>>) target(%arg7 : memref<8x128xi32, #tpu.memory_space<vmem>>) target_semaphore(%run_scoped3A_136 : memref<!tpu.dma_semaphore, #tpu.memory_space<semaphore_mem>>)
        %dma_wait3A_149 = arith.constant 0 : i32
        %dma_wait3A_150 = arith.constant 0 : i32
        %dma_wait3A_151 = tpu.memref_slice %arg3[%add3A, %dma_wait3A_149, %dma_wait3A_150] : memref<32x80x128xi32, #tpu.memory_space<hbm>> -> memref<1x80x128xi32, #tpu.memory_space<hbm>>
        %dma_wait3A_152 = tpu.memref_squeeze %dma_wait3A_151 : memref<1x80x128xi32, #tpu.memory_space<hbm>> -> memref<80x128xi32, #tpu.memory_space<hbm>>
        %dma_wait3A_153 = arith.constant 0 : i32
        %dma_wait3A_154 = tpu.memref_slice %dma_wait3A_152[%mul3A_16, %dma_wait3A_153] : memref<80x128xi32, #tpu.memory_space<hbm>> -> memref<8x128xi32, #tpu.memory_space<hbm>>
        %dma_wait3A_155 = arith.constant 0 : i32
        %dma_wait3A_156 = arith.constant 0 : i32
        %dma_wait3A_157 = tpu.memref_slice %arg3[%add3A, %dma_wait3A_155, %dma_wait3A_156] : memref<32x80x128xi32, #tpu.memory_space<hbm>> -> memref<1x80x128xi32, #tpu.memory_space<hbm>>
        %dma_wait3A_158 = tpu.memref_squeeze %dma_wait3A_157 : memref<1x80x128xi32, #tpu.memory_space<hbm>> -> memref<80x128xi32, #tpu.memory_space<hbm>>
        %dma_wait3A_159 = arith.constant 0 : i32
        %dma_wait3A_160 = tpu.memref_slice %dma_wait3A_158[%mul3A_16, %dma_wait3A_159] : memref<80x128xi32, #tpu.memory_space<hbm>> -> memref<8x128xi32, #tpu.memory_space<hbm>>
        tpu.wait_dma2 semaphore(%run_scoped3A_136 : memref<!tpu.dma_semaphore, #tpu.memory_space<semaphore_mem>>) src(%dma_wait3A_160 : memref<8x128xi32, #tpu.memory_space<hbm>>) dst(%arg7 : memref<8x128xi32, #tpu.memory_space<vmem>>)
        tpu.yield
      }) : () -> ()
      %mul3A_17 = arith.constant 8 : i32
      %mul3A_18 = arith.muli %scan3A_14, %mul3A_17 : i32
      "tpu.region"() ({
        %run_scoped3A_136 = tpu.sem_alloc : memref<!tpu.dma_semaphore, #tpu.memory_space<semaphore_mem>>
        %dma_start3A_137 = arith.constant 0 : i32
        %dma_start3A_138 = arith.constant 0 : i32
        %dma_start3A_139 = tpu.memref_slice %arg4[%add3A, %dma_start3A_137, %dma_start3A_138] : memref<32x80x128xi32, #tpu.memory_space<hbm>> -> memref<1x80x128xi32, #tpu.memory_space<hbm>>
        %dma_start3A_140 = tpu.memref_squeeze %dma_start3A_139 : memref<1x80x128xi32, #tpu.memory_space<hbm>> -> memref<80x128xi32, #tpu.memory_space<hbm>>
        %dma_start3A_141 = arith.constant 0 : i32
        %dma_start3A_142 = tpu.memref_slice %dma_start3A_140[%mul3A_18, %dma_start3A_141] : memref<80x128xi32, #tpu.memory_space<hbm>> -> memref<8x128xi32, #tpu.memory_space<hbm>>
        %dma_start3A_143 = arith.constant 0 : i32
        %dma_start3A_144 = arith.constant 0 : i32
        %dma_start3A_145 = tpu.memref_slice %arg4[%add3A, %dma_start3A_143, %dma_start3A_144] : memref<32x80x128xi32, #tpu.memory_space<hbm>> -> memref<1x80x128xi32, #tpu.memory_space<hbm>>
        %dma_start3A_146 = tpu.memref_squeeze %dma_start3A_145 : memref<1x80x128xi32, #tpu.memory_space<hbm>> -> memref<80x128xi32, #tpu.memory_space<hbm>>
        %dma_start3A_147 = arith.constant 0 : i32
        %dma_start3A_148 = tpu.memref_slice %dma_start3A_146[%mul3A_18, %dma_start3A_147] : memref<80x128xi32, #tpu.memory_space<hbm>> -> memref<8x128xi32, #tpu.memory_space<hbm>>
        tpu.enqueue_dma source(%dma_start3A_148 : memref<8x128xi32, #tpu.memory_space<hbm>>) target(%arg8 : memref<8x128xi32, #tpu.memory_space<vmem>>) target_semaphore(%run_scoped3A_136 : memref<!tpu.dma_semaphore, #tpu.memory_space<semaphore_mem>>)
        %dma_wait3A_149 = arith.constant 0 : i32
        %dma_wait3A_150 = arith.constant 0 : i32
        %dma_wait3A_151 = tpu.memref_slice %arg4[%add3A, %dma_wait3A_149, %dma_wait3A_150] : memref<32x80x128xi32, #tpu.memory_space<hbm>> -> memref<1x80x128xi32, #tpu.memory_space<hbm>>
        %dma_wait3A_152 = tpu.memref_squeeze %dma_wait3A_151 : memref<1x80x128xi32, #tpu.memory_space<hbm>> -> memref<80x128xi32, #tpu.memory_space<hbm>>
        %dma_wait3A_153 = arith.constant 0 : i32
        %dma_wait3A_154 = tpu.memref_slice %dma_wait3A_152[%mul3A_18, %dma_wait3A_153] : memref<80x128xi32, #tpu.memory_space<hbm>> -> memref<8x128xi32, #tpu.memory_space<hbm>>
        %dma_wait3A_155 = arith.constant 0 : i32
        %dma_wait3A_156 = arith.constant 0 : i32
        %dma_wait3A_157 = tpu.memref_slice %arg4[%add3A, %dma_wait3A_155, %dma_wait3A_156] : memref<32x80x128xi32, #tpu.memory_space<hbm>> -> memref<1x80x128xi32, #tpu.memory_space<hbm>>
        %dma_wait3A_158 = tpu.memref_squeeze %dma_wait3A_157 : memref<1x80x128xi32, #tpu.memory_space<hbm>> -> memref<80x128xi32, #tpu.memory_space<hbm>>
        %dma_wait3A_159 = arith.constant 0 : i32
        %dma_wait3A_160 = tpu.memref_slice %dma_wait3A_158[%mul3A_18, %dma_wait3A_159] : memref<80x128xi32, #tpu.memory_space<hbm>> -> memref<8x128xi32, #tpu.memory_space<hbm>>
        tpu.wait_dma2 semaphore(%run_scoped3A_136 : memref<!tpu.dma_semaphore, #tpu.memory_space<semaphore_mem>>) src(%dma_wait3A_160 : memref<8x128xi32, #tpu.memory_space<hbm>>) dst(%arg8 : memref<8x128xi32, #tpu.memory_space<vmem>>)
        tpu.yield
      }) : () -> ()
      %dma_start3A = arith.constant 0 : i32
      %dma_start3A_19 = arith.constant 0 : i32
      %dma_start3A_20 = tpu.memref_slice %arg7[%dma_start3A, %dma_start3A_19] : memref<8x128xi32, #tpu.memory_space<vmem>> -> memref<1x128xi32, #tpu.memory_space<vmem>>
      %dma_start3A_21 = tpu.memref_squeeze %dma_start3A_20 : memref<1x128xi32, #tpu.memory_space<vmem>> -> memref<128xi32, #tpu.memory_space<vmem>>
      %dma_start3A_22 = arith.constant 0 : i32
      %dma_start3A_23 = arith.constant 0 : i32
      %dma_start3A_24 = tpu.memref_slice %arg2[%dma_start3A_22, %dma_start3A_23] : memref<40000x128xf32, #tpu.memory_space<hbm>> -> memref<40000x128xf32, #tpu.memory_space<hbm>>
      tpu.enqueue_indirect_dma source(%dma_start3A_24 : memref<40000x128xf32, #tpu.memory_space<hbm>>) target(%arg9 : memref<128x128xf32, #tpu.memory_space<vmem>>) offsets(%dma_start3A_21 : memref<128xi32, #tpu.memory_space<vmem>>) semaphore(%arg12 : memref<!tpu.dma_semaphore, #tpu.memory_space<semaphore_mem>>)
      %dma_start3A_25 = arith.constant 1 : i32
      %dma_start3A_26 = arith.constant 0 : i32
      %dma_start3A_27 = tpu.memref_slice %arg7[%dma_start3A_25, %dma_start3A_26] : memref<8x128xi32, #tpu.memory_space<vmem>> -> memref<1x128xi32, #tpu.memory_space<vmem>>
      %dma_start3A_28 = tpu.memref_squeeze %dma_start3A_27 : memref<1x128xi32, #tpu.memory_space<vmem>> -> memref<128xi32, #tpu.memory_space<vmem>>
      %dma_start3A_29 = arith.constant 0 : i32
      %dma_start3A_30 = arith.constant 0 : i32
      %dma_start3A_31 = tpu.memref_slice %arg2[%dma_start3A_29, %dma_start3A_30] : memref<40000x128xf32, #tpu.memory_space<hbm>> -> memref<40000x128xf32, #tpu.memory_space<hbm>>
      tpu.enqueue_indirect_dma source(%dma_start3A_31 : memref<40000x128xf32, #tpu.memory_space<hbm>>) target(%arg10 : memref<128x128xf32, #tpu.memory_space<vmem>>) offsets(%dma_start3A_28 : memref<128xi32, #tpu.memory_space<vmem>>) semaphore(%arg13 : memref<!tpu.dma_semaphore, #tpu.memory_space<semaphore_mem>>)
      %dma_wait3A = arith.constant 0 : i32
      %dma_wait3A_32 = arith.constant 0 : i32
      %dma_wait3A_33 = tpu.memref_slice %arg7[%dma_wait3A, %dma_wait3A_32] : memref<8x128xi32, #tpu.memory_space<vmem>> -> memref<1x128xi32, #tpu.memory_space<vmem>>
      %dma_wait3A_34 = tpu.memref_squeeze %dma_wait3A_33 : memref<1x128xi32, #tpu.memory_space<vmem>> -> memref<128xi32, #tpu.memory_space<vmem>>
      %dma_wait3A_35 = arith.constant 0 : i32
      %dma_wait3A_36 = arith.constant 0 : i32
      %dma_wait3A_37 = tpu.memref_slice %arg2[%dma_wait3A_35, %dma_wait3A_36] : memref<40000x128xf32, #tpu.memory_space<hbm>> -> memref<40000x128xf32, #tpu.memory_space<hbm>>
      tpu.wait_indirect_dma semaphore(%arg12 : memref<!tpu.dma_semaphore, #tpu.memory_space<semaphore_mem>>) src(%dma_wait3A_37 : memref<40000x128xf32, #tpu.memory_space<hbm>>) dst(%arg9 : memref<128x128xf32, #tpu.memory_space<vmem>>)
      %run_scoped3A = arith.constant 0 : i32
      "tpu.region"() ({
        %run_scoped3A_136 = tpu.sem_alloc : memref<!tpu.dma_semaphore, #tpu.memory_space<semaphore_mem>>
        %dma_start3A_137 = arith.constant 0 : i32
        %dma_start3A_138 = tpu.memref_slice %arg8[%run_scoped3A, %dma_start3A_137] : memref<8x128xi32, #tpu.memory_space<vmem>> -> memref<1x128xi32, #tpu.memory_space<vmem>>
        %dma_start3A_139 = tpu.memref_squeeze %dma_start3A_138 : memref<1x128xi32, #tpu.memory_space<vmem>> -> memref<128xi32, #tpu.memory_space<vmem>>
        %dma_start3A_140 = arith.constant 0 : i32
        %dma_start3A_141 = arith.constant 0 : i32
        %dma_start3A_142 = tpu.memref_slice %arg11[%dma_start3A_140, %dma_start3A_141] : memref<10008x128xf32, #tpu.memory_space<vmem_shared>> -> memref<10008x128xf32, #tpu.memory_space<vmem_shared>>
        tpu.enqueue_indirect_dma source(%arg9 : memref<128x128xf32, #tpu.memory_space<vmem>>) target(%dma_start3A_142 : memref<10008x128xf32, #tpu.memory_space<vmem_shared>>) offsets(%dma_start3A_139 : memref<128xi32, #tpu.memory_space<vmem>>) semaphore(%run_scoped3A_136 : memref<!tpu.dma_semaphore, #tpu.memory_space<semaphore_mem>>) {add = true}
        %dma_wait3A_143 = arith.constant 0 : i32
        %dma_wait3A_144 = tpu.memref_slice %arg8[%run_scoped3A, %dma_wait3A_143] : memref<8x128xi32, #tpu.memory_space<vmem>> -> memref<1x128xi32, #tpu.memory_space<vmem>>
        %dma_wait3A_145 = tpu.memref_squeeze %dma_wait3A_144 : memref<1x128xi32, #tpu.memory_space<vmem>> -> memref<128xi32, #tpu.memory_space<vmem>>
        %dma_wait3A_146 = arith.constant 0 : i32
        %dma_wait3A_147 = arith.constant 0 : i32
        %dma_wait3A_148 = tpu.memref_slice %arg11[%dma_wait3A_146, %dma_wait3A_147] : memref<10008x128xf32, #tpu.memory_space<vmem_shared>> -> memref<10008x128xf32, #tpu.memory_space<vmem_shared>>
        tpu.wait_indirect_dma semaphore(%run_scoped3A_136 : memref<!tpu.dma_semaphore, #tpu.memory_space<semaphore_mem>>) src(%arg9 : memref<128x128xf32, #tpu.memory_space<vmem>>) dst(%dma_wait3A_148 : memref<10008x128xf32, #tpu.memory_space<vmem_shared>>)
        tpu.yield
      }) : () -> ()
      %dma_wait3A_38 = arith.constant 1 : i32
      %dma_wait3A_39 = arith.constant 0 : i32
      %dma_wait3A_40 = tpu.memref_slice %arg7[%dma_wait3A_38, %dma_wait3A_39] : memref<8x128xi32, #tpu.memory_space<vmem>> -> memref<1x128xi32, #tpu.memory_space<vmem>>
      %dma_wait3A_41 = tpu.memref_squeeze %dma_wait3A_40 : memref<1x128xi32, #tpu.memory_space<vmem>> -> memref<128xi32, #tpu.memory_space<vmem>>
      %dma_wait3A_42 = arith.constant 0 : i32
      %dma_wait3A_43 = arith.constant 0 : i32
      %dma_wait3A_44 = tpu.memref_slice %arg2[%dma_wait3A_42, %dma_wait3A_43] : memref<40000x128xf32, #tpu.memory_space<hbm>> -> memref<40000x128xf32, #tpu.memory_space<hbm>>
      tpu.wait_indirect_dma semaphore(%arg13 : memref<!tpu.dma_semaphore, #tpu.memory_space<semaphore_mem>>) src(%dma_wait3A_44 : memref<40000x128xf32, #tpu.memory_space<hbm>>) dst(%arg10 : memref<128x128xf32, #tpu.memory_space<vmem>>)
      %run_scoped3A_45 = arith.constant 1 : i32
      "tpu.region"() ({
        %run_scoped3A_136 = tpu.sem_alloc : memref<!tpu.dma_semaphore, #tpu.memory_space<semaphore_mem>>
        %dma_start3A_137 = arith.constant 0 : i32
        %dma_start3A_138 = tpu.memref_slice %arg8[%run_scoped3A_45, %dma_start3A_137] : memref<8x128xi32, #tpu.memory_space<vmem>> -> memref<1x128xi32, #tpu.memory_space<vmem>>
        %dma_start3A_139 = tpu.memref_squeeze %dma_start3A_138 : memref<1x128xi32, #tpu.memory_space<vmem>> -> memref<128xi32, #tpu.memory_space<vmem>>
        %dma_start3A_140 = arith.constant 0 : i32
        %dma_start3A_141 = arith.constant 0 : i32
        %dma_start3A_142 = tpu.memref_slice %arg11[%dma_start3A_140, %dma_start3A_141] : memref<10008x128xf32, #tpu.memory_space<vmem_shared>> -> memref<10008x128xf32, #tpu.memory_space<vmem_shared>>
        tpu.enqueue_indirect_dma source(%arg10 : memref<128x128xf32, #tpu.memory_space<vmem>>) target(%dma_start3A_142 : memref<10008x128xf32, #tpu.memory_space<vmem_shared>>) offsets(%dma_start3A_139 : memref<128xi32, #tpu.memory_space<vmem>>) semaphore(%run_scoped3A_136 : memref<!tpu.dma_semaphore, #tpu.memory_space<semaphore_mem>>) {add = true}
        %dma_wait3A_143 = arith.constant 0 : i32
        %dma_wait3A_144 = tpu.memref_slice %arg8[%run_scoped3A_45, %dma_wait3A_143] : memref<8x128xi32, #tpu.memory_space<vmem>> -> memref<1x128xi32, #tpu.memory_space<vmem>>
        %dma_wait3A_145 = tpu.memref_squeeze %dma_wait3A_144 : memref<1x128xi32, #tpu.memory_space<vmem>> -> memref<128xi32, #tpu.memory_space<vmem>>
        %dma_wait3A_146 = arith.constant 0 : i32
        %dma_wait3A_147 = arith.constant 0 : i32
        %dma_wait3A_148 = tpu.memref_slice %arg11[%dma_wait3A_146, %dma_wait3A_147] : memref<10008x128xf32, #tpu.memory_space<vmem_shared>> -> memref<10008x128xf32, #tpu.memory_space<vmem_shared>>
        tpu.wait_indirect_dma semaphore(%run_scoped3A_136 : memref<!tpu.dma_semaphore, #tpu.memory_space<semaphore_mem>>) src(%arg10 : memref<128x128xf32, #tpu.memory_space<vmem>>) dst(%dma_wait3A_148 : memref<10008x128xf32, #tpu.memory_space<vmem_shared>>)
        tpu.yield
      }) : () -> ()
      %dma_start3A_46 = arith.constant 2 : i32
      %dma_start3A_47 = arith.constant 0 : i32
      %dma_start3A_48 = tpu.memref_slice %arg7[%dma_start3A_46, %dma_start3A_47] : memref<8x128xi32, #tpu.memory_space<vmem>> -> memref<1x128xi32, #tpu.memory_space<vmem>>
      %dma_start3A_49 = tpu.memref_squeeze %dma_start3A_48 : memref<1x128xi32, #tpu.memory_space<vmem>> -> memref<128xi32, #tpu.memory_space<vmem>>
      %dma_start3A_50 = arith.constant 0 : i32
      %dma_start3A_51 = arith.constant 0 : i32
      %dma_start3A_52 = tpu.memref_slice %arg2[%dma_start3A_50, %dma_start3A_51] : memref<40000x128xf32, #tpu.memory_space<hbm>> -> memref<40000x128xf32, #tpu.memory_space<hbm>>
      tpu.enqueue_indirect_dma source(%dma_start3A_52 : memref<40000x128xf32, #tpu.memory_space<hbm>>) target(%arg9 : memref<128x128xf32, #tpu.memory_space<vmem>>) offsets(%dma_start3A_49 : memref<128xi32, #tpu.memory_space<vmem>>) semaphore(%arg12 : memref<!tpu.dma_semaphore, #tpu.memory_space<semaphore_mem>>)
      %dma_start3A_53 = arith.constant 3 : i32
      %dma_start3A_54 = arith.constant 0 : i32
      %dma_start3A_55 = tpu.memref_slice %arg7[%dma_start3A_53, %dma_start3A_54] : memref<8x128xi32, #tpu.memory_space<vmem>> -> memref<1x128xi32, #tpu.memory_space<vmem>>
      %dma_start3A_56 = tpu.memref_squeeze %dma_start3A_55 : memref<1x128xi32, #tpu.memory_space<vmem>> -> memref<128xi32, #tpu.memory_space<vmem>>
      %dma_start3A_57 = arith.constant 0 : i32
      %dma_start3A_58 = arith.constant 0 : i32
      %dma_start3A_59 = tpu.memref_slice %arg2[%dma_start3A_57, %dma_start3A_58] : memref<40000x128xf32, #tpu.memory_space<hbm>> -> memref<40000x128xf32, #tpu.memory_space<hbm>>
      tpu.enqueue_indirect_dma source(%dma_start3A_59 : memref<40000x128xf32, #tpu.memory_space<hbm>>) target(%arg10 : memref<128x128xf32, #tpu.memory_space<vmem>>) offsets(%dma_start3A_56 : memref<128xi32, #tpu.memory_space<vmem>>) semaphore(%arg13 : memref<!tpu.dma_semaphore, #tpu.memory_space<semaphore_mem>>)
      %dma_wait3A_60 = arith.constant 2 : i32
      %dma_wait3A_61 = arith.constant 0 : i32
      %dma_wait3A_62 = tpu.memref_slice %arg7[%dma_wait3A_60, %dma_wait3A_61] : memref<8x128xi32, #tpu.memory_space<vmem>> -> memref<1x128xi32, #tpu.memory_space<vmem>>
      %dma_wait3A_63 = tpu.memref_squeeze %dma_wait3A_62 : memref<1x128xi32, #tpu.memory_space<vmem>> -> memref<128xi32, #tpu.memory_space<vmem>>
      %dma_wait3A_64 = arith.constant 0 : i32
      %dma_wait3A_65 = arith.constant 0 : i32
      %dma_wait3A_66 = tpu.memref_slice %arg2[%dma_wait3A_64, %dma_wait3A_65] : memref<40000x128xf32, #tpu.memory_space<hbm>> -> memref<40000x128xf32, #tpu.memory_space<hbm>>
      tpu.wait_indirect_dma semaphore(%arg12 : memref<!tpu.dma_semaphore, #tpu.memory_space<semaphore_mem>>) src(%dma_wait3A_66 : memref<40000x128xf32, #tpu.memory_space<hbm>>) dst(%arg9 : memref<128x128xf32, #tpu.memory_space<vmem>>)
      %run_scoped3A_67 = arith.constant 2 : i32
      "tpu.region"() ({
        %run_scoped3A_136 = tpu.sem_alloc : memref<!tpu.dma_semaphore, #tpu.memory_space<semaphore_mem>>
        %dma_start3A_137 = arith.constant 0 : i32
        %dma_start3A_138 = tpu.memref_slice %arg8[%run_scoped3A_67, %dma_start3A_137] : memref<8x128xi32, #tpu.memory_space<vmem>> -> memref<1x128xi32, #tpu.memory_space<vmem>>
        %dma_start3A_139 = tpu.memref_squeeze %dma_start3A_138 : memref<1x128xi32, #tpu.memory_space<vmem>> -> memref<128xi32, #tpu.memory_space<vmem>>
        %dma_start3A_140 = arith.constant 0 : i32
        %dma_start3A_141 = arith.constant 0 : i32
        %dma_start3A_142 = tpu.memref_slice %arg11[%dma_start3A_140, %dma_start3A_141] : memref<10008x128xf32, #tpu.memory_space<vmem_shared>> -> memref<10008x128xf32, #tpu.memory_space<vmem_shared>>
        tpu.enqueue_indirect_dma source(%arg9 : memref<128x128xf32, #tpu.memory_space<vmem>>) target(%dma_start3A_142 : memref<10008x128xf32, #tpu.memory_space<vmem_shared>>) offsets(%dma_start3A_139 : memref<128xi32, #tpu.memory_space<vmem>>) semaphore(%run_scoped3A_136 : memref<!tpu.dma_semaphore, #tpu.memory_space<semaphore_mem>>) {add = true}
        %dma_wait3A_143 = arith.constant 0 : i32
        %dma_wait3A_144 = tpu.memref_slice %arg8[%run_scoped3A_67, %dma_wait3A_143] : memref<8x128xi32, #tpu.memory_space<vmem>> -> memref<1x128xi32, #tpu.memory_space<vmem>>
        %dma_wait3A_145 = tpu.memref_squeeze %dma_wait3A_144 : memref<1x128xi32, #tpu.memory_space<vmem>> -> memref<128xi32, #tpu.memory_space<vmem>>
        %dma_wait3A_146 = arith.constant 0 : i32
        %dma_wait3A_147 = arith.constant 0 : i32
        %dma_wait3A_148 = tpu.memref_slice %arg11[%dma_wait3A_146, %dma_wait3A_147] : memref<10008x128xf32, #tpu.memory_space<vmem_shared>> -> memref<10008x128xf32, #tpu.memory_space<vmem_shared>>
        tpu.wait_indirect_dma semaphore(%run_scoped3A_136 : memref<!tpu.dma_semaphore, #tpu.memory_space<semaphore_mem>>) src(%arg9 : memref<128x128xf32, #tpu.memory_space<vmem>>) dst(%dma_wait3A_148 : memref<10008x128xf32, #tpu.memory_space<vmem_shared>>)
        tpu.yield
      }) : () -> ()
      %dma_wait3A_68 = arith.constant 3 : i32
      %dma_wait3A_69 = arith.constant 0 : i32
      %dma_wait3A_70 = tpu.memref_slice %arg7[%dma_wait3A_68, %dma_wait3A_69] : memref<8x128xi32, #tpu.memory_space<vmem>> -> memref<1x128xi32, #tpu.memory_space<vmem>>
      %dma_wait3A_71 = tpu.memref_squeeze %dma_wait3A_70 : memref<1x128xi32, #tpu.memory_space<vmem>> -> memref<128xi32, #tpu.memory_space<vmem>>
      %dma_wait3A_72 = arith.constant 0 : i32
      %dma_wait3A_73 = arith.constant 0 : i32
      %dma_wait3A_74 = tpu.memref_slice %arg2[%dma_wait3A_72, %dma_wait3A_73] : memref<40000x128xf32, #tpu.memory_space<hbm>> -> memref<40000x128xf32, #tpu.memory_space<hbm>>
      tpu.wait_indirect_dma semaphore(%arg13 : memref<!tpu.dma_semaphore, #tpu.memory_space<semaphore_mem>>) src(%dma_wait3A_74 : memref<40000x128xf32, #tpu.memory_space<hbm>>) dst(%arg10 : memref<128x128xf32, #tpu.memory_space<vmem>>)
      %run_scoped3A_75 = arith.constant 3 : i32
      "tpu.region"() ({
        %run_scoped3A_136 = tpu.sem_alloc : memref<!tpu.dma_semaphore, #tpu.memory_space<semaphore_mem>>
        %dma_start3A_137 = arith.constant 0 : i32
        %dma_start3A_138 = tpu.memref_slice %arg8[%run_scoped3A_75, %dma_start3A_137] : memref<8x128xi32, #tpu.memory_space<vmem>> -> memref<1x128xi32, #tpu.memory_space<vmem>>
        %dma_start3A_139 = tpu.memref_squeeze %dma_start3A_138 : memref<1x128xi32, #tpu.memory_space<vmem>> -> memref<128xi32, #tpu.memory_space<vmem>>
        %dma_start3A_140 = arith.constant 0 : i32
        %dma_start3A_141 = arith.constant 0 : i32
        %dma_start3A_142 = tpu.memref_slice %arg11[%dma_start3A_140, %dma_start3A_141] : memref<10008x128xf32, #tpu.memory_space<vmem_shared>> -> memref<10008x128xf32, #tpu.memory_space<vmem_shared>>
        tpu.enqueue_indirect_dma source(%arg10 : memref<128x128xf32, #tpu.memory_space<vmem>>) target(%dma_start3A_142 : memref<10008x128xf32, #tpu.memory_space<vmem_shared>>) offsets(%dma_start3A_139 : memref<128xi32, #tpu.memory_space<vmem>>) semaphore(%run_scoped3A_136 : memref<!tpu.dma_semaphore, #tpu.memory_space<semaphore_mem>>) {add = true}
        %dma_wait3A_143 = arith.constant 0 : i32
        %dma_wait3A_144 = tpu.memref_slice %arg8[%run_scoped3A_75, %dma_wait3A_143] : memref<8x128xi32, #tpu.memory_space<vmem>> -> memref<1x128xi32, #tpu.memory_space<vmem>>
        %dma_wait3A_145 = tpu.memref_squeeze %dma_wait3A_144 : memref<1x128xi32, #tpu.memory_space<vmem>> -> memref<128xi32, #tpu.memory_space<vmem>>
        %dma_wait3A_146 = arith.constant 0 : i32
        %dma_wait3A_147 = arith.constant 0 : i32
        %dma_wait3A_148 = tpu.memref_slice %arg11[%dma_wait3A_146, %dma_wait3A_147] : memref<10008x128xf32, #tpu.memory_space<vmem_shared>> -> memref<10008x128xf32, #tpu.memory_space<vmem_shared>>
        tpu.wait_indirect_dma semaphore(%run_scoped3A_136 : memref<!tpu.dma_semaphore, #tpu.memory_space<semaphore_mem>>) src(%arg10 : memref<128x128xf32, #tpu.memory_space<vmem>>) dst(%dma_wait3A_148 : memref<10008x128xf32, #tpu.memory_space<vmem_shared>>)
        tpu.yield
      }) : () -> ()
      %dma_start3A_76 = arith.constant 4 : i32
      %dma_start3A_77 = arith.constant 0 : i32
      %dma_start3A_78 = tpu.memref_slice %arg7[%dma_start3A_76, %dma_start3A_77] : memref<8x128xi32, #tpu.memory_space<vmem>> -> memref<1x128xi32, #tpu.memory_space<vmem>>
      %dma_start3A_79 = tpu.memref_squeeze %dma_start3A_78 : memref<1x128xi32, #tpu.memory_space<vmem>> -> memref<128xi32, #tpu.memory_space<vmem>>
      %dma_start3A_80 = arith.constant 0 : i32
      %dma_start3A_81 = arith.constant 0 : i32
      %dma_start3A_82 = tpu.memref_slice %arg2[%dma_start3A_80, %dma_start3A_81] : memref<40000x128xf32, #tpu.memory_space<hbm>> -> memref<40000x128xf32, #tpu.memory_space<hbm>>
      tpu.enqueue_indirect_dma source(%dma_start3A_82 : memref<40000x128xf32, #tpu.memory_space<hbm>>) target(%arg9 : memref<128x128xf32, #tpu.memory_space<vmem>>) offsets(%dma_start3A_79 : memref<128xi32, #tpu.memory_space<vmem>>) semaphore(%arg12 : memref<!tpu.dma_semaphore, #tpu.memory_space<semaphore_mem>>)
      %dma_start3A_83 = arith.constant 5 : i32
      %dma_start3A_84 = arith.constant 0 : i32
      %dma_start3A_85 = tpu.memref_slice %arg7[%dma_start3A_83, %dma_start3A_84] : memref<8x128xi32, #tpu.memory_space<vmem>> -> memref<1x128xi32, #tpu.memory_space<vmem>>
      %dma_start3A_86 = tpu.memref_squeeze %dma_start3A_85 : memref<1x128xi32, #tpu.memory_space<vmem>> -> memref<128xi32, #tpu.memory_space<vmem>>
      %dma_start3A_87 = arith.constant 0 : i32
      %dma_start3A_88 = arith.constant 0 : i32
      %dma_start3A_89 = tpu.memref_slice %arg2[%dma_start3A_87, %dma_start3A_88] : memref<40000x128xf32, #tpu.memory_space<hbm>> -> memref<40000x128xf32, #tpu.memory_space<hbm>>
      tpu.enqueue_indirect_dma source(%dma_start3A_89 : memref<40000x128xf32, #tpu.memory_space<hbm>>) target(%arg10 : memref<128x128xf32, #tpu.memory_space<vmem>>) offsets(%dma_start3A_86 : memref<128xi32, #tpu.memory_space<vmem>>) semaphore(%arg13 : memref<!tpu.dma_semaphore, #tpu.memory_space<semaphore_mem>>)
      %dma_wait3A_90 = arith.constant 4 : i32
      %dma_wait3A_91 = arith.constant 0 : i32
      %dma_wait3A_92 = tpu.memref_slice %arg7[%dma_wait3A_90, %dma_wait3A_91] : memref<8x128xi32, #tpu.memory_space<vmem>> -> memref<1x128xi32, #tpu.memory_space<vmem>>
      %dma_wait3A_93 = tpu.memref_squeeze %dma_wait3A_92 : memref<1x128xi32, #tpu.memory_space<vmem>> -> memref<128xi32, #tpu.memory_space<vmem>>
      %dma_wait3A_94 = arith.constant 0 : i32
      %dma_wait3A_95 = arith.constant 0 : i32
      %dma_wait3A_96 = tpu.memref_slice %arg2[%dma_wait3A_94, %dma_wait3A_95] : memref<40000x128xf32, #tpu.memory_space<hbm>> -> memref<40000x128xf32, #tpu.memory_space<hbm>>
      tpu.wait_indirect_dma semaphore(%arg12 : memref<!tpu.dma_semaphore, #tpu.memory_space<semaphore_mem>>) src(%dma_wait3A_96 : memref<40000x128xf32, #tpu.memory_space<hbm>>) dst(%arg9 : memref<128x128xf32, #tpu.memory_space<vmem>>)
      %run_scoped3A_97 = arith.constant 4 : i32
      "tpu.region"() ({
        %run_scoped3A_136 = tpu.sem_alloc : memref<!tpu.dma_semaphore, #tpu.memory_space<semaphore_mem>>
        %dma_start3A_137 = arith.constant 0 : i32
        %dma_start3A_138 = tpu.memref_slice %arg8[%run_scoped3A_97, %dma_start3A_137] : memref<8x128xi32, #tpu.memory_space<vmem>> -> memref<1x128xi32, #tpu.memory_space<vmem>>
        %dma_start3A_139 = tpu.memref_squeeze %dma_start3A_138 : memref<1x128xi32, #tpu.memory_space<vmem>> -> memref<128xi32, #tpu.memory_space<vmem>>
        %dma_start3A_140 = arith.constant 0 : i32
        %dma_start3A_141 = arith.constant 0 : i32
        %dma_start3A_142 = tpu.memref_slice %arg11[%dma_start3A_140, %dma_start3A_141] : memref<10008x128xf32, #tpu.memory_space<vmem_shared>> -> memref<10008x128xf32, #tpu.memory_space<vmem_shared>>
        tpu.enqueue_indirect_dma source(%arg9 : memref<128x128xf32, #tpu.memory_space<vmem>>) target(%dma_start3A_142 : memref<10008x128xf32, #tpu.memory_space<vmem_shared>>) offsets(%dma_start3A_139 : memref<128xi32, #tpu.memory_space<vmem>>) semaphore(%run_scoped3A_136 : memref<!tpu.dma_semaphore, #tpu.memory_space<semaphore_mem>>) {add = true}
        %dma_wait3A_143 = arith.constant 0 : i32
        %dma_wait3A_144 = tpu.memref_slice %arg8[%run_scoped3A_97, %dma_wait3A_143] : memref<8x128xi32, #tpu.memory_space<vmem>> -> memref<1x128xi32, #tpu.memory_space<vmem>>
        %dma_wait3A_145 = tpu.memref_squeeze %dma_wait3A_144 : memref<1x128xi32, #tpu.memory_space<vmem>> -> memref<128xi32, #tpu.memory_space<vmem>>
        %dma_wait3A_146 = arith.constant 0 : i32
        %dma_wait3A_147 = arith.constant 0 : i32
        %dma_wait3A_148 = tpu.memref_slice %arg11[%dma_wait3A_146, %dma_wait3A_147] : memref<10008x128xf32, #tpu.memory_space<vmem_shared>> -> memref<10008x128xf32, #tpu.memory_space<vmem_shared>>
        tpu.wait_indirect_dma semaphore(%run_scoped3A_136 : memref<!tpu.dma_semaphore, #tpu.memory_space<semaphore_mem>>) src(%arg9 : memref<128x128xf32, #tpu.memory_space<vmem>>) dst(%dma_wait3A_148 : memref<10008x128xf32, #tpu.memory_space<vmem_shared>>)
        tpu.yield
      }) : () -> ()
      %dma_wait3A_98 = arith.constant 5 : i32
      %dma_wait3A_99 = arith.constant 0 : i32
      %dma_wait3A_100 = tpu.memref_slice %arg7[%dma_wait3A_98, %dma_wait3A_99] : memref<8x128xi32, #tpu.memory_space<vmem>> -> memref<1x128xi32, #tpu.memory_space<vmem>>
      %dma_wait3A_101 = tpu.memref_squeeze %dma_wait3A_100 : memref<1x128xi32, #tpu.memory_space<vmem>> -> memref<128xi32, #tpu.memory_space<vmem>>
      %dma_wait3A_102 = arith.constant 0 : i32
      %dma_wait3A_103 = arith.constant 0 : i32
      %dma_wait3A_104 = tpu.memref_slice %arg2[%dma_wait3A_102, %dma_wait3A_103] : memref<40000x128xf32, #tpu.memory_space<hbm>> -> memref<40000x128xf32, #tpu.memory_space<hbm>>
      tpu.wait_indirect_dma semaphore(%arg13 : memref<!tpu.dma_semaphore, #tpu.memory_space<semaphore_mem>>) src(%dma_wait3A_104 : memref<40000x128xf32, #tpu.memory_space<hbm>>) dst(%arg10 : memref<128x128xf32, #tpu.memory_space<vmem>>)
      %run_scoped3A_105 = arith.constant 5 : i32
      "tpu.region"() ({
        %run_scoped3A_136 = tpu.sem_alloc : memref<!tpu.dma_semaphore, #tpu.memory_space<semaphore_mem>>
        %dma_start3A_137 = arith.constant 0 : i32
        %dma_start3A_138 = tpu.memref_slice %arg8[%run_scoped3A_105, %dma_start3A_137] : memref<8x128xi32, #tpu.memory_space<vmem>> -> memref<1x128xi32, #tpu.memory_space<vmem>>
        %dma_start3A_139 = tpu.memref_squeeze %dma_start3A_138 : memref<1x128xi32, #tpu.memory_space<vmem>> -> memref<128xi32, #tpu.memory_space<vmem>>
        %dma_start3A_140 = arith.constant 0 : i32
        %dma_start3A_141 = arith.constant 0 : i32
        %dma_start3A_142 = tpu.memref_slice %arg11[%dma_start3A_140, %dma_start3A_141] : memref<10008x128xf32, #tpu.memory_space<vmem_shared>> -> memref<10008x128xf32, #tpu.memory_space<vmem_shared>>
        tpu.enqueue_indirect_dma source(%arg10 : memref<128x128xf32, #tpu.memory_space<vmem>>) target(%dma_start3A_142 : memref<10008x128xf32, #tpu.memory_space<vmem_shared>>) offsets(%dma_start3A_139 : memref<128xi32, #tpu.memory_space<vmem>>) semaphore(%run_scoped3A_136 : memref<!tpu.dma_semaphore, #tpu.memory_space<semaphore_mem>>) {add = true}
        %dma_wait3A_143 = arith.constant 0 : i32
        %dma_wait3A_144 = tpu.memref_slice %arg8[%run_scoped3A_105, %dma_wait3A_143] : memref<8x128xi32, #tpu.memory_space<vmem>> -> memref<1x128xi32, #tpu.memory_space<vmem>>
        %dma_wait3A_145 = tpu.memref_squeeze %dma_wait3A_144 : memref<1x128xi32, #tpu.memory_space<vmem>> -> memref<128xi32, #tpu.memory_space<vmem>>
        %dma_wait3A_146 = arith.constant 0 : i32
        %dma_wait3A_147 = arith.constant 0 : i32
        %dma_wait3A_148 = tpu.memref_slice %arg11[%dma_wait3A_146, %dma_wait3A_147] : memref<10008x128xf32, #tpu.memory_space<vmem_shared>> -> memref<10008x128xf32, #tpu.memory_space<vmem_shared>>
        tpu.wait_indirect_dma semaphore(%run_scoped3A_136 : memref<!tpu.dma_semaphore, #tpu.memory_space<semaphore_mem>>) src(%arg10 : memref<128x128xf32, #tpu.memory_space<vmem>>) dst(%dma_wait3A_148 : memref<10008x128xf32, #tpu.memory_space<vmem_shared>>)
        tpu.yield
      }) : () -> ()
      %dma_start3A_106 = arith.constant 6 : i32
      %dma_start3A_107 = arith.constant 0 : i32
      %dma_start3A_108 = tpu.memref_slice %arg7[%dma_start3A_106, %dma_start3A_107] : memref<8x128xi32, #tpu.memory_space<vmem>> -> memref<1x128xi32, #tpu.memory_space<vmem>>
      %dma_start3A_109 = tpu.memref_squeeze %dma_start3A_108 : memref<1x128xi32, #tpu.memory_space<vmem>> -> memref<128xi32, #tpu.memory_space<vmem>>
      %dma_start3A_110 = arith.constant 0 : i32
      %dma_start3A_111 = arith.constant 0 : i32
      %dma_start3A_112 = tpu.memref_slice %arg2[%dma_start3A_110, %dma_start3A_111] : memref<40000x128xf32, #tpu.memory_space<hbm>> -> memref<40000x128xf32, #tpu.memory_space<hbm>>
      tpu.enqueue_indirect_dma source(%dma_start3A_112 : memref<40000x128xf32, #tpu.memory_space<hbm>>) target(%arg9 : memref<128x128xf32, #tpu.memory_space<vmem>>) offsets(%dma_start3A_109 : memref<128xi32, #tpu.memory_space<vmem>>) semaphore(%arg12 : memref<!tpu.dma_semaphore, #tpu.memory_space<semaphore_mem>>)
      %dma_start3A_113 = arith.constant 7 : i32
      %dma_start3A_114 = arith.constant 0 : i32
      %dma_start3A_115 = tpu.memref_slice %arg7[%dma_start3A_113, %dma_start3A_114] : memref<8x128xi32, #tpu.memory_space<vmem>> -> memref<1x128xi32, #tpu.memory_space<vmem>>
      %dma_start3A_116 = tpu.memref_squeeze %dma_start3A_115 : memref<1x128xi32, #tpu.memory_space<vmem>> -> memref<128xi32, #tpu.memory_space<vmem>>
      %dma_start3A_117 = arith.constant 0 : i32
      %dma_start3A_118 = arith.constant 0 : i32
      %dma_start3A_119 = tpu.memref_slice %arg2[%dma_start3A_117, %dma_start3A_118] : memref<40000x128xf32, #tpu.memory_space<hbm>> -> memref<40000x128xf32, #tpu.memory_space<hbm>>
      tpu.enqueue_indirect_dma source(%dma_start3A_119 : memref<40000x128xf32, #tpu.memory_space<hbm>>) target(%arg10 : memref<128x128xf32, #tpu.memory_space<vmem>>) offsets(%dma_start3A_116 : memref<128xi32, #tpu.memory_space<vmem>>) semaphore(%arg13 : memref<!tpu.dma_semaphore, #tpu.memory_space<semaphore_mem>>)
      %dma_wait3A_120 = arith.constant 6 : i32
      %dma_wait3A_121 = arith.constant 0 : i32
      %dma_wait3A_122 = tpu.memref_slice %arg7[%dma_wait3A_120, %dma_wait3A_121] : memref<8x128xi32, #tpu.memory_space<vmem>> -> memref<1x128xi32, #tpu.memory_space<vmem>>
      %dma_wait3A_123 = tpu.memref_squeeze %dma_wait3A_122 : memref<1x128xi32, #tpu.memory_space<vmem>> -> memref<128xi32, #tpu.memory_space<vmem>>
      %dma_wait3A_124 = arith.constant 0 : i32
      %dma_wait3A_125 = arith.constant 0 : i32
      %dma_wait3A_126 = tpu.memref_slice %arg2[%dma_wait3A_124, %dma_wait3A_125] : memref<40000x128xf32, #tpu.memory_space<hbm>> -> memref<40000x128xf32, #tpu.memory_space<hbm>>
      tpu.wait_indirect_dma semaphore(%arg12 : memref<!tpu.dma_semaphore, #tpu.memory_space<semaphore_mem>>) src(%dma_wait3A_126 : memref<40000x128xf32, #tpu.memory_space<hbm>>) dst(%arg9 : memref<128x128xf32, #tpu.memory_space<vmem>>)
      %run_scoped3A_127 = arith.constant 6 : i32
      "tpu.region"() ({
        %run_scoped3A_136 = tpu.sem_alloc : memref<!tpu.dma_semaphore, #tpu.memory_space<semaphore_mem>>
        %dma_start3A_137 = arith.constant 0 : i32
        %dma_start3A_138 = tpu.memref_slice %arg8[%run_scoped3A_127, %dma_start3A_137] : memref<8x128xi32, #tpu.memory_space<vmem>> -> memref<1x128xi32, #tpu.memory_space<vmem>>
        %dma_start3A_139 = tpu.memref_squeeze %dma_start3A_138 : memref<1x128xi32, #tpu.memory_space<vmem>> -> memref<128xi32, #tpu.memory_space<vmem>>
        %dma_start3A_140 = arith.constant 0 : i32
        %dma_start3A_141 = arith.constant 0 : i32
        %dma_start3A_142 = tpu.memref_slice %arg11[%dma_start3A_140, %dma_start3A_141] : memref<10008x128xf32, #tpu.memory_space<vmem_shared>> -> memref<10008x128xf32, #tpu.memory_space<vmem_shared>>
        tpu.enqueue_indirect_dma source(%arg9 : memref<128x128xf32, #tpu.memory_space<vmem>>) target(%dma_start3A_142 : memref<10008x128xf32, #tpu.memory_space<vmem_shared>>) offsets(%dma_start3A_139 : memref<128xi32, #tpu.memory_space<vmem>>) semaphore(%run_scoped3A_136 : memref<!tpu.dma_semaphore, #tpu.memory_space<semaphore_mem>>) {add = true}
        %dma_wait3A_143 = arith.constant 0 : i32
        %dma_wait3A_144 = tpu.memref_slice %arg8[%run_scoped3A_127, %dma_wait3A_143] : memref<8x128xi32, #tpu.memory_space<vmem>> -> memref<1x128xi32, #tpu.memory_space<vmem>>
        %dma_wait3A_145 = tpu.memref_squeeze %dma_wait3A_144 : memref<1x128xi32, #tpu.memory_space<vmem>> -> memref<128xi32, #tpu.memory_space<vmem>>
        %dma_wait3A_146 = arith.constant 0 : i32
        %dma_wait3A_147 = arith.constant 0 : i32
        %dma_wait3A_148 = tpu.memref_slice %arg11[%dma_wait3A_146, %dma_wait3A_147] : memref<10008x128xf32, #tpu.memory_space<vmem_shared>> -> memref<10008x128xf32, #tpu.memory_space<vmem_shared>>
        tpu.wait_indirect_dma semaphore(%run_scoped3A_136 : memref<!tpu.dma_semaphore, #tpu.memory_space<semaphore_mem>>) src(%arg9 : memref<128x128xf32, #tpu.memory_space<vmem>>) dst(%dma_wait3A_148 : memref<10008x128xf32, #tpu.memory_space<vmem_shared>>)
        tpu.yield
      }) : () -> ()
      %dma_wait3A_128 = arith.constant 7 : i32
      %dma_wait3A_129 = arith.constant 0 : i32
      %dma_wait3A_130 = tpu.memref_slice %arg7[%dma_wait3A_128, %dma_wait3A_129] : memref<8x128xi32, #tpu.memory_space<vmem>> -> memref<1x128xi32, #tpu.memory_space<vmem>>
      %dma_wait3A_131 = tpu.memref_squeeze %dma_wait3A_130 : memref<1x128xi32, #tpu.memory_space<vmem>> -> memref<128xi32, #tpu.memory_space<vmem>>
      %dma_wait3A_132 = arith.constant 0 : i32
      %dma_wait3A_133 = arith.constant 0 : i32
      %dma_wait3A_134 = tpu.memref_slice %arg2[%dma_wait3A_132, %dma_wait3A_133] : memref<40000x128xf32, #tpu.memory_space<hbm>> -> memref<40000x128xf32, #tpu.memory_space<hbm>>
      tpu.wait_indirect_dma semaphore(%arg13 : memref<!tpu.dma_semaphore, #tpu.memory_space<semaphore_mem>>) src(%dma_wait3A_134 : memref<40000x128xf32, #tpu.memory_space<hbm>>) dst(%arg10 : memref<128x128xf32, #tpu.memory_space<vmem>>)
      %run_scoped3A_135 = arith.constant 7 : i32
      "tpu.region"() ({
        %run_scoped3A_136 = tpu.sem_alloc : memref<!tpu.dma_semaphore, #tpu.memory_space<semaphore_mem>>
        %dma_start3A_137 = arith.constant 0 : i32
        %dma_start3A_138 = tpu.memref_slice %arg8[%run_scoped3A_135, %dma_start3A_137] : memref<8x128xi32, #tpu.memory_space<vmem>> -> memref<1x128xi32, #tpu.memory_space<vmem>>
        %dma_start3A_139 = tpu.memref_squeeze %dma_start3A_138 : memref<1x128xi32, #tpu.memory_space<vmem>> -> memref<128xi32, #tpu.memory_space<vmem>>
        %dma_start3A_140 = arith.constant 0 : i32
        %dma_start3A_141 = arith.constant 0 : i32
        %dma_start3A_142 = tpu.memref_slice %arg11[%dma_start3A_140, %dma_start3A_141] : memref<10008x128xf32, #tpu.memory_space<vmem_shared>> -> memref<10008x128xf32, #tpu.memory_space<vmem_shared>>
        tpu.enqueue_indirect_dma source(%arg10 : memref<128x128xf32, #tpu.memory_space<vmem>>) target(%dma_start3A_142 : memref<10008x128xf32, #tpu.memory_space<vmem_shared>>) offsets(%dma_start3A_139 : memref<128xi32, #tpu.memory_space<vmem>>) semaphore(%run_scoped3A_136 : memref<!tpu.dma_semaphore, #tpu.memory_space<semaphore_mem>>) {add = true}
        %dma_wait3A_143 = arith.constant 0 : i32
        %dma_wait3A_144 = tpu.memref_slice %arg8[%run_scoped3A_135, %dma_wait3A_143] : memref<8x128xi32, #tpu.memory_space<vmem>> -> memref<1x128xi32, #tpu.memory_space<vmem>>
        %dma_wait3A_145 = tpu.memref_squeeze %dma_wait3A_144 : memref<1x128xi32, #tpu.memory_space<vmem>> -> memref<128xi32, #tpu.memory_space<vmem>>
        %dma_wait3A_146 = arith.constant 0 : i32
        %dma_wait3A_147 = arith.constant 0 : i32
        %dma_wait3A_148 = tpu.memref_slice %arg11[%dma_wait3A_146, %dma_wait3A_147] : memref<10008x128xf32, #tpu.memory_space<vmem_shared>> -> memref<10008x128xf32, #tpu.memory_space<vmem_shared>>
        tpu.wait_indirect_dma semaphore(%run_scoped3A_136 : memref<!tpu.dma_semaphore, #tpu.memory_space<semaphore_mem>>) src(%arg10 : memref<128x128xf32, #tpu.memory_space<vmem>>) dst(%dma_wait3A_148 : memref<10008x128xf32, #tpu.memory_space<vmem_shared>>)
        tpu.yield
      }) : () -> ()
    }
    %scan3A_7 = arith.constant 10 : i32
    %barrier3A_8 = arith.constant 0 : index
    tpu.barrier barrier_id(%barrier3A_8)
    %eq3A_9 = arith.constant 0 : i32
    %eq3A_10 = arith.cmpi eq, %arg1, %eq3A_9 : i32
    %convert_element_type3A_11 = arith.extui %eq3A_10 : i1 to i32
    %cond3A_12 = arith.constant 0 : i32
    %cond3A_13 = arith.cmpi ne, %convert_element_type3A_11, %cond3A_12 : i32
    scf.if %cond3A_13 {
      "tpu.region"() ({
        %run_scoped3A = tpu.sem_alloc : memref<!tpu.dma_semaphore, #tpu.memory_space<semaphore_mem>>
        %dma_start3A = arith.constant 0 : i32
        %dma_start3A_14 = arith.constant 0 : i32
        %dma_start3A_15 = tpu.memref_slice %arg6[%arg0, %dma_start3A, %dma_start3A_14] : memref<2x10000x128xf32, #tpu.memory_space<hbm>> -> memref<1x10000x128xf32, #tpu.memory_space<hbm>>
        %dma_start3A_16 = tpu.memref_squeeze %dma_start3A_15 : memref<1x10000x128xf32, #tpu.memory_space<hbm>> -> memref<10000x128xf32, #tpu.memory_space<hbm>>
        %dma_start3A_17 = arith.constant 0 : i32
        %dma_start3A_18 = arith.constant 0 : i32
        %dma_start3A_19 = tpu.memref_slice %arg11[%dma_start3A_17, %dma_start3A_18] : memref<10008x128xf32, #tpu.memory_space<vmem_shared>> -> memref<10000x128xf32, #tpu.memory_space<vmem_shared>>
        tpu.enqueue_dma source(%dma_start3A_19 : memref<10000x128xf32, #tpu.memory_space<vmem_shared>>) target(%dma_start3A_16 : memref<10000x128xf32, #tpu.memory_space<hbm>>) target_semaphore(%run_scoped3A : memref<!tpu.dma_semaphore, #tpu.memory_space<semaphore_mem>>)
        %dma_wait3A = arith.constant 0 : i32
        %dma_wait3A_20 = arith.constant 0 : i32
        %dma_wait3A_21 = tpu.memref_slice %arg6[%arg0, %dma_wait3A, %dma_wait3A_20] : memref<2x10000x128xf32, #tpu.memory_space<hbm>> -> memref<1x10000x128xf32, #tpu.memory_space<hbm>>
        %dma_wait3A_22 = tpu.memref_squeeze %dma_wait3A_21 : memref<1x10000x128xf32, #tpu.memory_space<hbm>> -> memref<10000x128xf32, #tpu.memory_space<hbm>>
        %dma_wait3A_23 = arith.constant 0 : i32
        %dma_wait3A_24 = arith.constant 0 : i32
        %dma_wait3A_25 = tpu.memref_slice %arg11[%dma_wait3A_23, %dma_wait3A_24] : memref<10008x128xf32, #tpu.memory_space<vmem_shared>> -> memref<10000x128xf32, #tpu.memory_space<vmem_shared>>
        tpu.wait_dma2 semaphore(%run_scoped3A : memref<!tpu.dma_semaphore, #tpu.memory_space<semaphore_mem>>) src(%dma_wait3A_25 : memref<10000x128xf32, #tpu.memory_space<vmem_shared>>) dst(%dma_wait3A_22 : memref<10000x128xf32, #tpu.memory_space<hbm>>)
        tpu.yield
      }) : () -> ()
    } else {
    }
    return
  }
}

#map = affine_map<(d0, d1) -> (0, 0)>
#map1 = affine_map<(d0, d1) -> (0, 0, 0)>
module attributes {stable_mosaic.version = 14 : i64} {
  func.func @_sc_scatter(%arg0: i32, %arg1: i32, %arg2: memref<40000x128xf32, #tpu.memory_space<hbm>>, %arg3: memref<32x80x128xi32, #tpu.memory_space<hbm>>, %arg4: memref<32x80x128xi32, #tpu.memory_space<hbm>>, %arg5: memref<10008x128xf32, #tpu.memory_space<hbm>>, %arg6: memref<2x10000x128xf32, #tpu.memory_space<hbm>>, %arg7: memref<8x128xi32, #tpu.memory_space<vmem>>, %arg8: memref<8x128xi32, #tpu.memory_space<vmem>>, %arg9: memref<128x128xf32, #tpu.memory_space<vmem>>, %arg10: memref<128x128xf32, #tpu.memory_space<vmem>>, %arg11: memref<10008x128xf32, #tpu.memory_space<vmem_shared>>, %arg12: memref<!tpu.dma_semaphore, #tpu.memory_space<semaphore_mem>>, %arg13: memref<!tpu.dma_semaphore, #tpu.memory_space<semaphore_mem>>) attributes {dimension_semantics = [#tpu.dimension_semantics<core_parallel>, #tpu.dimension_semantics<subcore_parallel>], iteration_bounds = array<i64: 2, 16>, scalar_prefetch = 0 : i64, scratch_operands = 7 : i64, tpu.core_type = #tpu.core_type<sc_vector_subcore>, window_params = [{transform_indices = #map}, {transform_indices = #map1}, {transform_indices = #map1}, {transform_indices = #map}, {transform_indices = #map1}]} {
    %mul3A = arith.constant 16 : i32
    %mul3A_0 = arith.muli %arg0, %mul3A : i32
    %add3A = arith.addi %mul3A_0, %arg1 : i32
    %eq3A = arith.constant 0 : i32
    %eq3A_1 = arith.cmpi eq, %arg1, %eq3A : i32
    %convert_element_type3A = arith.extui %eq3A_1 : i1 to i32
    %cond3A = arith.constant 0 : i32
    %cond3A_2 = arith.cmpi ne, %convert_element_type3A, %cond3A : i32
    scf.if %cond3A_2 {
      "tpu.region"() ({
        %run_scoped3A = tpu.sem_alloc : memref<!tpu.dma_semaphore, #tpu.memory_space<semaphore_mem>>
        tpu.enqueue_dma source(%arg5 : memref<10008x128xf32, #tpu.memory_space<hbm>>) target(%arg11 : memref<10008x128xf32, #tpu.memory_space<vmem_shared>>) target_semaphore(%run_scoped3A : memref<!tpu.dma_semaphore, #tpu.memory_space<semaphore_mem>>)
        tpu.wait_dma2 semaphore(%run_scoped3A : memref<!tpu.dma_semaphore, #tpu.memory_space<semaphore_mem>>) src(%arg5 : memref<10008x128xf32, #tpu.memory_space<hbm>>) dst(%arg11 : memref<10008x128xf32, #tpu.memory_space<vmem_shared>>)
        tpu.yield
      }) : () -> ()
    } else {
    }
    %barrier3A = arith.constant 0 : index
    tpu.barrier barrier_id(%barrier3A)
    %scan3A = arith.constant 0 : i32
    %scan3A_3 = arith.constant 0 : i32
    %scan3A_4 = arith.constant 10 : i32
    %scan3A_5 = arith.addi %scan3A_3, %scan3A_4 : i32
    %scan3A_6 = arith.constant 1 : i32
    scf.for %scan3A_14 = %scan3A_3 to %scan3A_5 step %scan3A_6  : i32 {
      %mul3A_15 = arith.constant 8 : i32
      %mul3A_16 = arith.muli %scan3A_14, %mul3A_15 : i32
      "tpu.region"() ({
        %run_scoped3A_136 = tpu.sem_alloc : memref<!tpu.dma_semaphore, #tpu.memory_space<semaphore_mem>>
        %dma_start3A_137 = arith.constant 0 : i32
        %dma_start3A_138 = arith.constant 0 : i32
        %dma_start3A_139 = tpu.memref_slice %arg3[%add3A, %dma_start3A_137, %dma_start3A_138] : memref<32x80x128xi32, #tpu.memory_space<hbm>> -> memref<1x80x128xi32, #tpu.memory_space<hbm>>
        %dma_start3A_140 = tpu.memref_squeeze %dma_start3A_139 : memref<1x80x128xi32, #tpu.memory_space<hbm>> -> memref<80x128xi32, #tpu.memory_space<hbm>>
        %dma_start3A_141 = arith.constant 0 : i32
        %dma_start3A_142 = tpu.memref_slice %dma_start3A_140[%mul3A_16, %dma_start3A_141] : memref<80x128xi32, #tpu.memory_space<hbm>> -> memref<8x128xi32, #tpu.memory_space<hbm>>
        %dma_start3A_143 = arith.constant 0 : i32
        %dma_start3A_144 = arith.constant 0 : i32
        %dma_start3A_145 = tpu.memref_slice %arg3[%add3A, %dma_start3A_143, %dma_start3A_144] : memref<32x80x128xi32, #tpu.memory_space<hbm>> -> memref<1x80x128xi32, #tpu.memory_space<hbm>>
        %dma_start3A_146 = tpu.memref_squeeze %dma_start3A_145 : memref<1x80x128xi32, #tpu.memory_space<hbm>> -> memref<80x128xi32, #tpu.memory_space<hbm>>
        %dma_start3A_147 = arith.constant 0 : i32
        %dma_start3A_148 = tpu.memref_slice %dma_start3A_146[%mul3A_16, %dma_start3A_147] : memref<80x128xi32, #tpu.memory_space<hbm>> -> memref<8x128xi32, #tpu.memory_space<hbm>>
        tpu.enqueue_dma source(%dma_start3A_148 : memref<8x128xi32, #tpu.memory_space<hbm>>) target(%arg7 : memref<8x128xi32, #tpu.memory_space<vmem>>) target_semaphore(%run_scoped3A_136 : memref<!tpu.dma_semaphore, #tpu.memory_space<semaphore_mem>>)
        %dma_wait3A_149 = arith.constant 0 : i32
        %dma_wait3A_150 = arith.constant 0 : i32
        %dma_wait3A_151 = tpu.memref_slice %arg3[%add3A, %dma_wait3A_149, %dma_wait3A_150] : memref<32x80x128xi32, #tpu.memory_space<hbm>> -> memref<1x80x128xi32, #tpu.memory_space<hbm>>
        %dma_wait3A_152 = tpu.memref_squeeze %dma_wait3A_151 : memref<1x80x128xi32, #tpu.memory_space<hbm>> -> memref<80x128xi32, #tpu.memory_space<hbm>>
        %dma_wait3A_153 = arith.constant 0 : i32
        %dma_wait3A_154 = tpu.memref_slice %dma_wait3A_152[%mul3A_16, %dma_wait3A_153] : memref<80x128xi32, #tpu.memory_space<hbm>> -> memref<8x128xi32, #tpu.memory_space<hbm>>
        %dma_wait3A_155 = arith.constant 0 : i32
        %dma_wait3A_156 = arith.constant 0 : i32
        %dma_wait3A_157 = tpu.memref_slice %arg3[%add3A, %dma_wait3A_155, %dma_wait3A_156] : memref<32x80x128xi32, #tpu.memory_space<hbm>> -> memref<1x80x128xi32, #tpu.memory_space<hbm>>
        %dma_wait3A_158 = tpu.memref_squeeze %dma_wait3A_157 : memref<1x80x128xi32, #tpu.memory_space<hbm>> -> memref<80x128xi32, #tpu.memory_space<hbm>>
        %dma_wait3A_159 = arith.constant 0 : i32
        %dma_wait3A_160 = tpu.memref_slice %dma_wait3A_158[%mul3A_16, %dma_wait3A_159] : memref<80x128xi32, #tpu.memory_space<hbm>> -> memref<8x128xi32, #tpu.memory_space<hbm>>
        tpu.wait_dma2 semaphore(%run_scoped3A_136 : memref<!tpu.dma_semaphore, #tpu.memory_space<semaphore_mem>>) src(%dma_wait3A_160 : memref<8x128xi32, #tpu.memory_space<hbm>>) dst(%arg7 : memref<8x128xi32, #tpu.memory_space<vmem>>)
        tpu.yield
      }) : () -> ()
      %mul3A_17 = arith.constant 8 : i32
      %mul3A_18 = arith.muli %scan3A_14, %mul3A_17 : i32
      "tpu.region"() ({
        %run_scoped3A_136 = tpu.sem_alloc : memref<!tpu.dma_semaphore, #tpu.memory_space<semaphore_mem>>
        %dma_start3A_137 = arith.constant 0 : i32
        %dma_start3A_138 = arith.constant 0 : i32
        %dma_start3A_139 = tpu.memref_slice %arg4[%add3A, %dma_start3A_137, %dma_start3A_138] : memref<32x80x128xi32, #tpu.memory_space<hbm>> -> memref<1x80x128xi32, #tpu.memory_space<hbm>>
        %dma_start3A_140 = tpu.memref_squeeze %dma_start3A_139 : memref<1x80x128xi32, #tpu.memory_space<hbm>> -> memref<80x128xi32, #tpu.memory_space<hbm>>
        %dma_start3A_141 = arith.constant 0 : i32
        %dma_start3A_142 = tpu.memref_slice %dma_start3A_140[%mul3A_18, %dma_start3A_141] : memref<80x128xi32, #tpu.memory_space<hbm>> -> memref<8x128xi32, #tpu.memory_space<hbm>>
        %dma_start3A_143 = arith.constant 0 : i32
        %dma_start3A_144 = arith.constant 0 : i32
        %dma_start3A_145 = tpu.memref_slice %arg4[%add3A, %dma_start3A_143, %dma_start3A_144] : memref<32x80x128xi32, #tpu.memory_space<hbm>> -> memref<1x80x128xi32, #tpu.memory_space<hbm>>
        %dma_start3A_146 = tpu.memref_squeeze %dma_start3A_145 : memref<1x80x128xi32, #tpu.memory_space<hbm>> -> memref<80x128xi32, #tpu.memory_space<hbm>>
        %dma_start3A_147 = arith.constant 0 : i32
        %dma_start3A_148 = tpu.memref_slice %dma_start3A_146[%mul3A_18, %dma_start3A_147] : memref<80x128xi32, #tpu.memory_space<hbm>> -> memref<8x128xi32, #tpu.memory_space<hbm>>
        tpu.enqueue_dma source(%dma_start3A_148 : memref<8x128xi32, #tpu.memory_space<hbm>>) target(%arg8 : memref<8x128xi32, #tpu.memory_space<vmem>>) target_semaphore(%run_scoped3A_136 : memref<!tpu.dma_semaphore, #tpu.memory_space<semaphore_mem>>)
        %dma_wait3A_149 = arith.constant 0 : i32
        %dma_wait3A_150 = arith.constant 0 : i32
        %dma_wait3A_151 = tpu.memref_slice %arg4[%add3A, %dma_wait3A_149, %dma_wait3A_150] : memref<32x80x128xi32, #tpu.memory_space<hbm>> -> memref<1x80x128xi32, #tpu.memory_space<hbm>>
        %dma_wait3A_152 = tpu.memref_squeeze %dma_wait3A_151 : memref<1x80x128xi32, #tpu.memory_space<hbm>> -> memref<80x128xi32, #tpu.memory_space<hbm>>
        %dma_wait3A_153 = arith.constant 0 : i32
        %dma_wait3A_154 = tpu.memref_slice %dma_wait3A_152[%mul3A_18, %dma_wait3A_153] : memref<80x128xi32, #tpu.memory_space<hbm>> -> memref<8x128xi32, #tpu.memory_space<hbm>>
        %dma_wait3A_155 = arith.constant 0 : i32
        %dma_wait3A_156 = arith.constant 0 : i32
        %dma_wait3A_157 = tpu.memref_slice %arg4[%add3A, %dma_wait3A_155, %dma_wait3A_156] : memref<32x80x128xi32, #tpu.memory_space<hbm>> -> memref<1x80x128xi32, #tpu.memory_space<hbm>>
        %dma_wait3A_158 = tpu.memref_squeeze %dma_wait3A_157 : memref<1x80x128xi32, #tpu.memory_space<hbm>> -> memref<80x128xi32, #tpu.memory_space<hbm>>
        %dma_wait3A_159 = arith.constant 0 : i32
        %dma_wait3A_160 = tpu.memref_slice %dma_wait3A_158[%mul3A_18, %dma_wait3A_159] : memref<80x128xi32, #tpu.memory_space<hbm>> -> memref<8x128xi32, #tpu.memory_space<hbm>>
        tpu.wait_dma2 semaphore(%run_scoped3A_136 : memref<!tpu.dma_semaphore, #tpu.memory_space<semaphore_mem>>) src(%dma_wait3A_160 : memref<8x128xi32, #tpu.memory_space<hbm>>) dst(%arg8 : memref<8x128xi32, #tpu.memory_space<vmem>>)
        tpu.yield
      }) : () -> ()
      %dma_start3A = arith.constant 0 : i32
      %dma_start3A_19 = arith.constant 0 : i32
      %dma_start3A_20 = tpu.memref_slice %arg7[%dma_start3A, %dma_start3A_19] : memref<8x128xi32, #tpu.memory_space<vmem>> -> memref<1x128xi32, #tpu.memory_space<vmem>>
      %dma_start3A_21 = tpu.memref_squeeze %dma_start3A_20 : memref<1x128xi32, #tpu.memory_space<vmem>> -> memref<128xi32, #tpu.memory_space<vmem>>
      %dma_start3A_22 = arith.constant 0 : i32
      %dma_start3A_23 = arith.constant 0 : i32
      %dma_start3A_24 = tpu.memref_slice %arg2[%dma_start3A_22, %dma_start3A_23] : memref<40000x128xf32, #tpu.memory_space<hbm>> -> memref<40000x128xf32, #tpu.memory_space<hbm>>
      tpu.enqueue_indirect_dma source(%dma_start3A_24 : memref<40000x128xf32, #tpu.memory_space<hbm>>) target(%arg9 : memref<128x128xf32, #tpu.memory_space<vmem>>) offsets(%dma_start3A_21 : memref<128xi32, #tpu.memory_space<vmem>>) semaphore(%arg12 : memref<!tpu.dma_semaphore, #tpu.memory_space<semaphore_mem>>)
      %dma_start3A_25 = arith.constant 1 : i32
      %dma_start3A_26 = arith.constant 0 : i32
      %dma_start3A_27 = tpu.memref_slice %arg7[%dma_start3A_25, %dma_start3A_26] : memref<8x128xi32, #tpu.memory_space<vmem>> -> memref<1x128xi32, #tpu.memory_space<vmem>>
      %dma_start3A_28 = tpu.memref_squeeze %dma_start3A_27 : memref<1x128xi32, #tpu.memory_space<vmem>> -> memref<128xi32, #tpu.memory_space<vmem>>
      %dma_start3A_29 = arith.constant 0 : i32
      %dma_start3A_30 = arith.constant 0 : i32
      %dma_start3A_31 = tpu.memref_slice %arg2[%dma_start3A_29, %dma_start3A_30] : memref<40000x128xf32, #tpu.memory_space<hbm>> -> memref<40000x128xf32, #tpu.memory_space<hbm>>
      tpu.enqueue_indirect_dma source(%dma_start3A_31 : memref<40000x128xf32, #tpu.memory_space<hbm>>) target(%arg10 : memref<128x128xf32, #tpu.memory_space<vmem>>) offsets(%dma_start3A_28 : memref<128xi32, #tpu.memory_space<vmem>>) semaphore(%arg13 : memref<!tpu.dma_semaphore, #tpu.memory_space<semaphore_mem>>)
      %dma_wait3A = arith.constant 0 : i32
      %dma_wait3A_32 = arith.constant 0 : i32
      %dma_wait3A_33 = tpu.memref_slice %arg7[%dma_wait3A, %dma_wait3A_32] : memref<8x128xi32, #tpu.memory_space<vmem>> -> memref<1x128xi32, #tpu.memory_space<vmem>>
      %dma_wait3A_34 = tpu.memref_squeeze %dma_wait3A_33 : memref<1x128xi32, #tpu.memory_space<vmem>> -> memref<128xi32, #tpu.memory_space<vmem>>
      %dma_wait3A_35 = arith.constant 0 : i32
      %dma_wait3A_36 = arith.constant 0 : i32
      %dma_wait3A_37 = tpu.memref_slice %arg2[%dma_wait3A_35, %dma_wait3A_36] : memref<40000x128xf32, #tpu.memory_space<hbm>> -> memref<40000x128xf32, #tpu.memory_space<hbm>>
      tpu.wait_indirect_dma semaphore(%arg12 : memref<!tpu.dma_semaphore, #tpu.memory_space<semaphore_mem>>) src(%dma_wait3A_37 : memref<40000x128xf32, #tpu.memory_space<hbm>>) dst(%arg9 : memref<128x128xf32, #tpu.memory_space<vmem>>)
      %run_scoped3A = arith.constant 0 : i32
      "tpu.region"() ({
        %run_scoped3A_136 = tpu.sem_alloc : memref<!tpu.dma_semaphore, #tpu.memory_space<semaphore_mem>>
        %dma_start3A_137 = arith.constant 0 : i32
        %dma_start3A_138 = tpu.memref_slice %arg8[%run_scoped3A, %dma_start3A_137] : memref<8x128xi32, #tpu.memory_space<vmem>> -> memref<1x128xi32, #tpu.memory_space<vmem>>
        %dma_start3A_139 = tpu.memref_squeeze %dma_start3A_138 : memref<1x128xi32, #tpu.memory_space<vmem>> -> memref<128xi32, #tpu.memory_space<vmem>>
        %dma_start3A_140 = arith.constant 0 : i32
        %dma_start3A_141 = arith.constant 0 : i32
        %dma_start3A_142 = tpu.memref_slice %arg11[%dma_start3A_140, %dma_start3A_141] : memref<10008x128xf32, #tpu.memory_space<vmem_shared>> -> memref<10008x128xf32, #tpu.memory_space<vmem_shared>>
        tpu.enqueue_indirect_dma source(%arg9 : memref<128x128xf32, #tpu.memory_space<vmem>>) target(%dma_start3A_142 : memref<10008x128xf32, #tpu.memory_space<vmem_shared>>) offsets(%dma_start3A_139 : memref<128xi32, #tpu.memory_space<vmem>>) semaphore(%run_scoped3A_136 : memref<!tpu.dma_semaphore, #tpu.memory_space<semaphore_mem>>) {add = true}
        %dma_wait3A_143 = arith.constant 0 : i32
        %dma_wait3A_144 = tpu.memref_slice %arg8[%run_scoped3A, %dma_wait3A_143] : memref<8x128xi32, #tpu.memory_space<vmem>> -> memref<1x128xi32, #tpu.memory_space<vmem>>
        %dma_wait3A_145 = tpu.memref_squeeze %dma_wait3A_144 : memref<1x128xi32, #tpu.memory_space<vmem>> -> memref<128xi32, #tpu.memory_space<vmem>>
        %dma_wait3A_146 = arith.constant 0 : i32
        %dma_wait3A_147 = arith.constant 0 : i32
        %dma_wait3A_148 = tpu.memref_slice %arg11[%dma_wait3A_146, %dma_wait3A_147] : memref<10008x128xf32, #tpu.memory_space<vmem_shared>> -> memref<10008x128xf32, #tpu.memory_space<vmem_shared>>
        tpu.wait_indirect_dma semaphore(%run_scoped3A_136 : memref<!tpu.dma_semaphore, #tpu.memory_space<semaphore_mem>>) src(%arg9 : memref<128x128xf32, #tpu.memory_space<vmem>>) dst(%dma_wait3A_148 : memref<10008x128xf32, #tpu.memory_space<vmem_shared>>)
        tpu.yield
      }) : () -> ()
      %dma_wait3A_38 = arith.constant 1 : i32
      %dma_wait3A_39 = arith.constant 0 : i32
      %dma_wait3A_40 = tpu.memref_slice %arg7[%dma_wait3A_38, %dma_wait3A_39] : memref<8x128xi32, #tpu.memory_space<vmem>> -> memref<1x128xi32, #tpu.memory_space<vmem>>
      %dma_wait3A_41 = tpu.memref_squeeze %dma_wait3A_40 : memref<1x128xi32, #tpu.memory_space<vmem>> -> memref<128xi32, #tpu.memory_space<vmem>>
      %dma_wait3A_42 = arith.constant 0 : i32
      %dma_wait3A_43 = arith.constant 0 : i32
      %dma_wait3A_44 = tpu.memref_slice %arg2[%dma_wait3A_42, %dma_wait3A_43] : memref<40000x128xf32, #tpu.memory_space<hbm>> -> memref<40000x128xf32, #tpu.memory_space<hbm>>
      tpu.wait_indirect_dma semaphore(%arg13 : memref<!tpu.dma_semaphore, #tpu.memory_space<semaphore_mem>>) src(%dma_wait3A_44 : memref<40000x128xf32, #tpu.memory_space<hbm>>) dst(%arg10 : memref<128x128xf32, #tpu.memory_space<vmem>>)
      %run_scoped3A_45 = arith.constant 1 : i32
      "tpu.region"() ({
        %run_scoped3A_136 = tpu.sem_alloc : memref<!tpu.dma_semaphore, #tpu.memory_space<semaphore_mem>>
        %dma_start3A_137 = arith.constant 0 : i32
        %dma_start3A_138 = tpu.memref_slice %arg8[%run_scoped3A_45, %dma_start3A_137] : memref<8x128xi32, #tpu.memory_space<vmem>> -> memref<1x128xi32, #tpu.memory_space<vmem>>
        %dma_start3A_139 = tpu.memref_squeeze %dma_start3A_138 : memref<1x128xi32, #tpu.memory_space<vmem>> -> memref<128xi32, #tpu.memory_space<vmem>>
        %dma_start3A_140 = arith.constant 0 : i32
        %dma_start3A_141 = arith.constant 0 : i32
        %dma_start3A_142 = tpu.memref_slice %arg11[%dma_start3A_140, %dma_start3A_141] : memref<10008x128xf32, #tpu.memory_space<vmem_shared>> -> memref<10008x128xf32, #tpu.memory_space<vmem_shared>>
        tpu.enqueue_indirect_dma source(%arg10 : memref<128x128xf32, #tpu.memory_space<vmem>>) target(%dma_start3A_142 : memref<10008x128xf32, #tpu.memory_space<vmem_shared>>) offsets(%dma_start3A_139 : memref<128xi32, #tpu.memory_space<vmem>>) semaphore(%run_scoped3A_136 : memref<!tpu.dma_semaphore, #tpu.memory_space<semaphore_mem>>) {add = true}
        %dma_wait3A_143 = arith.constant 0 : i32
        %dma_wait3A_144 = tpu.memref_slice %arg8[%run_scoped3A_45, %dma_wait3A_143] : memref<8x128xi32, #tpu.memory_space<vmem>> -> memref<1x128xi32, #tpu.memory_space<vmem>>
        %dma_wait3A_145 = tpu.memref_squeeze %dma_wait3A_144 : memref<1x128xi32, #tpu.memory_space<vmem>> -> memref<128xi32, #tpu.memory_space<vmem>>
        %dma_wait3A_146 = arith.constant 0 : i32
        %dma_wait3A_147 = arith.constant 0 : i32
        %dma_wait3A_148 = tpu.memref_slice %arg11[%dma_wait3A_146, %dma_wait3A_147] : memref<10008x128xf32, #tpu.memory_space<vmem_shared>> -> memref<10008x128xf32, #tpu.memory_space<vmem_shared>>
        tpu.wait_indirect_dma semaphore(%run_scoped3A_136 : memref<!tpu.dma_semaphore, #tpu.memory_space<semaphore_mem>>) src(%arg10 : memref<128x128xf32, #tpu.memory_space<vmem>>) dst(%dma_wait3A_148 : memref<10008x128xf32, #tpu.memory_space<vmem_shared>>)
        tpu.yield
      }) : () -> ()
      %dma_start3A_46 = arith.constant 2 : i32
      %dma_start3A_47 = arith.constant 0 : i32
      %dma_start3A_48 = tpu.memref_slice %arg7[%dma_start3A_46, %dma_start3A_47] : memref<8x128xi32, #tpu.memory_space<vmem>> -> memref<1x128xi32, #tpu.memory_space<vmem>>
      %dma_start3A_49 = tpu.memref_squeeze %dma_start3A_48 : memref<1x128xi32, #tpu.memory_space<vmem>> -> memref<128xi32, #tpu.memory_space<vmem>>
      %dma_start3A_50 = arith.constant 0 : i32
      %dma_start3A_51 = arith.constant 0 : i32
      %dma_start3A_52 = tpu.memref_slice %arg2[%dma_start3A_50, %dma_start3A_51] : memref<40000x128xf32, #tpu.memory_space<hbm>> -> memref<40000x128xf32, #tpu.memory_space<hbm>>
      tpu.enqueue_indirect_dma source(%dma_start3A_52 : memref<40000x128xf32, #tpu.memory_space<hbm>>) target(%arg9 : memref<128x128xf32, #tpu.memory_space<vmem>>) offsets(%dma_start3A_49 : memref<128xi32, #tpu.memory_space<vmem>>) semaphore(%arg12 : memref<!tpu.dma_semaphore, #tpu.memory_space<semaphore_mem>>)
      %dma_start3A_53 = arith.constant 3 : i32
      %dma_start3A_54 = arith.constant 0 : i32
      %dma_start3A_55 = tpu.memref_slice %arg7[%dma_start3A_53, %dma_start3A_54] : memref<8x128xi32, #tpu.memory_space<vmem>> -> memref<1x128xi32, #tpu.memory_space<vmem>>
      %dma_start3A_56 = tpu.memref_squeeze %dma_start3A_55 : memref<1x128xi32, #tpu.memory_space<vmem>> -> memref<128xi32, #tpu.memory_space<vmem>>
      %dma_start3A_57 = arith.constant 0 : i32
      %dma_start3A_58 = arith.constant 0 : i32
      %dma_start3A_59 = tpu.memref_slice %arg2[%dma_start3A_57, %dma_start3A_58] : memref<40000x128xf32, #tpu.memory_space<hbm>> -> memref<40000x128xf32, #tpu.memory_space<hbm>>
      tpu.enqueue_indirect_dma source(%dma_start3A_59 : memref<40000x128xf32, #tpu.memory_space<hbm>>) target(%arg10 : memref<128x128xf32, #tpu.memory_space<vmem>>) offsets(%dma_start3A_56 : memref<128xi32, #tpu.memory_space<vmem>>) semaphore(%arg13 : memref<!tpu.dma_semaphore, #tpu.memory_space<semaphore_mem>>)
      %dma_wait3A_60 = arith.constant 2 : i32
      %dma_wait3A_61 = arith.constant 0 : i32
      %dma_wait3A_62 = tpu.memref_slice %arg7[%dma_wait3A_60, %dma_wait3A_61] : memref<8x128xi32, #tpu.memory_space<vmem>> -> memref<1x128xi32, #tpu.memory_space<vmem>>
      %dma_wait3A_63 = tpu.memref_squeeze %dma_wait3A_62 : memref<1x128xi32, #tpu.memory_space<vmem>> -> memref<128xi32, #tpu.memory_space<vmem>>
      %dma_wait3A_64 = arith.constant 0 : i32
      %dma_wait3A_65 = arith.constant 0 : i32
      %dma_wait3A_66 = tpu.memref_slice %arg2[%dma_wait3A_64, %dma_wait3A_65] : memref<40000x128xf32, #tpu.memory_space<hbm>> -> memref<40000x128xf32, #tpu.memory_space<hbm>>
      tpu.wait_indirect_dma semaphore(%arg12 : memref<!tpu.dma_semaphore, #tpu.memory_space<semaphore_mem>>) src(%dma_wait3A_66 : memref<40000x128xf32, #tpu.memory_space<hbm>>) dst(%arg9 : memref<128x128xf32, #tpu.memory_space<vmem>>)
      %run_scoped3A_67 = arith.constant 2 : i32
      "tpu.region"() ({
        %run_scoped3A_136 = tpu.sem_alloc : memref<!tpu.dma_semaphore, #tpu.memory_space<semaphore_mem>>
        %dma_start3A_137 = arith.constant 0 : i32
        %dma_start3A_138 = tpu.memref_slice %arg8[%run_scoped3A_67, %dma_start3A_137] : memref<8x128xi32, #tpu.memory_space<vmem>> -> memref<1x128xi32, #tpu.memory_space<vmem>>
        %dma_start3A_139 = tpu.memref_squeeze %dma_start3A_138 : memref<1x128xi32, #tpu.memory_space<vmem>> -> memref<128xi32, #tpu.memory_space<vmem>>
        %dma_start3A_140 = arith.constant 0 : i32
        %dma_start3A_141 = arith.constant 0 : i32
        %dma_start3A_142 = tpu.memref_slice %arg11[%dma_start3A_140, %dma_start3A_141] : memref<10008x128xf32, #tpu.memory_space<vmem_shared>> -> memref<10008x128xf32, #tpu.memory_space<vmem_shared>>
        tpu.enqueue_indirect_dma source(%arg9 : memref<128x128xf32, #tpu.memory_space<vmem>>) target(%dma_start3A_142 : memref<10008x128xf32, #tpu.memory_space<vmem_shared>>) offsets(%dma_start3A_139 : memref<128xi32, #tpu.memory_space<vmem>>) semaphore(%run_scoped3A_136 : memref<!tpu.dma_semaphore, #tpu.memory_space<semaphore_mem>>) {add = true}
        %dma_wait3A_143 = arith.constant 0 : i32
        %dma_wait3A_144 = tpu.memref_slice %arg8[%run_scoped3A_67, %dma_wait3A_143] : memref<8x128xi32, #tpu.memory_space<vmem>> -> memref<1x128xi32, #tpu.memory_space<vmem>>
        %dma_wait3A_145 = tpu.memref_squeeze %dma_wait3A_144 : memref<1x128xi32, #tpu.memory_space<vmem>> -> memref<128xi32, #tpu.memory_space<vmem>>
        %dma_wait3A_146 = arith.constant 0 : i32
        %dma_wait3A_147 = arith.constant 0 : i32
        %dma_wait3A_148 = tpu.memref_slice %arg11[%dma_wait3A_146, %dma_wait3A_147] : memref<10008x128xf32, #tpu.memory_space<vmem_shared>> -> memref<10008x128xf32, #tpu.memory_space<vmem_shared>>
        tpu.wait_indirect_dma semaphore(%run_scoped3A_136 : memref<!tpu.dma_semaphore, #tpu.memory_space<semaphore_mem>>) src(%arg9 : memref<128x128xf32, #tpu.memory_space<vmem>>) dst(%dma_wait3A_148 : memref<10008x128xf32, #tpu.memory_space<vmem_shared>>)
        tpu.yield
      }) : () -> ()
      %dma_wait3A_68 = arith.constant 3 : i32
      %dma_wait3A_69 = arith.constant 0 : i32
      %dma_wait3A_70 = tpu.memref_slice %arg7[%dma_wait3A_68, %dma_wait3A_69] : memref<8x128xi32, #tpu.memory_space<vmem>> -> memref<1x128xi32, #tpu.memory_space<vmem>>
      %dma_wait3A_71 = tpu.memref_squeeze %dma_wait3A_70 : memref<1x128xi32, #tpu.memory_space<vmem>> -> memref<128xi32, #tpu.memory_space<vmem>>
      %dma_wait3A_72 = arith.constant 0 : i32
      %dma_wait3A_73 = arith.constant 0 : i32
      %dma_wait3A_74 = tpu.memref_slice %arg2[%dma_wait3A_72, %dma_wait3A_73] : memref<40000x128xf32, #tpu.memory_space<hbm>> -> memref<40000x128xf32, #tpu.memory_space<hbm>>
      tpu.wait_indirect_dma semaphore(%arg13 : memref<!tpu.dma_semaphore, #tpu.memory_space<semaphore_mem>>) src(%dma_wait3A_74 : memref<40000x128xf32, #tpu.memory_space<hbm>>) dst(%arg10 : memref<128x128xf32, #tpu.memory_space<vmem>>)
      %run_scoped3A_75 = arith.constant 3 : i32
      "tpu.region"() ({
        %run_scoped3A_136 = tpu.sem_alloc : memref<!tpu.dma_semaphore, #tpu.memory_space<semaphore_mem>>
        %dma_start3A_137 = arith.constant 0 : i32
        %dma_start3A_138 = tpu.memref_slice %arg8[%run_scoped3A_75, %dma_start3A_137] : memref<8x128xi32, #tpu.memory_space<vmem>> -> memref<1x128xi32, #tpu.memory_space<vmem>>
        %dma_start3A_139 = tpu.memref_squeeze %dma_start3A_138 : memref<1x128xi32, #tpu.memory_space<vmem>> -> memref<128xi32, #tpu.memory_space<vmem>>
        %dma_start3A_140 = arith.constant 0 : i32
        %dma_start3A_141 = arith.constant 0 : i32
        %dma_start3A_142 = tpu.memref_slice %arg11[%dma_start3A_140, %dma_start3A_141] : memref<10008x128xf32, #tpu.memory_space<vmem_shared>> -> memref<10008x128xf32, #tpu.memory_space<vmem_shared>>
        tpu.enqueue_indirect_dma source(%arg10 : memref<128x128xf32, #tpu.memory_space<vmem>>) target(%dma_start3A_142 : memref<10008x128xf32, #tpu.memory_space<vmem_shared>>) offsets(%dma_start3A_139 : memref<128xi32, #tpu.memory_space<vmem>>) semaphore(%run_scoped3A_136 : memref<!tpu.dma_semaphore, #tpu.memory_space<semaphore_mem>>) {add = true}
        %dma_wait3A_143 = arith.constant 0 : i32
        %dma_wait3A_144 = tpu.memref_slice %arg8[%run_scoped3A_75, %dma_wait3A_143] : memref<8x128xi32, #tpu.memory_space<vmem>> -> memref<1x128xi32, #tpu.memory_space<vmem>>
        %dma_wait3A_145 = tpu.memref_squeeze %dma_wait3A_144 : memref<1x128xi32, #tpu.memory_space<vmem>> -> memref<128xi32, #tpu.memory_space<vmem>>
        %dma_wait3A_146 = arith.constant 0 : i32
        %dma_wait3A_147 = arith.constant 0 : i32
        %dma_wait3A_148 = tpu.memref_slice %arg11[%dma_wait3A_146, %dma_wait3A_147] : memref<10008x128xf32, #tpu.memory_space<vmem_shared>> -> memref<10008x128xf32, #tpu.memory_space<vmem_shared>>
        tpu.wait_indirect_dma semaphore(%run_scoped3A_136 : memref<!tpu.dma_semaphore, #tpu.memory_space<semaphore_mem>>) src(%arg10 : memref<128x128xf32, #tpu.memory_space<vmem>>) dst(%dma_wait3A_148 : memref<10008x128xf32, #tpu.memory_space<vmem_shared>>)
        tpu.yield
      }) : () -> ()
      %dma_start3A_76 = arith.constant 4 : i32
      %dma_start3A_77 = arith.constant 0 : i32
      %dma_start3A_78 = tpu.memref_slice %arg7[%dma_start3A_76, %dma_start3A_77] : memref<8x128xi32, #tpu.memory_space<vmem>> -> memref<1x128xi32, #tpu.memory_space<vmem>>
      %dma_start3A_79 = tpu.memref_squeeze %dma_start3A_78 : memref<1x128xi32, #tpu.memory_space<vmem>> -> memref<128xi32, #tpu.memory_space<vmem>>
      %dma_start3A_80 = arith.constant 0 : i32
      %dma_start3A_81 = arith.constant 0 : i32
      %dma_start3A_82 = tpu.memref_slice %arg2[%dma_start3A_80, %dma_start3A_81] : memref<40000x128xf32, #tpu.memory_space<hbm>> -> memref<40000x128xf32, #tpu.memory_space<hbm>>
      tpu.enqueue_indirect_dma source(%dma_start3A_82 : memref<40000x128xf32, #tpu.memory_space<hbm>>) target(%arg9 : memref<128x128xf32, #tpu.memory_space<vmem>>) offsets(%dma_start3A_79 : memref<128xi32, #tpu.memory_space<vmem>>) semaphore(%arg12 : memref<!tpu.dma_semaphore, #tpu.memory_space<semaphore_mem>>)
      %dma_start3A_83 = arith.constant 5 : i32
      %dma_start3A_84 = arith.constant 0 : i32
      %dma_start3A_85 = tpu.memref_slice %arg7[%dma_start3A_83, %dma_start3A_84] : memref<8x128xi32, #tpu.memory_space<vmem>> -> memref<1x128xi32, #tpu.memory_space<vmem>>
      %dma_start3A_86 = tpu.memref_squeeze %dma_start3A_85 : memref<1x128xi32, #tpu.memory_space<vmem>> -> memref<128xi32, #tpu.memory_space<vmem>>
      %dma_start3A_87 = arith.constant 0 : i32
      %dma_start3A_88 = arith.constant 0 : i32
      %dma_start3A_89 = tpu.memref_slice %arg2[%dma_start3A_87, %dma_start3A_88] : memref<40000x128xf32, #tpu.memory_space<hbm>> -> memref<40000x128xf32, #tpu.memory_space<hbm>>
      tpu.enqueue_indirect_dma source(%dma_start3A_89 : memref<40000x128xf32, #tpu.memory_space<hbm>>) target(%arg10 : memref<128x128xf32, #tpu.memory_space<vmem>>) offsets(%dma_start3A_86 : memref<128xi32, #tpu.memory_space<vmem>>) semaphore(%arg13 : memref<!tpu.dma_semaphore, #tpu.memory_space<semaphore_mem>>)
      %dma_wait3A_90 = arith.constant 4 : i32
      %dma_wait3A_91 = arith.constant 0 : i32
      %dma_wait3A_92 = tpu.memref_slice %arg7[%dma_wait3A_90, %dma_wait3A_91] : memref<8x128xi32, #tpu.memory_space<vmem>> -> memref<1x128xi32, #tpu.memory_space<vmem>>
      %dma_wait3A_93 = tpu.memref_squeeze %dma_wait3A_92 : memref<1x128xi32, #tpu.memory_space<vmem>> -> memref<128xi32, #tpu.memory_space<vmem>>
      %dma_wait3A_94 = arith.constant 0 : i32
      %dma_wait3A_95 = arith.constant 0 : i32
      %dma_wait3A_96 = tpu.memref_slice %arg2[%dma_wait3A_94, %dma_wait3A_95] : memref<40000x128xf32, #tpu.memory_space<hbm>> -> memref<40000x128xf32, #tpu.memory_space<hbm>>
      tpu.wait_indirect_dma semaphore(%arg12 : memref<!tpu.dma_semaphore, #tpu.memory_space<semaphore_mem>>) src(%dma_wait3A_96 : memref<40000x128xf32, #tpu.memory_space<hbm>>) dst(%arg9 : memref<128x128xf32, #tpu.memory_space<vmem>>)
      %run_scoped3A_97 = arith.constant 4 : i32
      "tpu.region"() ({
        %run_scoped3A_136 = tpu.sem_alloc : memref<!tpu.dma_semaphore, #tpu.memory_space<semaphore_mem>>
        %dma_start3A_137 = arith.constant 0 : i32
        %dma_start3A_138 = tpu.memref_slice %arg8[%run_scoped3A_97, %dma_start3A_137] : memref<8x128xi32, #tpu.memory_space<vmem>> -> memref<1x128xi32, #tpu.memory_space<vmem>>
        %dma_start3A_139 = tpu.memref_squeeze %dma_start3A_138 : memref<1x128xi32, #tpu.memory_space<vmem>> -> memref<128xi32, #tpu.memory_space<vmem>>
        %dma_start3A_140 = arith.constant 0 : i32
        %dma_start3A_141 = arith.constant 0 : i32
        %dma_start3A_142 = tpu.memref_slice %arg11[%dma_start3A_140, %dma_start3A_141] : memref<10008x128xf32, #tpu.memory_space<vmem_shared>> -> memref<10008x128xf32, #tpu.memory_space<vmem_shared>>
        tpu.enqueue_indirect_dma source(%arg9 : memref<128x128xf32, #tpu.memory_space<vmem>>) target(%dma_start3A_142 : memref<10008x128xf32, #tpu.memory_space<vmem_shared>>) offsets(%dma_start3A_139 : memref<128xi32, #tpu.memory_space<vmem>>) semaphore(%run_scoped3A_136 : memref<!tpu.dma_semaphore, #tpu.memory_space<semaphore_mem>>) {add = true}
        %dma_wait3A_143 = arith.constant 0 : i32
        %dma_wait3A_144 = tpu.memref_slice %arg8[%run_scoped3A_97, %dma_wait3A_143] : memref<8x128xi32, #tpu.memory_space<vmem>> -> memref<1x128xi32, #tpu.memory_space<vmem>>
        %dma_wait3A_145 = tpu.memref_squeeze %dma_wait3A_144 : memref<1x128xi32, #tpu.memory_space<vmem>> -> memref<128xi32, #tpu.memory_space<vmem>>
        %dma_wait3A_146 = arith.constant 0 : i32
        %dma_wait3A_147 = arith.constant 0 : i32
        %dma_wait3A_148 = tpu.memref_slice %arg11[%dma_wait3A_146, %dma_wait3A_147] : memref<10008x128xf32, #tpu.memory_space<vmem_shared>> -> memref<10008x128xf32, #tpu.memory_space<vmem_shared>>
        tpu.wait_indirect_dma semaphore(%run_scoped3A_136 : memref<!tpu.dma_semaphore, #tpu.memory_space<semaphore_mem>>) src(%arg9 : memref<128x128xf32, #tpu.memory_space<vmem>>) dst(%dma_wait3A_148 : memref<10008x128xf32, #tpu.memory_space<vmem_shared>>)
        tpu.yield
      }) : () -> ()
      %dma_wait3A_98 = arith.constant 5 : i32
      %dma_wait3A_99 = arith.constant 0 : i32
      %dma_wait3A_100 = tpu.memref_slice %arg7[%dma_wait3A_98, %dma_wait3A_99] : memref<8x128xi32, #tpu.memory_space<vmem>> -> memref<1x128xi32, #tpu.memory_space<vmem>>
      %dma_wait3A_101 = tpu.memref_squeeze %dma_wait3A_100 : memref<1x128xi32, #tpu.memory_space<vmem>> -> memref<128xi32, #tpu.memory_space<vmem>>
      %dma_wait3A_102 = arith.constant 0 : i32
      %dma_wait3A_103 = arith.constant 0 : i32
      %dma_wait3A_104 = tpu.memref_slice %arg2[%dma_wait3A_102, %dma_wait3A_103] : memref<40000x128xf32, #tpu.memory_space<hbm>> -> memref<40000x128xf32, #tpu.memory_space<hbm>>
      tpu.wait_indirect_dma semaphore(%arg13 : memref<!tpu.dma_semaphore, #tpu.memory_space<semaphore_mem>>) src(%dma_wait3A_104 : memref<40000x128xf32, #tpu.memory_space<hbm>>) dst(%arg10 : memref<128x128xf32, #tpu.memory_space<vmem>>)
      %run_scoped3A_105 = arith.constant 5 : i32
      "tpu.region"() ({
        %run_scoped3A_136 = tpu.sem_alloc : memref<!tpu.dma_semaphore, #tpu.memory_space<semaphore_mem>>
        %dma_start3A_137 = arith.constant 0 : i32
        %dma_start3A_138 = tpu.memref_slice %arg8[%run_scoped3A_105, %dma_start3A_137] : memref<8x128xi32, #tpu.memory_space<vmem>> -> memref<1x128xi32, #tpu.memory_space<vmem>>
        %dma_start3A_139 = tpu.memref_squeeze %dma_start3A_138 : memref<1x128xi32, #tpu.memory_space<vmem>> -> memref<128xi32, #tpu.memory_space<vmem>>
        %dma_start3A_140 = arith.constant 0 : i32
        %dma_start3A_141 = arith.constant 0 : i32
        %dma_start3A_142 = tpu.memref_slice %arg11[%dma_start3A_140, %dma_start3A_141] : memref<10008x128xf32, #tpu.memory_space<vmem_shared>> -> memref<10008x128xf32, #tpu.memory_space<vmem_shared>>
        tpu.enqueue_indirect_dma source(%arg10 : memref<128x128xf32, #tpu.memory_space<vmem>>) target(%dma_start3A_142 : memref<10008x128xf32, #tpu.memory_space<vmem_shared>>) offsets(%dma_start3A_139 : memref<128xi32, #tpu.memory_space<vmem>>) semaphore(%run_scoped3A_136 : memref<!tpu.dma_semaphore, #tpu.memory_space<semaphore_mem>>) {add = true}
        %dma_wait3A_143 = arith.constant 0 : i32
        %dma_wait3A_144 = tpu.memref_slice %arg8[%run_scoped3A_105, %dma_wait3A_143] : memref<8x128xi32, #tpu.memory_space<vmem>> -> memref<1x128xi32, #tpu.memory_space<vmem>>
        %dma_wait3A_145 = tpu.memref_squeeze %dma_wait3A_144 : memref<1x128xi32, #tpu.memory_space<vmem>> -> memref<128xi32, #tpu.memory_space<vmem>>
        %dma_wait3A_146 = arith.constant 0 : i32
        %dma_wait3A_147 = arith.constant 0 : i32
        %dma_wait3A_148 = tpu.memref_slice %arg11[%dma_wait3A_146, %dma_wait3A_147] : memref<10008x128xf32, #tpu.memory_space<vmem_shared>> -> memref<10008x128xf32, #tpu.memory_space<vmem_shared>>
        tpu.wait_indirect_dma semaphore(%run_scoped3A_136 : memref<!tpu.dma_semaphore, #tpu.memory_space<semaphore_mem>>) src(%arg10 : memref<128x128xf32, #tpu.memory_space<vmem>>) dst(%dma_wait3A_148 : memref<10008x128xf32, #tpu.memory_space<vmem_shared>>)
        tpu.yield
      }) : () -> ()
      %dma_start3A_106 = arith.constant 6 : i32
      %dma_start3A_107 = arith.constant 0 : i32
      %dma_start3A_108 = tpu.memref_slice %arg7[%dma_start3A_106, %dma_start3A_107] : memref<8x128xi32, #tpu.memory_space<vmem>> -> memref<1x128xi32, #tpu.memory_space<vmem>>
      %dma_start3A_109 = tpu.memref_squeeze %dma_start3A_108 : memref<1x128xi32, #tpu.memory_space<vmem>> -> memref<128xi32, #tpu.memory_space<vmem>>
      %dma_start3A_110 = arith.constant 0 : i32
      %dma_start3A_111 = arith.constant 0 : i32
      %dma_start3A_112 = tpu.memref_slice %arg2[%dma_start3A_110, %dma_start3A_111] : memref<40000x128xf32, #tpu.memory_space<hbm>> -> memref<40000x128xf32, #tpu.memory_space<hbm>>
      tpu.enqueue_indirect_dma source(%dma_start3A_112 : memref<40000x128xf32, #tpu.memory_space<hbm>>) target(%arg9 : memref<128x128xf32, #tpu.memory_space<vmem>>) offsets(%dma_start3A_109 : memref<128xi32, #tpu.memory_space<vmem>>) semaphore(%arg12 : memref<!tpu.dma_semaphore, #tpu.memory_space<semaphore_mem>>)
      %dma_start3A_113 = arith.constant 7 : i32
      %dma_start3A_114 = arith.constant 0 : i32
      %dma_start3A_115 = tpu.memref_slice %arg7[%dma_start3A_113, %dma_start3A_114] : memref<8x128xi32, #tpu.memory_space<vmem>> -> memref<1x128xi32, #tpu.memory_space<vmem>>
      %dma_start3A_116 = tpu.memref_squeeze %dma_start3A_115 : memref<1x128xi32, #tpu.memory_space<vmem>> -> memref<128xi32, #tpu.memory_space<vmem>>
      %dma_start3A_117 = arith.constant 0 : i32
      %dma_start3A_118 = arith.constant 0 : i32
      %dma_start3A_119 = tpu.memref_slice %arg2[%dma_start3A_117, %dma_start3A_118] : memref<40000x128xf32, #tpu.memory_space<hbm>> -> memref<40000x128xf32, #tpu.memory_space<hbm>>
      tpu.enqueue_indirect_dma source(%dma_start3A_119 : memref<40000x128xf32, #tpu.memory_space<hbm>>) target(%arg10 : memref<128x128xf32, #tpu.memory_space<vmem>>) offsets(%dma_start3A_116 : memref<128xi32, #tpu.memory_space<vmem>>) semaphore(%arg13 : memref<!tpu.dma_semaphore, #tpu.memory_space<semaphore_mem>>)
      %dma_wait3A_120 = arith.constant 6 : i32
      %dma_wait3A_121 = arith.constant 0 : i32
      %dma_wait3A_122 = tpu.memref_slice %arg7[%dma_wait3A_120, %dma_wait3A_121] : memref<8x128xi32, #tpu.memory_space<vmem>> -> memref<1x128xi32, #tpu.memory_space<vmem>>
      %dma_wait3A_123 = tpu.memref_squeeze %dma_wait3A_122 : memref<1x128xi32, #tpu.memory_space<vmem>> -> memref<128xi32, #tpu.memory_space<vmem>>
      %dma_wait3A_124 = arith.constant 0 : i32
      %dma_wait3A_125 = arith.constant 0 : i32
      %dma_wait3A_126 = tpu.memref_slice %arg2[%dma_wait3A_124, %dma_wait3A_125] : memref<40000x128xf32, #tpu.memory_space<hbm>> -> memref<40000x128xf32, #tpu.memory_space<hbm>>
      tpu.wait_indirect_dma semaphore(%arg12 : memref<!tpu.dma_semaphore, #tpu.memory_space<semaphore_mem>>) src(%dma_wait3A_126 : memref<40000x128xf32, #tpu.memory_space<hbm>>) dst(%arg9 : memref<128x128xf32, #tpu.memory_space<vmem>>)
      %run_scoped3A_127 = arith.constant 6 : i32
      "tpu.region"() ({
        %run_scoped3A_136 = tpu.sem_alloc : memref<!tpu.dma_semaphore, #tpu.memory_space<semaphore_mem>>
        %dma_start3A_137 = arith.constant 0 : i32
        %dma_start3A_138 = tpu.memref_slice %arg8[%run_scoped3A_127, %dma_start3A_137] : memref<8x128xi32, #tpu.memory_space<vmem>> -> memref<1x128xi32, #tpu.memory_space<vmem>>
        %dma_start3A_139 = tpu.memref_squeeze %dma_start3A_138 : memref<1x128xi32, #tpu.memory_space<vmem>> -> memref<128xi32, #tpu.memory_space<vmem>>
        %dma_start3A_140 = arith.constant 0 : i32
        %dma_start3A_141 = arith.constant 0 : i32
        %dma_start3A_142 = tpu.memref_slice %arg11[%dma_start3A_140, %dma_start3A_141] : memref<10008x128xf32, #tpu.memory_space<vmem_shared>> -> memref<10008x128xf32, #tpu.memory_space<vmem_shared>>
        tpu.enqueue_indirect_dma source(%arg9 : memref<128x128xf32, #tpu.memory_space<vmem>>) target(%dma_start3A_142 : memref<10008x128xf32, #tpu.memory_space<vmem_shared>>) offsets(%dma_start3A_139 : memref<128xi32, #tpu.memory_space<vmem>>) semaphore(%run_scoped3A_136 : memref<!tpu.dma_semaphore, #tpu.memory_space<semaphore_mem>>) {add = true}
        %dma_wait3A_143 = arith.constant 0 : i32
        %dma_wait3A_144 = tpu.memref_slice %arg8[%run_scoped3A_127, %dma_wait3A_143] : memref<8x128xi32, #tpu.memory_space<vmem>> -> memref<1x128xi32, #tpu.memory_space<vmem>>
        %dma_wait3A_145 = tpu.memref_squeeze %dma_wait3A_144 : memref<1x128xi32, #tpu.memory_space<vmem>> -> memref<128xi32, #tpu.memory_space<vmem>>
        %dma_wait3A_146 = arith.constant 0 : i32
        %dma_wait3A_147 = arith.constant 0 : i32
        %dma_wait3A_148 = tpu.memref_slice %arg11[%dma_wait3A_146, %dma_wait3A_147] : memref<10008x128xf32, #tpu.memory_space<vmem_shared>> -> memref<10008x128xf32, #tpu.memory_space<vmem_shared>>
        tpu.wait_indirect_dma semaphore(%run_scoped3A_136 : memref<!tpu.dma_semaphore, #tpu.memory_space<semaphore_mem>>) src(%arg9 : memref<128x128xf32, #tpu.memory_space<vmem>>) dst(%dma_wait3A_148 : memref<10008x128xf32, #tpu.memory_space<vmem_shared>>)
        tpu.yield
      }) : () -> ()
      %dma_wait3A_128 = arith.constant 7 : i32
      %dma_wait3A_129 = arith.constant 0 : i32
      %dma_wait3A_130 = tpu.memref_slice %arg7[%dma_wait3A_128, %dma_wait3A_129] : memref<8x128xi32, #tpu.memory_space<vmem>> -> memref<1x128xi32, #tpu.memory_space<vmem>>
      %dma_wait3A_131 = tpu.memref_squeeze %dma_wait3A_130 : memref<1x128xi32, #tpu.memory_space<vmem>> -> memref<128xi32, #tpu.memory_space<vmem>>
      %dma_wait3A_132 = arith.constant 0 : i32
      %dma_wait3A_133 = arith.constant 0 : i32
      %dma_wait3A_134 = tpu.memref_slice %arg2[%dma_wait3A_132, %dma_wait3A_133] : memref<40000x128xf32, #tpu.memory_space<hbm>> -> memref<40000x128xf32, #tpu.memory_space<hbm>>
      tpu.wait_indirect_dma semaphore(%arg13 : memref<!tpu.dma_semaphore, #tpu.memory_space<semaphore_mem>>) src(%dma_wait3A_134 : memref<40000x128xf32, #tpu.memory_space<hbm>>) dst(%arg10 : memref<128x128xf32, #tpu.memory_space<vmem>>)
      %run_scoped3A_135 = arith.constant 7 : i32
      "tpu.region"() ({
        %run_scoped3A_136 = tpu.sem_alloc : memref<!tpu.dma_semaphore, #tpu.memory_space<semaphore_mem>>
        %dma_start3A_137 = arith.constant 0 : i32
        %dma_start3A_138 = tpu.memref_slice %arg8[%run_scoped3A_135, %dma_start3A_137] : memref<8x128xi32, #tpu.memory_space<vmem>> -> memref<1x128xi32, #tpu.memory_space<vmem>>
        %dma_start3A_139 = tpu.memref_squeeze %dma_start3A_138 : memref<1x128xi32, #tpu.memory_space<vmem>> -> memref<128xi32, #tpu.memory_space<vmem>>
        %dma_start3A_140 = arith.constant 0 : i32
        %dma_start3A_141 = arith.constant 0 : i32
        %dma_start3A_142 = tpu.memref_slice %arg11[%dma_start3A_140, %dma_start3A_141] : memref<10008x128xf32, #tpu.memory_space<vmem_shared>> -> memref<10008x128xf32, #tpu.memory_space<vmem_shared>>
        tpu.enqueue_indirect_dma source(%arg10 : memref<128x128xf32, #tpu.memory_space<vmem>>) target(%dma_start3A_142 : memref<10008x128xf32, #tpu.memory_space<vmem_shared>>) offsets(%dma_start3A_139 : memref<128xi32, #tpu.memory_space<vmem>>) semaphore(%run_scoped3A_136 : memref<!tpu.dma_semaphore, #tpu.memory_space<semaphore_mem>>) {add = true}
        %dma_wait3A_143 = arith.constant 0 : i32
        %dma_wait3A_144 = tpu.memref_slice %arg8[%run_scoped3A_135, %dma_wait3A_143] : memref<8x128xi32, #tpu.memory_space<vmem>> -> memref<1x128xi32, #tpu.memory_space<vmem>>
        %dma_wait3A_145 = tpu.memref_squeeze %dma_wait3A_144 : memref<1x128xi32, #tpu.memory_space<vmem>> -> memref<128xi32, #tpu.memory_space<vmem>>
        %dma_wait3A_146 = arith.constant 0 : i32
        %dma_wait3A_147 = arith.constant 0 : i32
        %dma_wait3A_148 = tpu.memref_slice %arg11[%dma_wait3A_146, %dma_wait3A_147] : memref<10008x128xf32, #tpu.memory_space<vmem_shared>> -> memref<10008x128xf32, #tpu.memory_space<vmem_shared>>
        tpu.wait_indirect_dma semaphore(%run_scoped3A_136 : memref<!tpu.dma_semaphore, #tpu.memory_space<semaphore_mem>>) src(%arg10 : memref<128x128xf32, #tpu.memory_space<vmem>>) dst(%dma_wait3A_148 : memref<10008x128xf32, #tpu.memory_space<vmem_shared>>)
        tpu.yield
      }) : () -> ()
    }
    %scan3A_7 = arith.constant 10 : i32
    %barrier3A_8 = arith.constant 0 : index
    tpu.barrier barrier_id(%barrier3A_8)
    %eq3A_9 = arith.constant 0 : i32
    %eq3A_10 = arith.cmpi eq, %arg1, %eq3A_9 : i32
    %convert_element_type3A_11 = arith.extui %eq3A_10 : i1 to i32
    %cond3A_12 = arith.constant 0 : i32
    %cond3A_13 = arith.cmpi ne, %convert_element_type3A_11, %cond3A_12 : i32
    scf.if %cond3A_13 {
      "tpu.region"() ({
        %run_scoped3A = tpu.sem_alloc : memref<!tpu.dma_semaphore, #tpu.memory_space<semaphore_mem>>
        %dma_start3A = arith.constant 0 : i32
        %dma_start3A_14 = arith.constant 0 : i32
        %dma_start3A_15 = tpu.memref_slice %arg6[%arg0, %dma_start3A, %dma_start3A_14] : memref<2x10000x128xf32, #tpu.memory_space<hbm>> -> memref<1x10000x128xf32, #tpu.memory_space<hbm>>
        %dma_start3A_16 = tpu.memref_squeeze %dma_start3A_15 : memref<1x10000x128xf32, #tpu.memory_space<hbm>> -> memref<10000x128xf32, #tpu.memory_space<hbm>>
        %dma_start3A_17 = arith.constant 0 : i32
        %dma_start3A_18 = arith.constant 0 : i32
        %dma_start3A_19 = tpu.memref_slice %arg11[%dma_start3A_17, %dma_start3A_18] : memref<10008x128xf32, #tpu.memory_space<vmem_shared>> -> memref<10000x128xf32, #tpu.memory_space<vmem_shared>>
        tpu.enqueue_dma source(%dma_start3A_19 : memref<10000x128xf32, #tpu.memory_space<vmem_shared>>) target(%dma_start3A_16 : memref<10000x128xf32, #tpu.memory_space<hbm>>) target_semaphore(%run_scoped3A : memref<!tpu.dma_semaphore, #tpu.memory_space<semaphore_mem>>)
        %dma_wait3A = arith.constant 0 : i32
        %dma_wait3A_20 = arith.constant 0 : i32
        %dma_wait3A_21 = tpu.memref_slice %arg6[%arg0, %dma_wait3A, %dma_wait3A_20] : memref<2x10000x128xf32, #tpu.memory_space<hbm>> -> memref<1x10000x128xf32, #tpu.memory_space<hbm>>
        %dma_wait3A_22 = tpu.memref_squeeze %dma_wait3A_21 : memref<1x10000x128xf32, #tpu.memory_space<hbm>> -> memref<10000x128xf32, #tpu.memory_space<hbm>>
        %dma_wait3A_23 = arith.constant 0 : i32
        %dma_wait3A_24 = arith.constant 0 : i32
        %dma_wait3A_25 = tpu.memref_slice %arg11[%dma_wait3A_23, %dma_wait3A_24] : memref<10008x128xf32, #tpu.memory_space<vmem_shared>> -> memref<10000x128xf32, #tpu.memory_space<vmem_shared>>
        tpu.wait_dma2 semaphore(%run_scoped3A : memref<!tpu.dma_semaphore, #tpu.memory_space<semaphore_mem>>) src(%dma_wait3A_25 : memref<10000x128xf32, #tpu.memory_space<vmem_shared>>) dst(%dma_wait3A_22 : memref<10000x128xf32, #tpu.memory_space<hbm>>)
        tpu.yield
      }) : () -> ()
    } else {
    }
    return
  }
}

module attributes {stable_mosaic.version = 14 : i64} {
  func.func @_tca_body(%arg0: i32, %arg1: memref<1000x128xf32, #tpu.memory_space<vmem>>, %arg2: memref<4x128x128xf32, #tpu.memory_space<vmem>>, %arg3: memref<128x128xf32, #tpu.memory_space<vmem>>, %arg4: memref<1x128xf32, #tpu.memory_space<vmem>>, %arg5: memref<4x1000x128xf32, #tpu.memory_space<vmem>>, %arg6: memref<1000x128xf32, #tpu.memory_space<vmem>>) attributes {dimension_semantics = [#tpu.dimension_semantics<arbitrary>], iteration_bounds = array<i64: 10>, scalar_prefetch = 0 : i64, scratch_operands = 0 : i64, tpu.core_type = #tpu.core_type<tc>, window_params = [{transform_indices = @transform_0, window_bounds = array<i64: 1000, 128>}, {pipeline_mode = #tpu.pipeline_mode<synchronous>, transform_indices = @transform_1, window_bounds = array<i64: 4, 128, 128>}, {pipeline_mode = #tpu.pipeline_mode<synchronous>, transform_indices = @transform_2, window_bounds = array<i64: 128, 128>}, {pipeline_mode = #tpu.pipeline_mode<synchronous>, transform_indices = @transform_3, window_bounds = array<i64: 1, 128>}, {transform_indices = @transform_4, window_bounds = array<i64: 4, 1000, 128>}, {transform_indices = @transform_5, window_bounds = array<i64: 1000, 128>}]} {
    %get3A = arith.constant 0 : index
    %get3A_0 = arith.constant 0 : index
    %get3A_1 = vector.load %arg1[%get3A, %get3A_0] : memref<1000x128xf32, #tpu.memory_space<vmem>>, vector<1000x128xf32>
    %get3A_2 = arith.constant 0 : index
    %get3A_3 = arith.constant 0 : index
    %get3A_4 = arith.constant 0 : index
    %get3A_5 = vector.load %arg2[%get3A_2, %get3A_3, %get3A_4] : memref<4x128x128xf32, #tpu.memory_space<vmem>>, vector<1x128x128xf32>
    %get3A_6 = vector.shape_cast %get3A_5 : vector<1x128x128xf32> to vector<128x128xf32>
    %dot_general3A = arith.constant dense<0.000000e+00> : vector<1000x128xf32>
    %dot_general3A_7 = tpu.matmul %get3A_1, %get3A_6, %dot_general3A {dimension_numbers = #tpu.dot_dimension_numbers<[1], [0], [0], [1], [0, 0, 1, 1], [], []>, transpose_lhs_hint = false} : vector<1000x128xf32>, vector<128x128xf32>, vector<1000x128xf32> -> vector<1000x128xf32>
    %swap3A = arith.constant 0 : index
    %swap3A_8 = arith.constant 0 : index
    %swap3A_9 = arith.constant 0 : index
    %swap3A_10 = vector.load %arg5[%swap3A, %swap3A_8, %swap3A_9] : memref<4x1000x128xf32, #tpu.memory_space<vmem>>, vector<1x1000x128xf32>
    %swap3A_11 = vector.shape_cast %swap3A_10 : vector<1x1000x128xf32> to vector<1000x128xf32>
    %swap3A_12 = vector.shape_cast %dot_general3A_7 : vector<1000x128xf32> to vector<1x1000x128xf32>
    tpu.vector_store %arg5[%swap3A, %swap3A_8, %swap3A_9], %swap3A_12 {strides = array<i32>} : memref<4x1000x128xf32, #tpu.memory_space<vmem>>, vector<1x1000x128xf32>,
    %get3A_13 = arith.constant 1 : index
    %get3A_14 = arith.constant 0 : index
    %get3A_15 = arith.constant 0 : index
    %get3A_16 = vector.load %arg2[%get3A_13, %get3A_14, %get3A_15] : memref<4x128x128xf32, #tpu.memory_space<vmem>>, vector<1x128x128xf32>
    %get3A_17 = vector.shape_cast %get3A_16 : vector<1x128x128xf32> to vector<128x128xf32>
    %dot_general3A_18 = arith.constant dense<0.000000e+00> : vector<1000x128xf32>
    %dot_general3A_19 = tpu.matmul %get3A_1, %get3A_17, %dot_general3A_18 {dimension_numbers = #tpu.dot_dimension_numbers<[1], [0], [0], [1], [0, 0, 1, 1], [], []>, transpose_lhs_hint = false} : vector<1000x128xf32>, vector<128x128xf32>, vector<1000x128xf32> -> vector<1000x128xf32>
    %swap3A_20 = arith.constant 1 : index
    %swap3A_21 = arith.constant 0 : index
    %swap3A_22 = arith.constant 0 : index
    %swap3A_23 = vector.load %arg5[%swap3A_20, %swap3A_21, %swap3A_22] : memref<4x1000x128xf32, #tpu.memory_space<vmem>>, vector<1x1000x128xf32>
    %swap3A_24 = vector.shape_cast %swap3A_23 : vector<1x1000x128xf32> to vector<1000x128xf32>
    %swap3A_25 = vector.shape_cast %dot_general3A_19 : vector<1000x128xf32> to vector<1x1000x128xf32>
    tpu.vector_store %arg5[%swap3A_20, %swap3A_21, %swap3A_22], %swap3A_25 {strides = array<i32>} : memref<4x1000x128xf32, #tpu.memory_space<vmem>>, vector<1x1000x128xf32>,
    %get3A_26 = arith.constant 2 : index
    %get3A_27 = arith.constant 0 : index
    %get3A_28 = arith.constant 0 : index
    %get3A_29 = vector.load %arg2[%get3A_26, %get3A_27, %get3A_28] : memref<4x128x128xf32, #tpu.memory_space<vmem>>, vector<1x128x128xf32>
    %get3A_30 = vector.shape_cast %get3A_29 : vector<1x128x128xf32> to vector<128x128xf32>
    %dot_general3A_31 = arith.constant dense<0.000000e+00> : vector<1000x128xf32>
    %dot_general3A_32 = tpu.matmul %get3A_1, %get3A_30, %dot_general3A_31 {dimension_numbers = #tpu.dot_dimension_numbers<[1], [0], [0], [1], [0, 0, 1, 1], [], []>, transpose_lhs_hint = false} : vector<1000x128xf32>, vector<128x128xf32>, vector<1000x128xf32> -> vector<1000x128xf32>
    %swap3A_33 = arith.constant 2 : index
    %swap3A_34 = arith.constant 0 : index
    %swap3A_35 = arith.constant 0 : index
    %swap3A_36 = vector.load %arg5[%swap3A_33, %swap3A_34, %swap3A_35] : memref<4x1000x128xf32, #tpu.memory_space<vmem>>, vector<1x1000x128xf32>
    %swap3A_37 = vector.shape_cast %swap3A_36 : vector<1x1000x128xf32> to vector<1000x128xf32>
    %swap3A_38 = vector.shape_cast %dot_general3A_32 : vector<1000x128xf32> to vector<1x1000x128xf32>
    tpu.vector_store %arg5[%swap3A_33, %swap3A_34, %swap3A_35], %swap3A_38 {strides = array<i32>} : memref<4x1000x128xf32, #tpu.memory_space<vmem>>, vector<1x1000x128xf32>,
    %get3A_39 = arith.constant 3 : index
    %get3A_40 = arith.constant 0 : index
    %get3A_41 = arith.constant 0 : index
    %get3A_42 = vector.load %arg2[%get3A_39, %get3A_40, %get3A_41] : memref<4x128x128xf32, #tpu.memory_space<vmem>>, vector<1x128x128xf32>
    %get3A_43 = vector.shape_cast %get3A_42 : vector<1x128x128xf32> to vector<128x128xf32>
    %dot_general3A_44 = arith.constant dense<0.000000e+00> : vector<1000x128xf32>
    %dot_general3A_45 = tpu.matmul %get3A_1, %get3A_43, %dot_general3A_44 {dimension_numbers = #tpu.dot_dimension_numbers<[1], [0], [0], [1], [0, 0, 1, 1], [], []>, transpose_lhs_hint = false} : vector<1000x128xf32>, vector<128x128xf32>, vector<1000x128xf32> -> vector<1000x128xf32>
    %swap3A_46 = arith.constant 3 : index
    %swap3A_47 = arith.constant 0 : index
    %swap3A_48 = arith.constant 0 : index
    %swap3A_49 = vector.load %arg5[%swap3A_46, %swap3A_47, %swap3A_48] : memref<4x1000x128xf32, #tpu.memory_space<vmem>>, vector<1x1000x128xf32>
    %swap3A_50 = vector.shape_cast %swap3A_49 : vector<1x1000x128xf32> to vector<1000x128xf32>
    %swap3A_51 = vector.shape_cast %dot_general3A_45 : vector<1000x128xf32> to vector<1x1000x128xf32>
    tpu.vector_store %arg5[%swap3A_46, %swap3A_47, %swap3A_48], %swap3A_51 {strides = array<i32>} : memref<4x1000x128xf32, #tpu.memory_space<vmem>>, vector<1x1000x128xf32>,
    %get3A_52 = arith.constant 0 : index
    %get3A_53 = arith.constant 0 : index
    %get3A_54 = vector.load %arg3[%get3A_52, %get3A_53] : memref<128x128xf32, #tpu.memory_space<vmem>>, vector<128x128xf32>
    %dot_general3A_55 = arith.constant dense<0.000000e+00> : vector<1000x128xf32>
    %dot_general3A_56 = tpu.matmul %get3A_1, %get3A_54, %dot_general3A_55 {dimension_numbers = #tpu.dot_dimension_numbers<[1], [0], [0], [1], [0, 0, 1, 1], [], []>, transpose_lhs_hint = false} : vector<1000x128xf32>, vector<128x128xf32>, vector<1000x128xf32> -> vector<1000x128xf32>
    %get3A_57 = arith.constant 0 : index
    %get3A_58 = arith.constant 0 : index
    %get3A_59 = vector.load %arg4[%get3A_57, %get3A_58] : memref<1x128xf32, #tpu.memory_space<vmem>>, vector<1x128xf32>
    %add3A = vector.broadcast %get3A_59 : vector<1x128xf32> to vector<1000x128xf32>
    %add3A_60 = arith.addf %dot_general3A_56, %add3A : vector<1000x128xf32>
    %swap3A_61 = arith.constant 0 : index
    %swap3A_62 = arith.constant 0 : index
    %swap3A_63 = vector.load %arg6[%swap3A_61, %swap3A_62] : memref<1000x128xf32, #tpu.memory_space<vmem>>, vector<1000x128xf32>
    tpu.vector_store %arg6[%swap3A_61, %swap3A_62], %add3A_60 {strides = array<i32>} : memref<1000x128xf32, #tpu.memory_space<vmem>>, vector<1000x128xf32>,
    return
  }
  func.func @transform_0(%arg0: i32) -> (i32, i32) {
    %c0_i32 = arith.constant 0 : i32
    %c0_i32_0 = arith.constant 0 : i32
    return %arg0, %c0_i32 : i32, i32
  }
  func.func @transform_1(%arg0: i32) -> (i32, i32, i32) {
    %c0_i32 = arith.constant 0 : i32
    %c0_i32_0 = arith.constant 0 : i32
    %c0_i32_1 = arith.constant 0 : i32
    %c0_i32_2 = arith.constant 0 : i32
    return %c0_i32, %c0_i32_0, %c0_i32_1 : i32, i32, i32
  }
  func.func @transform_2(%arg0: i32) -> (i32, i32) {
    %c0_i32 = arith.constant 0 : i32
    %c0_i32_0 = arith.constant 0 : i32
    %c0_i32_1 = arith.constant 0 : i32
    return %c0_i32, %c0_i32_0 : i32, i32
  }
  func.func @transform_3(%arg0: i32) -> (i32, i32) {
    %c0_i32 = arith.constant 0 : i32
    %c0_i32_0 = arith.constant 0 : i32
    %c0_i32_1 = arith.constant 0 : i32
    return %c0_i32, %c0_i32_0 : i32, i32
  }
  func.func @transform_4(%arg0: i32) -> (i32, i32, i32) {
    %c0_i32 = arith.constant 0 : i32
    %c0_i32_0 = arith.constant 0 : i32
    %c0_i32_1 = arith.constant 0 : i32
    return %c0_i32, %arg0, %c0_i32_0 : i32, i32, i32
  }
  func.func @transform_5(%arg0: i32) -> (i32, i32) {
    %c0_i32 = arith.constant 0 : i32
    %c0_i32_0 = arith.constant 0 : i32
    return %arg0, %c0_i32 : i32, i32
  }
}

module attributes {stable_mosaic.version = 14 : i64} {
  func.func @_tcb_body(%arg0: i32, %arg1: memref<2x1000x128xf32, #tpu.memory_space<vmem>>, %arg2: memref<1000x128xf32, #tpu.memory_space<vmem>>, %arg3: memref<4x128x128xf32, #tpu.memory_space<vmem>>, %arg4: memref<128x128xf32, #tpu.memory_space<vmem>>, %arg5: memref<1x128xf32, #tpu.memory_space<vmem>>, %arg6: memref<4x1000x128xf32, #tpu.memory_space<vmem>>, %arg7: memref<1000x128xf32, #tpu.memory_space<vmem>>) attributes {dimension_semantics = [#tpu.dimension_semantics<arbitrary>], iteration_bounds = array<i64: 10>, scalar_prefetch = 0 : i64, scratch_operands = 0 : i64, tpu.core_type = #tpu.core_type<tc>, window_params = [{transform_indices = @transform_0, window_bounds = array<i64: 2, 1000, 128>}, {transform_indices = @transform_1, window_bounds = array<i64: 1000, 128>}, {pipeline_mode = #tpu.pipeline_mode<synchronous>, transform_indices = @transform_2, window_bounds = array<i64: 4, 128, 128>}, {pipeline_mode = #tpu.pipeline_mode<synchronous>, transform_indices = @transform_3, window_bounds = array<i64: 128, 128>}, {pipeline_mode = #tpu.pipeline_mode<synchronous>, transform_indices = @transform_4, window_bounds = array<i64: 1, 128>}, {transform_indices = @transform_5, window_bounds = array<i64: 4, 1000, 128>}, {transform_indices = @transform_6, window_bounds = array<i64: 1000, 128>}]} {
    %get3A = arith.constant 0 : index
    %get3A_0 = arith.constant 0 : index
    %get3A_1 = arith.constant 0 : index
    %get3A_2 = vector.load %arg1[%get3A, %get3A_0, %get3A_1] : memref<2x1000x128xf32, #tpu.memory_space<vmem>>, vector<1x1000x128xf32>
    %get3A_3 = vector.shape_cast %get3A_2 : vector<1x1000x128xf32> to vector<1000x128xf32>
    %get3A_4 = arith.constant 1 : index
    %get3A_5 = arith.constant 0 : index
    %get3A_6 = arith.constant 0 : index
    %get3A_7 = vector.load %arg1[%get3A_4, %get3A_5, %get3A_6] : memref<2x1000x128xf32, #tpu.memory_space<vmem>>, vector<1x1000x128xf32>
    %get3A_8 = vector.shape_cast %get3A_7 : vector<1x1000x128xf32> to vector<1000x128xf32>
    %add3A = arith.addf %get3A_3, %get3A_8 : vector<1000x128xf32>
    %get3A_9 = arith.constant 0 : index
    %get3A_10 = arith.constant 0 : index
    %get3A_11 = vector.load %arg2[%get3A_9, %get3A_10] : memref<1000x128xf32, #tpu.memory_space<vmem>>, vector<1000x128xf32>
    %add3A_12 = arith.addf %add3A, %get3A_11 : vector<1000x128xf32>
    %max3A = arith.constant 0.000000e+00 : f32
    %max3A_13 = vector.broadcast %max3A : f32 to vector<1000x128xf32>
    %max3A_14 = arith.maximumf %add3A_12, %max3A_13 : vector<1000x128xf32>
    %get3A_15 = arith.constant 0 : index
    %get3A_16 = arith.constant 0 : index
    %get3A_17 = arith.constant 0 : index
    %get3A_18 = vector.load %arg3[%get3A_15, %get3A_16, %get3A_17] : memref<4x128x128xf32, #tpu.memory_space<vmem>>, vector<1x128x128xf32>
    %get3A_19 = vector.shape_cast %get3A_18 : vector<1x128x128xf32> to vector<128x128xf32>
    %dot_general3A = arith.constant dense<0.000000e+00> : vector<1000x128xf32>
    %dot_general3A_20 = tpu.matmul %max3A_14, %get3A_19, %dot_general3A {dimension_numbers = #tpu.dot_dimension_numbers<[1], [0], [0], [1], [0, 0, 1, 1], [], []>, transpose_lhs_hint = false} : vector<1000x128xf32>, vector<128x128xf32>, vector<1000x128xf32> -> vector<1000x128xf32>
    %swap3A = arith.constant 0 : index
    %swap3A_21 = arith.constant 0 : index
    %swap3A_22 = arith.constant 0 : index
    %swap3A_23 = vector.load %arg6[%swap3A, %swap3A_21, %swap3A_22] : memref<4x1000x128xf32, #tpu.memory_space<vmem>>, vector<1x1000x128xf32>
    %swap3A_24 = vector.shape_cast %swap3A_23 : vector<1x1000x128xf32> to vector<1000x128xf32>
    %swap3A_25 = vector.shape_cast %dot_general3A_20 : vector<1000x128xf32> to vector<1x1000x128xf32>
    tpu.vector_store %arg6[%swap3A, %swap3A_21, %swap3A_22], %swap3A_25 {strides = array<i32>} : memref<4x1000x128xf32, #tpu.memory_space<vmem>>, vector<1x1000x128xf32>,
    %get3A_26 = arith.constant 1 : index
    %get3A_27 = arith.constant 0 : index
    %get3A_28 = arith.constant 0 : index
    %get3A_29 = vector.load %arg3[%get3A_26, %get3A_27, %get3A_28] : memref<4x128x128xf32, #tpu.memory_space<vmem>>, vector<1x128x128xf32>
    %get3A_30 = vector.shape_cast %get3A_29 : vector<1x128x128xf32> to vector<128x128xf32>
    %dot_general3A_31 = arith.constant dense<0.000000e+00> : vector<1000x128xf32>
    %dot_general3A_32 = tpu.matmul %max3A_14, %get3A_30, %dot_general3A_31 {dimension_numbers = #tpu.dot_dimension_numbers<[1], [0], [0], [1], [0, 0, 1, 1], [], []>, transpose_lhs_hint = false} : vector<1000x128xf32>, vector<128x128xf32>, vector<1000x128xf32> -> vector<1000x128xf32>
    %swap3A_33 = arith.constant 1 : index
    %swap3A_34 = arith.constant 0 : index
    %swap3A_35 = arith.constant 0 : index
    %swap3A_36 = vector.load %arg6[%swap3A_33, %swap3A_34, %swap3A_35] : memref<4x1000x128xf32, #tpu.memory_space<vmem>>, vector<1x1000x128xf32>
    %swap3A_37 = vector.shape_cast %swap3A_36 : vector<1x1000x128xf32> to vector<1000x128xf32>
    %swap3A_38 = vector.shape_cast %dot_general3A_32 : vector<1000x128xf32> to vector<1x1000x128xf32>
    tpu.vector_store %arg6[%swap3A_33, %swap3A_34, %swap3A_35], %swap3A_38 {strides = array<i32>} : memref<4x1000x128xf32, #tpu.memory_space<vmem>>, vector<1x1000x128xf32>,
    %get3A_39 = arith.constant 2 : index
    %get3A_40 = arith.constant 0 : index
    %get3A_41 = arith.constant 0 : index
    %get3A_42 = vector.load %arg3[%get3A_39, %get3A_40, %get3A_41] : memref<4x128x128xf32, #tpu.memory_space<vmem>>, vector<1x128x128xf32>
    %get3A_43 = vector.shape_cast %get3A_42 : vector<1x128x128xf32> to vector<128x128xf32>
    %dot_general3A_44 = arith.constant dense<0.000000e+00> : vector<1000x128xf32>
    %dot_general3A_45 = tpu.matmul %max3A_14, %get3A_43, %dot_general3A_44 {dimension_numbers = #tpu.dot_dimension_numbers<[1], [0], [0], [1], [0, 0, 1, 1], [], []>, transpose_lhs_hint = false} : vector<1000x128xf32>, vector<128x128xf32>, vector<1000x128xf32> -> vector<1000x128xf32>
    %swap3A_46 = arith.constant 2 : index
    %swap3A_47 = arith.constant 0 : index
    %swap3A_48 = arith.constant 0 : index
    %swap3A_49 = vector.load %arg6[%swap3A_46, %swap3A_47, %swap3A_48] : memref<4x1000x128xf32, #tpu.memory_space<vmem>>, vector<1x1000x128xf32>
    %swap3A_50 = vector.shape_cast %swap3A_49 : vector<1x1000x128xf32> to vector<1000x128xf32>
    %swap3A_51 = vector.shape_cast %dot_general3A_45 : vector<1000x128xf32> to vector<1x1000x128xf32>
    tpu.vector_store %arg6[%swap3A_46, %swap3A_47, %swap3A_48], %swap3A_51 {strides = array<i32>} : memref<4x1000x128xf32, #tpu.memory_space<vmem>>, vector<1x1000x128xf32>,
    %get3A_52 = arith.constant 3 : index
    %get3A_53 = arith.constant 0 : index
    %get3A_54 = arith.constant 0 : index
    %get3A_55 = vector.load %arg3[%get3A_52, %get3A_53, %get3A_54] : memref<4x128x128xf32, #tpu.memory_space<vmem>>, vector<1x128x128xf32>
    %get3A_56 = vector.shape_cast %get3A_55 : vector<1x128x128xf32> to vector<128x128xf32>
    %dot_general3A_57 = arith.constant dense<0.000000e+00> : vector<1000x128xf32>
    %dot_general3A_58 = tpu.matmul %max3A_14, %get3A_56, %dot_general3A_57 {dimension_numbers = #tpu.dot_dimension_numbers<[1], [0], [0], [1], [0, 0, 1, 1], [], []>, transpose_lhs_hint = false} : vector<1000x128xf32>, vector<128x128xf32>, vector<1000x128xf32> -> vector<1000x128xf32>
    %swap3A_59 = arith.constant 3 : index
    %swap3A_60 = arith.constant 0 : index
    %swap3A_61 = arith.constant 0 : index
    %swap3A_62 = vector.load %arg6[%swap3A_59, %swap3A_60, %swap3A_61] : memref<4x1000x128xf32, #tpu.memory_space<vmem>>, vector<1x1000x128xf32>
    %swap3A_63 = vector.shape_cast %swap3A_62 : vector<1x1000x128xf32> to vector<1000x128xf32>
    %swap3A_64 = vector.shape_cast %dot_general3A_58 : vector<1000x128xf32> to vector<1x1000x128xf32>
    tpu.vector_store %arg6[%swap3A_59, %swap3A_60, %swap3A_61], %swap3A_64 {strides = array<i32>} : memref<4x1000x128xf32, #tpu.memory_space<vmem>>, vector<1x1000x128xf32>,
    %get3A_65 = arith.constant 0 : index
    %get3A_66 = arith.constant 0 : index
    %get3A_67 = vector.load %arg4[%get3A_65, %get3A_66] : memref<128x128xf32, #tpu.memory_space<vmem>>, vector<128x128xf32>
    %dot_general3A_68 = arith.constant dense<0.000000e+00> : vector<1000x128xf32>
    %dot_general3A_69 = tpu.matmul %max3A_14, %get3A_67, %dot_general3A_68 {dimension_numbers = #tpu.dot_dimension_numbers<[1], [0], [0], [1], [0, 0, 1, 1], [], []>, transpose_lhs_hint = false} : vector<1000x128xf32>, vector<128x128xf32>, vector<1000x128xf32> -> vector<1000x128xf32>
    %get3A_70 = arith.constant 0 : index
    %get3A_71 = arith.constant 0 : index
    %get3A_72 = vector.load %arg5[%get3A_70, %get3A_71] : memref<1x128xf32, #tpu.memory_space<vmem>>, vector<1x128xf32>
    %add3A_73 = vector.broadcast %get3A_72 : vector<1x128xf32> to vector<1000x128xf32>
    %add3A_74 = arith.addf %dot_general3A_69, %add3A_73 : vector<1000x128xf32>
    %swap3A_75 = arith.constant 0 : index
    %swap3A_76 = arith.constant 0 : index
    %swap3A_77 = vector.load %arg7[%swap3A_75, %swap3A_76] : memref<1000x128xf32, #tpu.memory_space<vmem>>, vector<1000x128xf32>
    tpu.vector_store %arg7[%swap3A_75, %swap3A_76], %add3A_74 {strides = array<i32>} : memref<1000x128xf32, #tpu.memory_space<vmem>>, vector<1000x128xf32>,
    return
  }
  func.func @transform_0(%arg0: i32) -> (i32, i32, i32) {
    %c0_i32 = arith.constant 0 : i32
    %c0_i32_0 = arith.constant 0 : i32
    %c0_i32_1 = arith.constant 0 : i32
    return %c0_i32, %arg0, %c0_i32_0 : i32, i32, i32
  }
  func.func @transform_1(%arg0: i32) -> (i32, i32) {
    %c0_i32 = arith.constant 0 : i32
    %c0_i32_0 = arith.constant 0 : i32
    return %arg0, %c0_i32 : i32, i32
  }
  func.func @transform_2(%arg0: i32) -> (i32, i32, i32) {
    %c0_i32 = arith.constant 0 : i32
    %c0_i32_0 = arith.constant 0 : i32
    %c0_i32_1 = arith.constant 0 : i32
    %c0_i32_2 = arith.constant 0 : i32
    return %c0_i32, %c0_i32_0, %c0_i32_1 : i32, i32, i32
  }
  func.func @transform_3(%arg0: i32) -> (i32, i32) {
    %c0_i32 = arith.constant 0 : i32
    %c0_i32_0 = arith.constant 0 : i32
    %c0_i32_1 = arith.constant 0 : i32
    return %c0_i32, %c0_i32_0 : i32, i32
  }
  func.func @transform_4(%arg0: i32) -> (i32, i32) {
    %c0_i32 = arith.constant 0 : i32
    %c0_i32_0 = arith.constant 0 : i32
    %c0_i32_1 = arith.constant 0 : i32
    return %c0_i32, %c0_i32_0 : i32, i32
  }
  func.func @transform_5(%arg0: i32) -> (i32, i32, i32) {
    %c0_i32 = arith.constant 0 : i32
    %c0_i32_0 = arith.constant 0 : i32
    %c0_i32_1 = arith.constant 0 : i32
    return %c0_i32, %arg0, %c0_i32_0 : i32, i32, i32
  }
  func.func @transform_6(%arg0: i32) -> (i32, i32) {
    %c0_i32 = arith.constant 0 : i32
    %c0_i32_0 = arith.constant 0 : i32
    return %arg0, %c0_i32 : i32, i32
  }
}

module attributes {stable_mosaic.version = 14 : i64} {
  func.func @_tcc_body(%arg0: i32, %arg1: memref<2x1000x128xf32, #tpu.memory_space<vmem>>, %arg2: memref<1000x128xf32, #tpu.memory_space<vmem>>, %arg3: memref<4x128x128xf32, #tpu.memory_space<vmem>>, %arg4: memref<128x128xf32, #tpu.memory_space<vmem>>, %arg5: memref<1x128xf32, #tpu.memory_space<vmem>>, %arg6: memref<4x128x128xf32, #tpu.memory_space<vmem>>, %arg7: memref<128x128xf32, #tpu.memory_space<vmem>>, %arg8: memref<1x128xf32, #tpu.memory_space<vmem>>, %arg9: memref<4x1000x128xf32, #tpu.memory_space<vmem>>, %arg10: memref<1000x128xf32, #tpu.memory_space<vmem>>, %arg11: memref<4x1000x128xf32, #tpu.memory_space<vmem>>, %arg12: memref<1000x128xf32, #tpu.memory_space<vmem>>) attributes {dimension_semantics = [#tpu.dimension_semantics<arbitrary>], iteration_bounds = array<i64: 10>, scalar_prefetch = 0 : i64, scratch_operands = 0 : i64, tpu.core_type = #tpu.core_type<tc>, window_params = [{transform_indices = @transform_0, window_bounds = array<i64: 2, 1000, 128>}, {transform_indices = @transform_1, window_bounds = array<i64: 1000, 128>}, {pipeline_mode = #tpu.pipeline_mode<synchronous>, transform_indices = @transform_2, window_bounds = array<i64: 4, 128, 128>}, {pipeline_mode = #tpu.pipeline_mode<synchronous>, transform_indices = @transform_3, window_bounds = array<i64: 128, 128>}, {pipeline_mode = #tpu.pipeline_mode<synchronous>, transform_indices = @transform_4, window_bounds = array<i64: 1, 128>}, {pipeline_mode = #tpu.pipeline_mode<synchronous>, transform_indices = @transform_5, window_bounds = array<i64: 4, 128, 128>}, {pipeline_mode = #tpu.pipeline_mode<synchronous>, transform_indices = @transform_6, window_bounds = array<i64: 128, 128>}, {pipeline_mode = #tpu.pipeline_mode<synchronous>, transform_indices = @transform_7, window_bounds = array<i64: 1, 128>}, {transform_indices = @transform_8, window_bounds = array<i64: 4, 1000, 128>}, {transform_indices = @transform_9, window_bounds = array<i64: 1000, 128>}, {transform_indices = @transform_10, window_bounds = array<i64: 4, 1000, 128>}, {transform_indices = @transform_11, window_bounds = array<i64: 1000, 128>}]} {
    %get3A = arith.constant 0 : index
    %get3A_0 = arith.constant 0 : index
    %get3A_1 = arith.constant 0 : index
    %get3A_2 = vector.load %arg1[%get3A, %get3A_0, %get3A_1] : memref<2x1000x128xf32, #tpu.memory_space<vmem>>, vector<1x1000x128xf32>
    %get3A_3 = vector.shape_cast %get3A_2 : vector<1x1000x128xf32> to vector<1000x128xf32>
    %get3A_4 = arith.constant 1 : index
    %get3A_5 = arith.constant 0 : index
    %get3A_6 = arith.constant 0 : index
    %get3A_7 = vector.load %arg1[%get3A_4, %get3A_5, %get3A_6] : memref<2x1000x128xf32, #tpu.memory_space<vmem>>, vector<1x1000x128xf32>
    %get3A_8 = vector.shape_cast %get3A_7 : vector<1x1000x128xf32> to vector<1000x128xf32>
    %add3A = arith.addf %get3A_3, %get3A_8 : vector<1000x128xf32>
    %get3A_9 = arith.constant 0 : index
    %get3A_10 = arith.constant 0 : index
    %get3A_11 = vector.load %arg2[%get3A_9, %get3A_10] : memref<1000x128xf32, #tpu.memory_space<vmem>>, vector<1000x128xf32>
    %add3A_12 = arith.addf %add3A, %get3A_11 : vector<1000x128xf32>
    %max3A = arith.constant 0.000000e+00 : f32
    %max3A_13 = vector.broadcast %max3A : f32 to vector<1000x128xf32>
    %max3A_14 = arith.maximumf %add3A_12, %max3A_13 : vector<1000x128xf32>
    %get3A_15 = arith.constant 0 : index
    %get3A_16 = arith.constant 0 : index
    %get3A_17 = arith.constant 0 : index
    %get3A_18 = vector.load %arg3[%get3A_15, %get3A_16, %get3A_17] : memref<4x128x128xf32, #tpu.memory_space<vmem>>, vector<1x128x128xf32>
    %get3A_19 = vector.shape_cast %get3A_18 : vector<1x128x128xf32> to vector<128x128xf32>
    %dot_general3A = arith.constant dense<0.000000e+00> : vector<1000x128xf32>
    %dot_general3A_20 = tpu.matmul %max3A_14, %get3A_19, %dot_general3A {dimension_numbers = #tpu.dot_dimension_numbers<[1], [0], [0], [1], [0, 0, 1, 1], [], []>, transpose_lhs_hint = false} : vector<1000x128xf32>, vector<128x128xf32>, vector<1000x128xf32> -> vector<1000x128xf32>
    %swap3A = arith.constant 0 : index
    %swap3A_21 = arith.constant 0 : index
    %swap3A_22 = arith.constant 0 : index
    %swap3A_23 = vector.load %arg9[%swap3A, %swap3A_21, %swap3A_22] : memref<4x1000x128xf32, #tpu.memory_space<vmem>>, vector<1x1000x128xf32>
    %swap3A_24 = vector.shape_cast %swap3A_23 : vector<1x1000x128xf32> to vector<1000x128xf32>
    %swap3A_25 = vector.shape_cast %dot_general3A_20 : vector<1000x128xf32> to vector<1x1000x128xf32>
    tpu.vector_store %arg9[%swap3A, %swap3A_21, %swap3A_22], %swap3A_25 {strides = array<i32>} : memref<4x1000x128xf32, #tpu.memory_space<vmem>>, vector<1x1000x128xf32>,
    %get3A_26 = arith.constant 0 : index
    %get3A_27 = arith.constant 0 : index
    %get3A_28 = arith.constant 0 : index
    %get3A_29 = vector.load %arg6[%get3A_26, %get3A_27, %get3A_28] : memref<4x128x128xf32, #tpu.memory_space<vmem>>, vector<1x128x128xf32>
    %get3A_30 = vector.shape_cast %get3A_29 : vector<1x128x128xf32> to vector<128x128xf32>
    %dot_general3A_31 = arith.constant dense<0.000000e+00> : vector<1000x128xf32>
    %dot_general3A_32 = tpu.matmul %max3A_14, %get3A_30, %dot_general3A_31 {dimension_numbers = #tpu.dot_dimension_numbers<[1], [0], [0], [1], [0, 0, 1, 1], [], []>, transpose_lhs_hint = false} : vector<1000x128xf32>, vector<128x128xf32>, vector<1000x128xf32> -> vector<1000x128xf32>
    %swap3A_33 = arith.constant 0 : index
    %swap3A_34 = arith.constant 0 : index
    %swap3A_35 = arith.constant 0 : index
    %swap3A_36 = vector.load %arg11[%swap3A_33, %swap3A_34, %swap3A_35] : memref<4x1000x128xf32, #tpu.memory_space<vmem>>, vector<1x1000x128xf32>
    %swap3A_37 = vector.shape_cast %swap3A_36 : vector<1x1000x128xf32> to vector<1000x128xf32>
    %swap3A_38 = vector.shape_cast %dot_general3A_32 : vector<1000x128xf32> to vector<1x1000x128xf32>
    tpu.vector_store %arg11[%swap3A_33, %swap3A_34, %swap3A_35], %swap3A_38 {strides = array<i32>} : memref<4x1000x128xf32, #tpu.memory_space<vmem>>, vector<1x1000x128xf32>,
    %get3A_39 = arith.constant 1 : index
    %get3A_40 = arith.constant 0 : index
    %get3A_41 = arith.constant 0 : index
    %get3A_42 = vector.load %arg3[%get3A_39, %get3A_40, %get3A_41] : memref<4x128x128xf32, #tpu.memory_space<vmem>>, vector<1x128x128xf32>
    %get3A_43 = vector.shape_cast %get3A_42 : vector<1x128x128xf32> to vector<128x128xf32>
    %dot_general3A_44 = arith.constant dense<0.000000e+00> : vector<1000x128xf32>
    %dot_general3A_45 = tpu.matmul %max3A_14, %get3A_43, %dot_general3A_44 {dimension_numbers = #tpu.dot_dimension_numbers<[1], [0], [0], [1], [0, 0, 1, 1], [], []>, transpose_lhs_hint = false} : vector<1000x128xf32>, vector<128x128xf32>, vector<1000x128xf32> -> vector<1000x128xf32>
    %swap3A_46 = arith.constant 1 : index
    %swap3A_47 = arith.constant 0 : index
    %swap3A_48 = arith.constant 0 : index
    %swap3A_49 = vector.load %arg9[%swap3A_46, %swap3A_47, %swap3A_48] : memref<4x1000x128xf32, #tpu.memory_space<vmem>>, vector<1x1000x128xf32>
    %swap3A_50 = vector.shape_cast %swap3A_49 : vector<1x1000x128xf32> to vector<1000x128xf32>
    %swap3A_51 = vector.shape_cast %dot_general3A_45 : vector<1000x128xf32> to vector<1x1000x128xf32>
    tpu.vector_store %arg9[%swap3A_46, %swap3A_47, %swap3A_48], %swap3A_51 {strides = array<i32>} : memref<4x1000x128xf32, #tpu.memory_space<vmem>>, vector<1x1000x128xf32>,
    %get3A_52 = arith.constant 1 : index
    %get3A_53 = arith.constant 0 : index
    %get3A_54 = arith.constant 0 : index
    %get3A_55 = vector.load %arg6[%get3A_52, %get3A_53, %get3A_54] : memref<4x128x128xf32, #tpu.memory_space<vmem>>, vector<1x128x128xf32>
    %get3A_56 = vector.shape_cast %get3A_55 : vector<1x128x128xf32> to vector<128x128xf32>
    %dot_general3A_57 = arith.constant dense<0.000000e+00> : vector<1000x128xf32>
    %dot_general3A_58 = tpu.matmul %max3A_14, %get3A_56, %dot_general3A_57 {dimension_numbers = #tpu.dot_dimension_numbers<[1], [0], [0], [1], [0, 0, 1, 1], [], []>, transpose_lhs_hint = false} : vector<1000x128xf32>, vector<128x128xf32>, vector<1000x128xf32> -> vector<1000x128xf32>
    %swap3A_59 = arith.constant 1 : index
    %swap3A_60 = arith.constant 0 : index
    %swap3A_61 = arith.constant 0 : index
    %swap3A_62 = vector.load %arg11[%swap3A_59, %swap3A_60, %swap3A_61] : memref<4x1000x128xf32, #tpu.memory_space<vmem>>, vector<1x1000x128xf32>
    %swap3A_63 = vector.shape_cast %swap3A_62 : vector<1x1000x128xf32> to vector<1000x128xf32>
    %swap3A_64 = vector.shape_cast %dot_general3A_58 : vector<1000x128xf32> to vector<1x1000x128xf32>
    tpu.vector_store %arg11[%swap3A_59, %swap3A_60, %swap3A_61], %swap3A_64 {strides = array<i32>} : memref<4x1000x128xf32, #tpu.memory_space<vmem>>, vector<1x1000x128xf32>,
    %get3A_65 = arith.constant 2 : index
    %get3A_66 = arith.constant 0 : index
    %get3A_67 = arith.constant 0 : index
    %get3A_68 = vector.load %arg3[%get3A_65, %get3A_66, %get3A_67] : memref<4x128x128xf32, #tpu.memory_space<vmem>>, vector<1x128x128xf32>
    %get3A_69 = vector.shape_cast %get3A_68 : vector<1x128x128xf32> to vector<128x128xf32>
    %dot_general3A_70 = arith.constant dense<0.000000e+00> : vector<1000x128xf32>
    %dot_general3A_71 = tpu.matmul %max3A_14, %get3A_69, %dot_general3A_70 {dimension_numbers = #tpu.dot_dimension_numbers<[1], [0], [0], [1], [0, 0, 1, 1], [], []>, transpose_lhs_hint = false} : vector<1000x128xf32>, vector<128x128xf32>, vector<1000x128xf32> -> vector<1000x128xf32>
    %swap3A_72 = arith.constant 2 : index
    %swap3A_73 = arith.constant 0 : index
    %swap3A_74 = arith.constant 0 : index
    %swap3A_75 = vector.load %arg9[%swap3A_72, %swap3A_73, %swap3A_74] : memref<4x1000x128xf32, #tpu.memory_space<vmem>>, vector<1x1000x128xf32>
    %swap3A_76 = vector.shape_cast %swap3A_75 : vector<1x1000x128xf32> to vector<1000x128xf32>
    %swap3A_77 = vector.shape_cast %dot_general3A_71 : vector<1000x128xf32> to vector<1x1000x128xf32>
    tpu.vector_store %arg9[%swap3A_72, %swap3A_73, %swap3A_74], %swap3A_77 {strides = array<i32>} : memref<4x1000x128xf32, #tpu.memory_space<vmem>>, vector<1x1000x128xf32>,
    %get3A_78 = arith.constant 2 : index
    %get3A_79 = arith.constant 0 : index
    %get3A_80 = arith.constant 0 : index
    %get3A_81 = vector.load %arg6[%get3A_78, %get3A_79, %get3A_80] : memref<4x128x128xf32, #tpu.memory_space<vmem>>, vector<1x128x128xf32>
    %get3A_82 = vector.shape_cast %get3A_81 : vector<1x128x128xf32> to vector<128x128xf32>
    %dot_general3A_83 = arith.constant dense<0.000000e+00> : vector<1000x128xf32>
    %dot_general3A_84 = tpu.matmul %max3A_14, %get3A_82, %dot_general3A_83 {dimension_numbers = #tpu.dot_dimension_numbers<[1], [0], [0], [1], [0, 0, 1, 1], [], []>, transpose_lhs_hint = false} : vector<1000x128xf32>, vector<128x128xf32>, vector<1000x128xf32> -> vector<1000x128xf32>
    %swap3A_85 = arith.constant 2 : index
    %swap3A_86 = arith.constant 0 : index
    %swap3A_87 = arith.constant 0 : index
    %swap3A_88 = vector.load %arg11[%swap3A_85, %swap3A_86, %swap3A_87] : memref<4x1000x128xf32, #tpu.memory_space<vmem>>, vector<1x1000x128xf32>
    %swap3A_89 = vector.shape_cast %swap3A_88 : vector<1x1000x128xf32> to vector<1000x128xf32>
    %swap3A_90 = vector.shape_cast %dot_general3A_84 : vector<1000x128xf32> to vector<1x1000x128xf32>
    tpu.vector_store %arg11[%swap3A_85, %swap3A_86, %swap3A_87], %swap3A_90 {strides = array<i32>} : memref<4x1000x128xf32, #tpu.memory_space<vmem>>, vector<1x1000x128xf32>,
    %get3A_91 = arith.constant 3 : index
    %get3A_92 = arith.constant 0 : index
    %get3A_93 = arith.constant 0 : index
    %get3A_94 = vector.load %arg3[%get3A_91, %get3A_92, %get3A_93] : memref<4x128x128xf32, #tpu.memory_space<vmem>>, vector<1x128x128xf32>
    %get3A_95 = vector.shape_cast %get3A_94 : vector<1x128x128xf32> to vector<128x128xf32>
    %dot_general3A_96 = arith.constant dense<0.000000e+00> : vector<1000x128xf32>
    %dot_general3A_97 = tpu.matmul %max3A_14, %get3A_95, %dot_general3A_96 {dimension_numbers = #tpu.dot_dimension_numbers<[1], [0], [0], [1], [0, 0, 1, 1], [], []>, transpose_lhs_hint = false} : vector<1000x128xf32>, vector<128x128xf32>, vector<1000x128xf32> -> vector<1000x128xf32>
    %swap3A_98 = arith.constant 3 : index
    %swap3A_99 = arith.constant 0 : index
    %swap3A_100 = arith.constant 0 : index
    %swap3A_101 = vector.load %arg9[%swap3A_98, %swap3A_99, %swap3A_100] : memref<4x1000x128xf32, #tpu.memory_space<vmem>>, vector<1x1000x128xf32>
    %swap3A_102 = vector.shape_cast %swap3A_101 : vector<1x1000x128xf32> to vector<1000x128xf32>
    %swap3A_103 = vector.shape_cast %dot_general3A_97 : vector<1000x128xf32> to vector<1x1000x128xf32>
    tpu.vector_store %arg9[%swap3A_98, %swap3A_99, %swap3A_100], %swap3A_103 {strides = array<i32>} : memref<4x1000x128xf32, #tpu.memory_space<vmem>>, vector<1x1000x128xf32>,
    %get3A_104 = arith.constant 3 : index
    %get3A_105 = arith.constant 0 : index
    %get3A_106 = arith.constant 0 : index
    %get3A_107 = vector.load %arg6[%get3A_104, %get3A_105, %get3A_106] : memref<4x128x128xf32, #tpu.memory_space<vmem>>, vector<1x128x128xf32>
    %get3A_108 = vector.shape_cast %get3A_107 : vector<1x128x128xf32> to vector<128x128xf32>
    %dot_general3A_109 = arith.constant dense<0.000000e+00> : vector<1000x128xf32>
    %dot_general3A_110 = tpu.matmul %max3A_14, %get3A_108, %dot_general3A_109 {dimension_numbers = #tpu.dot_dimension_numbers<[1], [0], [0], [1], [0, 0, 1, 1], [], []>, transpose_lhs_hint = false} : vector<1000x128xf32>, vector<128x128xf32>, vector<1000x128xf32> -> vector<1000x128xf32>
    %swap3A_111 = arith.constant 3 : index
    %swap3A_112 = arith.constant 0 : index
    %swap3A_113 = arith.constant 0 : index
    %swap3A_114 = vector.load %arg11[%swap3A_111, %swap3A_112, %swap3A_113] : memref<4x1000x128xf32, #tpu.memory_space<vmem>>, vector<1x1000x128xf32>
    %swap3A_115 = vector.shape_cast %swap3A_114 : vector<1x1000x128xf32> to vector<1000x128xf32>
    %swap3A_116 = vector.shape_cast %dot_general3A_110 : vector<1000x128xf32> to vector<1x1000x128xf32>
    tpu.vector_store %arg11[%swap3A_111, %swap3A_112, %swap3A_113], %swap3A_116 {strides = array<i32>} : memref<4x1000x128xf32, #tpu.memory_space<vmem>>, vector<1x1000x128xf32>,
    %get3A_117 = arith.constant 0 : index
    %get3A_118 = arith.constant 0 : index
    %get3A_119 = vector.load %arg4[%get3A_117, %get3A_118] : memref<128x128xf32, #tpu.memory_space<vmem>>, vector<128x128xf32>
    %dot_general3A_120 = arith.constant dense<0.000000e+00> : vector<1000x128xf32>
    %dot_general3A_121 = tpu.matmul %max3A_14, %get3A_119, %dot_general3A_120 {dimension_numbers = #tpu.dot_dimension_numbers<[1], [0], [0], [1], [0, 0, 1, 1], [], []>, transpose_lhs_hint = false} : vector<1000x128xf32>, vector<128x128xf32>, vector<1000x128xf32> -> vector<1000x128xf32>
    %get3A_122 = arith.constant 0 : index
    %get3A_123 = arith.constant 0 : index
    %get3A_124 = vector.load %arg5[%get3A_122, %get3A_123] : memref<1x128xf32, #tpu.memory_space<vmem>>, vector<1x128xf32>
    %add3A_125 = vector.broadcast %get3A_124 : vector<1x128xf32> to vector<1000x128xf32>
    %add3A_126 = arith.addf %dot_general3A_121, %add3A_125 : vector<1000x128xf32>
    %swap3A_127 = arith.constant 0 : index
    %swap3A_128 = arith.constant 0 : index
    %swap3A_129 = vector.load %arg10[%swap3A_127, %swap3A_128] : memref<1000x128xf32, #tpu.memory_space<vmem>>, vector<1000x128xf32>
    tpu.vector_store %arg10[%swap3A_127, %swap3A_128], %add3A_126 {strides = array<i32>} : memref<1000x128xf32, #tpu.memory_space<vmem>>, vector<1000x128xf32>,
    %get3A_130 = arith.constant 0 : index
    %get3A_131 = arith.constant 0 : index
    %get3A_132 = vector.load %arg7[%get3A_130, %get3A_131] : memref<128x128xf32, #tpu.memory_space<vmem>>, vector<128x128xf32>
    %dot_general3A_133 = arith.constant dense<0.000000e+00> : vector<1000x128xf32>
    %dot_general3A_134 = tpu.matmul %max3A_14, %get3A_132, %dot_general3A_133 {dimension_numbers = #tpu.dot_dimension_numbers<[1], [0], [0], [1], [0, 0, 1, 1], [], []>, transpose_lhs_hint = false} : vector<1000x128xf32>, vector<128x128xf32>, vector<1000x128xf32> -> vector<1000x128xf32>
    %get3A_135 = arith.constant 0 : index
    %get3A_136 = arith.constant 0 : index
    %get3A_137 = vector.load %arg8[%get3A_135, %get3A_136] : memref<1x128xf32, #tpu.memory_space<vmem>>, vector<1x128xf32>
    %add3A_138 = vector.broadcast %get3A_137 : vector<1x128xf32> to vector<1000x128xf32>
    %add3A_139 = arith.addf %dot_general3A_134, %add3A_138 : vector<1000x128xf32>
    %swap3A_140 = arith.constant 0 : index
    %swap3A_141 = arith.constant 0 : index
    %swap3A_142 = vector.load %arg12[%swap3A_140, %swap3A_141] : memref<1000x128xf32, #tpu.memory_space<vmem>>, vector<1000x128xf32>
    tpu.vector_store %arg12[%swap3A_140, %swap3A_141], %add3A_139 {strides = array<i32>} : memref<1000x128xf32, #tpu.memory_space<vmem>>, vector<1000x128xf32>,
    return
  }
  func.func @transform_0(%arg0: i32) -> (i32, i32, i32) {
    %c0_i32 = arith.constant 0 : i32
    %c0_i32_0 = arith.constant 0 : i32
    %c0_i32_1 = arith.constant 0 : i32
    return %c0_i32, %arg0, %c0_i32_0 : i32, i32, i32
  }
  func.func @transform_1(%arg0: i32) -> (i32, i32) {
    %c0_i32 = arith.constant 0 : i32
    %c0_i32_0 = arith.constant 0 : i32
    return %arg0, %c0_i32 : i32, i32
  }
  func.func @transform_2(%arg0: i32) -> (i32, i32, i32) {
    %c0_i32 = arith.constant 0 : i32
    %c0_i32_0 = arith.constant 0 : i32
    %c0_i32_1 = arith.constant 0 : i32
    %c0_i32_2 = arith.constant 0 : i32
    return %c0_i32, %c0_i32_0, %c0_i32_1 : i32, i32, i32
  }
  func.func @transform_3(%arg0: i32) -> (i32, i32) {
    %c0_i32 = arith.constant 0 : i32
    %c0_i32_0 = arith.constant 0 : i32
    %c0_i32_1 = arith.constant 0 : i32
    return %c0_i32, %c0_i32_0 : i32, i32
  }
  func.func @transform_4(%arg0: i32) -> (i32, i32) {
    %c0_i32 = arith.constant 0 : i32
    %c0_i32_0 = arith.constant 0 : i32
    %c0_i32_1 = arith.constant 0 : i32
    return %c0_i32, %c0_i32_0 : i32, i32
  }
  func.func @transform_5(%arg0: i32) -> (i32, i32, i32) {
    %c0_i32 = arith.constant 0 : i32
    %c0_i32_0 = arith.constant 0 : i32
    %c0_i32_1 = arith.constant 0 : i32
    %c0_i32_2 = arith.constant 0 : i32
    return %c0_i32, %c0_i32_0, %c0_i32_1 : i32, i32, i32
  }
  func.func @transform_6(%arg0: i32) -> (i32, i32) {
    %c0_i32 = arith.constant 0 : i32
    %c0_i32_0 = arith.constant 0 : i32
    %c0_i32_1 = arith.constant 0 : i32
    return %c0_i32, %c0_i32_0 : i32, i32
  }
  func.func @transform_7(%arg0: i32) -> (i32, i32) {
    %c0_i32 = arith.constant 0 : i32
    %c0_i32_0 = arith.constant 0 : i32
    %c0_i32_1 = arith.constant 0 : i32
    return %c0_i32, %c0_i32_0 : i32, i32
  }
  func.func @transform_8(%arg0: i32) -> (i32, i32, i32) {
    %c0_i32 = arith.constant 0 : i32
    %c0_i32_0 = arith.constant 0 : i32
    %c0_i32_1 = arith.constant 0 : i32
    return %c0_i32, %arg0, %c0_i32_0 : i32, i32, i32
  }
  func.func @transform_9(%arg0: i32) -> (i32, i32) {
    %c0_i32 = arith.constant 0 : i32
    %c0_i32_0 = arith.constant 0 : i32
    return %arg0, %c0_i32 : i32, i32
  }
  func.func @transform_10(%arg0: i32) -> (i32, i32, i32) {
    %c0_i32 = arith.constant 0 : i32
    %c0_i32_0 = arith.constant 0 : i32
    %c0_i32_1 = arith.constant 0 : i32
    return %c0_i32, %arg0, %c0_i32_0 : i32, i32, i32
  }
  func.func @transform_11(%arg0: i32) -> (i32, i32) {
    %c0_i32 = arith.constant 0 : i32
    %c0_i32_0 = arith.constant 0 : i32
    return %arg0, %c0_i32 : i32, i32
  }
}

module attributes {stable_mosaic.version = 14 : i64} {
  func.func @_tcd_body(%arg0: i32, %arg1: memref<2x1000x128xf32, #tpu.memory_space<vmem>>, %arg2: memref<1000x128xf32, #tpu.memory_space<vmem>>, %arg3: memref<2x1000x128xf32, #tpu.memory_space<vmem>>, %arg4: memref<1000x128xf32, #tpu.memory_space<vmem>>, %arg5: memref<128x128xf32, #tpu.memory_space<vmem>>, %arg6: memref<1x128xf32, #tpu.memory_space<vmem>>, %arg7: memref<1000x128xf32, #tpu.memory_space<vmem>>, %arg8: memref<1000x128xf32, #tpu.memory_space<vmem>>, %arg9: memref<1x128xf32, #tpu.memory_space<vmem>>, %arg10: memref<1000x128xf32, #tpu.memory_space<vmem>>, %arg11: memref<1000x128xf32, #tpu.memory_space<vmem>>) attributes {dimension_semantics = [#tpu.dimension_semantics<arbitrary>], iteration_bounds = array<i64: 10>, scalar_prefetch = 0 : i64, scratch_operands = 0 : i64, tpu.core_type = #tpu.core_type<tc>, window_params = [{transform_indices = @transform_0, window_bounds = array<i64: 2, 1000, 128>}, {transform_indices = @transform_1, window_bounds = array<i64: 1000, 128>}, {transform_indices = @transform_2, window_bounds = array<i64: 2, 1000, 128>}, {transform_indices = @transform_3, window_bounds = array<i64: 1000, 128>}, {pipeline_mode = #tpu.pipeline_mode<synchronous>, transform_indices = @transform_4, window_bounds = array<i64: 128, 128>}, {pipeline_mode = #tpu.pipeline_mode<synchronous>, transform_indices = @transform_5, window_bounds = array<i64: 1, 128>}, {transform_indices = @transform_6, window_bounds = array<i64: 1000, 128>}, {transform_indices = @transform_7, window_bounds = array<i64: 1000, 128>}, {pipeline_mode = #tpu.pipeline_mode<synchronous>, transform_indices = @transform_8, window_bounds = array<i64: 1, 128>}, {transform_indices = @transform_9, window_bounds = array<i64: 1000, 128>}, {transform_indices = @transform_10, window_bounds = array<i64: 1000, 128>}]} {
    %get3A = arith.constant 0 : index
    %get3A_0 = arith.constant 0 : index
    %get3A_1 = arith.constant 0 : index
    %get3A_2 = vector.load %arg1[%get3A, %get3A_0, %get3A_1] : memref<2x1000x128xf32, #tpu.memory_space<vmem>>, vector<1x1000x128xf32>
    %get3A_3 = vector.shape_cast %get3A_2 : vector<1x1000x128xf32> to vector<1000x128xf32>
    %get3A_4 = arith.constant 1 : index
    %get3A_5 = arith.constant 0 : index
    %get3A_6 = arith.constant 0 : index
    %get3A_7 = vector.load %arg1[%get3A_4, %get3A_5, %get3A_6] : memref<2x1000x128xf32, #tpu.memory_space<vmem>>, vector<1x1000x128xf32>
    %get3A_8 = vector.shape_cast %get3A_7 : vector<1x1000x128xf32> to vector<1000x128xf32>
    %add3A = arith.addf %get3A_3, %get3A_8 : vector<1000x128xf32>
    %get3A_9 = arith.constant 0 : index
    %get3A_10 = arith.constant 0 : index
    %get3A_11 = vector.load %arg2[%get3A_9, %get3A_10] : memref<1000x128xf32, #tpu.memory_space<vmem>>, vector<1000x128xf32>
    %add3A_12 = arith.addf %add3A, %get3A_11 : vector<1000x128xf32>
    %get3A_13 = arith.constant 0 : index
    %get3A_14 = arith.constant 0 : index
    %get3A_15 = arith.constant 0 : index
    %get3A_16 = vector.load %arg3[%get3A_13, %get3A_14, %get3A_15] : memref<2x1000x128xf32, #tpu.memory_space<vmem>>, vector<1x1000x128xf32>
    %get3A_17 = vector.shape_cast %get3A_16 : vector<1x1000x128xf32> to vector<1000x128xf32>
    %get3A_18 = arith.constant 1 : index
    %get3A_19 = arith.constant 0 : index
    %get3A_20 = arith.constant 0 : index
    %get3A_21 = vector.load %arg3[%get3A_18, %get3A_19, %get3A_20] : memref<2x1000x128xf32, #tpu.memory_space<vmem>>, vector<1x1000x128xf32>
    %get3A_22 = vector.shape_cast %get3A_21 : vector<1x1000x128xf32> to vector<1000x128xf32>
    %add3A_23 = arith.addf %get3A_17, %get3A_22 : vector<1000x128xf32>
    %get3A_24 = arith.constant 0 : index
    %get3A_25 = arith.constant 0 : index
    %get3A_26 = vector.load %arg4[%get3A_24, %get3A_25] : memref<1000x128xf32, #tpu.memory_space<vmem>>, vector<1000x128xf32>
    %add3A_27 = arith.addf %add3A_23, %get3A_26 : vector<1000x128xf32>
    %get3A_28 = arith.constant 0 : index
    %get3A_29 = arith.constant 0 : index
    %get3A_30 = vector.load %arg7[%get3A_28, %get3A_29] : memref<1000x128xf32, #tpu.memory_space<vmem>>, vector<1000x128xf32>
    %exp3A = math.exp %add3A_27 : vector<1000x128xf32>
    %mul3A = arith.mulf %get3A_30, %exp3A : vector<1000x128xf32>
    %add3A_31 = arith.addf %add3A_12, %mul3A : vector<1000x128xf32>
    %get3A_32 = arith.constant 0 : index
    %get3A_33 = arith.constant 0 : index
    %get3A_34 = vector.load %arg5[%get3A_32, %get3A_33] : memref<128x128xf32, #tpu.memory_space<vmem>>, vector<128x128xf32>
    %dot_general3A = arith.constant dense<0.000000e+00> : vector<1000x128xf32>
    %dot_general3A_35 = tpu.matmul %add3A_31, %get3A_34, %dot_general3A {dimension_numbers = #tpu.dot_dimension_numbers<[1], [0], [0], [1], [0, 0, 1, 1], [], []>, transpose_lhs_hint = false} : vector<1000x128xf32>, vector<128x128xf32>, vector<1000x128xf32> -> vector<1000x128xf32>
    %get3A_36 = arith.constant 0 : index
    %get3A_37 = arith.constant 0 : index
    %get3A_38 = vector.load %arg6[%get3A_36, %get3A_37] : memref<1x128xf32, #tpu.memory_space<vmem>>, vector<1x128xf32>
    %add3A_39 = vector.broadcast %get3A_38 : vector<1x128xf32> to vector<1000x128xf32>
    %add3A_40 = arith.addf %dot_general3A_35, %add3A_39 : vector<1000x128xf32>
    %swap3A = arith.constant 0 : index
    %swap3A_41 = arith.constant 0 : index
    %swap3A_42 = vector.load %arg8[%swap3A, %swap3A_41] : memref<1000x128xf32, #tpu.memory_space<vmem>>, vector<1000x128xf32>
    tpu.vector_store %arg8[%swap3A, %swap3A_41], %add3A_40 {strides = array<i32>} : memref<1000x128xf32, #tpu.memory_space<vmem>>, vector<1000x128xf32>,
    %swap3A_43 = arith.constant 0 : index
    %swap3A_44 = arith.constant 0 : index
    %swap3A_45 = vector.load %arg10[%swap3A_43, %swap3A_44] : memref<1000x128xf32, #tpu.memory_space<vmem>>, vector<1000x128xf32>
    tpu.vector_store %arg10[%swap3A_43, %swap3A_44], %add3A_12 {strides = array<i32>} : memref<1000x128xf32, #tpu.memory_space<vmem>>, vector<1000x128xf32>,
    %swap3A_46 = arith.constant 0 : index
    %swap3A_47 = arith.constant 0 : index
    %swap3A_48 = vector.load %arg11[%swap3A_46, %swap3A_47] : memref<1000x128xf32, #tpu.memory_space<vmem>>, vector<1000x128xf32>
    tpu.vector_store %arg11[%swap3A_46, %swap3A_47], %add3A_27 {strides = array<i32>} : memref<1000x128xf32, #tpu.memory_space<vmem>>, vector<1000x128xf32>,
    %eq3A = arith.constant 0 : i32
    %eq3A_49 = arith.cmpi eq, %arg0, %eq3A : i32
    %convert_element_type3A = arith.extui %eq3A_49 : i1 to i32
    %cond3A = arith.constant 0 : i32
    %cond3A_50 = arith.cmpi ne, %convert_element_type3A, %cond3A : i32
    scf.if %cond3A_50 {
      %broadcast_in_dim3A_64 = arith.constant 0.000000e+00 : f32
      %broadcast_in_dim3A_65 = vector.broadcast %broadcast_in_dim3A_64 : f32 to vector<1x128xf32>
      %swap3A_66 = arith.constant 0 : index
      %swap3A_67 = arith.constant 0 : index
      %swap3A_68 = vector.load %arg9[%swap3A_66, %swap3A_67] : memref<1x128xf32, #tpu.memory_space<vmem>>, vector<1x128xf32>
      tpu.vector_store %arg9[%swap3A_66, %swap3A_67], %broadcast_in_dim3A_65 {strides = array<i32>} : memref<1x128xf32, #tpu.memory_space<vmem>>, vector<1x128xf32>,
    } else {
    }
    %get3A_51 = arith.constant 0 : index
    %get3A_52 = arith.constant 0 : index
    %get3A_53 = vector.load %arg9[%get3A_51, %get3A_52] : memref<1x128xf32, #tpu.memory_space<vmem>>, vector<1x128xf32>
    %reduce_sum3A = arith.constant dense<0.000000e+00> : vector<128xf32>
    %reduce_sum3A_54 = vector.multi_reduction <add>, %add3A_31, %reduce_sum3A [0] : vector<1000x128xf32> to vector<128xf32>
    %broadcast_in_dim3A = vector.shape_cast %reduce_sum3A_54 : vector<128xf32> to vector<1x128xf32>
    %add3A_55 = arith.addf %get3A_53, %broadcast_in_dim3A : vector<1x128xf32>
    %swap3A_56 = arith.constant 0 : index
    %swap3A_57 = arith.constant 0 : index
    %swap3A_58 = vector.load %arg9[%swap3A_56, %swap3A_57] : memref<1x128xf32, #tpu.memory_space<vmem>>, vector<1x128xf32>
    tpu.vector_store %arg9[%swap3A_56, %swap3A_57], %add3A_55 {strides = array<i32>} : memref<1x128xf32, #tpu.memory_space<vmem>>, vector<1x128xf32>,
    %eq3A_59 = arith.constant 9 : i32
    %eq3A_60 = arith.cmpi eq, %arg0, %eq3A_59 : i32
    %convert_element_type3A_61 = arith.extui %eq3A_60 : i1 to i32
    %cond3A_62 = arith.constant 0 : i32
    %cond3A_63 = arith.cmpi ne, %convert_element_type3A_61, %cond3A_62 : i32
    scf.if %cond3A_63 {
      %get3A_64 = arith.constant 0 : index
      %get3A_65 = arith.constant 0 : index
      %get3A_66 = vector.load %arg9[%get3A_64, %get3A_65] : memref<1x128xf32, #tpu.memory_space<vmem>>, vector<1x128xf32>
      %mul3A_67 = arith.constant 9.99999974E-5 : f32
      %mul3A_68 = vector.broadcast %mul3A_67 : f32 to vector<1x128xf32>
      %mul3A_69 = arith.mulf %get3A_66, %mul3A_68 : vector<1x128xf32>
      %swap3A_70 = arith.constant 0 : index
      %swap3A_71 = arith.constant 0 : index
      %swap3A_72 = vector.load %arg9[%swap3A_70, %swap3A_71] : memref<1x128xf32, #tpu.memory_space<vmem>>, vector<1x128xf32>
      tpu.vector_store %arg9[%swap3A_70, %swap3A_71], %mul3A_69 {strides = array<i32>} : memref<1x128xf32, #tpu.memory_space<vmem>>, vector<1x128xf32>,
    } else {
    }
    return
  }
  func.func @transform_0(%arg0: i32) -> (i32, i32, i32) {
    %c0_i32 = arith.constant 0 : i32
    %c0_i32_0 = arith.constant 0 : i32
    %c0_i32_1 = arith.constant 0 : i32
    return %c0_i32, %arg0, %c0_i32_0 : i32, i32, i32
  }
  func.func @transform_1(%arg0: i32) -> (i32, i32) {
    %c0_i32 = arith.constant 0 : i32
    %c0_i32_0 = arith.constant 0 : i32
    return %arg0, %c0_i32 : i32, i32
  }
  func.func @transform_2(%arg0: i32) -> (i32, i32, i32) {
    %c0_i32 = arith.constant 0 : i32
    %c0_i32_0 = arith.constant 0 : i32
    %c0_i32_1 = arith.constant 0 : i32
    return %c0_i32, %arg0, %c0_i32_0 : i32, i32, i32
  }
  func.func @transform_3(%arg0: i32) -> (i32, i32) {
    %c0_i32 = arith.constant 0 : i32
    %c0_i32_0 = arith.constant 0 : i32
    return %arg0, %c0_i32 : i32, i32
  }
  func.func @transform_4(%arg0: i32) -> (i32, i32) {
    %c0_i32 = arith.constant 0 : i32
    %c0_i32_0 = arith.constant 0 : i32
    %c0_i32_1 = arith.constant 0 : i32
    return %c0_i32, %c0_i32_0 : i32, i32
  }
  func.func @transform_5(%arg0: i32) -> (i32, i32) {
    %c0_i32 = arith.constant 0 : i32
    %c0_i32_0 = arith.constant 0 : i32
    %c0_i32_1 = arith.constant 0 : i32
    return %c0_i32, %c0_i32_0 : i32, i32
  }
  func.func @transform_6(%arg0: i32) -> (i32, i32) {
    %c0_i32 = arith.constant 0 : i32
    %c0_i32_0 = arith.constant 0 : i32
    return %arg0, %c0_i32 : i32, i32
  }
  func.func @transform_7(%arg0: i32) -> (i32, i32) {
    %c0_i32 = arith.constant 0 : i32
    %c0_i32_0 = arith.constant 0 : i32
    return %arg0, %c0_i32 : i32, i32
  }
  func.func @transform_8(%arg0: i32) -> (i32, i32) {
    %c0_i32 = arith.constant 0 : i32
    %c0_i32_0 = arith.constant 0 : i32
    %c0_i32_1 = arith.constant 0 : i32
    return %c0_i32, %c0_i32_0 : i32, i32
  }
  func.func @transform_9(%arg0: i32) -> (i32, i32) {
    %c0_i32 = arith.constant 0 : i32
    %c0_i32_0 = arith.constant 0 : i32
    return %arg0, %c0_i32 : i32, i32
  }
  func.func @transform_10(%arg0: i32) -> (i32, i32) {
    %c0_i32 = arith.constant 0 : i32
    %c0_i32_0 = arith.constant 0 : i32
    return %arg0, %c0_i32 : i32, i32
  }
}

</mosaic_0001>

<sc_bundles>
// kernel: kernel.10.cloned.1.call-start
scs
__scs_entry_jumppad:
0x0: {  	(pc) =	sbr.rel $0x88, $3  }
0x1: {  	(tag) =	ssettag $0x0;
	lr =	simm.s32 $0x1  }
0x2: {  	[smem:$0x3F90] =	sst lr;
	_ =	strace $0xD0000000  }
0x3: {  	_ = 	snop  }
0x4: {  	_ = 	snop  }
0x5: {  	_ = 	snop  }
0x6: {  	_ = 	snop  }
0x7: {  	_ = 	snop  }
__scs_overlays_trampoline_lowered:
0x8: {  	[smem:$0x3F9F] =	sst s0  }
0x9: {  	[smem:$0x3FA0] =	sst s1  }
0xa: {  	[smem:$0x3FA1] =	sst s2  }
0xb: {  	[smem:$0x3FA2] =	sst s3  }
0xc: {  	[smem:$0x3FA3] =	sst s4  }
0xd: {  	[smem:$0x3FA4] =	sst s5  }
0xe: {  	[smem:$0x3FA5] =	sst s6  }
0xf: {  	[smem:$0x3FA6] =	sst s7  }
0x10: {  	[smem:$0x3FA7] =	sst s8  }
0x11: {  	[smem:$0x3FA8] =	sst s9;
	s0 =	simm.s32 @!p0 $0x0  }
0x12: {  	s1 =	sld [smem:$0x3F8E];
	s0 =	simm.s32 @p0 $0x1  }
0x13: {  	[smem:$0x3FA9] =	sst s0;
	s0 =	simm.s32 @!p1 $0x0  }
0x14: {  	s2 =	sld [smem:$0x3F8D];
	s0 =	simm.s32 @p1 $0x1  }
0x15: {  	[smem:$0x3FAA] =	sst s0;
	s0 =	simm.s32 @!p2 $0x0  }
0x16: {  	s3 =	sld [smem:$0x3FDB];
	s0 =	simm.s32 @p2 $0x1  }
0x17: {  	s4 =	simm.s32 $0x1BF5;
	[smem:$0x3FAC] =	sst s0  }
0x18: {  	s0 =	sld [smem:$0x3F8F];
	_ =	swait.ge [sflag:s4], $0x0  }
0x19: {  	s7 =	sld [smem:$0x3F90]  }
0x1a: {  	s8 =	sadd.s32 $0xFFFFE003, lr  }
0x1b: {  	s9 =	sadd.s32 $0xFFFFFEF7, lr;
	s5 =	simm.s32 $0xFFFFFFFF;
	p2 =	slt.u32 s8, $0xFFFFF086  }
0x1c: {  	p1 =	slt.u32 s9, $0xF7A;
	s5 =	simm.s32 @!p2 $0x0  }
0x1d: {  	s5 =	simm.s32 @p1 $0x1;
	p0 =	seq.s32 s7, s2  }
0x1e: {  	s7 =	smul.u32 @!p0 $0xF7A, s2;
	p2 =	seq.s32 @!p0 s5, $0x0  }
0x1f: {  	s9 =	smul.u32 $0xF7A, s1;
	s8 =	simm.s32 @!p0 $0x1BF5;
	p2 =	por !p2, p0  }
0x20: {  	[sflag:s8] =	ssyncset.s32 @!p0 $0xFFFFF086;
	s6 =	sadd.s32 @!p0 s3, s7;
	s7 =	simm.s32 @!p0 $0x108  }
0x21: {  	s3 =	sadd.s32 s3, s9;
	s6 =	sadd.s32 @!p0 $0x88, s6;
	s7 =	simm.s32 @p2 $0x1082  }
0x22: {  	[simem:s7], [sflag:s8] =	dma.local @!p0 [hbm:s6], $0xF7A  }
0x23: {  	s9 =	sor.u32 $0xD0000000, s2;
	s6 =	simm.s32 $0x108;
	_ =	swait.ge @!p0 [sflag:s8], $0x0  }
0x24: {  	s3 =	sadd.s32 $0x88, s3;
	s6 =	simm.s32 @!p1 $0x1082;
	[sflag:s4] =	ssyncset.s32 $0xFFFFF086  }
0x25: {  	[simem:s6], [sflag:s4] =	dma.local [hbm:s3], $0xF7A  }
0x26: {  	[smem:$0x3F90] =	sst s1;
	(tag) =	ssettag s2;
	_ =	strace s9  }
0x27: {  	s1 =	sld [smem:$0x3FA0]  }
0x28: {  	s2 =	sld [smem:$0x3FA1]  }
0x29: {  	s4 =	sld [smem:$0x3FA3]  }
0x2a: {  	p0 =	seq.s32 s5, $0x0;
	s5 =	sld [smem:$0x3FA4]  }
0x2b: {  	s6 =	sld [smem:$0x3FA5]  }
0x2c: {  	s7 =	sld [smem:$0x3FA6]  }
0x2d: {  	s3 =	simm.s32 $0x108;
	s8 =	sld [smem:$0x3FA7]  }
0x2e: {  	s3 =	simm.s32 @!p0 $0x1082;
	s9 =	sld [smem:$0x3FA8]  }
0x2f: {  	lr =	sadd.s32 s0, s3;
	s0 =	sld [smem:$0x3F9F]  }
0x30: {  	s3 =	sld [smem:$0x3FA2]  }
0x31: {  	[smem:$0x3FAB] =	sst s10  }
0x32: {  	s10 =	sld [smem:$0x3FA9];
	_ =	sdelay $0x3  }
0x33: {  	p0 =	seq.s32 s10, $0x1;
	s10 =	sld [smem:$0x3FAB];
	_ =	sdelay $0x3  }
0x34: {  	[smem:$0x3FAB] =	sst s10  }
0x35: {  	s10 =	sld [smem:$0x3FAA];
	_ =	sdelay $0x3  }
0x36: {  	p1 =	seq.s32 s10, $0x1;
	s10 =	sld [smem:$0x3FAB];
	_ =	sdelay $0x3  }
0x37: {  	[smem:$0x3FAB] =	sst s10  }
0x38: {  	s10 =	sld [smem:$0x3FAC]  }
0x39: {  	_ = 	snop;
	(pc) =	sbr.ind lr, $3  }
0x3a: {  	_ = 	snop  }
0x3b: {  	_ = 	snop  }
0x3c: {  	p2 =	seq.s32 s10, $0x1;
	s10 =	sld [smem:$0x3FAB]  }
0x3d: {  	_ =	shalt  }
0x3e: {  	_ =	shalt  }
0x3f: {  	_ =	shalt  }
0x40: {  	_ =	shalt  }
0x41: {  	_ =	shalt  }
0x42: {  	_ =	shalt  }
0x43: {  	_ =	shalt  }
0x44: {  	_ =	shalt  }
0x45: {  	_ =	shalt  }
0x46: {  	_ =	shalt  }
0x47: {  	_ =	shalt  }
0x48: {  	_ =	shalt  }
0x49: {  	_ =	shalt  }
0x4a: {  	_ =	shalt  }
0x4b: {  	_ =	shalt  }
0x4c: {  	_ =	shalt  }
0x4d: {  	_ =	shalt  }
0x4e: {  	_ =	shalt  }
0x4f: {  	_ =	shalt  }
0x50: {  	_ =	shalt  }
0x51: {  	_ =	shalt  }
0x52: {  	_ =	shalt  }
0x53: {  	_ =	shalt  }
0x54: {  	_ =	shalt  }
0x55: {  	_ =	shalt  }
0x56: {  	_ =	shalt  }
0x57: {  	_ =	shalt  }
0x58: {  	_ =	shalt  }
0x59: {  	_ =	shalt  }
0x5a: {  	_ =	shalt  }
0x5b: {  	_ =	shalt  }
0x5c: {  	_ =	shalt  }
0x5d: {  	_ =	shalt  }
0x5e: {  	_ =	shalt  }
0x5f: {  	_ =	shalt  }
0x60: {  	_ =	shalt  }
0x61: {  	_ =	shalt  }
0x62: {  	_ =	shalt  }
0x63: {  	_ =	shalt  }
0x64: {  	_ =	shalt  }
0x65: {  	_ =	shalt  }
0x66: {  	_ =	shalt  }
0x67: {  	_ =	shalt  }
0x68: {  	_ =	shalt  }
0x69: {  	_ =	shalt  }
0x6a: {  	_ =	shalt  }
0x6b: {  	_ =	shalt  }
0x6c: {  	_ =	shalt  }
0x6d: {  	_ =	shalt  }
0x6e: {  	_ =	shalt  }
0x6f: {  	_ =	shalt  }
0x70: {  	_ =	shalt  }
0x71: {  	_ =	shalt  }
0x72: {  	_ =	shalt  }
0x73: {  	_ =	shalt  }
0x74: {  	_ =	shalt  }
0x75: {  	_ =	shalt  }
0x76: {  	_ =	shalt  }
0x77: {  	_ =	shalt  }
0x78: {  	_ =	shalt  }
0x79: {  	_ =	shalt  }
0x7a: {  	_ =	shalt  }
0x7b: {  	_ =	shalt  }
0x7c: {  	_ =	shalt  }
0x7d: {  	_ =	shalt  }
0x7e: {  	_ =	shalt  }
0x7f: {  	_ =	shalt  }
0x80: {  	_ =	shalt  }
0x81: {  	_ =	shalt  }
0x82: {  	_ =	shalt  }
0x83: {  	_ =	shalt  }
0x84: {  	_ =	shalt  }
0x85: {  	_ =	shalt  }
0x86: {  	_ =	shalt  }
0x87: {  	_ =	shalt  }
.Lfunc_end0:
.L_simem_size_0:
called_computation_lowered:
.L_overlay_start_0:
0x88: {  	s2 =	sld [smem:$0x3FD9]  }
0x89: {  	s3 =	sld [smem:$0x3FFE];
	_ =	sdelay $0x1  }
0x8a: {  	s1 =	srdreg.scid  }
0x8b: {  	s0 =	sand.u32 $0x1, s1  }
0x8c: {  	s14 =	sshll.u32 s0, $0xA;
	s2 =	sadd.s32 s3, s2  }
0x8d: {  	s2 =	sadd.s32 s2, s14  }
0x8e: {  	[smem:$0x3FB7] =	sst s2  }
0x8f: {  	_ = 	snop  }
0x90: {  	s2 =	sld [smem:$0x3FD0];
	_ =	sdelay $0x2  }
0x91: {  	s15 =	simm.s32 $0xB;
	s4 =	simm.s32 $0x10  }
0x92: {  	[smem:s4], [sflag:s15] =	dma.local [hbm:s2], $0x1  }
0x93: {  	_ =	swait.eq [sflag:s15], $0x1  }
0x94: {  	[sflag:s15] =	ssyncset.done $0x0  }
0x95: {  	s16 =	sld [smem:$0x12];
	[sflag:s15] =	ssyncadd.s32 $0xFFFFFFFF  }
0x96: {  	s17 =	sld [smem:$0x13];
	(tm) =	ssettm $0x1  }
0x97: {  	s18 =	sld [smem:$0x3FFB];
	_ =	sdelay $0x3  }
0x98: {  	_ =	strace s18  }
0x99: {  	s4 =	sld [smem:$0x3FFC];
	_ =	sdelay $0x3  }
0x9a: {  	_ =	strace s4  }
0x9b: {  	s4 =	sld [smem:$0x3FFD];
	_ =	sdelay $0x3  }
0x9c: {  	_ =	strace s4  }
0x9d: {  	_ =	strace $0x8FFFFFFF  }
0x9e: {  	s19 =	sld [smem:$0x3FDB];
	_ =	sdelay $0x1  }
0x9f: {  	s5 =	simm.s32 $_scs_section_size  }
0xa0: {  	s6 =	simm.s32 $_size__tile_overlayer_lowered;
	s7 =	simm.s32 $_tile_overlayer_lowered  }
0xa1: {  	s22 =	simm.s32 $0x1BFF;
	s21 =	sshll.u32 s7, $0x1;
	s4 =	sadd.s32 s5, s19  }
0xa2: {  	s8 =	simm.s32 $0x0;
	s20 =	sshll.u32 s6, $0x1;
	s6 =	sadd.s32 s21, s4  }
0xa3: {  	[timem:s8], [sflag:s22] =	dma.local [hbm:s6], s20  }
0xa4: {  	_ =	swait.ge [sflag:s22], s20  }
0xa5: {  	s5 =	ssub.s32 $0x0, s20;
	[sflag:s22] =	ssyncset.done $0x0  }
0xa6: {  	[sflag:s22] =	ssyncadd.s32 s5;
	_ =	sdelay $0x1  }
0xa7: {  	s23 =	simm.s32 $0x1B8B  }
0xa8: {  	_ =	swait.ge [sflag:s23], $0x1  }
0xa9: {  	[sflag:s23] =	ssyncset.done $0x0  }
0xaa: {  	s25 =	simm.s32 $0x1B8E;
	s24 =	sld [smem:$0x3FFE];
	[sflag:s23] =	ssyncadd.s32 $0xFFFFFFFF  }
0xab: {  	s26 =	simm.s32 $execute0_lowered;
	[smem:$0x3FD2] =	sst s25  }
0xac: {  	s6 =	sshll.u32 s26, $0x1;
	_ =	strace $0x80000046;
	[dreg:$0x1] =	wrdreg $0xFFFFFFFF  }
0xad: {  	s28 =	simm.s32 $_size_execute0_lowered;
	s4 =	sadd.s32 s4, s6;
	[dreg:$0x0] =	wrdreg $0x0  }
0xae: {  	s6 =	sshll.u32 s28, $0x1;
	[dreg:$0x2] =	wrdreg s4  }
0xaf: {  	[dreg:$0x3] =	wrdreg s6  }
0xb0: {  	[dreg:$0x4] =	wrdreg $0xC0  }
0xb1: {  	_ =	task [dreg:s8], $0x5FFFF  }
0xb2: {  	[dreg:$0x1] =	wrdreg $0xFFFFFFFF  }
0xb3: {  	[dreg:$0x0] =	wrdreg $0x60  }
0xb4: {  	[dreg:$0x2] =	wrdreg s24  }
0xb5: {  	[dreg:$0x3] =	wrdreg s17  }
0xb6: {  	[dreg:$0x4] =	wrdreg s16  }
0xb7: {  	[dreg:$0x5] =	wrdreg $0x88000  }
0xb8: {  	[dreg:$0x6] =	wrdreg $0x9  }
0xb9: {  	_ =	task.clear_ibuf [dreg:s8], $0x7FFFF;
	_ =	strace $0x90000046  }
0xba: {  	s29 =	simm.s32 $0x9;
	_ =	strace $0x80000048  }
0xbb: {  	_ =	swait.ge [sflag:s29], $0x1  }
0xbc: {  	[sflag:s29] =	ssyncadd.s32 $0xFFFFFFFF  }
0xbd: {  	_ =	strace $0x90000048  }
0xbe: {  	_ =	sfence  }
0xbf: {  	s30 =	sld [smem:$0x0];
	_ =	sdelay $0x2  }
0xc0: {  	s31 =	sshll.u32 s1, $0xD;
	s1 =	sshrl.u32 s1, $0x2  }
0xc1: {  	s3 =	sand.u32 $0x4000, s31;
	s1 =	sadd.s32 s1, s30  }
0xc2: {  	s0 =	sor.u32 s3, s0;
	s1 =	sshll.u32 s1, $0x11  }
0xc3: {  	s0 =	sor.u32 s1, s0  }
0xc4: {  	s0 =	sadd.s32 $0x8F2B, s0  }
0xc5: {  	[sflag:s0] =	ssyncadd.remote.s32 $0x1  }
0xc6: {  	_ =	sfence.sel $0xFFFF  }
0xc7: {  	[dreg:$0x0] =	wrdreg $0xFFFFFFFF;
	(pc) =	sbr.abs _section_cstart, $3  }
0xc8: {  	[dreg:$0x1] =	wrdreg $0xFFFFFFFF  }
0xc9: {  	_ =	task.clear_ibuf [dreg:s8], $0x2FFFF;
	_ =	strace $0x9FFFFFFF  }
0xca: {  	(tm) =	ssettm $0x7FFFFFFF  }
0xcb: {  	_ =	shalt  }
tec
execute0_lowered:
.L_overlay_start_1:
0x0: {  	(tag) =	ssettag $0x1  }
0x1: {  	s0 =	rddreg [dreg:$0x0]  }
0x2: {  	s4 =	rddreg [dreg:$0x1]  }
0x3: {  	s6 =	rddreg [dreg:$0x2]  }
0x4: {  	s1 =	rddreg [dreg:$0x3];
	s2 =	simm.s32 $0x0;
	s3 =	srdreg.scid  }
0x5: {  	s7 =	stileid.u32;
	s12 =	simm.s32 $0x80;
	s13 =	simm.s32 $0x800  }
0x6: {  	s14 =	simm.s32 $0x4800;
	s15 =	simm.s32 $0x1;
	s16 =	simm.s32 $0x2  }
0x7: {  	s17 =	simm.s32 $0x480;
	s18 =	simm.s32 $0x100;
	s19 =	simm.s32 $0x180  }
0x8: {  	s20 =	simm.s32 $0x500;
	s21 =	simm.s32 $0x580;
	s22 =	simm.s32 $0x200  }
0x9: {  	s23 =	simm.s32 $0x280;
	s28 =	simm.s32 $0x380;
	s29 =	simm.s32 $0x700  }
0xa: {  	s30 =	simm.s32 $0x780;
	s31 =	simm.s32 $0x0;
	[smem:$0x7FF] =	sst s2  }
0xb: {  	s3 =	sand.u32 $0x1, s3;
	s24 =	sadd.s32 $0x9FC00, s0;
	p0 =	sne.s32 s7, $0x0  }
0xc: {  	_ =	strace $0x80000047;
	s5 =	sshll.u32 s3, $0x4;
	s8 =	smul.u32 $0x27100, s3  }
0xd: {  	s9 =	ssub.s32 $0x2, s3;
	s3 =	sadd.s32 $0x3800, s0;
	[dreg:$0x5] =	wrdreg s24  }
0xe: {  	s24 =	simm.s32 $0x600;
	s5 =	sor.u32 s7, s5;
	s10 =	sshrl.u32 s9, $0x1  }
0xf: {  	s7 =	sshrl.u32 @!p0 s1, $0x3;
	s11 =	smul.u32 $0x500, s5;
	s0 =	sadd.s32 s8, s0  }
0x10: {  	s25 =	ssub.s32 s9, s10;
	s10 =	simm.s32 $0x3;
	[dreg:$0x8] =	wrdreg s7  }
0x11: {  	s0 =	sadd.s32 $0xC6E00, s0;
	s26 =	smax.u32 s25, $0x1;
	s25 =	simm.s32 $0x680  }
0x12: {  	s5 =	sadd.s32 s4, s11;
	s6 =	sadd.s32 s6, s11;
	[dreg:$0x6] =	wrdreg s0  }
0x13: {  	[dreg:$0x7] =	wrdreg s26;
	s11 =	simm.s32 $0x400;
	s26 =	simm.s32 $0x300  }
.LBB2_1:
0x14: {  	s0 =	simm.s32 @!p0 $0x1C03;
	s4 =	rddreg [dreg:$0x5]  }
0x15: {  	[spmem:s7], [sflag:s0] =	dma.local @!p0 [hbm:s4], $0x27180  }
0x16: {  	s0 =	simm.s32 @!p0 $0x3  }
0x17: {  	_ =	swait.ge @!p0 [sflag:s0], $0x27180  }
0x18: {  	[sflag:s0] =	ssyncset.done @!p0 $0x0  }
0x19: {  	[sflag:s0] =	ssyncadd.s32 @!p0 $0xFFFD8E80  }
0x1a: {  	s8 =	sadd.s32 $0x0, s5;
	[bflag:$0x0] =	sbarrier.arrive $0xFFFF  }
0x1b: {  	[tilespmem:s2], [sflag:$0x3] =	stream.linear.gather [hbm4b:s8+s2], $0x400, $0x38;
	[tilespmem:$0x1C0C0] =	vst v63  }
0x1c: {  	_ =	swait.ge [sflag:s10], $0x400  }
0x1d: {  	[sflag:s10] =	ssyncset.done $0x0  }
0x1e: {  	s9 =	sadd.s32 $0x0, s6;
	[sflag:s10] =	ssyncadd.s32 $0xFFFFFC00  }
0x1f: {  	[tilespmem:s11], [sflag:$0x3] =	stream.linear.gather [hbm4b:s9+s2], $0x400, $0x38;
	[tilespmem:$0x1C0C0] =	vst v63  }
0x20: {  	_ =	swait.ge [sflag:s10], $0x400  }
0x21: {  	[sflag:s10] =	ssyncset.done $0x0  }
0x22: {  	[sflag:s10] =	ssyncadd.s32 $0xFFFFFC00  }
0x23: {  	[tilespmem:s13], [sflag:$0x1] =	stream.indirect.gather [hbm4b:s3+s12], $0x80, s2, s12, $0xb8;
	[tilespmem:$0x1C0C0] =	vst v63  }
0x24: {  	_ = 	snop  }
0x25: {  	[tilespmem:s14], [sflag:$0x2] =	stream.indirect.gather [hbm4b:s3+s12], $0x80, s12, s12, $0xb8;
	[tilespmem:$0x1C0C0] =	vst v63  }
0x26: {  	_ =	swait.ge [sflag:s15], $0x4000  }
0x27: {  	[sflag:s15] =	ssyncset.done $0x0  }
0x28: {  	[sflag:s15] =	ssyncadd.s32 $0xFFFFC000  }
0x29: {  	[spmem:s1] =	stream.indirect.scatter.add.f32 [tilespmem:s13], [sflag:$0x3], $0x80, s11, s12, $0xb8;
	[tilespmem:$0x1C0C0] =	vst v63  }
0x2a: {  	_ =	swait.ge [sflag:s10], $0x4000  }
0x2b: {  	[sflag:s10] =	ssyncset.done $0x0  }
0x2c: {  	[sflag:s10] =	ssyncadd.s32 $0xFFFFC000  }
0x2d: {  	_ =	swait.ge [sflag:s16], $0x4000  }
0x2e: {  	[sflag:s16] =	ssyncset.done $0x0  }
0x2f: {  	[sflag:s16] =	ssyncadd.s32 $0xFFFFC000  }
0x30: {  	[spmem:s1] =	stream.indirect.scatter.add.f32 [tilespmem:s14], [sflag:$0x3], $0x80, s17, s12, $0xb8;
	[tilespmem:$0x1C0C0] =	vst v63  }
0x31: {  	_ =	swait.ge [sflag:s10], $0x4000  }
0x32: {  	[sflag:s10] =	ssyncset.done $0x0  }
0x33: {  	[sflag:s10] =	ssyncadd.s32 $0xFFFFC000  }
0x34: {  	[tilespmem:s13], [sflag:$0x1] =	stream.indirect.gather [hbm4b:s3+s12], $0x80, s18, s12, $0xb8;
	[tilespmem:$0x1C0C0] =	vst v63  }
0x35: {  	_ = 	snop  }
0x36: {  	[tilespmem:s14], [sflag:$0x2] =	stream.indirect.gather [hbm4b:s3+s12], $0x80, s19, s12, $0xb8;
	[tilespmem:$0x1C0C0] =	vst v63  }
0x37: {  	_ =	swait.ge [sflag:s15], $0x4000  }
0x38: {  	[sflag:s15] =	ssyncset.done $0x0  }
0x39: {  	[sflag:s15] =	ssyncadd.s32 $0xFFFFC000  }
0x3a: {  	[spmem:s1] =	stream.indirect.scatter.add.f32 [tilespmem:s13], [sflag:$0x3], $0x80, s20, s12, $0xb8;
	[tilespmem:$0x1C0C0] =	vst v63  }
0x3b: {  	_ =	swait.ge [sflag:s10], $0x4000  }
0x3c: {  	[sflag:s10] =	ssyncset.done $0x0  }
0x3d: {  	[sflag:s10] =	ssyncadd.s32 $0xFFFFC000  }
0x3e: {  	_ =	swait.ge [sflag:s16], $0x4000  }
0x3f: {  	[sflag:s16] =	ssyncset.done $0x0  }
0x40: {  	[sflag:s16] =	ssyncadd.s32 $0xFFFFC000  }
0x41: {  	[spmem:s1] =	stream.indirect.scatter.add.f32 [tilespmem:s14], [sflag:$0x3], $0x80, s21, s12, $0xb8;
	[tilespmem:$0x1C0C0] =	vst v63  }
0x42: {  	_ =	swait.ge [sflag:s10], $0x4000  }
0x43: {  	[sflag:s10] =	ssyncset.done $0x0  }
0x44: {  	[sflag:s10] =	ssyncadd.s32 $0xFFFFC000  }
0x45: {  	[tilespmem:s13], [sflag:$0x1] =	stream.indirect.gather [hbm4b:s3+s12], $0x80, s22, s12, $0xb8;
	[tilespmem:$0x1C0C0] =	vst v63  }
0x46: {  	_ = 	snop  }
0x47: {  	[tilespmem:s14], [sflag:$0x2] =	stream.indirect.gather [hbm4b:s3+s12], $0x80, s23, s12, $0xb8;
	[tilespmem:$0x1C0C0] =	vst v63  }
0x48: {  	_ =	swait.ge [sflag:s15], $0x4000  }
0x49: {  	[sflag:s15] =	ssyncset.done $0x0  }
0x4a: {  	[sflag:s15] =	ssyncadd.s32 $0xFFFFC000  }
0x4b: {  	[spmem:s1] =	stream.indirect.scatter.add.f32 [tilespmem:s13], [sflag:$0x3], $0x80, s24, s12, $0xb8;
	[tilespmem:$0x1C0C0] =	vst v63  }
0x4c: {  	_ =	swait.ge [sflag:s10], $0x4000  }
0x4d: {  	[sflag:s10] =	ssyncset.done $0x0  }
0x4e: {  	[sflag:s10] =	ssyncadd.s32 $0xFFFFC000  }
0x4f: {  	_ =	swait.ge [sflag:s16], $0x4000  }
0x50: {  	[sflag:s16] =	ssyncset.done $0x0  }
0x51: {  	[sflag:s16] =	ssyncadd.s32 $0xFFFFC000  }
0x52: {  	[spmem:s1] =	stream.indirect.scatter.add.f32 [tilespmem:s14], [sflag:$0x3], $0x80, s25, s12, $0xb8;
	[tilespmem:$0x1C0C0] =	vst v63  }
0x53: {  	_ =	swait.ge [sflag:s10], $0x4000  }
0x54: {  	[sflag:s10] =	ssyncset.done $0x0  }
0x55: {  	[sflag:s10] =	ssyncadd.s32 $0xFFFFC000  }
0x56: {  	[tilespmem:s13], [sflag:$0x1] =	stream.indirect.gather [hbm4b:s3+s12], $0x80, s26, s12, $0xb8;
	[tilespmem:$0x1C0C0] =	vst v63  }
0x57: {  	_ = 	snop  }
0x58: {  	[tilespmem:s14], [sflag:$0x2] =	stream.indirect.gather [hbm4b:s3+s12], $0x80, s28, s12, $0xb8;
	[tilespmem:$0x1C0C0] =	vst v63  }
0x59: {  	_ =	swait.ge [sflag:s15], $0x4000  }
0x5a: {  	[sflag:s15] =	ssyncset.done $0x0  }
0x5b: {  	[sflag:s15] =	ssyncadd.s32 $0xFFFFC000  }
0x5c: {  	[spmem:s1] =	stream.indirect.scatter.add.f32 [tilespmem:s13], [sflag:$0x3], $0x80, s29, s12, $0xb8;
	[tilespmem:$0x1C0C0] =	vst v63  }
0x5d: {  	_ =	swait.ge [sflag:s10], $0x4000  }
0x5e: {  	[sflag:s10] =	ssyncset.done $0x0  }
0x5f: {  	[sflag:s10] =	ssyncadd.s32 $0xFFFFC000  }
0x60: {  	_ =	swait.ge [sflag:s16], $0x4000  }
0x61: {  	[sflag:s16] =	ssyncset.done $0x0  }
0x62: {  	[sflag:s16] =	ssyncadd.s32 $0xFFFFC000  }
0x63: {  	[spmem:s1] =	stream.indirect.scatter.add.f32 [tilespmem:s14], [sflag:$0x3], $0x80, s30, s12, $0xb8;
	[tilespmem:$0x1C0C0] =	vst v63  }
0x64: {  	_ =	swait.ge [sflag:s10], $0x4000  }
0x65: {  	s4 =	simm.s32 $0x100;
	s0 =	simm.s32 $0x80;
	[sflag:s10] =	ssyncset.done $0x0  }
.LBB2_2:
0x66: {  	s8 =	sadd.s32 s0, s5  }
0x67: {  	[sflag:s10] =	ssyncadd.s32 $0xFFFFC000;
	s9 =	smov.u32 s4;
	s7 =	sadd.s32 $0x80, s4  }
0x68: {  	[tilespmem:s2], [sflag:$0x3] =	stream.linear.gather [hbm4b:s8+s2], $0x400, $0x38;
	[tilespmem:$0x1C0C0] =	vst v63  }
0x69: {  	p1 =	sne.s32 s4, $0x480;
	_ =	swait.ge [sflag:s10], $0x400  }
0x6a: {  	[sflag:s10] =	ssyncset.done $0x0  }
0x6b: {  	s4 =	sadd.s32 s0, s6;
	s0 =	smov.u32 s9;
	[sflag:s10] =	ssyncadd.s32 $0xFFFFFC00  }
0x6c: {  	[tilespmem:s11], [sflag:$0x3] =	stream.linear.gather [hbm4b:s4+s2], $0x400, $0x38;
	[tilespmem:$0x1C0C0] =	vst v63  }
0x6d: {  	_ =	swait.ge [sflag:s10], $0x400  }
0x6e: {  	[sflag:s10] =	ssyncset.done $0x0  }
0x6f: {  	[sflag:s10] =	ssyncadd.s32 $0xFFFFFC00  }
0x70: {  	[tilespmem:s13], [sflag:$0x1] =	stream.indirect.gather [hbm4b:s3+s12], $0x80, s2, s12, $0xb8;
	[tilespmem:$0x1C0C0] =	vst v63  }
0x71: {  	_ = 	snop  }
0x72: {  	[tilespmem:s14], [sflag:$0x2] =	stream.indirect.gather [hbm4b:s3+s12], $0x80, s12, s12, $0xb8;
	[tilespmem:$0x1C0C0] =	vst v63  }
0x73: {  	_ =	swait.ge [sflag:s15], $0x4000  }
0x74: {  	[sflag:s15] =	ssyncset.done $0x0  }
0x75: {  	[sflag:s15] =	ssyncadd.s32 $0xFFFFC000  }
0x76: {  	[spmem:s1] =	stream.indirect.scatter.add.f32 [tilespmem:s13], [sflag:$0x3], $0x80, s11, s12, $0xb8;
	[tilespmem:$0x1C0C0] =	vst v63  }
0x77: {  	_ =	swait.ge [sflag:s10], $0x4000  }
0x78: {  	[sflag:s10] =	ssyncset.done $0x0  }
0x79: {  	[sflag:s10] =	ssyncadd.s32 $0xFFFFC000  }
0x7a: {  	_ =	swait.ge [sflag:s16], $0x4000  }
0x7b: {  	[sflag:s16] =	ssyncset.done $0x0  }
0x7c: {  	[sflag:s16] =	ssyncadd.s32 $0xFFFFC000  }
0x7d: {  	[spmem:s1] =	stream.indirect.scatter.add.f32 [tilespmem:s14], [sflag:$0x3], $0x80, s17, s12, $0xb8;
	[tilespmem:$0x1C0C0] =	vst v63  }
0x7e: {  	_ =	swait.ge [sflag:s10], $0x4000  }
0x7f: {  	[sflag:s10] =	ssyncset.done $0x0  }
0x80: {  	[sflag:s10] =	ssyncadd.s32 $0xFFFFC000  }
0x81: {  	[tilespmem:s13], [sflag:$0x1] =	stream.indirect.gather [hbm4b:s3+s12], $0x80, s18, s12, $0xb8;
	[tilespmem:$0x1C0C0] =	vst v63  }
0x82: {  	_ = 	snop  }
0x83: {  	[tilespmem:s14], [sflag:$0x2] =	stream.indirect.gather [hbm4b:s3+s12], $0x80, s19, s12, $0xb8;
	[tilespmem:$0x1C0C0] =	vst v63  }
0x84: {  	_ =	swait.ge [sflag:s15], $0x4000  }
0x85: {  	[sflag:s15] =	ssyncset.done $0x0  }
0x86: {  	[sflag:s15] =	ssyncadd.s32 $0xFFFFC000  }
0x87: {  	[spmem:s1] =	stream.indirect.scatter.add.f32 [tilespmem:s13], [sflag:$0x3], $0x80, s20, s12, $0xb8;
	[tilespmem:$0x1C0C0] =	vst v63  }
0x88: {  	_ =	swait.ge [sflag:s10], $0x4000  }
0x89: {  	[sflag:s10] =	ssyncset.done $0x0  }
0x8a: {  	[sflag:s10] =	ssyncadd.s32 $0xFFFFC000  }
0x8b: {  	_ =	swait.ge [sflag:s16], $0x4000  }
0x8c: {  	[sflag:s16] =	ssyncset.done $0x0  }
0x8d: {  	[sflag:s16] =	ssyncadd.s32 $0xFFFFC000  }
0x8e: {  	[spmem:s1] =	stream.indirect.scatter.add.f32 [tilespmem:s14], [sflag:$0x3], $0x80, s21, s12, $0xb8;
	[tilespmem:$0x1C0C0] =	vst v63  }
0x8f: {  	_ =	swait.ge [sflag:s10], $0x4000  }
0x90: {  	[sflag:s10] =	ssyncset.done $0x0  }
0x91: {  	[sflag:s10] =	ssyncadd.s32 $0xFFFFC000  }
0x92: {  	[tilespmem:s13], [sflag:$0x1] =	stream.indirect.gather [hbm4b:s3+s12], $0x80, s22, s12, $0xb8;
	[tilespmem:$0x1C0C0] =	vst v63  }
0x93: {  	_ = 	snop  }
0x94: {  	[tilespmem:s14], [sflag:$0x2] =	stream.indirect.gather [hbm4b:s3+s12], $0x80, s23, s12, $0xb8;
	[tilespmem:$0x1C0C0] =	vst v63  }
0x95: {  	_ =	swait.ge [sflag:s15], $0x4000  }
0x96: {  	[sflag:s15] =	ssyncset.done $0x0  }
0x97: {  	[sflag:s15] =	ssyncadd.s32 $0xFFFFC000  }
0x98: {  	[spmem:s1] =	stream.indirect.scatter.add.f32 [tilespmem:s13], [sflag:$0x3], $0x80, s24, s12, $0xb8;
	[tilespmem:$0x1C0C0] =	vst v63  }
0x99: {  	_ =	swait.ge [sflag:s10], $0x4000  }
0x9a: {  	[sflag:s10] =	ssyncset.done $0x0  }
0x9b: {  	[sflag:s10] =	ssyncadd.s32 $0xFFFFC000  }
0x9c: {  	_ =	swait.ge [sflag:s16], $0x4000  }
0x9d: {  	[sflag:s16] =	ssyncset.done $0x0  }
0x9e: {  	[sflag:s16] =	ssyncadd.s32 $0xFFFFC000  }
0x9f: {  	[spmem:s1] =	stream.indirect.scatter.add.f32 [tilespmem:s14], [sflag:$0x3], $0x80, s25, s12, $0xb8;
	[tilespmem:$0x1C0C0] =	vst v63  }
0xa0: {  	_ =	swait.ge [sflag:s10], $0x4000  }
0xa1: {  	[sflag:s10] =	ssyncset.done $0x0  }
0xa2: {  	[sflag:s10] =	ssyncadd.s32 $0xFFFFC000  }
0xa3: {  	[tilespmem:s13], [sflag:$0x1] =	stream.indirect.gather [hbm4b:s3+s12], $0x80, s26, s12, $0xb8;
	[tilespmem:$0x1C0C0] =	vst v63  }
0xa4: {  	_ = 	snop  }
0xa5: {  	[tilespmem:s14], [sflag:$0x2] =	stream.indirect.gather [hbm4b:s3+s12], $0x80, s28, s12, $0xb8;
	[tilespmem:$0x1C0C0] =	vst v63  }
0xa6: {  	_ =	swait.ge [sflag:s15], $0x4000  }
0xa7: {  	[sflag:s15] =	ssyncset.done $0x0  }
0xa8: {  	[sflag:s15] =	ssyncadd.s32 $0xFFFFC000  }
0xa9: {  	[spmem:s1] =	stream.indirect.scatter.add.f32 [tilespmem:s13], [sflag:$0x3], $0x80, s29, s12, $0xb8;
	[tilespmem:$0x1C0C0] =	vst v63  }
0xaa: {  	_ =	swait.ge [sflag:s10], $0x4000  }
0xab: {  	[sflag:s10] =	ssyncset.done $0x0  }
0xac: {  	[sflag:s10] =	ssyncadd.s32 $0xFFFFC000  }
0xad: {  	_ =	swait.ge [sflag:s16], $0x4000  }
.Ltmp0:
0xae: {  	[sflag:s16] =	ssyncset.done $0x0;
	(pc) =	sbr.rel @p1 .LBB2_2-.Ltmp0, $4  }
0xaf: {  	[sflag:s16] =	ssyncadd.s32 $0xFFFFC000  }
0xb0: {  	[spmem:s1] =	stream.indirect.scatter.add.f32 [tilespmem:s14], [sflag:$0x3], $0x80, s30, s12, $0xb8;
	[tilespmem:$0x1C0C0] =	vst v63  }
0xb1: {  	_ =	swait.ge [sflag:s10], $0x4000  }
0xb2: {  	s4 =	smov.u32 s7;
	[sflag:s10] =	ssyncset.done $0x0  }
0xb3: {  	s4 =	sadd.s32 s0, s5;
	[sflag:s10] =	ssyncadd.s32 $0xFFFFC000  }
0xb4: {  	[tilespmem:s2], [sflag:$0x3] =	stream.linear.gather [hbm4b:s4+s2], $0x400, $0x38;
	[tilespmem:$0x1C0C0] =	vst v63  }
0xb5: {  	_ =	swait.ge [sflag:s10], $0x400  }
0xb6: {  	[sflag:s10] =	ssyncset.done $0x0  }
0xb7: {  	s8 =	sadd.s32 s0, s6;
	[sflag:s10] =	ssyncadd.s32 $0xFFFFFC00  }
0xb8: {  	[tilespmem:s11], [sflag:$0x3] =	stream.linear.gather [hbm4b:s8+s2], $0x400, $0x38;
	[tilespmem:$0x1C0C0] =	vst v63  }
0xb9: {  	_ =	swait.ge [sflag:s10], $0x400  }
0xba: {  	[sflag:s10] =	ssyncset.done $0x0  }
0xbb: {  	[sflag:s10] =	ssyncadd.s32 $0xFFFFFC00  }
0xbc: {  	[tilespmem:s13], [sflag:$0x1] =	stream.indirect.gather [hbm4b:s3+s12], $0x80, s2, s12, $0xb8;
	[tilespmem:$0x1C0C0] =	vst v63  }
0xbd: {  	_ = 	snop  }
0xbe: {  	[tilespmem:s14], [sflag:$0x2] =	stream.indirect.gather [hbm4b:s3+s12], $0x80, s12, s12, $0xb8;
	[tilespmem:$0x1C0C0] =	vst v63  }
0xbf: {  	_ =	swait.ge [sflag:s15], $0x4000  }
0xc0: {  	[sflag:s15] =	ssyncset.done $0x0  }
0xc1: {  	[sflag:s15] =	ssyncadd.s32 $0xFFFFC000  }
0xc2: {  	[spmem:s1] =	stream.indirect.scatter.add.f32 [tilespmem:s13], [sflag:$0x3], $0x80, s11, s12, $0xb8;
	[tilespmem:$0x1C0C0] =	vst v63  }
0xc3: {  	_ =	swait.ge [sflag:s10], $0x4000  }
0xc4: {  	[sflag:s10] =	ssyncset.done $0x0  }
0xc5: {  	[sflag:s10] =	ssyncadd.s32 $0xFFFFC000  }
0xc6: {  	_ =	swait.ge [sflag:s16], $0x4000  }
0xc7: {  	[sflag:s16] =	ssyncset.done $0x0  }
0xc8: {  	[sflag:s16] =	ssyncadd.s32 $0xFFFFC000  }
0xc9: {  	[spmem:s1] =	stream.indirect.scatter.add.f32 [tilespmem:s14], [sflag:$0x3], $0x80, s17, s12, $0xb8;
	[tilespmem:$0x1C0C0] =	vst v63  }
0xca: {  	_ =	swait.ge [sflag:s10], $0x4000  }
0xcb: {  	[sflag:s10] =	ssyncset.done $0x0  }
0xcc: {  	[sflag:s10] =	ssyncadd.s32 $0xFFFFC000  }
0xcd: {  	[tilespmem:s13], [sflag:$0x1] =	stream.indirect.gather [hbm4b:s3+s12], $0x80, s18, s12, $0xb8;
	[tilespmem:$0x1C0C0] =	vst v63  }
0xce: {  	_ = 	snop  }
0xcf: {  	[tilespmem:s14], [sflag:$0x2] =	stream.indirect.gather [hbm4b:s3+s12], $0x80, s19, s12, $0xb8;
	[tilespmem:$0x1C0C0] =	vst v63  }
0xd0: {  	_ =	swait.ge [sflag:s15], $0x4000  }
0xd1: {  	[sflag:s15] =	ssyncset.done $0x0  }
0xd2: {  	[sflag:s15] =	ssyncadd.s32 $0xFFFFC000  }
0xd3: {  	[spmem:s1] =	stream.indirect.scatter.add.f32 [tilespmem:s13], [sflag:$0x3], $0x80, s20, s12, $0xb8;
	[tilespmem:$0x1C0C0] =	vst v63  }
0xd4: {  	_ =	swait.ge [sflag:s10], $0x4000  }
0xd5: {  	[sflag:s10] =	ssyncset.done $0x0  }
0xd6: {  	[sflag:s10] =	ssyncadd.s32 $0xFFFFC000  }
0xd7: {  	_ =	swait.ge [sflag:s16], $0x4000  }
0xd8: {  	[sflag:s16] =	ssyncset.done $0x0  }
0xd9: {  	[sflag:s16] =	ssyncadd.s32 $0xFFFFC000  }
0xda: {  	[spmem:s1] =	stream.indirect.scatter.add.f32 [tilespmem:s14], [sflag:$0x3], $0x80, s21, s12, $0xb8;
	[tilespmem:$0x1C0C0] =	vst v63  }
0xdb: {  	_ =	swait.ge [sflag:s10], $0x4000  }
0xdc: {  	[sflag:s10] =	ssyncset.done $0x0  }
0xdd: {  	[sflag:s10] =	ssyncadd.s32 $0xFFFFC000  }
0xde: {  	[tilespmem:s13], [sflag:$0x1] =	stream.indirect.gather [hbm4b:s3+s12], $0x80, s22, s12, $0xb8;
	[tilespmem:$0x1C0C0] =	vst v63  }
0xdf: {  	_ = 	snop  }
0xe0: {  	[tilespmem:s14], [sflag:$0x2] =	stream.indirect.gather [hbm4b:s3+s12], $0x80, s23, s12, $0xb8;
	[tilespmem:$0x1C0C0] =	vst v63  }
0xe1: {  	_ =	swait.ge [sflag:s15], $0x4000  }
0xe2: {  	[sflag:s15] =	ssyncset.done $0x0  }
0xe3: {  	[sflag:s15] =	ssyncadd.s32 $0xFFFFC000  }
0xe4: {  	[spmem:s1] =	stream.indirect.scatter.add.f32 [tilespmem:s13], [sflag:$0x3], $0x80, s24, s12, $0xb8;
	[tilespmem:$0x1C0C0] =	vst v63  }
0xe5: {  	_ =	swait.ge [sflag:s10], $0x4000  }
0xe6: {  	[sflag:s10] =	ssyncset.done $0x0  }
0xe7: {  	[sflag:s10] =	ssyncadd.s32 $0xFFFFC000  }
0xe8: {  	_ =	swait.ge [sflag:s16], $0x4000  }
0xe9: {  	[sflag:s16] =	ssyncset.done $0x0  }
0xea: {  	[sflag:s16] =	ssyncadd.s32 $0xFFFFC000  }
0xeb: {  	[spmem:s1] =	stream.indirect.scatter.add.f32 [tilespmem:s14], [sflag:$0x3], $0x80, s25, s12, $0xb8;
	[tilespmem:$0x1C0C0] =	vst v63  }
0xec: {  	_ =	swait.ge [sflag:s10], $0x4000  }
0xed: {  	[sflag:s10] =	ssyncset.done $0x0  }
0xee: {  	[sflag:s10] =	ssyncadd.s32 $0xFFFFC000  }
0xef: {  	[tilespmem:s13], [sflag:$0x1] =	stream.indirect.gather [hbm4b:s3+s12], $0x80, s26, s12, $0xb8;
	[tilespmem:$0x1C0C0] =	vst v63  }
0xf0: {  	_ = 	snop  }
0xf1: {  	[tilespmem:s14], [sflag:$0x2] =	stream.indirect.gather [hbm4b:s3+s12], $0x80, s28, s12, $0xb8;
	[tilespmem:$0x1C0C0] =	vst v63  }
0xf2: {  	_ =	swait.ge [sflag:s15], $0x4000  }
0xf3: {  	[sflag:s15] =	ssyncset.done $0x0  }
0xf4: {  	[sflag:s15] =	ssyncadd.s32 $0xFFFFC000  }
0xf5: {  	[spmem:s1] =	stream.indirect.scatter.add.f32 [tilespmem:s13], [sflag:$0x3], $0x80, s29, s12, $0xb8;
	[tilespmem:$0x1C0C0] =	vst v63  }
0xf6: {  	_ =	swait.ge [sflag:s10], $0x4000  }
0xf7: {  	[sflag:s10] =	ssyncset.done $0x0  }
0xf8: {  	[sflag:s10] =	ssyncadd.s32 $0xFFFFC000  }
0xf9: {  	_ =	swait.ge [sflag:s16], $0x4000  }
0xfa: {  	[sflag:s16] =	ssyncset.done $0x0  }
0xfb: {  	[sflag:s16] =	ssyncadd.s32 $0xFFFFC000  }
0xfc: {  	[spmem:s1] =	stream.indirect.scatter.add.f32 [tilespmem:s14], [sflag:$0x3], $0x80, s30, s12, $0xb8;
	[tilespmem:$0x1C0C0] =	vst v63  }
0xfd: {  	_ =	swait.ge [sflag:s10], $0x4000  }
0xfe: {  	[sflag:s10] =	ssyncset.done $0x0  }
0xff: {  	[sflag:s10] =	ssyncadd.s32 $0xFFFFC000  }
0x100: {  	[bflag:$0x0] =	sbarrier.arrive $0xFFFF  }
0x101: {  	s4 =	rddreg [dreg:$0x6]  }
0x102: {  	s0 =	simm.s32 @!p0 $0x1C03;
	s7 =	rddreg [dreg:$0x8]  }
0x103: {  	[hbm:s4], [sflag:s0] =	dma.local @!p0 [spmem:s7], $0x27100  }
0x104: {  	s0 =	simm.s32 @!p0 $0x3  }
0x105: {  	_ =	swait.ge @!p0 [sflag:s0], $0x27100  }
0x106: {  	s31 =	sadd.s32 $0x1, s31;
	s9 =	rddreg [dreg:$0x7]  }
0x107: {  	p1 =	sne.s32 s31, s9  }
.Ltmp1:
0x108: {  	_ = 	snop;
	(pc) =	sbr.rel @p1 .LBB2_1-.Ltmp1, $3  }
0x109: {  	_ =	sdelay $0x1  }
0x10a: {  	[sflag:s0] =	ssyncset.done @!p0 $0x0  }
0x10b: {  	[sflag:s0] =	ssyncadd.s32 @!p0 $0xFFFD8F00  }
0x10c: {  	_ =	sfence.sel $0x180000  }
0x10d: {  	[bflag:$0x0] =	sbarrier.arrive $0xFFFF  }
0x10e: {  	_ =	strace $0x90000047  }
0x10f: {  	[bflag:$0x2] =	sbarrier.arrive $0xFFFF  }
0x110: {  	s0 =	rddreg [dreg:$0x4]  }
0x111: {  	s0 =	sadd.s32 @!p0 $0x100000, s0  }
0x112: {  	[sflag:s0] =	ssyncadd.tile.s32 @!p0 $0x1;
	_ =	shalt  }
.Lfunc_end2:
_tile_overlayer_lowered:
.L_overlay_start_2:
0x113: {  	(tag) =	ssettag $0x2  }
0x114: {  	s0 =	rddreg [dreg:$0x0];
	s2 =	stileid.u32  }
0x115: {  	s1 =	rddreg [dreg:$0x1];
	p0 =	sne.s32 s2, $0x0  }
0x116: {  	s3 =	rddreg [dreg:$0x2];
	[bflag:$0x3] =	sbarrier.arrive $0xFFFF;
	s2 =	simm.s32 @!p0 $0x1C03  }
0x117: {  	[timem:s3], [sflag:s2] =	dma.local @!p0 [hbm:s0], s1  }
0x118: {  	s0 =	simm.s32 @!p0 $0x3  }
0x119: {  	_ =	swait.ge @!p0 [sflag:s0], s1  }
0x11a: {  	s1 =	ssub.s32 @!p0 $0x0, s1;
	[sflag:s0] =	ssyncset.done @!p0 $0x0  }
0x11b: {  	[sflag:s0] =	ssyncadd.s32 @!p0 s1  }
0x11c: {  	[bflag:$0x3] =	sbarrier.arrive $0xFFFF  }
0x11d: {  	_ =	shalt  }

// kernel: kernel.13.cloned.1.call-start
scs
__scs_entry_jumppad:
0x0: {  	(pc) =	sbr.rel $0x88, $3  }
0x1: {  	(tag) =	ssettag $0x0;
	lr =	simm.s32 $0x1  }
0x2: {  	[smem:$0x3F90] =	sst lr;
	_ =	strace $0xD0000000  }
0x3: {  	_ = 	snop  }
0x4: {  	_ = 	snop  }
0x5: {  	_ = 	snop  }
0x6: {  	_ = 	snop  }
0x7: {  	_ = 	snop  }
__scs_overlays_trampoline_lowered:
0x8: {  	[smem:$0x3F9F] =	sst s0  }
0x9: {  	[smem:$0x3FA0] =	sst s1  }
0xa: {  	[smem:$0x3FA1] =	sst s2  }
0xb: {  	[smem:$0x3FA2] =	sst s3  }
0xc: {  	[smem:$0x3FA3] =	sst s4  }
0xd: {  	[smem:$0x3FA4] =	sst s5  }
0xe: {  	[smem:$0x3FA5] =	sst s6  }
0xf: {  	[smem:$0x3FA6] =	sst s7  }
0x10: {  	[smem:$0x3FA7] =	sst s8  }
0x11: {  	[smem:$0x3FA8] =	sst s9;
	s0 =	simm.s32 @!p0 $0x0  }
0x12: {  	s1 =	sld [smem:$0x3F8E];
	s0 =	simm.s32 @p0 $0x1  }
0x13: {  	[smem:$0x3FA9] =	sst s0;
	s0 =	simm.s32 @!p1 $0x0  }
0x14: {  	s2 =	sld [smem:$0x3F8D];
	s0 =	simm.s32 @p1 $0x1  }
0x15: {  	[smem:$0x3FAA] =	sst s0;
	s0 =	simm.s32 @!p2 $0x0  }
0x16: {  	s3 =	sld [smem:$0x3FDB];
	s0 =	simm.s32 @p2 $0x1  }
0x17: {  	s4 =	simm.s32 $0x1BF5;
	[smem:$0x3FAC] =	sst s0  }
0x18: {  	s0 =	sld [smem:$0x3F8F];
	_ =	swait.ge [sflag:s4], $0x0  }
0x19: {  	s7 =	sld [smem:$0x3F90]  }
0x1a: {  	s8 =	sadd.s32 $0xFFFFE003, lr  }
0x1b: {  	s9 =	sadd.s32 $0xFFFFFEF7, lr;
	s5 =	simm.s32 $0xFFFFFFFF;
	p2 =	slt.u32 s8, $0xFFFFF086  }
0x1c: {  	p1 =	slt.u32 s9, $0xF7A;
	s5 =	simm.s32 @!p2 $0x0  }
0x1d: {  	s5 =	simm.s32 @p1 $0x1;
	p0 =	seq.s32 s7, s2  }
0x1e: {  	s7 =	smul.u32 @!p0 $0xF7A, s2;
	p2 =	seq.s32 @!p0 s5, $0x0  }
0x1f: {  	s9 =	smul.u32 $0xF7A, s1;
	s8 =	simm.s32 @!p0 $0x1BF5;
	p2 =	por !p2, p0  }
0x20: {  	[sflag:s8] =	ssyncset.s32 @!p0 $0xFFFFF086;
	s6 =	sadd.s32 @!p0 s3, s7;
	s7 =	simm.s32 @!p0 $0x108  }
0x21: {  	s3 =	sadd.s32 s3, s9;
	s6 =	sadd.s32 @!p0 $0x88, s6;
	s7 =	simm.s32 @p2 $0x1082  }
0x22: {  	[simem:s7], [sflag:s8] =	dma.local @!p0 [hbm:s6], $0xF7A  }
0x23: {  	s9 =	sor.u32 $0xD0000000, s2;
	s6 =	simm.s32 $0x108;
	_ =	swait.ge @!p0 [sflag:s8], $0x0  }
0x24: {  	s3 =	sadd.s32 $0x88, s3;
	s6 =	simm.s32 @!p1 $0x1082;
	[sflag:s4] =	ssyncset.s32 $0xFFFFF086  }
0x25: {  	[simem:s6], [sflag:s4] =	dma.local [hbm:s3], $0xF7A  }
0x26: {  	[smem:$0x3F90] =	sst s1;
	(tag) =	ssettag s2;
	_ =	strace s9  }
0x27: {  	s1 =	sld [smem:$0x3FA0]  }
0x28: {  	s2 =	sld [smem:$0x3FA1]  }
0x29: {  	s4 =	sld [smem:$0x3FA3]  }
0x2a: {  	p0 =	seq.s32 s5, $0x0;
	s5 =	sld [smem:$0x3FA4]  }
0x2b: {  	s6 =	sld [smem:$0x3FA5]  }
0x2c: {  	s7 =	sld [smem:$0x3FA6]  }
0x2d: {  	s3 =	simm.s32 $0x108;
	s8 =	sld [smem:$0x3FA7]  }
0x2e: {  	s3 =	simm.s32 @!p0 $0x1082;
	s9 =	sld [smem:$0x3FA8]  }
0x2f: {  	lr =	sadd.s32 s0, s3;
	s0 =	sld [smem:$0x3F9F]  }
0x30: {  	s3 =	sld [smem:$0x3FA2]  }
0x31: {  	[smem:$0x3FAB] =	sst s10  }
0x32: {  	s10 =	sld [smem:$0x3FA9];
	_ =	sdelay $0x3  }
0x33: {  	p0 =	seq.s32 s10, $0x1;
	s10 =	sld [smem:$0x3FAB];
	_ =	sdelay $0x3  }
0x34: {  	[smem:$0x3FAB] =	sst s10  }
0x35: {  	s10 =	sld [smem:$0x3FAA];
	_ =	sdelay $0x3  }
0x36: {  	p1 =	seq.s32 s10, $0x1;
	s10 =	sld [smem:$0x3FAB];
	_ =	sdelay $0x3  }
0x37: {  	[smem:$0x3FAB] =	sst s10  }
0x38: {  	s10 =	sld [smem:$0x3FAC]  }
0x39: {  	_ = 	snop;
	(pc) =	sbr.ind lr, $3  }
0x3a: {  	_ = 	snop  }
0x3b: {  	_ = 	snop  }
0x3c: {  	p2 =	seq.s32 s10, $0x1;
	s10 =	sld [smem:$0x3FAB]  }
0x3d: {  	_ =	shalt  }
0x3e: {  	_ =	shalt  }
0x3f: {  	_ =	shalt  }
0x40: {  	_ =	shalt  }
0x41: {  	_ =	shalt  }
0x42: {  	_ =	shalt  }
0x43: {  	_ =	shalt  }
0x44: {  	_ =	shalt  }
0x45: {  	_ =	shalt  }
0x46: {  	_ =	shalt  }
0x47: {  	_ =	shalt  }
0x48: {  	_ =	shalt  }
0x49: {  	_ =	shalt  }
0x4a: {  	_ =	shalt  }
0x4b: {  	_ =	shalt  }
0x4c: {  	_ =	shalt  }
0x4d: {  	_ =	shalt  }
0x4e: {  	_ =	shalt  }
0x4f: {  	_ =	shalt  }
0x50: {  	_ =	shalt  }
0x51: {  	_ =	shalt  }
0x52: {  	_ =	shalt  }
0x53: {  	_ =	shalt  }
0x54: {  	_ =	shalt  }
0x55: {  	_ =	shalt  }
0x56: {  	_ =	shalt  }
0x57: {  	_ =	shalt  }
0x58: {  	_ =	shalt  }
0x59: {  	_ =	shalt  }
0x5a: {  	_ =	shalt  }
0x5b: {  	_ =	shalt  }
0x5c: {  	_ =	shalt  }
0x5d: {  	_ =	shalt  }
0x5e: {  	_ =	shalt  }
0x5f: {  	_ =	shalt  }
0x60: {  	_ =	shalt  }
0x61: {  	_ =	shalt  }
0x62: {  	_ =	shalt  }
0x63: {  	_ =	shalt  }
0x64: {  	_ =	shalt  }
0x65: {  	_ =	shalt  }
0x66: {  	_ =	shalt  }
0x67: {  	_ =	shalt  }
0x68: {  	_ =	shalt  }
0x69: {  	_ =	shalt  }
0x6a: {  	_ =	shalt  }
0x6b: {  	_ =	shalt  }
0x6c: {  	_ =	shalt  }
0x6d: {  	_ =	shalt  }
0x6e: {  	_ =	shalt  }
0x6f: {  	_ =	shalt  }
0x70: {  	_ =	shalt  }
0x71: {  	_ =	shalt  }
0x72: {  	_ =	shalt  }
0x73: {  	_ =	shalt  }
0x74: {  	_ =	shalt  }
0x75: {  	_ =	shalt  }
0x76: {  	_ =	shalt  }
0x77: {  	_ =	shalt  }
0x78: {  	_ =	shalt  }
0x79: {  	_ =	shalt  }
0x7a: {  	_ =	shalt  }
0x7b: {  	_ =	shalt  }
0x7c: {  	_ =	shalt  }
0x7d: {  	_ =	shalt  }
0x7e: {  	_ =	shalt  }
0x7f: {  	_ =	shalt  }
0x80: {  	_ =	shalt  }
0x81: {  	_ =	shalt  }
0x82: {  	_ =	shalt  }
0x83: {  	_ =	shalt  }
0x84: {  	_ =	shalt  }
0x85: {  	_ =	shalt  }
0x86: {  	_ =	shalt  }
0x87: {  	_ =	shalt  }
.Lfunc_end0:
.L_simem_size_0:
called_computation.1_lowered:
.L_overlay_start_0:
0x88: {  	s2 =	sld [smem:$0x3FD9]  }
0x89: {  	s3 =	sld [smem:$0x3FFE];
	_ =	sdelay $0x1  }
0x8a: {  	s1 =	srdreg.scid  }
0x8b: {  	s0 =	sand.u32 $0x1, s1  }
0x8c: {  	s14 =	sshll.u32 s0, $0xA;
	s2 =	sadd.s32 s3, s2  }
0x8d: {  	s2 =	sadd.s32 s2, s14  }
0x8e: {  	[smem:$0x3FB7] =	sst s2  }
0x8f: {  	_ = 	snop  }
0x90: {  	s2 =	sld [smem:$0x3FD0];
	_ =	sdelay $0x2  }
0x91: {  	s15 =	simm.s32 $0xB;
	s4 =	simm.s32 $0x10  }
0x92: {  	[smem:s4], [sflag:s15] =	dma.local [hbm:s2], $0x1  }
0x93: {  	_ =	swait.eq [sflag:s15], $0x1  }
0x94: {  	[sflag:s15] =	ssyncset.done $0x0  }
0x95: {  	s16 =	sld [smem:$0x12];
	[sflag:s15] =	ssyncadd.s32 $0xFFFFFFFF  }
0x96: {  	s17 =	sld [smem:$0x13];
	(tm) =	ssettm $0x1  }
0x97: {  	s18 =	sld [smem:$0x3FFB];
	_ =	sdelay $0x3  }
0x98: {  	_ =	strace s18  }
0x99: {  	s4 =	sld [smem:$0x3FFC];
	_ =	sdelay $0x3  }
0x9a: {  	_ =	strace s4  }
0x9b: {  	s4 =	sld [smem:$0x3FFD];
	_ =	sdelay $0x3  }
0x9c: {  	_ =	strace s4  }
0x9d: {  	_ =	strace $0x8FFFFFFF  }
0x9e: {  	s19 =	sld [smem:$0x3FDB];
	_ =	sdelay $0x1  }
0x9f: {  	s5 =	simm.s32 $_scs_section_size  }
0xa0: {  	s6 =	simm.s32 $_size__tile_overlayer_lowered;
	s7 =	simm.s32 $_tile_overlayer_lowered  }
0xa1: {  	s22 =	simm.s32 $0x1BFF;
	s21 =	sshll.u32 s7, $0x1;
	s4 =	sadd.s32 s5, s19  }
0xa2: {  	s8 =	simm.s32 $0x0;
	s20 =	sshll.u32 s6, $0x1;
	s6 =	sadd.s32 s21, s4  }
0xa3: {  	[timem:s8], [sflag:s22] =	dma.local [hbm:s6], s20  }
0xa4: {  	_ =	swait.ge [sflag:s22], s20  }
0xa5: {  	s5 =	ssub.s32 $0x0, s20;
	[sflag:s22] =	ssyncset.done $0x0  }
0xa6: {  	[sflag:s22] =	ssyncadd.s32 s5;
	_ =	sdelay $0x1  }
0xa7: {  	s23 =	simm.s32 $0x1B8B  }
0xa8: {  	_ =	swait.ge [sflag:s23], $0x1  }
0xa9: {  	[sflag:s23] =	ssyncset.done $0x0  }
0xaa: {  	s25 =	simm.s32 $0x1B8E;
	s24 =	sld [smem:$0x3FFE];
	[sflag:s23] =	ssyncadd.s32 $0xFFFFFFFF  }
0xab: {  	s26 =	simm.s32 $execute0_lowered;
	[smem:$0x3FD2] =	sst s25  }
0xac: {  	s6 =	sshll.u32 s26, $0x1;
	_ =	strace $0x80000049;
	[dreg:$0x1] =	wrdreg $0xFFFFFFFF  }
0xad: {  	s28 =	simm.s32 $_size_execute0_lowered;
	s4 =	sadd.s32 s4, s6;
	[dreg:$0x0] =	wrdreg $0x0  }
0xae: {  	s6 =	sshll.u32 s28, $0x1;
	[dreg:$0x2] =	wrdreg s4  }
0xaf: {  	[dreg:$0x3] =	wrdreg s6  }
0xb0: {  	[dreg:$0x4] =	wrdreg $0xC0  }
0xb1: {  	_ =	task [dreg:s8], $0x5FFFF  }
0xb2: {  	[dreg:$0x1] =	wrdreg $0xFFFFFFFF  }
0xb3: {  	[dreg:$0x0] =	wrdreg $0x60  }
0xb4: {  	[dreg:$0x2] =	wrdreg s24  }
0xb5: {  	[dreg:$0x3] =	wrdreg s17  }
0xb6: {  	[dreg:$0x4] =	wrdreg s16  }
0xb7: {  	[dreg:$0x5] =	wrdreg $0x88000  }
0xb8: {  	[dreg:$0x6] =	wrdreg $0x9  }
0xb9: {  	_ =	task.clear_ibuf [dreg:s8], $0x7FFFF;
	_ =	strace $0x90000049  }
0xba: {  	s29 =	simm.s32 $0x9;
	_ =	strace $0x8000004B  }
0xbb: {  	_ =	swait.ge [sflag:s29], $0x1  }
0xbc: {  	[sflag:s29] =	ssyncadd.s32 $0xFFFFFFFF  }
0xbd: {  	_ =	strace $0x9000004B  }
0xbe: {  	_ =	sfence  }
0xbf: {  	s30 =	sld [smem:$0x0];
	_ =	sdelay $0x2  }
0xc0: {  	s31 =	sshll.u32 s1, $0xD;
	s1 =	sshrl.u32 s1, $0x2  }
0xc1: {  	s3 =	sand.u32 $0x4000, s31;
	s1 =	sadd.s32 s1, s30  }
0xc2: {  	s0 =	sor.u32 s3, s0;
	s1 =	sshll.u32 s1, $0x11  }
0xc3: {  	s0 =	sor.u32 s1, s0  }
0xc4: {  	s0 =	sadd.s32 $0x8F2B, s0  }
0xc5: {  	[sflag:s0] =	ssyncadd.remote.s32 $0x1  }
0xc6: {  	_ =	sfence.sel $0xFFFF  }
0xc7: {  	[dreg:$0x0] =	wrdreg $0xFFFFFFFF;
	(pc) =	sbr.abs _section_cstart, $3  }
0xc8: {  	[dreg:$0x1] =	wrdreg $0xFFFFFFFF  }
0xc9: {  	_ =	task.clear_ibuf [dreg:s8], $0x2FFFF;
	_ =	strace $0x9FFFFFFF  }
0xca: {  	(tm) =	ssettm $0x7FFFFFFF  }
0xcb: {  	_ =	shalt  }
tec
execute0_lowered:
.L_overlay_start_1:
0x0: {  	(tag) =	ssettag $0x1  }
0x1: {  	s0 =	rddreg [dreg:$0x0]  }
0x2: {  	s4 =	rddreg [dreg:$0x1]  }
0x3: {  	s6 =	rddreg [dreg:$0x2]  }
0x4: {  	s1 =	rddreg [dreg:$0x3];
	s2 =	simm.s32 $0x0;
	s3 =	srdreg.scid  }
0x5: {  	s7 =	stileid.u32;
	s12 =	simm.s32 $0x80;
	s13 =	simm.s32 $0x800  }
0x6: {  	s14 =	simm.s32 $0x4800;
	s15 =	simm.s32 $0x1;
	s16 =	simm.s32 $0x2  }
0x7: {  	s17 =	simm.s32 $0x480;
	s18 =	simm.s32 $0x100;
	s19 =	simm.s32 $0x180  }
0x8: {  	s20 =	simm.s32 $0x500;
	s21 =	simm.s32 $0x580;
	s22 =	simm.s32 $0x200  }
0x9: {  	s23 =	simm.s32 $0x280;
	s28 =	simm.s32 $0x380;
	s29 =	simm.s32 $0x700  }
0xa: {  	s30 =	simm.s32 $0x780;
	s31 =	simm.s32 $0x0;
	[smem:$0x7FF] =	sst s2  }
0xb: {  	s3 =	sand.u32 $0x1, s3;
	s24 =	sadd.s32 $0x9FC00, s0;
	p0 =	sne.s32 s7, $0x0  }
0xc: {  	_ =	strace $0x8000004A;
	s5 =	sshll.u32 s3, $0x4;
	s8 =	smul.u32 $0x27100, s3  }
0xd: {  	s9 =	ssub.s32 $0x2, s3;
	s3 =	sadd.s32 $0x3800, s0;
	[dreg:$0x5] =	wrdreg s24  }
0xe: {  	s24 =	simm.s32 $0x600;
	s5 =	sor.u32 s7, s5;
	s10 =	sshrl.u32 s9, $0x1  }
0xf: {  	s7 =	sshrl.u32 @!p0 s1, $0x3;
	s11 =	smul.u32 $0x500, s5;
	s0 =	sadd.s32 s8, s0  }
0x10: {  	s25 =	ssub.s32 s9, s10;
	s10 =	simm.s32 $0x3;
	[dreg:$0x8] =	wrdreg s7  }
0x11: {  	s0 =	sadd.s32 $0xC6E00, s0;
	s26 =	smax.u32 s25, $0x1;
	s25 =	simm.s32 $0x680  }
0x12: {  	s5 =	sadd.s32 s4, s11;
	s6 =	sadd.s32 s6, s11;
	[dreg:$0x6] =	wrdreg s0  }
0x13: {  	[dreg:$0x7] =	wrdreg s26;
	s11 =	simm.s32 $0x400;
	s26 =	simm.s32 $0x300  }
.LBB2_1:
0x14: {  	s0 =	simm.s32 @!p0 $0x1C03;
	s4 =	rddreg [dreg:$0x5]  }
0x15: {  	[spmem:s7], [sflag:s0] =	dma.local @!p0 [hbm:s4], $0x27180  }
0x16: {  	s0 =	simm.s32 @!p0 $0x3  }
0x17: {  	_ =	swait.ge @!p0 [sflag:s0], $0x27180  }
0x18: {  	[sflag:s0] =	ssyncset.done @!p0 $0x0  }
0x19: {  	[sflag:s0] =	ssyncadd.s32 @!p0 $0xFFFD8E80  }
0x1a: {  	s8 =	sadd.s32 $0x0, s5;
	[bflag:$0x0] =	sbarrier.arrive $0xFFFF  }
0x1b: {  	[tilespmem:s2], [sflag:$0x3] =	stream.linear.gather [hbm4b:s8+s2], $0x400, $0x38;
	[tilespmem:$0x1C0C0] =	vst v63  }
0x1c: {  	_ =	swait.ge [sflag:s10], $0x400  }
0x1d: {  	[sflag:s10] =	ssyncset.done $0x0  }
0x1e: {  	s9 =	sadd.s32 $0x0, s6;
	[sflag:s10] =	ssyncadd.s32 $0xFFFFFC00  }
0x1f: {  	[tilespmem:s11], [sflag:$0x3] =	stream.linear.gather [hbm4b:s9+s2], $0x400, $0x38;
	[tilespmem:$0x1C0C0] =	vst v63  }
0x20: {  	_ =	swait.ge [sflag:s10], $0x400  }
0x21: {  	[sflag:s10] =	ssyncset.done $0x0  }
0x22: {  	[sflag:s10] =	ssyncadd.s32 $0xFFFFFC00  }
0x23: {  	[tilespmem:s13], [sflag:$0x1] =	stream.indirect.gather [hbm4b:s3+s12], $0x80, s2, s12, $0xb8;
	[tilespmem:$0x1C0C0] =	vst v63  }
0x24: {  	_ = 	snop  }
0x25: {  	[tilespmem:s14], [sflag:$0x2] =	stream.indirect.gather [hbm4b:s3+s12], $0x80, s12, s12, $0xb8;
	[tilespmem:$0x1C0C0] =	vst v63  }
0x26: {  	_ =	swait.ge [sflag:s15], $0x4000  }
0x27: {  	[sflag:s15] =	ssyncset.done $0x0  }
0x28: {  	[sflag:s15] =	ssyncadd.s32 $0xFFFFC000  }
0x29: {  	[spmem:s1] =	stream.indirect.scatter.add.f32 [tilespmem:s13], [sflag:$0x3], $0x80, s11, s12, $0xb8;
	[tilespmem:$0x1C0C0] =	vst v63  }
0x2a: {  	_ =	swait.ge [sflag:s10], $0x4000  }
0x2b: {  	[sflag:s10] =	ssyncset.done $0x0  }
0x2c: {  	[sflag:s10] =	ssyncadd.s32 $0xFFFFC000  }
0x2d: {  	_ =	swait.ge [sflag:s16], $0x4000  }
0x2e: {  	[sflag:s16] =	ssyncset.done $0x0  }
0x2f: {  	[sflag:s16] =	ssyncadd.s32 $0xFFFFC000  }
0x30: {  	[spmem:s1] =	stream.indirect.scatter.add.f32 [tilespmem:s14], [sflag:$0x3], $0x80, s17, s12, $0xb8;
	[tilespmem:$0x1C0C0] =	vst v63  }
0x31: {  	_ =	swait.ge [sflag:s10], $0x4000  }
0x32: {  	[sflag:s10] =	ssyncset.done $0x0  }
0x33: {  	[sflag:s10] =	ssyncadd.s32 $0xFFFFC000  }
0x34: {  	[tilespmem:s13], [sflag:$0x1] =	stream.indirect.gather [hbm4b:s3+s12], $0x80, s18, s12, $0xb8;
	[tilespmem:$0x1C0C0] =	vst v63  }
0x35: {  	_ = 	snop  }
0x36: {  	[tilespmem:s14], [sflag:$0x2] =	stream.indirect.gather [hbm4b:s3+s12], $0x80, s19, s12, $0xb8;
	[tilespmem:$0x1C0C0] =	vst v63  }
0x37: {  	_ =	swait.ge [sflag:s15], $0x4000  }
0x38: {  	[sflag:s15] =	ssyncset.done $0x0  }
0x39: {  	[sflag:s15] =	ssyncadd.s32 $0xFFFFC000  }
0x3a: {  	[spmem:s1] =	stream.indirect.scatter.add.f32 [tilespmem:s13], [sflag:$0x3], $0x80, s20, s12, $0xb8;
	[tilespmem:$0x1C0C0] =	vst v63  }
0x3b: {  	_ =	swait.ge [sflag:s10], $0x4000  }
0x3c: {  	[sflag:s10] =	ssyncset.done $0x0  }
0x3d: {  	[sflag:s10] =	ssyncadd.s32 $0xFFFFC000  }
0x3e: {  	_ =	swait.ge [sflag:s16], $0x4000  }
0x3f: {  	[sflag:s16] =	ssyncset.done $0x0  }
0x40: {  	[sflag:s16] =	ssyncadd.s32 $0xFFFFC000  }
0x41: {  	[spmem:s1] =	stream.indirect.scatter.add.f32 [tilespmem:s14], [sflag:$0x3], $0x80, s21, s12, $0xb8;
	[tilespmem:$0x1C0C0] =	vst v63  }
0x42: {  	_ =	swait.ge [sflag:s10], $0x4000  }
0x43: {  	[sflag:s10] =	ssyncset.done $0x0  }
0x44: {  	[sflag:s10] =	ssyncadd.s32 $0xFFFFC000  }
0x45: {  	[tilespmem:s13], [sflag:$0x1] =	stream.indirect.gather [hbm4b:s3+s12], $0x80, s22, s12, $0xb8;
	[tilespmem:$0x1C0C0] =	vst v63  }
0x46: {  	_ = 	snop  }
0x47: {  	[tilespmem:s14], [sflag:$0x2] =	stream.indirect.gather [hbm4b:s3+s12], $0x80, s23, s12, $0xb8;
	[tilespmem:$0x1C0C0] =	vst v63  }
0x48: {  	_ =	swait.ge [sflag:s15], $0x4000  }
0x49: {  	[sflag:s15] =	ssyncset.done $0x0  }
0x4a: {  	[sflag:s15] =	ssyncadd.s32 $0xFFFFC000  }
0x4b: {  	[spmem:s1] =	stream.indirect.scatter.add.f32 [tilespmem:s13], [sflag:$0x3], $0x80, s24, s12, $0xb8;
	[tilespmem:$0x1C0C0] =	vst v63  }
0x4c: {  	_ =	swait.ge [sflag:s10], $0x4000  }
0x4d: {  	[sflag:s10] =	ssyncset.done $0x0  }
0x4e: {  	[sflag:s10] =	ssyncadd.s32 $0xFFFFC000  }
0x4f: {  	_ =	swait.ge [sflag:s16], $0x4000  }
0x50: {  	[sflag:s16] =	ssyncset.done $0x0  }
0x51: {  	[sflag:s16] =	ssyncadd.s32 $0xFFFFC000  }
0x52: {  	[spmem:s1] =	stream.indirect.scatter.add.f32 [tilespmem:s14], [sflag:$0x3], $0x80, s25, s12, $0xb8;
	[tilespmem:$0x1C0C0] =	vst v63  }
0x53: {  	_ =	swait.ge [sflag:s10], $0x4000  }
0x54: {  	[sflag:s10] =	ssyncset.done $0x0  }
0x55: {  	[sflag:s10] =	ssyncadd.s32 $0xFFFFC000  }
0x56: {  	[tilespmem:s13], [sflag:$0x1] =	stream.indirect.gather [hbm4b:s3+s12], $0x80, s26, s12, $0xb8;
	[tilespmem:$0x1C0C0] =	vst v63  }
0x57: {  	_ = 	snop  }
0x58: {  	[tilespmem:s14], [sflag:$0x2] =	stream.indirect.gather [hbm4b:s3+s12], $0x80, s28, s12, $0xb8;
	[tilespmem:$0x1C0C0] =	vst v63  }
0x59: {  	_ =	swait.ge [sflag:s15], $0x4000  }
0x5a: {  	[sflag:s15] =	ssyncset.done $0x0  }
0x5b: {  	[sflag:s15] =	ssyncadd.s32 $0xFFFFC000  }
0x5c: {  	[spmem:s1] =	stream.indirect.scatter.add.f32 [tilespmem:s13], [sflag:$0x3], $0x80, s29, s12, $0xb8;
	[tilespmem:$0x1C0C0] =	vst v63  }
0x5d: {  	_ =	swait.ge [sflag:s10], $0x4000  }
0x5e: {  	[sflag:s10] =	ssyncset.done $0x0  }
0x5f: {  	[sflag:s10] =	ssyncadd.s32 $0xFFFFC000  }
0x60: {  	_ =	swait.ge [sflag:s16], $0x4000  }
0x61: {  	[sflag:s16] =	ssyncset.done $0x0  }
0x62: {  	[sflag:s16] =	ssyncadd.s32 $0xFFFFC000  }
0x63: {  	[spmem:s1] =	stream.indirect.scatter.add.f32 [tilespmem:s14], [sflag:$0x3], $0x80, s30, s12, $0xb8;
	[tilespmem:$0x1C0C0] =	vst v63  }
0x64: {  	_ =	swait.ge [sflag:s10], $0x4000  }
0x65: {  	s4 =	simm.s32 $0x100;
	s0 =	simm.s32 $0x80;
	[sflag:s10] =	ssyncset.done $0x0  }
.LBB2_2:
0x66: {  	s8 =	sadd.s32 s0, s5  }
0x67: {  	[sflag:s10] =	ssyncadd.s32 $0xFFFFC000;
	s9 =	smov.u32 s4;
	s7 =	sadd.s32 $0x80, s4  }
0x68: {  	[tilespmem:s2], [sflag:$0x3] =	stream.linear.gather [hbm4b:s8+s2], $0x400, $0x38;
	[tilespmem:$0x1C0C0] =	vst v63  }
0x69: {  	p1 =	sne.s32 s4, $0x480;
	_ =	swait.ge [sflag:s10], $0x400  }
0x6a: {  	[sflag:s10] =	ssyncset.done $0x0  }
0x6b: {  	s4 =	sadd.s32 s0, s6;
	s0 =	smov.u32 s9;
	[sflag:s10] =	ssyncadd.s32 $0xFFFFFC00  }
0x6c: {  	[tilespmem:s11], [sflag:$0x3] =	stream.linear.gather [hbm4b:s4+s2], $0x400, $0x38;
	[tilespmem:$0x1C0C0] =	vst v63  }
0x6d: {  	_ =	swait.ge [sflag:s10], $0x400  }
0x6e: {  	[sflag:s10] =	ssyncset.done $0x0  }
0x6f: {  	[sflag:s10] =	ssyncadd.s32 $0xFFFFFC00  }
0x70: {  	[tilespmem:s13], [sflag:$0x1] =	stream.indirect.gather [hbm4b:s3+s12], $0x80, s2, s12, $0xb8;
	[tilespmem:$0x1C0C0] =	vst v63  }
0x71: {  	_ = 	snop  }
0x72: {  	[tilespmem:s14], [sflag:$0x2] =	stream.indirect.gather [hbm4b:s3+s12], $0x80, s12, s12, $0xb8;
	[tilespmem:$0x1C0C0] =	vst v63  }
0x73: {  	_ =	swait.ge [sflag:s15], $0x4000  }
0x74: {  	[sflag:s15] =	ssyncset.done $0x0  }
0x75: {  	[sflag:s15] =	ssyncadd.s32 $0xFFFFC000  }
0x76: {  	[spmem:s1] =	stream.indirect.scatter.add.f32 [tilespmem:s13], [sflag:$0x3], $0x80, s11, s12, $0xb8;
	[tilespmem:$0x1C0C0] =	vst v63  }
0x77: {  	_ =	swait.ge [sflag:s10], $0x4000  }
0x78: {  	[sflag:s10] =	ssyncset.done $0x0  }
0x79: {  	[sflag:s10] =	ssyncadd.s32 $0xFFFFC000  }
0x7a: {  	_ =	swait.ge [sflag:s16], $0x4000  }
0x7b: {  	[sflag:s16] =	ssyncset.done $0x0  }
0x7c: {  	[sflag:s16] =	ssyncadd.s32 $0xFFFFC000  }
0x7d: {  	[spmem:s1] =	stream.indirect.scatter.add.f32 [tilespmem:s14], [sflag:$0x3], $0x80, s17, s12, $0xb8;
	[tilespmem:$0x1C0C0] =	vst v63  }
0x7e: {  	_ =	swait.ge [sflag:s10], $0x4000  }
0x7f: {  	[sflag:s10] =	ssyncset.done $0x0  }
0x80: {  	[sflag:s10] =	ssyncadd.s32 $0xFFFFC000  }
0x81: {  	[tilespmem:s13], [sflag:$0x1] =	stream.indirect.gather [hbm4b:s3+s12], $0x80, s18, s12, $0xb8;
	[tilespmem:$0x1C0C0] =	vst v63  }
0x82: {  	_ = 	snop  }
0x83: {  	[tilespmem:s14], [sflag:$0x2] =	stream.indirect.gather [hbm4b:s3+s12], $0x80, s19, s12, $0xb8;
	[tilespmem:$0x1C0C0] =	vst v63  }
0x84: {  	_ =	swait.ge [sflag:s15], $0x4000  }
0x85: {  	[sflag:s15] =	ssyncset.done $0x0  }
0x86: {  	[sflag:s15] =	ssyncadd.s32 $0xFFFFC000  }
0x87: {  	[spmem:s1] =	stream.indirect.scatter.add.f32 [tilespmem:s13], [sflag:$0x3], $0x80, s20, s12, $0xb8;
	[tilespmem:$0x1C0C0] =	vst v63  }
0x88: {  	_ =	swait.ge [sflag:s10], $0x4000  }
0x89: {  	[sflag:s10] =	ssyncset.done $0x0  }
0x8a: {  	[sflag:s10] =	ssyncadd.s32 $0xFFFFC000  }
0x8b: {  	_ =	swait.ge [sflag:s16], $0x4000  }
0x8c: {  	[sflag:s16] =	ssyncset.done $0x0  }
0x8d: {  	[sflag:s16] =	ssyncadd.s32 $0xFFFFC000  }
0x8e: {  	[spmem:s1] =	stream.indirect.scatter.add.f32 [tilespmem:s14], [sflag:$0x3], $0x80, s21, s12, $0xb8;
	[tilespmem:$0x1C0C0] =	vst v63  }
0x8f: {  	_ =	swait.ge [sflag:s10], $0x4000  }
0x90: {  	[sflag:s10] =	ssyncset.done $0x0  }
0x91: {  	[sflag:s10] =	ssyncadd.s32 $0xFFFFC000  }
0x92: {  	[tilespmem:s13], [sflag:$0x1] =	stream.indirect.gather [hbm4b:s3+s12], $0x80, s22, s12, $0xb8;
	[tilespmem:$0x1C0C0] =	vst v63  }
0x93: {  	_ = 	snop  }
0x94: {  	[tilespmem:s14], [sflag:$0x2] =	stream.indirect.gather [hbm4b:s3+s12], $0x80, s23, s12, $0xb8;
	[tilespmem:$0x1C0C0] =	vst v63  }
0x95: {  	_ =	swait.ge [sflag:s15], $0x4000  }
0x96: {  	[sflag:s15] =	ssyncset.done $0x0  }
0x97: {  	[sflag:s15] =	ssyncadd.s32 $0xFFFFC000  }
0x98: {  	[spmem:s1] =	stream.indirect.scatter.add.f32 [tilespmem:s13], [sflag:$0x3], $0x80, s24, s12, $0xb8;
	[tilespmem:$0x1C0C0] =	vst v63  }
0x99: {  	_ =	swait.ge [sflag:s10], $0x4000  }
0x9a: {  	[sflag:s10] =	ssyncset.done $0x0  }
0x9b: {  	[sflag:s10] =	ssyncadd.s32 $0xFFFFC000  }
0x9c: {  	_ =	swait.ge [sflag:s16], $0x4000  }
0x9d: {  	[sflag:s16] =	ssyncset.done $0x0  }
0x9e: {  	[sflag:s16] =	ssyncadd.s32 $0xFFFFC000  }
0x9f: {  	[spmem:s1] =	stream.indirect.scatter.add.f32 [tilespmem:s14], [sflag:$0x3], $0x80, s25, s12, $0xb8;
	[tilespmem:$0x1C0C0] =	vst v63  }
0xa0: {  	_ =	swait.ge [sflag:s10], $0x4000  }
0xa1: {  	[sflag:s10] =	ssyncset.done $0x0  }
0xa2: {  	[sflag:s10] =	ssyncadd.s32 $0xFFFFC000  }
0xa3: {  	[tilespmem:s13], [sflag:$0x1] =	stream.indirect.gather [hbm4b:s3+s12], $0x80, s26, s12, $0xb8;
	[tilespmem:$0x1C0C0] =	vst v63  }
0xa4: {  	_ = 	snop  }
0xa5: {  	[tilespmem:s14], [sflag:$0x2] =	stream.indirect.gather [hbm4b:s3+s12], $0x80, s28, s12, $0xb8;
	[tilespmem:$0x1C0C0] =	vst v63  }
0xa6: {  	_ =	swait.ge [sflag:s15], $0x4000  }
0xa7: {  	[sflag:s15] =	ssyncset.done $0x0  }
0xa8: {  	[sflag:s15] =	ssyncadd.s32 $0xFFFFC000  }
0xa9: {  	[spmem:s1] =	stream.indirect.scatter.add.f32 [tilespmem:s13], [sflag:$0x3], $0x80, s29, s12, $0xb8;
	[tilespmem:$0x1C0C0] =	vst v63  }
0xaa: {  	_ =	swait.ge [sflag:s10], $0x4000  }
0xab: {  	[sflag:s10] =	ssyncset.done $0x0  }
0xac: {  	[sflag:s10] =	ssyncadd.s32 $0xFFFFC000  }
0xad: {  	_ =	swait.ge [sflag:s16], $0x4000  }
.Ltmp0:
0xae: {  	[sflag:s16] =	ssyncset.done $0x0;
	(pc) =	sbr.rel @p1 .LBB2_2-.Ltmp0, $4  }
0xaf: {  	[sflag:s16] =	ssyncadd.s32 $0xFFFFC000  }
0xb0: {  	[spmem:s1] =	stream.indirect.scatter.add.f32 [tilespmem:s14], [sflag:$0x3], $0x80, s30, s12, $0xb8;
	[tilespmem:$0x1C0C0] =	vst v63  }
0xb1: {  	_ =	swait.ge [sflag:s10], $0x4000  }
0xb2: {  	s4 =	smov.u32 s7;
	[sflag:s10] =	ssyncset.done $0x0  }
0xb3: {  	s4 =	sadd.s32 s0, s5;
	[sflag:s10] =	ssyncadd.s32 $0xFFFFC000  }
0xb4: {  	[tilespmem:s2], [sflag:$0x3] =	stream.linear.gather [hbm4b:s4+s2], $0x400, $0x38;
	[tilespmem:$0x1C0C0] =	vst v63  }
0xb5: {  	_ =	swait.ge [sflag:s10], $0x400  }
0xb6: {  	[sflag:s10] =	ssyncset.done $0x0  }
0xb7: {  	s8 =	sadd.s32 s0, s6;
	[sflag:s10] =	ssyncadd.s32 $0xFFFFFC00  }
0xb8: {  	[tilespmem:s11], [sflag:$0x3] =	stream.linear.gather [hbm4b:s8+s2], $0x400, $0x38;
	[tilespmem:$0x1C0C0] =	vst v63  }
0xb9: {  	_ =	swait.ge [sflag:s10], $0x400  }
0xba: {  	[sflag:s10] =	ssyncset.done $0x0  }
0xbb: {  	[sflag:s10] =	ssyncadd.s32 $0xFFFFFC00  }
0xbc: {  	[tilespmem:s13], [sflag:$0x1] =	stream.indirect.gather [hbm4b:s3+s12], $0x80, s2, s12, $0xb8;
	[tilespmem:$0x1C0C0] =	vst v63  }
0xbd: {  	_ = 	snop  }
0xbe: {  	[tilespmem:s14], [sflag:$0x2] =	stream.indirect.gather [hbm4b:s3+s12], $0x80, s12, s12, $0xb8;
	[tilespmem:$0x1C0C0] =	vst v63  }
0xbf: {  	_ =	swait.ge [sflag:s15], $0x4000  }
0xc0: {  	[sflag:s15] =	ssyncset.done $0x0  }
0xc1: {  	[sflag:s15] =	ssyncadd.s32 $0xFFFFC000  }
0xc2: {  	[spmem:s1] =	stream.indirect.scatter.add.f32 [tilespmem:s13], [sflag:$0x3], $0x80, s11, s12, $0xb8;
	[tilespmem:$0x1C0C0] =	vst v63  }
0xc3: {  	_ =	swait.ge [sflag:s10], $0x4000  }
0xc4: {  	[sflag:s10] =	ssyncset.done $0x0  }
0xc5: {  	[sflag:s10] =	ssyncadd.s32 $0xFFFFC000  }
0xc6: {  	_ =	swait.ge [sflag:s16], $0x4000  }
0xc7: {  	[sflag:s16] =	ssyncset.done $0x0  }
0xc8: {  	[sflag:s16] =	ssyncadd.s32 $0xFFFFC000  }
0xc9: {  	[spmem:s1] =	stream.indirect.scatter.add.f32 [tilespmem:s14], [sflag:$0x3], $0x80, s17, s12, $0xb8;
	[tilespmem:$0x1C0C0] =	vst v63  }
0xca: {  	_ =	swait.ge [sflag:s10], $0x4000  }
0xcb: {  	[sflag:s10] =	ssyncset.done $0x0  }
0xcc: {  	[sflag:s10] =	ssyncadd.s32 $0xFFFFC000  }
0xcd: {  	[tilespmem:s13], [sflag:$0x1] =	stream.indirect.gather [hbm4b:s3+s12], $0x80, s18, s12, $0xb8;
	[tilespmem:$0x1C0C0] =	vst v63  }
0xce: {  	_ = 	snop  }
0xcf: {  	[tilespmem:s14], [sflag:$0x2] =	stream.indirect.gather [hbm4b:s3+s12], $0x80, s19, s12, $0xb8;
	[tilespmem:$0x1C0C0] =	vst v63  }
0xd0: {  	_ =	swait.ge [sflag:s15], $0x4000  }
0xd1: {  	[sflag:s15] =	ssyncset.done $0x0  }
0xd2: {  	[sflag:s15] =	ssyncadd.s32 $0xFFFFC000  }
0xd3: {  	[spmem:s1] =	stream.indirect.scatter.add.f32 [tilespmem:s13], [sflag:$0x3], $0x80, s20, s12, $0xb8;
	[tilespmem:$0x1C0C0] =	vst v63  }
0xd4: {  	_ =	swait.ge [sflag:s10], $0x4000  }
0xd5: {  	[sflag:s10] =	ssyncset.done $0x0  }
0xd6: {  	[sflag:s10] =	ssyncadd.s32 $0xFFFFC000  }
0xd7: {  	_ =	swait.ge [sflag:s16], $0x4000  }
0xd8: {  	[sflag:s16] =	ssyncset.done $0x0  }
0xd9: {  	[sflag:s16] =	ssyncadd.s32 $0xFFFFC000  }
0xda: {  	[spmem:s1] =	stream.indirect.scatter.add.f32 [tilespmem:s14], [sflag:$0x3], $0x80, s21, s12, $0xb8;
	[tilespmem:$0x1C0C0] =	vst v63  }
0xdb: {  	_ =	swait.ge [sflag:s10], $0x4000  }
0xdc: {  	[sflag:s10] =	ssyncset.done $0x0  }
0xdd: {  	[sflag:s10] =	ssyncadd.s32 $0xFFFFC000  }
0xde: {  	[tilespmem:s13], [sflag:$0x1] =	stream.indirect.gather [hbm4b:s3+s12], $0x80, s22, s12, $0xb8;
	[tilespmem:$0x1C0C0] =	vst v63  }
0xdf: {  	_ = 	snop  }
0xe0: {  	[tilespmem:s14], [sflag:$0x2] =	stream.indirect.gather [hbm4b:s3+s12], $0x80, s23, s12, $0xb8;
	[tilespmem:$0x1C0C0] =	vst v63  }
0xe1: {  	_ =	swait.ge [sflag:s15], $0x4000  }
0xe2: {  	[sflag:s15] =	ssyncset.done $0x0  }
0xe3: {  	[sflag:s15] =	ssyncadd.s32 $0xFFFFC000  }
0xe4: {  	[spmem:s1] =	stream.indirect.scatter.add.f32 [tilespmem:s13], [sflag:$0x3], $0x80, s24, s12, $0xb8;
	[tilespmem:$0x1C0C0] =	vst v63  }
0xe5: {  	_ =	swait.ge [sflag:s10], $0x4000  }
0xe6: {  	[sflag:s10] =	ssyncset.done $0x0  }
0xe7: {  	[sflag:s10] =	ssyncadd.s32 $0xFFFFC000  }
0xe8: {  	_ =	swait.ge [sflag:s16], $0x4000  }
0xe9: {  	[sflag:s16] =	ssyncset.done $0x0  }
0xea: {  	[sflag:s16] =	ssyncadd.s32 $0xFFFFC000  }
0xeb: {  	[spmem:s1] =	stream.indirect.scatter.add.f32 [tilespmem:s14], [sflag:$0x3], $0x80, s25, s12, $0xb8;
	[tilespmem:$0x1C0C0] =	vst v63  }
0xec: {  	_ =	swait.ge [sflag:s10], $0x4000  }
0xed: {  	[sflag:s10] =	ssyncset.done $0x0  }
0xee: {  	[sflag:s10] =	ssyncadd.s32 $0xFFFFC000  }
0xef: {  	[tilespmem:s13], [sflag:$0x1] =	stream.indirect.gather [hbm4b:s3+s12], $0x80, s26, s12, $0xb8;
	[tilespmem:$0x1C0C0] =	vst v63  }
0xf0: {  	_ = 	snop  }
0xf1: {  	[tilespmem:s14], [sflag:$0x2] =	stream.indirect.gather [hbm4b:s3+s12], $0x80, s28, s12, $0xb8;
	[tilespmem:$0x1C0C0] =	vst v63  }
0xf2: {  	_ =	swait.ge [sflag:s15], $0x4000  }
0xf3: {  	[sflag:s15] =	ssyncset.done $0x0  }
0xf4: {  	[sflag:s15] =	ssyncadd.s32 $0xFFFFC000  }
0xf5: {  	[spmem:s1] =	stream.indirect.scatter.add.f32 [tilespmem:s13], [sflag:$0x3], $0x80, s29, s12, $0xb8;
	[tilespmem:$0x1C0C0] =	vst v63  }
0xf6: {  	_ =	swait.ge [sflag:s10], $0x4000  }
0xf7: {  	[sflag:s10] =	ssyncset.done $0x0  }
0xf8: {  	[sflag:s10] =	ssyncadd.s32 $0xFFFFC000  }
0xf9: {  	_ =	swait.ge [sflag:s16], $0x4000  }
0xfa: {  	[sflag:s16] =	ssyncset.done $0x0  }
0xfb: {  	[sflag:s16] =	ssyncadd.s32 $0xFFFFC000  }
0xfc: {  	[spmem:s1] =	stream.indirect.scatter.add.f32 [tilespmem:s14], [sflag:$0x3], $0x80, s30, s12, $0xb8;
	[tilespmem:$0x1C0C0] =	vst v63  }
0xfd: {  	_ =	swait.ge [sflag:s10], $0x4000  }
0xfe: {  	[sflag:s10] =	ssyncset.done $0x0  }
0xff: {  	[sflag:s10] =	ssyncadd.s32 $0xFFFFC000  }
0x100: {  	[bflag:$0x0] =	sbarrier.arrive $0xFFFF  }
0x101: {  	s4 =	rddreg [dreg:$0x6]  }
0x102: {  	s0 =	simm.s32 @!p0 $0x1C03;
	s7 =	rddreg [dreg:$0x8]  }
0x103: {  	[hbm:s4], [sflag:s0] =	dma.local @!p0 [spmem:s7], $0x27100  }
0x104: {  	s0 =	simm.s32 @!p0 $0x3  }
0x105: {  	_ =	swait.ge @!p0 [sflag:s0], $0x27100  }
0x106: {  	s31 =	sadd.s32 $0x1, s31;
	s9 =	rddreg [dreg:$0x7]  }
0x107: {  	p1 =	sne.s32 s31, s9  }
.Ltmp1:
0x108: {  	_ = 	snop;
	(pc) =	sbr.rel @p1 .LBB2_1-.Ltmp1, $3  }
0x109: {  	_ =	sdelay $0x1  }
0x10a: {  	[sflag:s0] =	ssyncset.done @!p0 $0x0  }
0x10b: {  	[sflag:s0] =	ssyncadd.s32 @!p0 $0xFFFD8F00  }
0x10c: {  	_ =	sfence.sel $0x180000  }
0x10d: {  	[bflag:$0x0] =	sbarrier.arrive $0xFFFF  }
0x10e: {  	_ =	strace $0x9000004A  }
0x10f: {  	[bflag:$0x2] =	sbarrier.arrive $0xFFFF  }
0x110: {  	s0 =	rddreg [dreg:$0x4]  }
0x111: {  	s0 =	sadd.s32 @!p0 $0x100000, s0  }
0x112: {  	[sflag:s0] =	ssyncadd.tile.s32 @!p0 $0x1;
	_ =	shalt  }
.Lfunc_end2:
_tile_overlayer_lowered:
.L_overlay_start_2:
0x113: {  	(tag) =	ssettag $0x2  }
0x114: {  	s0 =	rddreg [dreg:$0x0];
	s2 =	stileid.u32  }
0x115: {  	s1 =	rddreg [dreg:$0x1];
	p0 =	sne.s32 s2, $0x0  }
0x116: {  	s3 =	rddreg [dreg:$0x2];
	[bflag:$0x3] =	sbarrier.arrive $0xFFFF;
	s2 =	simm.s32 @!p0 $0x1C03  }
0x117: {  	[timem:s3], [sflag:s2] =	dma.local @!p0 [hbm:s0], s1  }
0x118: {  	s0 =	simm.s32 @!p0 $0x3  }
0x119: {  	_ =	swait.ge @!p0 [sflag:s0], s1  }
0x11a: {  	s1 =	ssub.s32 @!p0 $0x0, s1;
	[sflag:s0] =	ssyncset.done @!p0 $0x0  }
0x11b: {  	[sflag:s0] =	ssyncadd.s32 @!p0 s1  }
0x11c: {  	[bflag:$0x3] =	sbarrier.arrive $0xFFFF  }
0x11d: {  	_ =	shalt  }

// kernel: kernel.16.cloned.1.call-start
scs
__scs_entry_jumppad:
0x0: {  	(pc) =	sbr.rel $0x88, $3  }
0x1: {  	(tag) =	ssettag $0x0;
	lr =	simm.s32 $0x1  }
0x2: {  	[smem:$0x3F90] =	sst lr;
	_ =	strace $0xD0000000  }
0x3: {  	_ = 	snop  }
0x4: {  	_ = 	snop  }
0x5: {  	_ = 	snop  }
0x6: {  	_ = 	snop  }
0x7: {  	_ = 	snop  }
__scs_overlays_trampoline_lowered:
0x8: {  	[smem:$0x3F9F] =	sst s0  }
0x9: {  	[smem:$0x3FA0] =	sst s1  }
0xa: {  	[smem:$0x3FA1] =	sst s2  }
0xb: {  	[smem:$0x3FA2] =	sst s3  }
0xc: {  	[smem:$0x3FA3] =	sst s4  }
0xd: {  	[smem:$0x3FA4] =	sst s5  }
0xe: {  	[smem:$0x3FA5] =	sst s6  }
0xf: {  	[smem:$0x3FA6] =	sst s7  }
0x10: {  	[smem:$0x3FA7] =	sst s8  }
0x11: {  	[smem:$0x3FA8] =	sst s9;
	s0 =	simm.s32 @!p0 $0x0  }
0x12: {  	s1 =	sld [smem:$0x3F8E];
	s0 =	simm.s32 @p0 $0x1  }
0x13: {  	[smem:$0x3FA9] =	sst s0;
	s0 =	simm.s32 @!p1 $0x0  }
0x14: {  	s2 =	sld [smem:$0x3F8D];
	s0 =	simm.s32 @p1 $0x1  }
0x15: {  	[smem:$0x3FAA] =	sst s0;
	s0 =	simm.s32 @!p2 $0x0  }
0x16: {  	s3 =	sld [smem:$0x3FDB];
	s0 =	simm.s32 @p2 $0x1  }
0x17: {  	s4 =	simm.s32 $0x1BF5;
	[smem:$0x3FAC] =	sst s0  }
0x18: {  	s0 =	sld [smem:$0x3F8F];
	_ =	swait.ge [sflag:s4], $0x0  }
0x19: {  	s7 =	sld [smem:$0x3F90]  }
0x1a: {  	s8 =	sadd.s32 $0xFFFFE003, lr  }
0x1b: {  	s9 =	sadd.s32 $0xFFFFFEF7, lr;
	s5 =	simm.s32 $0xFFFFFFFF;
	p2 =	slt.u32 s8, $0xFFFFF086  }
0x1c: {  	p1 =	slt.u32 s9, $0xF7A;
	s5 =	simm.s32 @!p2 $0x0  }
0x1d: {  	s5 =	simm.s32 @p1 $0x1;
	p0 =	seq.s32 s7, s2  }
0x1e: {  	s7 =	smul.u32 @!p0 $0xF7A, s2;
	p2 =	seq.s32 @!p0 s5, $0x0  }
0x1f: {  	s9 =	smul.u32 $0xF7A, s1;
	s8 =	simm.s32 @!p0 $0x1BF5;
	p2 =	por !p2, p0  }
0x20: {  	[sflag:s8] =	ssyncset.s32 @!p0 $0xFFFFF086;
	s6 =	sadd.s32 @!p0 s3, s7;
	s7 =	simm.s32 @!p0 $0x108  }
0x21: {  	s3 =	sadd.s32 s3, s9;
	s6 =	sadd.s32 @!p0 $0x88, s6;
	s7 =	simm.s32 @p2 $0x1082  }
0x22: {  	[simem:s7], [sflag:s8] =	dma.local @!p0 [hbm:s6], $0xF7A  }
0x23: {  	s9 =	sor.u32 $0xD0000000, s2;
	s6 =	simm.s32 $0x108;
	_ =	swait.ge @!p0 [sflag:s8], $0x0  }
0x24: {  	s3 =	sadd.s32 $0x88, s3;
	s6 =	simm.s32 @!p1 $0x1082;
	[sflag:s4] =	ssyncset.s32 $0xFFFFF086  }
0x25: {  	[simem:s6], [sflag:s4] =	dma.local [hbm:s3], $0xF7A  }
0x26: {  	[smem:$0x3F90] =	sst s1;
	(tag) =	ssettag s2;
	_ =	strace s9  }
0x27: {  	s1 =	sld [smem:$0x3FA0]  }
0x28: {  	s2 =	sld [smem:$0x3FA1]  }
0x29: {  	s4 =	sld [smem:$0x3FA3]  }
0x2a: {  	p0 =	seq.s32 s5, $0x0;
	s5 =	sld [smem:$0x3FA4]  }
0x2b: {  	s6 =	sld [smem:$0x3FA5]  }
0x2c: {  	s7 =	sld [smem:$0x3FA6]  }
0x2d: {  	s3 =	simm.s32 $0x108;
	s8 =	sld [smem:$0x3FA7]  }
0x2e: {  	s3 =	simm.s32 @!p0 $0x1082;
	s9 =	sld [smem:$0x3FA8]  }
0x2f: {  	lr =	sadd.s32 s0, s3;
	s0 =	sld [smem:$0x3F9F]  }
0x30: {  	s3 =	sld [smem:$0x3FA2]  }
0x31: {  	[smem:$0x3FAB] =	sst s10  }
0x32: {  	s10 =	sld [smem:$0x3FA9];
	_ =	sdelay $0x3  }
0x33: {  	p0 =	seq.s32 s10, $0x1;
	s10 =	sld [smem:$0x3FAB];
	_ =	sdelay $0x3  }
0x34: {  	[smem:$0x3FAB] =	sst s10  }
0x35: {  	s10 =	sld [smem:$0x3FAA];
	_ =	sdelay $0x3  }
0x36: {  	p1 =	seq.s32 s10, $0x1;
	s10 =	sld [smem:$0x3FAB];
	_ =	sdelay $0x3  }
0x37: {  	[smem:$0x3FAB] =	sst s10  }
0x38: {  	s10 =	sld [smem:$0x3FAC]  }
0x39: {  	_ = 	snop;
	(pc) =	sbr.ind lr, $3  }
0x3a: {  	_ = 	snop  }
0x3b: {  	_ = 	snop  }
0x3c: {  	p2 =	seq.s32 s10, $0x1;
	s10 =	sld [smem:$0x3FAB]  }
0x3d: {  	_ =	shalt  }
0x3e: {  	_ =	shalt  }
0x3f: {  	_ =	shalt  }
0x40: {  	_ =	shalt  }
0x41: {  	_ =	shalt  }
0x42: {  	_ =	shalt  }
0x43: {  	_ =	shalt  }
0x44: {  	_ =	shalt  }
0x45: {  	_ =	shalt  }
0x46: {  	_ =	shalt  }
0x47: {  	_ =	shalt  }
0x48: {  	_ =	shalt  }
0x49: {  	_ =	shalt  }
0x4a: {  	_ =	shalt  }
0x4b: {  	_ =	shalt  }
0x4c: {  	_ =	shalt  }
0x4d: {  	_ =	shalt  }
0x4e: {  	_ =	shalt  }
0x4f: {  	_ =	shalt  }
0x50: {  	_ =	shalt  }
0x51: {  	_ =	shalt  }
0x52: {  	_ =	shalt  }
0x53: {  	_ =	shalt  }
0x54: {  	_ =	shalt  }
0x55: {  	_ =	shalt  }
0x56: {  	_ =	shalt  }
0x57: {  	_ =	shalt  }
0x58: {  	_ =	shalt  }
0x59: {  	_ =	shalt  }
0x5a: {  	_ =	shalt  }
0x5b: {  	_ =	shalt  }
0x5c: {  	_ =	shalt  }
0x5d: {  	_ =	shalt  }
0x5e: {  	_ =	shalt  }
0x5f: {  	_ =	shalt  }
0x60: {  	_ =	shalt  }
0x61: {  	_ =	shalt  }
0x62: {  	_ =	shalt  }
0x63: {  	_ =	shalt  }
0x64: {  	_ =	shalt  }
0x65: {  	_ =	shalt  }
0x66: {  	_ =	shalt  }
0x67: {  	_ =	shalt  }
0x68: {  	_ =	shalt  }
0x69: {  	_ =	shalt  }
0x6a: {  	_ =	shalt  }
0x6b: {  	_ =	shalt  }
0x6c: {  	_ =	shalt  }
0x6d: {  	_ =	shalt  }
0x6e: {  	_ =	shalt  }
0x6f: {  	_ =	shalt  }
0x70: {  	_ =	shalt  }
0x71: {  	_ =	shalt  }
0x72: {  	_ =	shalt  }
0x73: {  	_ =	shalt  }
0x74: {  	_ =	shalt  }
0x75: {  	_ =	shalt  }
0x76: {  	_ =	shalt  }
0x77: {  	_ =	shalt  }
0x78: {  	_ =	shalt  }
0x79: {  	_ =	shalt  }
0x7a: {  	_ =	shalt  }
0x7b: {  	_ =	shalt  }
0x7c: {  	_ =	shalt  }
0x7d: {  	_ =	shalt  }
0x7e: {  	_ =	shalt  }
0x7f: {  	_ =	shalt  }
0x80: {  	_ =	shalt  }
0x81: {  	_ =	shalt  }
0x82: {  	_ =	shalt  }
0x83: {  	_ =	shalt  }
0x84: {  	_ =	shalt  }
0x85: {  	_ =	shalt  }
0x86: {  	_ =	shalt  }
0x87: {  	_ =	shalt  }
.Lfunc_end0:
.L_simem_size_0:
called_computation.2_lowered:
.L_overlay_start_0:
0x88: {  	s2 =	sld [smem:$0x3FD9]  }
0x89: {  	s3 =	sld [smem:$0x3FFE];
	_ =	sdelay $0x1  }
0x8a: {  	s1 =	srdreg.scid  }
0x8b: {  	s0 =	sand.u32 $0x1, s1  }
0x8c: {  	s15 =	sshll.u32 s0, $0xA;
	s2 =	sadd.s32 s3, s2  }
0x8d: {  	s2 =	sadd.s32 s2, s15  }
0x8e: {  	[smem:$0x3FB7] =	sst s2  }
0x8f: {  	_ = 	snop  }
0x90: {  	s2 =	sld [smem:$0x3FD0];
	_ =	sdelay $0x2  }
0x91: {  	s4 =	simm.s32 $0xB;
	s16 =	simm.s32 $0x10  }
0x92: {  	[smem:s16], [sflag:s4] =	dma.local [hbm:s2], $0x1  }
0x93: {  	_ =	swait.eq [sflag:s4], $0x1  }
0x94: {  	[sflag:s4] =	ssyncset.done $0x0  }
0x95: {  	s17 =	sld [smem:$0x12];
	[sflag:s4] =	ssyncadd.s32 $0xFFFFFFFF  }
0x96: {  	s18 =	sld [smem:$0x13];
	(tm) =	ssettm $0x1  }
0x97: {  	s19 =	sld [smem:$0x3FFB];
	_ =	sdelay $0x3  }
0x98: {  	_ =	strace s19  }
0x99: {  	s2 =	sld [smem:$0x3FFC];
	_ =	sdelay $0x3  }
0x9a: {  	_ =	strace s2  }
0x9b: {  	s2 =	sld [smem:$0x3FFD];
	_ =	sdelay $0x3  }
0x9c: {  	_ =	strace s2  }
0x9d: {  	_ =	strace $0x8FFFFFFF  }
0x9e: {  	s20 =	sld [smem:$0x3FDB];
	_ =	sdelay $0x1  }
0x9f: {  	s5 =	simm.s32 $_scs_section_size  }
0xa0: {  	s6 =	simm.s32 $_size__tile_overlayer_lowered;
	s7 =	simm.s32 $_tile_overlayer_lowered  }
0xa1: {  	s8 =	simm.s32 $0x1BFF;
	s21 =	sshll.u32 s7, $0x1;
	s5 =	sadd.s32 s5, s20  }
0xa2: {  	s22 =	simm.s32 $0x0;
	s6 =	sshll.u32 s6, $0x1;
	s7 =	sadd.s32 s21, s5  }
0xa3: {  	[timem:s22], [sflag:s8] =	dma.local [hbm:s7], s6  }
0xa4: {  	_ =	swait.ge [sflag:s8], s6  }
0xa5: {  	s6 =	ssub.s32 $0x0, s6;
	[sflag:s8] =	ssyncset.done $0x0  }
0xa6: {  	[sflag:s8] =	ssyncadd.s32 s6;
	_ =	sdelay $0x1  }
0xa7: {  	s23 =	simm.s32 $0x1B8B  }
0xa8: {  	_ =	swait.ge [sflag:s23], $0x1  }
0xa9: {  	[sflag:s23] =	ssyncset.done $0x0  }
0xaa: {  	[sflag:s23] =	ssyncadd.s32 $0xFFFFFFFF  }
0xab: {  	s6 =	sld [smem:$0x0]  }
0xac: {  	s7 =	sand.u32 $0xFFFFFFFE, s1  }
0xad: {  	p0 =	sne.s32 s1, s7  }
0xae: {  	s7 =	sshll.u32 @p0 s7, $0xE  }
0xaf: {  	s7 =	sadd.s32 @p0 $0x11B8D, s7;
	s8 =	sshll.u32 @p0 s6, $0x11  }
0xb0: {  	s7 =	sor.u32 @p0 s8, s7  }
0xb1: {  	[sflag:s7] =	ssyncadd.remote.s32 @p0 $0x1;
	_ =	sdelay $0x1  }
0xb2: {  	s7 =	simm.s32 @p0 $0x1B8D  }
0xb3: {  	_ =	swait.eq @p0 [sflag:s7], $0x1  }
0xb4: {  	[sflag:s7] =	ssyncadd.s32 @p0 $0xFFFFFFFF  }
0xb5: {  	s8 =	sshll.u32 @!p0 s1, $0xE  }
0xb6: {  	s8 =	sor.u32 @!p0 $0x4000, s8;
	s7 =	simm.s32 @!p0 $0x1B8D  }
0xb7: {  	s6 =	sshll.u32 @!p0 s6, $0x11;
	s8 =	sadd.s32 @!p0 $0x11B8D, s8;
	_ =	swait.eq @!p0 [sflag:s7], $0x1  }
0xb8: {  	s6 =	sor.u32 @!p0 s6, s8;
	[sflag:s7] =	ssyncadd.s32 @!p0 $0xFFFFFFFF  }
0xb9: {  	s25 =	simm.s32 $0x1B8E;
	s24 =	sld [smem:$0x3FFE];
	[sflag:s6] =	ssyncadd.remote.s32 @!p0 $0x1  }
0xba: {  	s26 =	simm.s32 $execute0_lowered;
	[smem:$0x3FD2] =	sst s25  }
0xbb: {  	s7 =	sshll.u32 s26, $0x1;
	_ =	strace $0x8000004F;
	[dreg:$0x1] =	wrdreg $0xFFFFFFFF  }
0xbc: {  	s28 =	simm.s32 $_size_execute0_lowered;
	s5 =	sadd.s32 s5, s7;
	[dreg:$0x0] =	wrdreg $0x0  }
0xbd: {  	s7 =	sshll.u32 s28, $0x1;
	[dreg:$0x2] =	wrdreg s5  }
0xbe: {  	[dreg:$0x3] =	wrdreg s7  }
0xbf: {  	[dreg:$0x4] =	wrdreg $0xC0  }
0xc0: {  	_ =	task [dreg:s22], $0x5FFFF  }
0xc1: {  	[dreg:$0x1] =	wrdreg $0xFFFFFFFF  }
0xc2: {  	[dreg:$0x0] =	wrdreg $0x60  }
0xc3: {  	[dreg:$0x2] =	wrdreg s24  }
0xc4: {  	[dreg:$0x3] =	wrdreg s18  }
0xc5: {  	[dreg:$0x4] =	wrdreg s17  }
0xc6: {  	[dreg:$0x5] =	wrdreg $0x88000  }
0xc7: {  	[dreg:$0x6] =	wrdreg $0x9  }
0xc8: {  	_ =	task.clear_ibuf [dreg:s22], $0x7FFFF;
	_ =	strace $0x9000004F  }
0xc9: {  	s29 =	simm.s32 $0x9;
	_ =	strace $0x80000051  }
0xca: {  	_ =	swait.ge [sflag:s29], $0x1  }
0xcb: {  	[sflag:s29] =	ssyncadd.s32 $0xFFFFFFFF  }
0xcc: {  	_ =	strace $0x90000051  }
0xcd: {  	_ =	sfence  }
0xce: {  	s30 =	sld [smem:$0x0];
	_ =	sdelay $0x2  }
0xcf: {  	s31 =	sshll.u32 s1, $0xD;
	s1 =	sshrl.u32 s1, $0x2  }
0xd0: {  	s4 =	sand.u32 $0x4000, s31;
	s1 =	sadd.s32 s1, s30  }
0xd1: {  	s0 =	sor.u32 s4, s0;
	s1 =	sshll.u32 s1, $0x11  }
0xd2: {  	s0 =	sor.u32 s1, s0  }
0xd3: {  	s0 =	sadd.s32 $0x8F2B, s0  }
0xd4: {  	[sflag:s0] =	ssyncadd.remote.s32 $0x1  }
0xd5: {  	_ =	sfence.sel $0xFFFF  }
0xd6: {  	[dreg:$0x0] =	wrdreg $0xFFFFFFFF;
	(pc) =	sbr.abs _section_cstart, $3  }
0xd7: {  	[dreg:$0x1] =	wrdreg $0xFFFFFFFF  }
0xd8: {  	_ =	task.clear_ibuf [dreg:s22], $0x2FFFF;
	_ =	strace $0x9FFFFFFF  }
0xd9: {  	(tm) =	ssettm $0x7FFFFFFF  }
tec
execute0_lowered:
.L_overlay_start_1:
0x0: {  	(tag) =	ssettag $0x1  }
0x1: {  	s0 =	rddreg [dreg:$0x0]  }
0x2: {  	s4 =	rddreg [dreg:$0x1]  }
0x3: {  	s6 =	rddreg [dreg:$0x2]  }
0x4: {  	s1 =	rddreg [dreg:$0x3];
	s2 =	simm.s32 $0x0;
	s3 =	srdreg.scid  }
0x5: {  	s7 =	stileid.u32;
	s12 =	simm.s32 $0x80;
	s13 =	simm.s32 $0x800  }
0x6: {  	s14 =	simm.s32 $0x4800;
	s15 =	simm.s32 $0x1;
	s16 =	simm.s32 $0x2  }
0x7: {  	s17 =	simm.s32 $0x480;
	s18 =	simm.s32 $0x100;
	s19 =	simm.s32 $0x180  }
0x8: {  	s20 =	simm.s32 $0x500;
	s21 =	simm.s32 $0x580;
	s22 =	simm.s32 $0x200  }
0x9: {  	s23 =	simm.s32 $0x280;
	s28 =	simm.s32 $0x380;
	s29 =	simm.s32 $0x700  }
0xa: {  	s30 =	simm.s32 $0x780;
	s31 =	simm.s32 $0x0;
	[smem:$0x7FF] =	sst s2  }
0xb: {  	s3 =	sand.u32 $0x1, s3;
	s24 =	sadd.s32 $0x9FC00, s0;
	p0 =	sne.s32 s7, $0x0  }
0xc: {  	_ =	strace $0x80000050;
	s5 =	sshll.u32 s3, $0x4;
	s8 =	smul.u32 $0x27100, s3  }
0xd: {  	s9 =	ssub.s32 $0x2, s3;
	s3 =	sadd.s32 $0x115000, s0;
	[dreg:$0x5] =	wrdreg s24  }
0xe: {  	s24 =	simm.s32 $0x600;
	s5 =	sor.u32 s7, s5;
	s10 =	sshrl.u32 s9, $0x1  }
0xf: {  	s7 =	sshrl.u32 @!p0 s1, $0x3;
	s11 =	smul.u32 $0x500, s5;
	s0 =	sadd.s32 s8, s0  }
0x10: {  	s25 =	ssub.s32 s9, s10;
	s10 =	simm.s32 $0x3;
	[dreg:$0x8] =	wrdreg s7  }
0x11: {  	s0 =	sadd.s32 $0x1B1400, s0;
	s26 =	smax.u32 s25, $0x1;
	s25 =	simm.s32 $0x680  }
0x12: {  	s5 =	sadd.s32 s4, s11;
	s6 =	sadd.s32 s6, s11;
	[dreg:$0x6] =	wrdreg s0  }
0x13: {  	[dreg:$0x7] =	wrdreg s26;
	s11 =	simm.s32 $0x400;
	s26 =	simm.s32 $0x300  }
.LBB2_1:
0x14: {  	s0 =	simm.s32 @!p0 $0x1C03;
	s4 =	rddreg [dreg:$0x5]  }
0x15: {  	[spmem:s7], [sflag:s0] =	dma.local @!p0 [hbm:s4], $0x27180  }
0x16: {  	s0 =	simm.s32 @!p0 $0x3  }
0x17: {  	_ =	swait.ge @!p0 [sflag:s0], $0x27180  }
0x18: {  	[sflag:s0] =	ssyncset.done @!p0 $0x0  }
0x19: {  	[sflag:s0] =	ssyncadd.s32 @!p0 $0xFFFD8E80  }
0x1a: {  	s8 =	sadd.s32 $0x0, s5;
	[bflag:$0x0] =	sbarrier.arrive $0xFFFF  }
0x1b: {  	[tilespmem:s2], [sflag:$0x3] =	stream.linear.gather [hbm4b:s8+s2], $0x400, $0x38;
	[tilespmem:$0x1C0C0] =	vst v63  }
0x1c: {  	_ =	swait.ge [sflag:s10], $0x400  }
0x1d: {  	[sflag:s10] =	ssyncset.done $0x0  }
0x1e: {  	s9 =	sadd.s32 $0x0, s6;
	[sflag:s10] =	ssyncadd.s32 $0xFFFFFC00  }
0x1f: {  	[tilespmem:s11], [sflag:$0x3] =	stream.linear.gather [hbm4b:s9+s2], $0x400, $0x38;
	[tilespmem:$0x1C0C0] =	vst v63  }
0x20: {  	_ =	swait.ge [sflag:s10], $0x400  }
0x21: {  	[sflag:s10] =	ssyncset.done $0x0  }
0x22: {  	[sflag:s10] =	ssyncadd.s32 $0xFFFFFC00  }
0x23: {  	[tilespmem:s13], [sflag:$0x1] =	stream.indirect.gather [hbm4b:s3+s12], $0x80, s2, s12, $0xb8;
	[tilespmem:$0x1C0C0] =	vst v63  }
0x24: {  	_ = 	snop  }
0x25: {  	[tilespmem:s14], [sflag:$0x2] =	stream.indirect.gather [hbm4b:s3+s12], $0x80, s12, s12, $0xb8;
	[tilespmem:$0x1C0C0] =	vst v63  }
0x26: {  	_ =	swait.ge [sflag:s15], $0x4000  }
0x27: {  	[sflag:s15] =	ssyncset.done $0x0  }
0x28: {  	[sflag:s15] =	ssyncadd.s32 $0xFFFFC000  }
0x29: {  	[spmem:s1] =	stream.indirect.scatter.add.f32 [tilespmem:s13], [sflag:$0x3], $0x80, s11, s12, $0xb8;
	[tilespmem:$0x1C0C0] =	vst v63  }
0x2a: {  	_ =	swait.ge [sflag:s10], $0x4000  }
0x2b: {  	[sflag:s10] =	ssyncset.done $0x0  }
0x2c: {  	[sflag:s10] =	ssyncadd.s32 $0xFFFFC000  }
0x2d: {  	_ =	swait.ge [sflag:s16], $0x4000  }
0x2e: {  	[sflag:s16] =	ssyncset.done $0x0  }
0x2f: {  	[sflag:s16] =	ssyncadd.s32 $0xFFFFC000  }
0x30: {  	[spmem:s1] =	stream.indirect.scatter.add.f32 [tilespmem:s14], [sflag:$0x3], $0x80, s17, s12, $0xb8;
	[tilespmem:$0x1C0C0] =	vst v63  }
0x31: {  	_ =	swait.ge [sflag:s10], $0x4000  }
0x32: {  	[sflag:s10] =	ssyncset.done $0x0  }
0x33: {  	[sflag:s10] =	ssyncadd.s32 $0xFFFFC000  }
0x34: {  	[tilespmem:s13], [sflag:$0x1] =	stream.indirect.gather [hbm4b:s3+s12], $0x80, s18, s12, $0xb8;
	[tilespmem:$0x1C0C0] =	vst v63  }
0x35: {  	_ = 	snop  }
0x36: {  	[tilespmem:s14], [sflag:$0x2] =	stream.indirect.gather [hbm4b:s3+s12], $0x80, s19, s12, $0xb8;
	[tilespmem:$0x1C0C0] =	vst v63  }
0x37: {  	_ =	swait.ge [sflag:s15], $0x4000  }
0x38: {  	[sflag:s15] =	ssyncset.done $0x0  }
0x39: {  	[sflag:s15] =	ssyncadd.s32 $0xFFFFC000  }
0x3a: {  	[spmem:s1] =	stream.indirect.scatter.add.f32 [tilespmem:s13], [sflag:$0x3], $0x80, s20, s12, $0xb8;
	[tilespmem:$0x1C0C0] =	vst v63  }
0x3b: {  	_ =	swait.ge [sflag:s10], $0x4000  }
0x3c: {  	[sflag:s10] =	ssyncset.done $0x0  }
0x3d: {  	[sflag:s10] =	ssyncadd.s32 $0xFFFFC000  }
0x3e: {  	_ =	swait.ge [sflag:s16], $0x4000  }
0x3f: {  	[sflag:s16] =	ssyncset.done $0x0  }
0x40: {  	[sflag:s16] =	ssyncadd.s32 $0xFFFFC000  }
0x41: {  	[spmem:s1] =	stream.indirect.scatter.add.f32 [tilespmem:s14], [sflag:$0x3], $0x80, s21, s12, $0xb8;
	[tilespmem:$0x1C0C0] =	vst v63  }
0x42: {  	_ =	swait.ge [sflag:s10], $0x4000  }
0x43: {  	[sflag:s10] =	ssyncset.done $0x0  }
0x44: {  	[sflag:s10] =	ssyncadd.s32 $0xFFFFC000  }
0x45: {  	[tilespmem:s13], [sflag:$0x1] =	stream.indirect.gather [hbm4b:s3+s12], $0x80, s22, s12, $0xb8;
	[tilespmem:$0x1C0C0] =	vst v63  }
0x46: {  	_ = 	snop  }
0x47: {  	[tilespmem:s14], [sflag:$0x2] =	stream.indirect.gather [hbm4b:s3+s12], $0x80, s23, s12, $0xb8;
	[tilespmem:$0x1C0C0] =	vst v63  }
0x48: {  	_ =	swait.ge [sflag:s15], $0x4000  }
0x49: {  	[sflag:s15] =	ssyncset.done $0x0  }
0x4a: {  	[sflag:s15] =	ssyncadd.s32 $0xFFFFC000  }
0x4b: {  	[spmem:s1] =	stream.indirect.scatter.add.f32 [tilespmem:s13], [sflag:$0x3], $0x80, s24, s12, $0xb8;
	[tilespmem:$0x1C0C0] =	vst v63  }
0x4c: {  	_ =	swait.ge [sflag:s10], $0x4000  }
0x4d: {  	[sflag:s10] =	ssyncset.done $0x0  }
0x4e: {  	[sflag:s10] =	ssyncadd.s32 $0xFFFFC000  }
0x4f: {  	_ =	swait.ge [sflag:s16], $0x4000  }
0x50: {  	[sflag:s16] =	ssyncset.done $0x0  }
0x51: {  	[sflag:s16] =	ssyncadd.s32 $0xFFFFC000  }
0x52: {  	[spmem:s1] =	stream.indirect.scatter.add.f32 [tilespmem:s14], [sflag:$0x3], $0x80, s25, s12, $0xb8;
	[tilespmem:$0x1C0C0] =	vst v63  }
0x53: {  	_ =	swait.ge [sflag:s10], $0x4000  }
0x54: {  	[sflag:s10] =	ssyncset.done $0x0  }
0x55: {  	[sflag:s10] =	ssyncadd.s32 $0xFFFFC000  }
0x56: {  	[tilespmem:s13], [sflag:$0x1] =	stream.indirect.gather [hbm4b:s3+s12], $0x80, s26, s12, $0xb8;
	[tilespmem:$0x1C0C0] =	vst v63  }
0x57: {  	_ = 	snop  }
0x58: {  	[tilespmem:s14], [sflag:$0x2] =	stream.indirect.gather [hbm4b:s3+s12], $0x80, s28, s12, $0xb8;
	[tilespmem:$0x1C0C0] =	vst v63  }
0x59: {  	_ =	swait.ge [sflag:s15], $0x4000  }
0x5a: {  	[sflag:s15] =	ssyncset.done $0x0  }
0x5b: {  	[sflag:s15] =	ssyncadd.s32 $0xFFFFC000  }
0x5c: {  	[spmem:s1] =	stream.indirect.scatter.add.f32 [tilespmem:s13], [sflag:$0x3], $0x80, s29, s12, $0xb8;
	[tilespmem:$0x1C0C0] =	vst v63  }
0x5d: {  	_ =	swait.ge [sflag:s10], $0x4000  }
0x5e: {  	[sflag:s10] =	ssyncset.done $0x0  }
0x5f: {  	[sflag:s10] =	ssyncadd.s32 $0xFFFFC000  }
0x60: {  	_ =	swait.ge [sflag:s16], $0x4000  }
0x61: {  	[sflag:s16] =	ssyncset.done $0x0  }
0x62: {  	[sflag:s16] =	ssyncadd.s32 $0xFFFFC000  }
0x63: {  	[spmem:s1] =	stream.indirect.scatter.add.f32 [tilespmem:s14], [sflag:$0x3], $0x80, s30, s12, $0xb8;
	[tilespmem:$0x1C0C0] =	vst v63  }
0x64: {  	_ =	swait.ge [sflag:s10], $0x4000  }
0x65: {  	s4 =	simm.s32 $0x100;
	s0 =	simm.s32 $0x80;
	[sflag:s10] =	ssyncset.done $0x0  }
.LBB2_2:
0x66: {  	s8 =	sadd.s32 s0, s5  }
0x67: {  	[sflag:s10] =	ssyncadd.s32 $0xFFFFC000;
	s9 =	smov.u32 s4;
	s7 =	sadd.s32 $0x80, s4  }
0x68: {  	[tilespmem:s2], [sflag:$0x3] =	stream.linear.gather [hbm4b:s8+s2], $0x400, $0x38;
	[tilespmem:$0x1C0C0] =	vst v63  }
0x69: {  	p1 =	sne.s32 s4, $0x480;
	_ =	swait.ge [sflag:s10], $0x400  }
0x6a: {  	[sflag:s10] =	ssyncset.done $0x0  }
0x6b: {  	s4 =	sadd.s32 s0, s6;
	s0 =	smov.u32 s9;
	[sflag:s10] =	ssyncadd.s32 $0xFFFFFC00  }
0x6c: {  	[tilespmem:s11], [sflag:$0x3] =	stream.linear.gather [hbm4b:s4+s2], $0x400, $0x38;
	[tilespmem:$0x1C0C0] =	vst v63  }
0x6d: {  	_ =	swait.ge [sflag:s10], $0x400  }
0x6e: {  	[sflag:s10] =	ssyncset.done $0x0  }
0x6f: {  	[sflag:s10] =	ssyncadd.s32 $0xFFFFFC00  }
0x70: {  	[tilespmem:s13], [sflag:$0x1] =	stream.indirect.gather [hbm4b:s3+s12], $0x80, s2, s12, $0xb8;
	[tilespmem:$0x1C0C0] =	vst v63  }
0x71: {  	_ = 	snop  }
0x72: {  	[tilespmem:s14], [sflag:$0x2] =	stream.indirect.gather [hbm4b:s3+s12], $0x80, s12, s12, $0xb8;
	[tilespmem:$0x1C0C0] =	vst v63  }
0x73: {  	_ =	swait.ge [sflag:s15], $0x4000  }
0x74: {  	[sflag:s15] =	ssyncset.done $0x0  }
0x75: {  	[sflag:s15] =	ssyncadd.s32 $0xFFFFC000  }
0x76: {  	[spmem:s1] =	stream.indirect.scatter.add.f32 [tilespmem:s13], [sflag:$0x3], $0x80, s11, s12, $0xb8;
	[tilespmem:$0x1C0C0] =	vst v63  }
0x77: {  	_ =	swait.ge [sflag:s10], $0x4000  }
0x78: {  	[sflag:s10] =	ssyncset.done $0x0  }
0x79: {  	[sflag:s10] =	ssyncadd.s32 $0xFFFFC000  }
0x7a: {  	_ =	swait.ge [sflag:s16], $0x4000  }
0x7b: {  	[sflag:s16] =	ssyncset.done $0x0  }
0x7c: {  	[sflag:s16] =	ssyncadd.s32 $0xFFFFC000  }
0x7d: {  	[spmem:s1] =	stream.indirect.scatter.add.f32 [tilespmem:s14], [sflag:$0x3], $0x80, s17, s12, $0xb8;
	[tilespmem:$0x1C0C0] =	vst v63  }
0x7e: {  	_ =	swait.ge [sflag:s10], $0x4000  }
0x7f: {  	[sflag:s10] =	ssyncset.done $0x0  }
0x80: {  	[sflag:s10] =	ssyncadd.s32 $0xFFFFC000  }
0x81: {  	[tilespmem:s13], [sflag:$0x1] =	stream.indirect.gather [hbm4b:s3+s12], $0x80, s18, s12, $0xb8;
	[tilespmem:$0x1C0C0] =	vst v63  }
0x82: {  	_ = 	snop  }
0x83: {  	[tilespmem:s14], [sflag:$0x2] =	stream.indirect.gather [hbm4b:s3+s12], $0x80, s19, s12, $0xb8;
	[tilespmem:$0x1C0C0] =	vst v63  }
0x84: {  	_ =	swait.ge [sflag:s15], $0x4000  }
0x85: {  	[sflag:s15] =	ssyncset.done $0x0  }
0x86: {  	[sflag:s15] =	ssyncadd.s32 $0xFFFFC000  }
0x87: {  	[spmem:s1] =	stream.indirect.scatter.add.f32 [tilespmem:s13], [sflag:$0x3], $0x80, s20, s12, $0xb8;
	[tilespmem:$0x1C0C0] =	vst v63  }
0x88: {  	_ =	swait.ge [sflag:s10], $0x4000  }
0x89: {  	[sflag:s10] =	ssyncset.done $0x0  }
0x8a: {  	[sflag:s10] =	ssyncadd.s32 $0xFFFFC000  }
0x8b: {  	_ =	swait.ge [sflag:s16], $0x4000  }
0x8c: {  	[sflag:s16] =	ssyncset.done $0x0  }
0x8d: {  	[sflag:s16] =	ssyncadd.s32 $0xFFFFC000  }
0x8e: {  	[spmem:s1] =	stream.indirect.scatter.add.f32 [tilespmem:s14], [sflag:$0x3], $0x80, s21, s12, $0xb8;
	[tilespmem:$0x1C0C0] =	vst v63  }
0x8f: {  	_ =	swait.ge [sflag:s10], $0x4000  }
0x90: {  	[sflag:s10] =	ssyncset.done $0x0  }
0x91: {  	[sflag:s10] =	ssyncadd.s32 $0xFFFFC000  }
0x92: {  	[tilespmem:s13], [sflag:$0x1] =	stream.indirect.gather [hbm4b:s3+s12], $0x80, s22, s12, $0xb8;
	[tilespmem:$0x1C0C0] =	vst v63  }
0x93: {  	_ = 	snop  }
0x94: {  	[tilespmem:s14], [sflag:$0x2] =	stream.indirect.gather [hbm4b:s3+s12], $0x80, s23, s12, $0xb8;
	[tilespmem:$0x1C0C0] =	vst v63  }
0x95: {  	_ =	swait.ge [sflag:s15], $0x4000  }
0x96: {  	[sflag:s15] =	ssyncset.done $0x0  }
0x97: {  	[sflag:s15] =	ssyncadd.s32 $0xFFFFC000  }
0x98: {  	[spmem:s1] =	stream.indirect.scatter.add.f32 [tilespmem:s13], [sflag:$0x3], $0x80, s24, s12, $0xb8;
	[tilespmem:$0x1C0C0] =	vst v63  }
0x99: {  	_ =	swait.ge [sflag:s10], $0x4000  }
0x9a: {  	[sflag:s10] =	ssyncset.done $0x0  }
0x9b: {  	[sflag:s10] =	ssyncadd.s32 $0xFFFFC000  }
0x9c: {  	_ =	swait.ge [sflag:s16], $0x4000  }
0x9d: {  	[sflag:s16] =	ssyncset.done $0x0  }
0x9e: {  	[sflag:s16] =	ssyncadd.s32 $0xFFFFC000  }
0x9f: {  	[spmem:s1] =	stream.indirect.scatter.add.f32 [tilespmem:s14], [sflag:$0x3], $0x80, s25, s12, $0xb8;
	[tilespmem:$0x1C0C0] =	vst v63  }
0xa0: {  	_ =	swait.ge [sflag:s10], $0x4000  }
0xa1: {  	[sflag:s10] =	ssyncset.done $0x0  }
0xa2: {  	[sflag:s10] =	ssyncadd.s32 $0xFFFFC000  }
0xa3: {  	[tilespmem:s13], [sflag:$0x1] =	stream.indirect.gather [hbm4b:s3+s12], $0x80, s26, s12, $0xb8;
	[tilespmem:$0x1C0C0] =	vst v63  }
0xa4: {  	_ = 	snop  }
0xa5: {  	[tilespmem:s14], [sflag:$0x2] =	stream.indirect.gather [hbm4b:s3+s12], $0x80, s28, s12, $0xb8;
	[tilespmem:$0x1C0C0] =	vst v63  }
0xa6: {  	_ =	swait.ge [sflag:s15], $0x4000  }
0xa7: {  	[sflag:s15] =	ssyncset.done $0x0  }
0xa8: {  	[sflag:s15] =	ssyncadd.s32 $0xFFFFC000  }
0xa9: {  	[spmem:s1] =	stream.indirect.scatter.add.f32 [tilespmem:s13], [sflag:$0x3], $0x80, s29, s12, $0xb8;
	[tilespmem:$0x1C0C0] =	vst v63  }
0xaa: {  	_ =	swait.ge [sflag:s10], $0x4000  }
0xab: {  	[sflag:s10] =	ssyncset.done $0x0  }
0xac: {  	[sflag:s10] =	ssyncadd.s32 $0xFFFFC000  }
0xad: {  	_ =	swait.ge [sflag:s16], $0x4000  }
.Ltmp0:
0xae: {  	[sflag:s16] =	ssyncset.done $0x0;
	(pc) =	sbr.rel @p1 .LBB2_2-.Ltmp0, $4  }
0xaf: {  	[sflag:s16] =	ssyncadd.s32 $0xFFFFC000  }
0xb0: {  	[spmem:s1] =	stream.indirect.scatter.add.f32 [tilespmem:s14], [sflag:$0x3], $0x80, s30, s12, $0xb8;
	[tilespmem:$0x1C0C0] =	vst v63  }
0xb1: {  	_ =	swait.ge [sflag:s10], $0x4000  }
0xb2: {  	s4 =	smov.u32 s7;
	[sflag:s10] =	ssyncset.done $0x0  }
0xb3: {  	s4 =	sadd.s32 s0, s5;
	[sflag:s10] =	ssyncadd.s32 $0xFFFFC000  }
0xb4: {  	[tilespmem:s2], [sflag:$0x3] =	stream.linear.gather [hbm4b:s4+s2], $0x400, $0x38;
	[tilespmem:$0x1C0C0] =	vst v63  }
0xb5: {  	_ =	swait.ge [sflag:s10], $0x400  }
0xb6: {  	[sflag:s10] =	ssyncset.done $0x0  }
0xb7: {  	s8 =	sadd.s32 s0, s6;
	[sflag:s10] =	ssyncadd.s32 $0xFFFFFC00  }
0xb8: {  	[tilespmem:s11], [sflag:$0x3] =	stream.linear.gather [hbm4b:s8+s2], $0x400, $0x38;
	[tilespmem:$0x1C0C0] =	vst v63  }
0xb9: {  	_ =	swait.ge [sflag:s10], $0x400  }
0xba: {  	[sflag:s10] =	ssyncset.done $0x0  }
0xbb: {  	[sflag:s10] =	ssyncadd.s32 $0xFFFFFC00  }
0xbc: {  	[tilespmem:s13], [sflag:$0x1] =	stream.indirect.gather [hbm4b:s3+s12], $0x80, s2, s12, $0xb8;
	[tilespmem:$0x1C0C0] =	vst v63  }
0xbd: {  	_ = 	snop  }
0xbe: {  	[tilespmem:s14], [sflag:$0x2] =	stream.indirect.gather [hbm4b:s3+s12], $0x80, s12, s12, $0xb8;
	[tilespmem:$0x1C0C0] =	vst v63  }
0xbf: {  	_ =	swait.ge [sflag:s15], $0x4000  }
0xc0: {  	[sflag:s15] =	ssyncset.done $0x0  }
0xc1: {  	[sflag:s15] =	ssyncadd.s32 $0xFFFFC000  }
0xc2: {  	[spmem:s1] =	stream.indirect.scatter.add.f32 [tilespmem:s13], [sflag:$0x3], $0x80, s11, s12, $0xb8;
	[tilespmem:$0x1C0C0] =	vst v63  }
0xc3: {  	_ =	swait.ge [sflag:s10], $0x4000  }
0xc4: {  	[sflag:s10] =	ssyncset.done $0x0  }
0xc5: {  	[sflag:s10] =	ssyncadd.s32 $0xFFFFC000  }
0xc6: {  	_ =	swait.ge [sflag:s16], $0x4000  }
0xc7: {  	[sflag:s16] =	ssyncset.done $0x0  }
0xc8: {  	[sflag:s16] =	ssyncadd.s32 $0xFFFFC000  }
0xc9: {  	[spmem:s1] =	stream.indirect.scatter.add.f32 [tilespmem:s14], [sflag:$0x3], $0x80, s17, s12, $0xb8;
	[tilespmem:$0x1C0C0] =	vst v63  }
0xca: {  	_ =	swait.ge [sflag:s10], $0x4000  }
0xcb: {  	[sflag:s10] =	ssyncset.done $0x0  }
0xcc: {  	[sflag:s10] =	ssyncadd.s32 $0xFFFFC000  }
0xcd: {  	[tilespmem:s13], [sflag:$0x1] =	stream.indirect.gather [hbm4b:s3+s12], $0x80, s18, s12, $0xb8;
	[tilespmem:$0x1C0C0] =	vst v63  }
0xce: {  	_ = 	snop  }
0xcf: {  	[tilespmem:s14], [sflag:$0x2] =	stream.indirect.gather [hbm4b:s3+s12], $0x80, s19, s12, $0xb8;
	[tilespmem:$0x1C0C0] =	vst v63  }
0xd0: {  	_ =	swait.ge [sflag:s15], $0x4000  }
0xd1: {  	[sflag:s15] =	ssyncset.done $0x0  }
0xd2: {  	[sflag:s15] =	ssyncadd.s32 $0xFFFFC000  }
0xd3: {  	[spmem:s1] =	stream.indirect.scatter.add.f32 [tilespmem:s13], [sflag:$0x3], $0x80, s20, s12, $0xb8;
	[tilespmem:$0x1C0C0] =	vst v63  }
0xd4: {  	_ =	swait.ge [sflag:s10], $0x4000  }
0xd5: {  	[sflag:s10] =	ssyncset.done $0x0  }
0xd6: {  	[sflag:s10] =	ssyncadd.s32 $0xFFFFC000  }
0xd7: {  	_ =	swait.ge [sflag:s16], $0x4000  }
0xd8: {  	[sflag:s16] =	ssyncset.done $0x0  }
0xd9: {  	[sflag:s16] =	ssyncadd.s32 $0xFFFFC000  }
0xda: {  	[spmem:s1] =	stream.indirect.scatter.add.f32 [tilespmem:s14], [sflag:$0x3], $0x80, s21, s12, $0xb8;
	[tilespmem:$0x1C0C0] =	vst v63  }
0xdb: {  	_ =	swait.ge [sflag:s10], $0x4000  }
0xdc: {  	[sflag:s10] =	ssyncset.done $0x0  }
0xdd: {  	[sflag:s10] =	ssyncadd.s32 $0xFFFFC000  }
0xde: {  	[tilespmem:s13], [sflag:$0x1] =	stream.indirect.gather [hbm4b:s3+s12], $0x80, s22, s12, $0xb8;
	[tilespmem:$0x1C0C0] =	vst v63  }
0xdf: {  	_ = 	snop  }
0xe0: {  	[tilespmem:s14], [sflag:$0x2] =	stream.indirect.gather [hbm4b:s3+s12], $0x80, s23, s12, $0xb8;
	[tilespmem:$0x1C0C0] =	vst v63  }
0xe1: {  	_ =	swait.ge [sflag:s15], $0x4000  }
0xe2: {  	[sflag:s15] =	ssyncset.done $0x0  }
0xe3: {  	[sflag:s15] =	ssyncadd.s32 $0xFFFFC000  }
0xe4: {  	[spmem:s1] =	stream.indirect.scatter.add.f32 [tilespmem:s13], [sflag:$0x3], $0x80, s24, s12, $0xb8;
	[tilespmem:$0x1C0C0] =	vst v63  }
0xe5: {  	_ =	swait.ge [sflag:s10], $0x4000  }
0xe6: {  	[sflag:s10] =	ssyncset.done $0x0  }
0xe7: {  	[sflag:s10] =	ssyncadd.s32 $0xFFFFC000  }
0xe8: {  	_ =	swait.ge [sflag:s16], $0x4000  }
0xe9: {  	[sflag:s16] =	ssyncset.done $0x0  }
0xea: {  	[sflag:s16] =	ssyncadd.s32 $0xFFFFC000  }
0xeb: {  	[spmem:s1] =	stream.indirect.scatter.add.f32 [tilespmem:s14], [sflag:$0x3], $0x80, s25, s12, $0xb8;
	[tilespmem:$0x1C0C0] =	vst v63  }
0xec: {  	_ =	swait.ge [sflag:s10], $0x4000  }
0xed: {  	[sflag:s10] =	ssyncset.done $0x0  }
0xee: {  	[sflag:s10] =	ssyncadd.s32 $0xFFFFC000  }
0xef: {  	[tilespmem:s13], [sflag:$0x1] =	stream.indirect.gather [hbm4b:s3+s12], $0x80, s26, s12, $0xb8;
	[tilespmem:$0x1C0C0] =	vst v63  }
0xf0: {  	_ = 	snop  }
0xf1: {  	[tilespmem:s14], [sflag:$0x2] =	stream.indirect.gather [hbm4b:s3+s12], $0x80, s28, s12, $0xb8;
	[tilespmem:$0x1C0C0] =	vst v63  }
0xf2: {  	_ =	swait.ge [sflag:s15], $0x4000  }
0xf3: {  	[sflag:s15] =	ssyncset.done $0x0  }
0xf4: {  	[sflag:s15] =	ssyncadd.s32 $0xFFFFC000  }
0xf5: {  	[spmem:s1] =	stream.indirect.scatter.add.f32 [tilespmem:s13], [sflag:$0x3], $0x80, s29, s12, $0xb8;
	[tilespmem:$0x1C0C0] =	vst v63  }
0xf6: {  	_ =	swait.ge [sflag:s10], $0x4000  }
0xf7: {  	[sflag:s10] =	ssyncset.done $0x0  }
0xf8: {  	[sflag:s10] =	ssyncadd.s32 $0xFFFFC000  }
0xf9: {  	_ =	swait.ge [sflag:s16], $0x4000  }
0xfa: {  	[sflag:s16] =	ssyncset.done $0x0  }
0xfb: {  	[sflag:s16] =	ssyncadd.s32 $0xFFFFC000  }
0xfc: {  	[spmem:s1] =	stream.indirect.scatter.add.f32 [tilespmem:s14], [sflag:$0x3], $0x80, s30, s12, $0xb8;
	[tilespmem:$0x1C0C0] =	vst v63  }
0xfd: {  	_ =	swait.ge [sflag:s10], $0x4000  }
0xfe: {  	[sflag:s10] =	ssyncset.done $0x0  }
0xff: {  	[sflag:s10] =	ssyncadd.s32 $0xFFFFC000  }
0x100: {  	[bflag:$0x0] =	sbarrier.arrive $0xFFFF  }
0x101: {  	s4 =	rddreg [dreg:$0x6]  }
0x102: {  	s0 =	simm.s32 @!p0 $0x1C03;
	s7 =	rddreg [dreg:$0x8]  }
0x103: {  	[hbm:s4], [sflag:s0] =	dma.local @!p0 [spmem:s7], $0x27100  }
0x104: {  	s0 =	simm.s32 @!p0 $0x3  }
0x105: {  	_ =	swait.ge @!p0 [sflag:s0], $0x27100  }
0x106: {  	s31 =	sadd.s32 $0x1, s31;
	s9 =	rddreg [dreg:$0x7]  }
0x107: {  	p1 =	sne.s32 s31, s9  }
.Ltmp1:
0x108: {  	_ = 	snop;
	(pc) =	sbr.rel @p1 .LBB2_1-.Ltmp1, $3  }
0x109: {  	_ =	sdelay $0x1  }
0x10a: {  	[sflag:s0] =	ssyncset.done @!p0 $0x0  }
0x10b: {  	[sflag:s0] =	ssyncadd.s32 @!p0 $0xFFFD8F00  }
0x10c: {  	_ =	sfence.sel $0x180000  }
0x10d: {  	[bflag:$0x0] =	sbarrier.arrive $0xFFFF  }
0x10e: {  	_ =	strace $0x90000050  }
0x10f: {  	[bflag:$0x2] =	sbarrier.arrive $0xFFFF  }
0x110: {  	s0 =	rddreg [dreg:$0x4]  }
0x111: {  	s0 =	sadd.s32 @!p0 $0x100000, s0  }
0x112: {  	[sflag:s0] =	ssyncadd.tile.s32 @!p0 $0x1;
	_ =	shalt  }
.Lfunc_end2:
_tile_overlayer_lowered:
.L_overlay_start_2:
0x113: {  	(tag) =	ssettag $0x2  }
0x114: {  	s0 =	rddreg [dreg:$0x0];
	s2 =	stileid.u32  }
0x115: {  	s1 =	rddreg [dreg:$0x1];
	p0 =	sne.s32 s2, $0x0  }
0x116: {  	s3 =	rddreg [dreg:$0x2];
	[bflag:$0x3] =	sbarrier.arrive $0xFFFF;
	s2 =	simm.s32 @!p0 $0x1C03  }
0x117: {  	[timem:s3], [sflag:s2] =	dma.local @!p0 [hbm:s0], s1  }
0x118: {  	s0 =	simm.s32 @!p0 $0x3  }
0x119: {  	_ =	swait.ge @!p0 [sflag:s0], s1  }
0x11a: {  	s1 =	ssub.s32 @!p0 $0x0, s1;
	[sflag:s0] =	ssyncset.done @!p0 $0x0  }
0x11b: {  	[sflag:s0] =	ssyncadd.s32 @!p0 s1  }
0x11c: {  	[bflag:$0x3] =	sbarrier.arrive $0xFFFF  }
0x11d: {  	_ =	shalt  }

// kernel: kernel.19.cloned.1.call-start
scs
__scs_entry_jumppad:
0x0: {  	(pc) =	sbr.rel $0x88, $3  }
0x1: {  	(tag) =	ssettag $0x0;
	lr =	simm.s32 $0x1  }
0x2: {  	[smem:$0x3F90] =	sst lr;
	_ =	strace $0xD0000000  }
0x3: {  	_ = 	snop  }
0x4: {  	_ = 	snop  }
0x5: {  	_ = 	snop  }
0x6: {  	_ = 	snop  }
0x7: {  	_ = 	snop  }
__scs_overlays_trampoline_lowered:
0x8: {  	[smem:$0x3F9F] =	sst s0  }
0x9: {  	[smem:$0x3FA0] =	sst s1  }
0xa: {  	[smem:$0x3FA1] =	sst s2  }
0xb: {  	[smem:$0x3FA2] =	sst s3  }
0xc: {  	[smem:$0x3FA3] =	sst s4  }
0xd: {  	[smem:$0x3FA4] =	sst s5  }
0xe: {  	[smem:$0x3FA5] =	sst s6  }
0xf: {  	[smem:$0x3FA6] =	sst s7  }
0x10: {  	[smem:$0x3FA7] =	sst s8  }
0x11: {  	[smem:$0x3FA8] =	sst s9;
	s0 =	simm.s32 @!p0 $0x0  }
0x12: {  	s1 =	sld [smem:$0x3F8E];
	s0 =	simm.s32 @p0 $0x1  }
0x13: {  	[smem:$0x3FA9] =	sst s0;
	s0 =	simm.s32 @!p1 $0x0  }
0x14: {  	s2 =	sld [smem:$0x3F8D];
	s0 =	simm.s32 @p1 $0x1  }
0x15: {  	[smem:$0x3FAA] =	sst s0;
	s0 =	simm.s32 @!p2 $0x0  }
0x16: {  	s3 =	sld [smem:$0x3FDB];
	s0 =	simm.s32 @p2 $0x1  }
0x17: {  	s4 =	simm.s32 $0x1BF5;
	[smem:$0x3FAC] =	sst s0  }
0x18: {  	s0 =	sld [smem:$0x3F8F];
	_ =	swait.ge [sflag:s4], $0x0  }
0x19: {  	s7 =	sld [smem:$0x3F90]  }
0x1a: {  	s8 =	sadd.s32 $0xFFFFE003, lr  }
0x1b: {  	s9 =	sadd.s32 $0xFFFFFEF7, lr;
	s5 =	simm.s32 $0xFFFFFFFF;
	p2 =	slt.u32 s8, $0xFFFFF086  }
0x1c: {  	p1 =	slt.u32 s9, $0xF7A;
	s5 =	simm.s32 @!p2 $0x0  }
0x1d: {  	s5 =	simm.s32 @p1 $0x1;
	p0 =	seq.s32 s7, s2  }
0x1e: {  	s7 =	smul.u32 @!p0 $0xF7A, s2;
	p2 =	seq.s32 @!p0 s5, $0x0  }
0x1f: {  	s9 =	smul.u32 $0xF7A, s1;
	s8 =	simm.s32 @!p0 $0x1BF5;
	p2 =	por !p2, p0  }
0x20: {  	[sflag:s8] =	ssyncset.s32 @!p0 $0xFFFFF086;
	s6 =	sadd.s32 @!p0 s3, s7;
	s7 =	simm.s32 @!p0 $0x108  }
0x21: {  	s3 =	sadd.s32 s3, s9;
	s6 =	sadd.s32 @!p0 $0x88, s6;
	s7 =	simm.s32 @p2 $0x1082  }
0x22: {  	[simem:s7], [sflag:s8] =	dma.local @!p0 [hbm:s6], $0xF7A  }
0x23: {  	s9 =	sor.u32 $0xD0000000, s2;
	s6 =	simm.s32 $0x108;
	_ =	swait.ge @!p0 [sflag:s8], $0x0  }
0x24: {  	s3 =	sadd.s32 $0x88, s3;
	s6 =	simm.s32 @!p1 $0x1082;
	[sflag:s4] =	ssyncset.s32 $0xFFFFF086  }
0x25: {  	[simem:s6], [sflag:s4] =	dma.local [hbm:s3], $0xF7A  }
0x26: {  	[smem:$0x3F90] =	sst s1;
	(tag) =	ssettag s2;
	_ =	strace s9  }
0x27: {  	s1 =	sld [smem:$0x3FA0]  }
0x28: {  	s2 =	sld [smem:$0x3FA1]  }
0x29: {  	s4 =	sld [smem:$0x3FA3]  }
0x2a: {  	p0 =	seq.s32 s5, $0x0;
	s5 =	sld [smem:$0x3FA4]  }
0x2b: {  	s6 =	sld [smem:$0x3FA5]  }
0x2c: {  	s7 =	sld [smem:$0x3FA6]  }
0x2d: {  	s3 =	simm.s32 $0x108;
	s8 =	sld [smem:$0x3FA7]  }
0x2e: {  	s3 =	simm.s32 @!p0 $0x1082;
	s9 =	sld [smem:$0x3FA8]  }
0x2f: {  	lr =	sadd.s32 s0, s3;
	s0 =	sld [smem:$0x3F9F]  }
0x30: {  	s3 =	sld [smem:$0x3FA2]  }
0x31: {  	[smem:$0x3FAB] =	sst s10  }
0x32: {  	s10 =	sld [smem:$0x3FA9];
	_ =	sdelay $0x3  }
0x33: {  	p0 =	seq.s32 s10, $0x1;
	s10 =	sld [smem:$0x3FAB];
	_ =	sdelay $0x3  }
0x34: {  	[smem:$0x3FAB] =	sst s10  }
0x35: {  	s10 =	sld [smem:$0x3FAA];
	_ =	sdelay $0x3  }
0x36: {  	p1 =	seq.s32 s10, $0x1;
	s10 =	sld [smem:$0x3FAB];
	_ =	sdelay $0x3  }
0x37: {  	[smem:$0x3FAB] =	sst s10  }
0x38: {  	s10 =	sld [smem:$0x3FAC]  }
0x39: {  	_ = 	snop;
	(pc) =	sbr.ind lr, $3  }
0x3a: {  	_ = 	snop  }
0x3b: {  	_ = 	snop  }
0x3c: {  	p2 =	seq.s32 s10, $0x1;
	s10 =	sld [smem:$0x3FAB]  }
0x3d: {  	_ =	shalt  }
0x3e: {  	_ =	shalt  }
0x3f: {  	_ =	shalt  }
0x40: {  	_ =	shalt  }
0x41: {  	_ =	shalt  }
0x42: {  	_ =	shalt  }
0x43: {  	_ =	shalt  }
0x44: {  	_ =	shalt  }
0x45: {  	_ =	shalt  }
0x46: {  	_ =	shalt  }
0x47: {  	_ =	shalt  }
0x48: {  	_ =	shalt  }
0x49: {  	_ =	shalt  }
0x4a: {  	_ =	shalt  }
0x4b: {  	_ =	shalt  }
0x4c: {  	_ =	shalt  }
0x4d: {  	_ =	shalt  }
0x4e: {  	_ =	shalt  }
0x4f: {  	_ =	shalt  }
0x50: {  	_ =	shalt  }
0x51: {  	_ =	shalt  }
0x52: {  	_ =	shalt  }
0x53: {  	_ =	shalt  }
0x54: {  	_ =	shalt  }
0x55: {  	_ =	shalt  }
0x56: {  	_ =	shalt  }
0x57: {  	_ =	shalt  }
0x58: {  	_ =	shalt  }
0x59: {  	_ =	shalt  }
0x5a: {  	_ =	shalt  }
0x5b: {  	_ =	shalt  }
0x5c: {  	_ =	shalt  }
0x5d: {  	_ =	shalt  }
0x5e: {  	_ =	shalt  }
0x5f: {  	_ =	shalt  }
0x60: {  	_ =	shalt  }
0x61: {  	_ =	shalt  }
0x62: {  	_ =	shalt  }
0x63: {  	_ =	shalt  }
0x64: {  	_ =	shalt  }
0x65: {  	_ =	shalt  }
0x66: {  	_ =	shalt  }
0x67: {  	_ =	shalt  }
0x68: {  	_ =	shalt  }
0x69: {  	_ =	shalt  }
0x6a: {  	_ =	shalt  }
0x6b: {  	_ =	shalt  }
0x6c: {  	_ =	shalt  }
0x6d: {  	_ =	shalt  }
0x6e: {  	_ =	shalt  }
0x6f: {  	_ =	shalt  }
0x70: {  	_ =	shalt  }
0x71: {  	_ =	shalt  }
0x72: {  	_ =	shalt  }
0x73: {  	_ =	shalt  }
0x74: {  	_ =	shalt  }
0x75: {  	_ =	shalt  }
0x76: {  	_ =	shalt  }
0x77: {  	_ =	shalt  }
0x78: {  	_ =	shalt  }
0x79: {  	_ =	shalt  }
0x7a: {  	_ =	shalt  }
0x7b: {  	_ =	shalt  }
0x7c: {  	_ =	shalt  }
0x7d: {  	_ =	shalt  }
0x7e: {  	_ =	shalt  }
0x7f: {  	_ =	shalt  }
0x80: {  	_ =	shalt  }
0x81: {  	_ =	shalt  }
0x82: {  	_ =	shalt  }
0x83: {  	_ =	shalt  }
0x84: {  	_ =	shalt  }
0x85: {  	_ =	shalt  }
0x86: {  	_ =	shalt  }
0x87: {  	_ =	shalt  }
.Lfunc_end0:
.L_simem_size_0:
called_computation.3_lowered:
.L_overlay_start_0:
0x88: {  	s2 =	sld [smem:$0x3FD9]  }
0x89: {  	s3 =	sld [smem:$0x3FFE];
	_ =	sdelay $0x1  }
0x8a: {  	s1 =	srdreg.scid  }
0x8b: {  	s0 =	sand.u32 $0x1, s1  }
0x8c: {  	s14 =	sshll.u32 s0, $0xA;
	s2 =	sadd.s32 s3, s2  }
0x8d: {  	s2 =	sadd.s32 s2, s14  }
0x8e: {  	[smem:$0x3FB7] =	sst s2  }
0x8f: {  	_ = 	snop  }
0x90: {  	s2 =	sld [smem:$0x3FD0];
	_ =	sdelay $0x2  }
0x91: {  	s15 =	simm.s32 $0xB;
	s4 =	simm.s32 $0x10  }
0x92: {  	[smem:s4], [sflag:s15] =	dma.local [hbm:s2], $0x1  }
0x93: {  	_ =	swait.eq [sflag:s15], $0x1  }
0x94: {  	[sflag:s15] =	ssyncset.done $0x0  }
0x95: {  	s16 =	sld [smem:$0x12];
	[sflag:s15] =	ssyncadd.s32 $0xFFFFFFFF  }
0x96: {  	s17 =	sld [smem:$0x13];
	(tm) =	ssettm $0x1  }
0x97: {  	s18 =	sld [smem:$0x3FFB];
	_ =	sdelay $0x3  }
0x98: {  	_ =	strace s18  }
0x99: {  	s4 =	sld [smem:$0x3FFC];
	_ =	sdelay $0x3  }
0x9a: {  	_ =	strace s4  }
0x9b: {  	s4 =	sld [smem:$0x3FFD];
	_ =	sdelay $0x3  }
0x9c: {  	_ =	strace s4  }
0x9d: {  	_ =	strace $0x8FFFFFFF  }
0x9e: {  	s19 =	sld [smem:$0x3FDB];
	_ =	sdelay $0x1  }
0x9f: {  	s5 =	simm.s32 $_scs_section_size  }
0xa0: {  	s6 =	simm.s32 $_size__tile_overlayer_lowered;
	s7 =	simm.s32 $_tile_overlayer_lowered  }
0xa1: {  	s22 =	simm.s32 $0x1BFF;
	s21 =	sshll.u32 s7, $0x1;
	s4 =	sadd.s32 s5, s19  }
0xa2: {  	s8 =	simm.s32 $0x0;
	s20 =	sshll.u32 s6, $0x1;
	s6 =	sadd.s32 s21, s4  }
0xa3: {  	[timem:s8], [sflag:s22] =	dma.local [hbm:s6], s20  }
0xa4: {  	_ =	swait.ge [sflag:s22], s20  }
0xa5: {  	s5 =	ssub.s32 $0x0, s20;
	[sflag:s22] =	ssyncset.done $0x0  }
0xa6: {  	[sflag:s22] =	ssyncadd.s32 s5;
	_ =	sdelay $0x1  }
0xa7: {  	s23 =	simm.s32 $0x1B8B  }
0xa8: {  	_ =	swait.ge [sflag:s23], $0x1  }
0xa9: {  	[sflag:s23] =	ssyncset.done $0x0  }
0xaa: {  	s25 =	simm.s32 $0x1B8E;
	s24 =	sld [smem:$0x3FFE];
	[sflag:s23] =	ssyncadd.s32 $0xFFFFFFFF  }
0xab: {  	s26 =	simm.s32 $execute0_lowered;
	[smem:$0x3FD2] =	sst s25  }
0xac: {  	s6 =	sshll.u32 s26, $0x1;
	_ =	strace $0x8000004C;
	[dreg:$0x1] =	wrdreg $0xFFFFFFFF  }
0xad: {  	s28 =	simm.s32 $_size_execute0_lowered;
	s4 =	sadd.s32 s4, s6;
	[dreg:$0x0] =	wrdreg $0x0  }
0xae: {  	s6 =	sshll.u32 s28, $0x1;
	[dreg:$0x2] =	wrdreg s4  }
0xaf: {  	[dreg:$0x3] =	wrdreg s6  }
0xb0: {  	[dreg:$0x4] =	wrdreg $0xC0  }
0xb1: {  	_ =	task [dreg:s8], $0x5FFFF  }
0xb2: {  	[dreg:$0x1] =	wrdreg $0xFFFFFFFF  }
0xb3: {  	[dreg:$0x0] =	wrdreg $0x60  }
0xb4: {  	[dreg:$0x2] =	wrdreg s24  }
0xb5: {  	[dreg:$0x3] =	wrdreg s17  }
0xb6: {  	[dreg:$0x4] =	wrdreg s16  }
0xb7: {  	[dreg:$0x5] =	wrdreg $0x88000  }
0xb8: {  	[dreg:$0x6] =	wrdreg $0xA  }
0xb9: {  	_ =	task.clear_ibuf [dreg:s8], $0x7FFFF;
	_ =	strace $0x9000004C  }
0xba: {  	s29 =	simm.s32 $0xA;
	_ =	strace $0x8000004E  }
0xbb: {  	_ =	swait.ge [sflag:s29], $0x1  }
0xbc: {  	[sflag:s29] =	ssyncadd.s32 $0xFFFFFFFF  }
0xbd: {  	_ =	strace $0x9000004E  }
0xbe: {  	_ =	sfence  }
0xbf: {  	s30 =	sld [smem:$0x0];
	_ =	sdelay $0x2  }
0xc0: {  	s31 =	sshll.u32 s1, $0xD;
	s1 =	sshrl.u32 s1, $0x2  }
0xc1: {  	s3 =	sand.u32 $0x4000, s31;
	s1 =	sadd.s32 s1, s30  }
0xc2: {  	s0 =	sor.u32 s3, s0;
	s1 =	sshll.u32 s1, $0x11  }
0xc3: {  	s0 =	sor.u32 s1, s0  }
0xc4: {  	s0 =	sadd.s32 $0x8F2B, s0  }
0xc5: {  	[sflag:s0] =	ssyncadd.remote.s32 $0x1  }
0xc6: {  	_ =	sfence.sel $0xFFFF  }
0xc7: {  	[dreg:$0x0] =	wrdreg $0xFFFFFFFF;
	(pc) =	sbr.abs _section_cstart, $3  }
0xc8: {  	[dreg:$0x1] =	wrdreg $0xFFFFFFFF  }
0xc9: {  	_ =	task.clear_ibuf [dreg:s8], $0x2FFFF;
	_ =	strace $0x9FFFFFFF  }
0xca: {  	(tm) =	ssettm $0x7FFFFFFF  }
0xcb: {  	_ =	shalt  }
tec
execute0_lowered:
.L_overlay_start_1:
0x0: {  	(tag) =	ssettag $0x1  }
0x1: {  	s0 =	rddreg [dreg:$0x0]  }
0x2: {  	s4 =	rddreg [dreg:$0x1]  }
0x3: {  	s6 =	rddreg [dreg:$0x2]  }
0x4: {  	s1 =	rddreg [dreg:$0x3];
	s2 =	simm.s32 $0x0;
	s3 =	srdreg.scid  }
0x5: {  	s7 =	stileid.u32;
	s12 =	simm.s32 $0x80;
	s13 =	simm.s32 $0x800  }
0x6: {  	s14 =	simm.s32 $0x4800;
	s15 =	simm.s32 $0x1;
	s16 =	simm.s32 $0x2  }
0x7: {  	s17 =	simm.s32 $0x480;
	s18 =	simm.s32 $0x100;
	s19 =	simm.s32 $0x180  }
0x8: {  	s20 =	simm.s32 $0x500;
	s21 =	simm.s32 $0x580;
	s22 =	simm.s32 $0x200  }
0x9: {  	s23 =	simm.s32 $0x280;
	s28 =	simm.s32 $0x380;
	s29 =	simm.s32 $0x700  }
0xa: {  	s30 =	simm.s32 $0x780;
	s31 =	simm.s32 $0x0;
	[smem:$0x7FF] =	sst s2  }
0xb: {  	s3 =	sand.u32 $0x1, s3;
	s24 =	sadd.s32 $0x9FC00, s0;
	p0 =	sne.s32 s7, $0x0  }
0xc: {  	_ =	strace $0x8000004D;
	s5 =	sshll.u32 s3, $0x4;
	s8 =	smul.u32 $0x27100, s3  }
0xd: {  	s9 =	ssub.s32 $0x2, s3;
	s3 =	sadd.s32 $0x3800, s0;
	[dreg:$0x5] =	wrdreg s24  }
0xe: {  	s24 =	simm.s32 $0x600;
	s5 =	sor.u32 s7, s5;
	s10 =	sshrl.u32 s9, $0x1  }
0xf: {  	s7 =	sshrl.u32 @!p0 s1, $0x3;
	s11 =	smul.u32 $0x500, s5;
	s0 =	sadd.s32 s8, s0  }
0x10: {  	s25 =	ssub.s32 s9, s10;
	s10 =	simm.s32 $0x3;
	[dreg:$0x8] =	wrdreg s7  }
0x11: {  	s0 =	sadd.s32 $0xC6E00, s0;
	s26 =	smax.u32 s25, $0x1;
	s25 =	simm.s32 $0x680  }
0x12: {  	s5 =	sadd.s32 s4, s11;
	s6 =	sadd.s32 s6, s11;
	[dreg:$0x6] =	wrdreg s0  }
0x13: {  	[dreg:$0x7] =	wrdreg s26;
	s11 =	simm.s32 $0x400;
	s26 =	simm.s32 $0x300  }
.LBB2_1:
0x14: {  	s0 =	simm.s32 @!p0 $0x1C03;
	s4 =	rddreg [dreg:$0x5]  }
0x15: {  	[spmem:s7], [sflag:s0] =	dma.local @!p0 [hbm:s4], $0x27180  }
0x16: {  	s0 =	simm.s32 @!p0 $0x3  }
0x17: {  	_ =	swait.ge @!p0 [sflag:s0], $0x27180  }
0x18: {  	[sflag:s0] =	ssyncset.done @!p0 $0x0  }
0x19: {  	[sflag:s0] =	ssyncadd.s32 @!p0 $0xFFFD8E80  }
0x1a: {  	s8 =	sadd.s32 $0x0, s5;
	[bflag:$0x0] =	sbarrier.arrive $0xFFFF  }
0x1b: {  	[tilespmem:s2], [sflag:$0x3] =	stream.linear.gather [hbm4b:s8+s2], $0x400, $0x38;
	[tilespmem:$0x1C0C0] =	vst v63  }
0x1c: {  	_ =	swait.ge [sflag:s10], $0x400  }
0x1d: {  	[sflag:s10] =	ssyncset.done $0x0  }
0x1e: {  	s9 =	sadd.s32 $0x0, s6;
	[sflag:s10] =	ssyncadd.s32 $0xFFFFFC00  }
0x1f: {  	[tilespmem:s11], [sflag:$0x3] =	stream.linear.gather [hbm4b:s9+s2], $0x400, $0x38;
	[tilespmem:$0x1C0C0] =	vst v63  }
0x20: {  	_ =	swait.ge [sflag:s10], $0x400  }
0x21: {  	[sflag:s10] =	ssyncset.done $0x0  }
0x22: {  	[sflag:s10] =	ssyncadd.s32 $0xFFFFFC00  }
0x23: {  	[tilespmem:s13], [sflag:$0x1] =	stream.indirect.gather [hbm4b:s3+s12], $0x80, s2, s12, $0xb8;
	[tilespmem:$0x1C0C0] =	vst v63  }
0x24: {  	_ = 	snop  }
0x25: {  	[tilespmem:s14], [sflag:$0x2] =	stream.indirect.gather [hbm4b:s3+s12], $0x80, s12, s12, $0xb8;
	[tilespmem:$0x1C0C0] =	vst v63  }
0x26: {  	_ =	swait.ge [sflag:s15], $0x4000  }
0x27: {  	[sflag:s15] =	ssyncset.done $0x0  }
0x28: {  	[sflag:s15] =	ssyncadd.s32 $0xFFFFC000  }
0x29: {  	[spmem:s1] =	stream.indirect.scatter.add.f32 [tilespmem:s13], [sflag:$0x3], $0x80, s11, s12, $0xb8;
	[tilespmem:$0x1C0C0] =	vst v63  }
0x2a: {  	_ =	swait.ge [sflag:s10], $0x4000  }
0x2b: {  	[sflag:s10] =	ssyncset.done $0x0  }
0x2c: {  	[sflag:s10] =	ssyncadd.s32 $0xFFFFC000  }
0x2d: {  	_ =	swait.ge [sflag:s16], $0x4000  }
0x2e: {  	[sflag:s16] =	ssyncset.done $0x0  }
0x2f: {  	[sflag:s16] =	ssyncadd.s32 $0xFFFFC000  }
0x30: {  	[spmem:s1] =	stream.indirect.scatter.add.f32 [tilespmem:s14], [sflag:$0x3], $0x80, s17, s12, $0xb8;
	[tilespmem:$0x1C0C0] =	vst v63  }
0x31: {  	_ =	swait.ge [sflag:s10], $0x4000  }
0x32: {  	[sflag:s10] =	ssyncset.done $0x0  }
0x33: {  	[sflag:s10] =	ssyncadd.s32 $0xFFFFC000  }
0x34: {  	[tilespmem:s13], [sflag:$0x1] =	stream.indirect.gather [hbm4b:s3+s12], $0x80, s18, s12, $0xb8;
	[tilespmem:$0x1C0C0] =	vst v63  }
0x35: {  	_ = 	snop  }
0x36: {  	[tilespmem:s14], [sflag:$0x2] =	stream.indirect.gather [hbm4b:s3+s12], $0x80, s19, s12, $0xb8;
	[tilespmem:$0x1C0C0] =	vst v63  }
0x37: {  	_ =	swait.ge [sflag:s15], $0x4000  }
0x38: {  	[sflag:s15] =	ssyncset.done $0x0  }
0x39: {  	[sflag:s15] =	ssyncadd.s32 $0xFFFFC000  }
0x3a: {  	[spmem:s1] =	stream.indirect.scatter.add.f32 [tilespmem:s13], [sflag:$0x3], $0x80, s20, s12, $0xb8;
	[tilespmem:$0x1C0C0] =	vst v63  }
0x3b: {  	_ =	swait.ge [sflag:s10], $0x4000  }
0x3c: {  	[sflag:s10] =	ssyncset.done $0x0  }
0x3d: {  	[sflag:s10] =	ssyncadd.s32 $0xFFFFC000  }
0x3e: {  	_ =	swait.ge [sflag:s16], $0x4000  }
0x3f: {  	[sflag:s16] =	ssyncset.done $0x0  }
0x40: {  	[sflag:s16] =	ssyncadd.s32 $0xFFFFC000  }
0x41: {  	[spmem:s1] =	stream.indirect.scatter.add.f32 [tilespmem:s14], [sflag:$0x3], $0x80, s21, s12, $0xb8;
	[tilespmem:$0x1C0C0] =	vst v63  }
0x42: {  	_ =	swait.ge [sflag:s10], $0x4000  }
0x43: {  	[sflag:s10] =	ssyncset.done $0x0  }
0x44: {  	[sflag:s10] =	ssyncadd.s32 $0xFFFFC000  }
0x45: {  	[tilespmem:s13], [sflag:$0x1] =	stream.indirect.gather [hbm4b:s3+s12], $0x80, s22, s12, $0xb8;
	[tilespmem:$0x1C0C0] =	vst v63  }
0x46: {  	_ = 	snop  }
0x47: {  	[tilespmem:s14], [sflag:$0x2] =	stream.indirect.gather [hbm4b:s3+s12], $0x80, s23, s12, $0xb8;
	[tilespmem:$0x1C0C0] =	vst v63  }
0x48: {  	_ =	swait.ge [sflag:s15], $0x4000  }
0x49: {  	[sflag:s15] =	ssyncset.done $0x0  }
0x4a: {  	[sflag:s15] =	ssyncadd.s32 $0xFFFFC000  }
0x4b: {  	[spmem:s1] =	stream.indirect.scatter.add.f32 [tilespmem:s13], [sflag:$0x3], $0x80, s24, s12, $0xb8;
	[tilespmem:$0x1C0C0] =	vst v63  }
0x4c: {  	_ =	swait.ge [sflag:s10], $0x4000  }
0x4d: {  	[sflag:s10] =	ssyncset.done $0x0  }
0x4e: {  	[sflag:s10] =	ssyncadd.s32 $0xFFFFC000  }
0x4f: {  	_ =	swait.ge [sflag:s16], $0x4000  }
0x50: {  	[sflag:s16] =	ssyncset.done $0x0  }
0x51: {  	[sflag:s16] =	ssyncadd.s32 $0xFFFFC000  }
0x52: {  	[spmem:s1] =	stream.indirect.scatter.add.f32 [tilespmem:s14], [sflag:$0x3], $0x80, s25, s12, $0xb8;
	[tilespmem:$0x1C0C0] =	vst v63  }
0x53: {  	_ =	swait.ge [sflag:s10], $0x4000  }
0x54: {  	[sflag:s10] =	ssyncset.done $0x0  }
0x55: {  	[sflag:s10] =	ssyncadd.s32 $0xFFFFC000  }
0x56: {  	[tilespmem:s13], [sflag:$0x1] =	stream.indirect.gather [hbm4b:s3+s12], $0x80, s26, s12, $0xb8;
	[tilespmem:$0x1C0C0] =	vst v63  }
0x57: {  	_ = 	snop  }
0x58: {  	[tilespmem:s14], [sflag:$0x2] =	stream.indirect.gather [hbm4b:s3+s12], $0x80, s28, s12, $0xb8;
	[tilespmem:$0x1C0C0] =	vst v63  }
0x59: {  	_ =	swait.ge [sflag:s15], $0x4000  }
0x5a: {  	[sflag:s15] =	ssyncset.done $0x0  }
0x5b: {  	[sflag:s15] =	ssyncadd.s32 $0xFFFFC000  }
0x5c: {  	[spmem:s1] =	stream.indirect.scatter.add.f32 [tilespmem:s13], [sflag:$0x3], $0x80, s29, s12, $0xb8;
	[tilespmem:$0x1C0C0] =	vst v63  }
0x5d: {  	_ =	swait.ge [sflag:s10], $0x4000  }
0x5e: {  	[sflag:s10] =	ssyncset.done $0x0  }
0x5f: {  	[sflag:s10] =	ssyncadd.s32 $0xFFFFC000  }
0x60: {  	_ =	swait.ge [sflag:s16], $0x4000  }
0x61: {  	[sflag:s16] =	ssyncset.done $0x0  }
0x62: {  	[sflag:s16] =	ssyncadd.s32 $0xFFFFC000  }
0x63: {  	[spmem:s1] =	stream.indirect.scatter.add.f32 [tilespmem:s14], [sflag:$0x3], $0x80, s30, s12, $0xb8;
	[tilespmem:$0x1C0C0] =	vst v63  }
0x64: {  	_ =	swait.ge [sflag:s10], $0x4000  }
0x65: {  	s4 =	simm.s32 $0x100;
	s0 =	simm.s32 $0x80;
	[sflag:s10] =	ssyncset.done $0x0  }
.LBB2_2:
0x66: {  	s8 =	sadd.s32 s0, s5  }
0x67: {  	[sflag:s10] =	ssyncadd.s32 $0xFFFFC000;
	s9 =	smov.u32 s4;
	s7 =	sadd.s32 $0x80, s4  }
0x68: {  	[tilespmem:s2], [sflag:$0x3] =	stream.linear.gather [hbm4b:s8+s2], $0x400, $0x38;
	[tilespmem:$0x1C0C0] =	vst v63  }
0x69: {  	p1 =	sne.s32 s4, $0x480;
	_ =	swait.ge [sflag:s10], $0x400  }
0x6a: {  	[sflag:s10] =	ssyncset.done $0x0  }
0x6b: {  	s4 =	sadd.s32 s0, s6;
	s0 =	smov.u32 s9;
	[sflag:s10] =	ssyncadd.s32 $0xFFFFFC00  }
0x6c: {  	[tilespmem:s11], [sflag:$0x3] =	stream.linear.gather [hbm4b:s4+s2], $0x400, $0x38;
	[tilespmem:$0x1C0C0] =	vst v63  }
0x6d: {  	_ =	swait.ge [sflag:s10], $0x400  }
0x6e: {  	[sflag:s10] =	ssyncset.done $0x0  }
0x6f: {  	[sflag:s10] =	ssyncadd.s32 $0xFFFFFC00  }
0x70: {  	[tilespmem:s13], [sflag:$0x1] =	stream.indirect.gather [hbm4b:s3+s12], $0x80, s2, s12, $0xb8;
	[tilespmem:$0x1C0C0] =	vst v63  }
0x71: {  	_ = 	snop  }
0x72: {  	[tilespmem:s14], [sflag:$0x2] =	stream.indirect.gather [hbm4b:s3+s12], $0x80, s12, s12, $0xb8;
	[tilespmem:$0x1C0C0] =	vst v63  }
0x73: {  	_ =	swait.ge [sflag:s15], $0x4000  }
0x74: {  	[sflag:s15] =	ssyncset.done $0x0  }
0x75: {  	[sflag:s15] =	ssyncadd.s32 $0xFFFFC000  }
0x76: {  	[spmem:s1] =	stream.indirect.scatter.add.f32 [tilespmem:s13], [sflag:$0x3], $0x80, s11, s12, $0xb8;
	[tilespmem:$0x1C0C0] =	vst v63  }
0x77: {  	_ =	swait.ge [sflag:s10], $0x4000  }
0x78: {  	[sflag:s10] =	ssyncset.done $0x0  }
0x79: {  	[sflag:s10] =	ssyncadd.s32 $0xFFFFC000  }
0x7a: {  	_ =	swait.ge [sflag:s16], $0x4000  }
0x7b: {  	[sflag:s16] =	ssyncset.done $0x0  }
0x7c: {  	[sflag:s16] =	ssyncadd.s32 $0xFFFFC000  }
0x7d: {  	[spmem:s1] =	stream.indirect.scatter.add.f32 [tilespmem:s14], [sflag:$0x3], $0x80, s17, s12, $0xb8;
	[tilespmem:$0x1C0C0] =	vst v63  }
0x7e: {  	_ =	swait.ge [sflag:s10], $0x4000  }
0x7f: {  	[sflag:s10] =	ssyncset.done $0x0  }
0x80: {  	[sflag:s10] =	ssyncadd.s32 $0xFFFFC000  }
0x81: {  	[tilespmem:s13], [sflag:$0x1] =	stream.indirect.gather [hbm4b:s3+s12], $0x80, s18, s12, $0xb8;
	[tilespmem:$0x1C0C0] =	vst v63  }
0x82: {  	_ = 	snop  }
0x83: {  	[tilespmem:s14], [sflag:$0x2] =	stream.indirect.gather [hbm4b:s3+s12], $0x80, s19, s12, $0xb8;
	[tilespmem:$0x1C0C0] =	vst v63  }
0x84: {  	_ =	swait.ge [sflag:s15], $0x4000  }
0x85: {  	[sflag:s15] =	ssyncset.done $0x0  }
0x86: {  	[sflag:s15] =	ssyncadd.s32 $0xFFFFC000  }
0x87: {  	[spmem:s1] =	stream.indirect.scatter.add.f32 [tilespmem:s13], [sflag:$0x3], $0x80, s20, s12, $0xb8;
	[tilespmem:$0x1C0C0] =	vst v63  }
0x88: {  	_ =	swait.ge [sflag:s10], $0x4000  }
0x89: {  	[sflag:s10] =	ssyncset.done $0x0  }
0x8a: {  	[sflag:s10] =	ssyncadd.s32 $0xFFFFC000  }
0x8b: {  	_ =	swait.ge [sflag:s16], $0x4000  }
0x8c: {  	[sflag:s16] =	ssyncset.done $0x0  }
0x8d: {  	[sflag:s16] =	ssyncadd.s32 $0xFFFFC000  }
0x8e: {  	[spmem:s1] =	stream.indirect.scatter.add.f32 [tilespmem:s14], [sflag:$0x3], $0x80, s21, s12, $0xb8;
	[tilespmem:$0x1C0C0] =	vst v63  }
0x8f: {  	_ =	swait.ge [sflag:s10], $0x4000  }
0x90: {  	[sflag:s10] =	ssyncset.done $0x0  }
0x91: {  	[sflag:s10] =	ssyncadd.s32 $0xFFFFC000  }
0x92: {  	[tilespmem:s13], [sflag:$0x1] =	stream.indirect.gather [hbm4b:s3+s12], $0x80, s22, s12, $0xb8;
	[tilespmem:$0x1C0C0] =	vst v63  }
0x93: {  	_ = 	snop  }
0x94: {  	[tilespmem:s14], [sflag:$0x2] =	stream.indirect.gather [hbm4b:s3+s12], $0x80, s23, s12, $0xb8;
	[tilespmem:$0x1C0C0] =	vst v63  }
0x95: {  	_ =	swait.ge [sflag:s15], $0x4000  }
0x96: {  	[sflag:s15] =	ssyncset.done $0x0  }
0x97: {  	[sflag:s15] =	ssyncadd.s32 $0xFFFFC000  }
0x98: {  	[spmem:s1] =	stream.indirect.scatter.add.f32 [tilespmem:s13], [sflag:$0x3], $0x80, s24, s12, $0xb8;
	[tilespmem:$0x1C0C0] =	vst v63  }
0x99: {  	_ =	swait.ge [sflag:s10], $0x4000  }
0x9a: {  	[sflag:s10] =	ssyncset.done $0x0  }
0x9b: {  	[sflag:s10] =	ssyncadd.s32 $0xFFFFC000  }
0x9c: {  	_ =	swait.ge [sflag:s16], $0x4000  }
0x9d: {  	[sflag:s16] =	ssyncset.done $0x0  }
0x9e: {  	[sflag:s16] =	ssyncadd.s32 $0xFFFFC000  }
0x9f: {  	[spmem:s1] =	stream.indirect.scatter.add.f32 [tilespmem:s14], [sflag:$0x3], $0x80, s25, s12, $0xb8;
	[tilespmem:$0x1C0C0] =	vst v63  }
0xa0: {  	_ =	swait.ge [sflag:s10], $0x4000  }
0xa1: {  	[sflag:s10] =	ssyncset.done $0x0  }
0xa2: {  	[sflag:s10] =	ssyncadd.s32 $0xFFFFC000  }
0xa3: {  	[tilespmem:s13], [sflag:$0x1] =	stream.indirect.gather [hbm4b:s3+s12], $0x80, s26, s12, $0xb8;
	[tilespmem:$0x1C0C0] =	vst v63  }
0xa4: {  	_ = 	snop  }
0xa5: {  	[tilespmem:s14], [sflag:$0x2] =	stream.indirect.gather [hbm4b:s3+s12], $0x80, s28, s12, $0xb8;
	[tilespmem:$0x1C0C0] =	vst v63  }
0xa6: {  	_ =	swait.ge [sflag:s15], $0x4000  }
0xa7: {  	[sflag:s15] =	ssyncset.done $0x0  }
0xa8: {  	[sflag:s15] =	ssyncadd.s32 $0xFFFFC000  }
0xa9: {  	[spmem:s1] =	stream.indirect.scatter.add.f32 [tilespmem:s13], [sflag:$0x3], $0x80, s29, s12, $0xb8;
	[tilespmem:$0x1C0C0] =	vst v63  }
0xaa: {  	_ =	swait.ge [sflag:s10], $0x4000  }
0xab: {  	[sflag:s10] =	ssyncset.done $0x0  }
0xac: {  	[sflag:s10] =	ssyncadd.s32 $0xFFFFC000  }
0xad: {  	_ =	swait.ge [sflag:s16], $0x4000  }
.Ltmp0:
0xae: {  	[sflag:s16] =	ssyncset.done $0x0;
	(pc) =	sbr.rel @p1 .LBB2_2-.Ltmp0, $4  }
0xaf: {  	[sflag:s16] =	ssyncadd.s32 $0xFFFFC000  }
0xb0: {  	[spmem:s1] =	stream.indirect.scatter.add.f32 [tilespmem:s14], [sflag:$0x3], $0x80, s30, s12, $0xb8;
	[tilespmem:$0x1C0C0] =	vst v63  }
0xb1: {  	_ =	swait.ge [sflag:s10], $0x4000  }
0xb2: {  	s4 =	smov.u32 s7;
	[sflag:s10] =	ssyncset.done $0x0  }
0xb3: {  	s4 =	sadd.s32 s0, s5;
	[sflag:s10] =	ssyncadd.s32 $0xFFFFC000  }
0xb4: {  	[tilespmem:s2], [sflag:$0x3] =	stream.linear.gather [hbm4b:s4+s2], $0x400, $0x38;
	[tilespmem:$0x1C0C0] =	vst v63  }
0xb5: {  	_ =	swait.ge [sflag:s10], $0x400  }
0xb6: {  	[sflag:s10] =	ssyncset.done $0x0  }
0xb7: {  	s8 =	sadd.s32 s0, s6;
	[sflag:s10] =	ssyncadd.s32 $0xFFFFFC00  }
0xb8: {  	[tilespmem:s11], [sflag:$0x3] =	stream.linear.gather [hbm4b:s8+s2], $0x400, $0x38;
	[tilespmem:$0x1C0C0] =	vst v63  }
0xb9: {  	_ =	swait.ge [sflag:s10], $0x400  }
0xba: {  	[sflag:s10] =	ssyncset.done $0x0  }
0xbb: {  	[sflag:s10] =	ssyncadd.s32 $0xFFFFFC00  }
0xbc: {  	[tilespmem:s13], [sflag:$0x1] =	stream.indirect.gather [hbm4b:s3+s12], $0x80, s2, s12, $0xb8;
	[tilespmem:$0x1C0C0] =	vst v63  }
0xbd: {  	_ = 	snop  }
0xbe: {  	[tilespmem:s14], [sflag:$0x2] =	stream.indirect.gather [hbm4b:s3+s12], $0x80, s12, s12, $0xb8;
	[tilespmem:$0x1C0C0] =	vst v63  }
0xbf: {  	_ =	swait.ge [sflag:s15], $0x4000  }
0xc0: {  	[sflag:s15] =	ssyncset.done $0x0  }
0xc1: {  	[sflag:s15] =	ssyncadd.s32 $0xFFFFC000  }
0xc2: {  	[spmem:s1] =	stream.indirect.scatter.add.f32 [tilespmem:s13], [sflag:$0x3], $0x80, s11, s12, $0xb8;
	[tilespmem:$0x1C0C0] =	vst v63  }
0xc3: {  	_ =	swait.ge [sflag:s10], $0x4000  }
0xc4: {  	[sflag:s10] =	ssyncset.done $0x0  }
0xc5: {  	[sflag:s10] =	ssyncadd.s32 $0xFFFFC000  }
0xc6: {  	_ =	swait.ge [sflag:s16], $0x4000  }
0xc7: {  	[sflag:s16] =	ssyncset.done $0x0  }
0xc8: {  	[sflag:s16] =	ssyncadd.s32 $0xFFFFC000  }
0xc9: {  	[spmem:s1] =	stream.indirect.scatter.add.f32 [tilespmem:s14], [sflag:$0x3], $0x80, s17, s12, $0xb8;
	[tilespmem:$0x1C0C0] =	vst v63  }
0xca: {  	_ =	swait.ge [sflag:s10], $0x4000  }
0xcb: {  	[sflag:s10] =	ssyncset.done $0x0  }
0xcc: {  	[sflag:s10] =	ssyncadd.s32 $0xFFFFC000  }
0xcd: {  	[tilespmem:s13], [sflag:$0x1] =	stream.indirect.gather [hbm4b:s3+s12], $0x80, s18, s12, $0xb8;
	[tilespmem:$0x1C0C0] =	vst v63  }
0xce: {  	_ = 	snop  }
0xcf: {  	[tilespmem:s14], [sflag:$0x2] =	stream.indirect.gather [hbm4b:s3+s12], $0x80, s19, s12, $0xb8;
	[tilespmem:$0x1C0C0] =	vst v63  }
0xd0: {  	_ =	swait.ge [sflag:s15], $0x4000  }
0xd1: {  	[sflag:s15] =	ssyncset.done $0x0  }
0xd2: {  	[sflag:s15] =	ssyncadd.s32 $0xFFFFC000  }
0xd3: {  	[spmem:s1] =	stream.indirect.scatter.add.f32 [tilespmem:s13], [sflag:$0x3], $0x80, s20, s12, $0xb8;
	[tilespmem:$0x1C0C0] =	vst v63  }
0xd4: {  	_ =	swait.ge [sflag:s10], $0x4000  }
0xd5: {  	[sflag:s10] =	ssyncset.done $0x0  }
0xd6: {  	[sflag:s10] =	ssyncadd.s32 $0xFFFFC000  }
0xd7: {  	_ =	swait.ge [sflag:s16], $0x4000  }
0xd8: {  	[sflag:s16] =	ssyncset.done $0x0  }
0xd9: {  	[sflag:s16] =	ssyncadd.s32 $0xFFFFC000  }
0xda: {  	[spmem:s1] =	stream.indirect.scatter.add.f32 [tilespmem:s14], [sflag:$0x3], $0x80, s21, s12, $0xb8;
	[tilespmem:$0x1C0C0] =	vst v63  }
0xdb: {  	_ =	swait.ge [sflag:s10], $0x4000  }
0xdc: {  	[sflag:s10] =	ssyncset.done $0x0  }
0xdd: {  	[sflag:s10] =	ssyncadd.s32 $0xFFFFC000  }
0xde: {  	[tilespmem:s13], [sflag:$0x1] =	stream.indirect.gather [hbm4b:s3+s12], $0x80, s22, s12, $0xb8;
	[tilespmem:$0x1C0C0] =	vst v63  }
0xdf: {  	_ = 	snop  }
0xe0: {  	[tilespmem:s14], [sflag:$0x2] =	stream.indirect.gather [hbm4b:s3+s12], $0x80, s23, s12, $0xb8;
	[tilespmem:$0x1C0C0] =	vst v63  }
0xe1: {  	_ =	swait.ge [sflag:s15], $0x4000  }
0xe2: {  	[sflag:s15] =	ssyncset.done $0x0  }
0xe3: {  	[sflag:s15] =	ssyncadd.s32 $0xFFFFC000  }
0xe4: {  	[spmem:s1] =	stream.indirect.scatter.add.f32 [tilespmem:s13], [sflag:$0x3], $0x80, s24, s12, $0xb8;
	[tilespmem:$0x1C0C0] =	vst v63  }
0xe5: {  	_ =	swait.ge [sflag:s10], $0x4000  }
0xe6: {  	[sflag:s10] =	ssyncset.done $0x0  }
0xe7: {  	[sflag:s10] =	ssyncadd.s32 $0xFFFFC000  }
0xe8: {  	_ =	swait.ge [sflag:s16], $0x4000  }
0xe9: {  	[sflag:s16] =	ssyncset.done $0x0  }
0xea: {  	[sflag:s16] =	ssyncadd.s32 $0xFFFFC000  }
0xeb: {  	[spmem:s1] =	stream.indirect.scatter.add.f32 [tilespmem:s14], [sflag:$0x3], $0x80, s25, s12, $0xb8;
	[tilespmem:$0x1C0C0] =	vst v63  }
0xec: {  	_ =	swait.ge [sflag:s10], $0x4000  }
0xed: {  	[sflag:s10] =	ssyncset.done $0x0  }
0xee: {  	[sflag:s10] =	ssyncadd.s32 $0xFFFFC000  }
0xef: {  	[tilespmem:s13], [sflag:$0x1] =	stream.indirect.gather [hbm4b:s3+s12], $0x80, s26, s12, $0xb8;
	[tilespmem:$0x1C0C0] =	vst v63  }
0xf0: {  	_ = 	snop  }
0xf1: {  	[tilespmem:s14], [sflag:$0x2] =	stream.indirect.gather [hbm4b:s3+s12], $0x80, s28, s12, $0xb8;
	[tilespmem:$0x1C0C0] =	vst v63  }
0xf2: {  	_ =	swait.ge [sflag:s15], $0x4000  }
0xf3: {  	[sflag:s15] =	ssyncset.done $0x0  }
0xf4: {  	[sflag:s15] =	ssyncadd.s32 $0xFFFFC000  }
0xf5: {  	[spmem:s1] =	stream.indirect.scatter.add.f32 [tilespmem:s13], [sflag:$0x3], $0x80, s29, s12, $0xb8;
	[tilespmem:$0x1C0C0] =	vst v63  }
0xf6: {  	_ =	swait.ge [sflag:s10], $0x4000  }
0xf7: {  	[sflag:s10] =	ssyncset.done $0x0  }
0xf8: {  	[sflag:s10] =	ssyncadd.s32 $0xFFFFC000  }
0xf9: {  	_ =	swait.ge [sflag:s16], $0x4000  }
0xfa: {  	[sflag:s16] =	ssyncset.done $0x0  }
0xfb: {  	[sflag:s16] =	ssyncadd.s32 $0xFFFFC000  }
0xfc: {  	[spmem:s1] =	stream.indirect.scatter.add.f32 [tilespmem:s14], [sflag:$0x3], $0x80, s30, s12, $0xb8;
	[tilespmem:$0x1C0C0] =	vst v63  }
0xfd: {  	_ =	swait.ge [sflag:s10], $0x4000  }
0xfe: {  	[sflag:s10] =	ssyncset.done $0x0  }
0xff: {  	[sflag:s10] =	ssyncadd.s32 $0xFFFFC000  }
0x100: {  	[bflag:$0x0] =	sbarrier.arrive $0xFFFF  }
0x101: {  	s4 =	rddreg [dreg:$0x6]  }
0x102: {  	s0 =	simm.s32 @!p0 $0x1C03;
	s7 =	rddreg [dreg:$0x8]  }
0x103: {  	[hbm:s4], [sflag:s0] =	dma.local @!p0 [spmem:s7], $0x27100  }
0x104: {  	s0 =	simm.s32 @!p0 $0x3  }
0x105: {  	_ =	swait.ge @!p0 [sflag:s0], $0x27100  }
0x106: {  	s31 =	sadd.s32 $0x1, s31;
	s9 =	rddreg [dreg:$0x7]  }
0x107: {  	p1 =	sne.s32 s31, s9  }
.Ltmp1:
0x108: {  	_ = 	snop;
	(pc) =	sbr.rel @p1 .LBB2_1-.Ltmp1, $3  }
0x109: {  	_ =	sdelay $0x1  }
0x10a: {  	[sflag:s0] =	ssyncset.done @!p0 $0x0  }
0x10b: {  	[sflag:s0] =	ssyncadd.s32 @!p0 $0xFFFD8F00  }
0x10c: {  	_ =	sfence.sel $0x180000  }
0x10d: {  	[bflag:$0x0] =	sbarrier.arrive $0xFFFF  }
0x10e: {  	_ =	strace $0x9000004D  }
0x10f: {  	[bflag:$0x2] =	sbarrier.arrive $0xFFFF  }
0x110: {  	s0 =	rddreg [dreg:$0x4]  }
0x111: {  	s0 =	sadd.s32 @!p0 $0x100000, s0  }
0x112: {  	[sflag:s0] =	ssyncadd.tile.s32 @!p0 $0x1;
	_ =	shalt  }
.Lfunc_end2:
_tile_overlayer_lowered:
.L_overlay_start_2:
0x113: {  	(tag) =	ssettag $0x2  }
0x114: {  	s0 =	rddreg [dreg:$0x0];
	s2 =	stileid.u32  }
0x115: {  	s1 =	rddreg [dreg:$0x1];
	p0 =	sne.s32 s2, $0x0  }
0x116: {  	s3 =	rddreg [dreg:$0x2];
	[bflag:$0x3] =	sbarrier.arrive $0xFFFF;
	s2 =	simm.s32 @!p0 $0x1C03  }
0x117: {  	[timem:s3], [sflag:s2] =	dma.local @!p0 [hbm:s0], s1  }
0x118: {  	s0 =	simm.s32 @!p0 $0x3  }
0x119: {  	_ =	swait.ge @!p0 [sflag:s0], s1  }
0x11a: {  	s1 =	ssub.s32 @!p0 $0x0, s1;
	[sflag:s0] =	ssyncset.done @!p0 $0x0  }
0x11b: {  	[sflag:s0] =	ssyncadd.s32 @!p0 s1  }
0x11c: {  	[bflag:$0x3] =	sbarrier.arrive $0xFFFF  }
0x11d: {  	_ =	shalt  }

</sc_bundles>
